<compile_context>
chip_gen: v7x
topology: tpu7x:2x2x1
jax: 0.10.2.dev20260603
libtpu: 0.0.44.dev20260713+nightly
codegen_flags: <defaults>
</compile_context>

<pallas_src>
import functools

import jax
import jax.numpy as jnp
from jax import lax
from jax.experimental import pallas as pl
from jax.experimental.pallas import tpu as pltpu
from jax.experimental.pallas import tpu_sc as plsc

_N = 10000
_D = 128
_E = 320000
_EPS = 1e-5

_NC = 2
_NS = 16
_NW = _NC * _NS
_CHUNK = 128
_KCH = 80
_PH = 40
_EPAD = _NW * _KCH * _CHUNK
_NACC = 10240
_RPT = _NACC // _NS
_NB = 10
_BR = _N // _NB

@functools.cache
def _sc_kernels():
    mesh = plsc.VectorSubcoreMesh(core_axis_name="c", subcore_axis_name="s")

    @functools.partial(
        pl.kernel,
        out_type=jax.ShapeDtypeStruct((_NC, _NACC, _D), jnp.float32),
        mesh=mesh,
        scratch_types=[
            pltpu.VMEM((_PH, _CHUNK), jnp.int32),
            pltpu.VMEM((_PH, _CHUNK), jnp.int32),
            pltpu.VMEM((2, _CHUNK, _D), jnp.float32),
            pltpu.VMEM_SHARED((_NACC, _D), jnp.float32),
            pltpu.SemaphoreType.DMA,
            pltpu.SemaphoreType.DMA,
        ],
    )
    def sc_scatter(hs, src2, dst2, zpad, t, isa, ida, rows2, acc, g0, g1):
        c = lax.axis_index("c")
        s = lax.axis_index("s")
        wid = c * _NS + s
        row0 = s * _RPT
        pltpu.sync_copy(zpad, acc.at[pl.ds(row0, _RPT)])
        plsc.subcore_barrier()

        for p in range(_KCH // _PH):
            base = wid * _KCH + p * _PH
            pltpu.sync_copy(src2.at[pl.ds(base, _PH)], isa)
            pltpu.sync_copy(dst2.at[pl.ds(base, _PH)], ida)
            pltpu.async_copy(hs.at[isa.at[0]], rows2.at[0], g0)

            def body2(i, carry):
                j = 2 * i
                pltpu.async_copy(hs.at[isa.at[j + 1]], rows2.at[1], g1)
                pltpu.make_async_copy(hs.at[isa.at[0]], rows2.at[0], g0).wait()
                pltpu.sync_copy(rows2.at[0], acc.at[ida.at[j]], add=True)
                pltpu.async_copy(hs.at[isa.at[j + 2]], rows2.at[0], g0)
                pltpu.make_async_copy(hs.at[isa.at[0]], rows2.at[1], g1).wait()
                pltpu.sync_copy(rows2.at[1], acc.at[ida.at[j + 1]], add=True)
                return carry

            lax.fori_loop(0, _PH // 2 - 1, body2, 0)
            pltpu.async_copy(hs.at[isa.at[_PH - 1]], rows2.at[1], g1)
            pltpu.make_async_copy(hs.at[isa.at[0]], rows2.at[0], g0).wait()
            pltpu.sync_copy(rows2.at[0], acc.at[ida.at[_PH - 2]], add=True)
            pltpu.make_async_copy(hs.at[isa.at[0]], rows2.at[1], g1).wait()
            pltpu.sync_copy(rows2.at[1], acc.at[ida.at[_PH - 1]], add=True)

        plsc.subcore_barrier()
        pltpu.sync_copy(acc.at[pl.ds(row0, _RPT)], t.at[c, pl.ds(row0, _RPT)])

    @functools.partial(
        pl.kernel,
        out_type=jax.ShapeDtypeStruct((_NC, _NACC, _D), jnp.float32),
        mesh=mesh,
        scratch_types=[
            pltpu.VMEM((_PH, _CHUNK), jnp.int32),
            pltpu.VMEM((_CHUNK, _D), jnp.float32),
            pltpu.VMEM_SHARED((_NACC, _D), jnp.float32),
            pltpu.SemaphoreType.DMA,
        ],
    )
    def sc_count(ones_nd, dst2, zpad, tdeg, ida, rows, acc, sem):
        c = lax.axis_index("c")
        s = lax.axis_index("s")
        wid = c * _NS + s
        row0 = s * _RPT
        pltpu.sync_copy(ones_nd.at[pl.ds(0, _CHUNK)], rows)
        pltpu.sync_copy(zpad, acc.at[pl.ds(row0, _RPT)])
        plsc.subcore_barrier()

        for p in range(_KCH // _PH):
            pltpu.sync_copy(dst2.at[pl.ds(wid * _KCH + p * _PH, _PH)], ida)

            def fire(j, carry):
                pltpu.async_copy(rows, acc.at[ida.at[j]], sem, add=True)
                return carry

            lax.fori_loop(0, _PH, fire, 0)

            def drain(j, carry):
                pltpu.make_async_copy(rows, acc.at[ida.at[0]], sem).wait()
                return carry

            lax.fori_loop(0, _PH, drain, 0)

        plsc.subcore_barrier()
        pltpu.sync_copy(acc.at[pl.ds(row0, _RPT)], tdeg.at[c, pl.ds(row0, _RPT)])

    return sc_scatter, sc_count


_MM = dict(preferred_element_type=jnp.float32, precision=lax.Precision.HIGHEST)


def _tc_prep_body(d0, d1, x, w, hs, dinv):
    deg = d0[...] + d1[...] + 1.0
    di = lax.rsqrt(deg)
    dinv[...] = di
    hs[...] = jnp.dot(x[...], w[...], **_MM) * di


def _tc_layer_body(with_mm, t0, t1, hs, dinv, b, g, be, w, out, agg_s,
                   dinv_s, sums_s):
    p = pl.program_id(0)
    i = pl.program_id(1)

    @pl.when(p == 0)
    def _():
        a = (t0[...] + t1[...] + hs[...]) * dinv[...] + b[...]
        agg_s[pl.ds(i * _BR, _BR)] = a
        dinv_s[pl.ds(i * _BR, _BR)] = dinv[...]

        @pl.when(i == 0)
        def _():
            sums_s[...] = jnp.zeros_like(sums_s)

        sums_s[0:1, :] += jnp.sum(a, axis=0, keepdims=True)
        sums_s[1:2, :] += jnp.sum(a * a, axis=0, keepdims=True)

    @pl.when(p == 1)
    def _():
        mean = sums_s[0:1, :] * (1.0 / _N)
        var = sums_s[1:2, :] * (1.0 / _N) - mean * mean
        inv = lax.rsqrt(var + _EPS)
        a = agg_s[pl.ds(i * _BR, _BR)]
        y = jnp.maximum((a - mean) * inv * g[...] + be[...], 0.0)
        if with_mm:
            out[...] = jnp.dot(y, w[...], **_MM) * dinv_s[pl.ds(i * _BR, _BR)]
        else:
            out[...] = y


_blk = lambda r, c: pl.BlockSpec((r, c), lambda i: (i, 0))
_bcast = lambda r, c: pl.BlockSpec((r, c), lambda i: (0, 0))

_tc_prep = pl.pallas_call(
    _tc_prep_body,
    grid=(_NB,),
    in_specs=[_blk(_BR, _D), _blk(_BR, _D), _blk(_BR, _D), _bcast(_D, _D)],
    out_specs=[_blk(_BR, _D), _blk(_BR, _D)],
    out_shape=[
        jax.ShapeDtypeStruct((_N, _D), jnp.float32),
        jax.ShapeDtypeStruct((_N, _D), jnp.float32),
    ],
)

_pblk = pl.BlockSpec((_BR, _D), lambda p, i: (i * (1 - p), 0))
_pbc1 = pl.BlockSpec((1, _D), lambda p, i: (0, 0))
_pbcw = pl.BlockSpec((_D, _D), lambda p, i: (0, 0))
_pout = pl.BlockSpec((_BR, _D), lambda p, i: (i * p, 0))
_layer_scratch = [
    pltpu.VMEM((_N, _D), jnp.float32),
    pltpu.VMEM((_N, _D), jnp.float32),
    pltpu.VMEM((8, _D), jnp.float32),
]

_tc_layer_mm = pl.pallas_call(
    functools.partial(_tc_layer_body, True),
    grid=(2, _NB),
    in_specs=[_pblk, _pblk, _pblk, _pblk, _pbc1, _pbc1, _pbc1, _pbcw],
    out_specs=_pout,
    out_shape=jax.ShapeDtypeStruct((_N, _D), jnp.float32),
    scratch_shapes=_layer_scratch,
)

_tc_layer_final = pl.pallas_call(
    functools.partial(_tc_layer_body, False),
    grid=(2, _NB),
    in_specs=[_pblk, _pblk, _pblk, _pblk, _pbc1, _pbc1, _pbc1, _pbcw],
    out_specs=_pout,
    out_shape=jax.ShapeDtypeStruct((_N, _D), jnp.float32),
    scratch_shapes=_layer_scratch,
)


def kernel(x, edge_index, W0, b0, g0, be0, W1, b1, g1, be1, W2, b2, g2, be2):
    src = edge_index[0]
    dst = edge_index[1]
    pad = _EPAD - _E
    spread = (jnp.arange(pad, dtype=jnp.int32) % 128)
    src2 = jnp.concatenate([src, spread]).reshape(_NW * _KCH, _CHUNK)
    dst2 = jnp.concatenate([dst, _N + spread]).reshape(_NW * _KCH, _CHUNK)
    zpad = jnp.zeros((_RPT, _D), jnp.float32)

    sc_scatter, sc_count = _sc_kernels()
    ones_nd = jnp.ones((_N, _D), jnp.float32)
    tdeg = sc_count(ones_nd, dst2, zpad)
    hs, dinv = _tc_prep(tdeg[0], tdeg[1], x, W0)

    params = ((b0, g0, be0, W1), (b1, g1, be1, W2), (b2, g2, be2, W2))
    for li, (b, g, be, Wn) in enumerate(params):
        t = sc_scatter(hs, src2, dst2, zpad)
        fused = _tc_layer_mm if li < 2 else _tc_layer_final
        res = fused(t[0], t[1], hs, dinv, b.reshape(1, _D),
                    g.reshape(1, _D), be.reshape(1, _D), Wn)
        if li < 2:
            hs = res
        else:
            out = res
    return out

# --- scband reference (transcript-rebuilt; emitter-appended) ---
"""Pipeline reference for scband-gcn-31791347925666 (READ-ONLY COPY).

The authoritative reference and input builder live on the scoring server;
editing this copy changes nothing except your own understanding.
"""

import jax, jax.numpy as jnp
import numpy as np

N = 10000
E = 320000
D = 128
EPS = 1e-5


def setup_inputs(seed: int = 0) -> dict:
    key = jax.random.key(seed)
    ks = jax.random.split(key, 16)
    x = jax.random.normal(ks[0], (N, D), dtype=jnp.float32)
    edge_index = jax.random.randint(ks[1], (2, E), 0, N, dtype=jnp.int32)
    std = float(np.sqrt(2.0 / (D + D)))
    inp = {"x": x, "edge_index": edge_index}
    for l in range(3):
        inp[f"W{l}"] = jax.random.normal(ks[2 + l], (D, D), dtype=jnp.float32) * std
        inp[f"b{l}"] = jnp.zeros((D,), dtype=jnp.float32)
        inp[f"g{l}"] = jnp.ones((D,), dtype=jnp.float32)
        inp[f"be{l}"] = jnp.zeros((D,), dtype=jnp.float32)
    return inp


def reference(x, edge_index, W0, b0, g0, be0, W1, b1, g1, be1, W2, b2, g2, be2):
    src = edge_index[0]
    dst = edge_index[1]
    loop = jnp.arange(N, dtype=src.dtype)
    src_f = jnp.concatenate([src, loop])
    dst_f = jnp.concatenate([dst, loop])
    # GCN symmetric normalization with added self-loops
    deg = jax.ops.segment_sum(jnp.ones_like(dst_f, dtype=jnp.float32), dst_f, num_segments=N)
    dinv = jnp.where(deg > 0, 1.0 / jnp.sqrt(deg), 0.0)
    w_edge = dinv[src_f] * dinv[dst_f]

    def layer(h, W, b, gamma, beta):
        h = h @ W
        msg = h[src_f] * w_edge[:, None]
        agg = jax.ops.segment_sum(msg, dst_f, num_segments=N) + b
        mean = jnp.mean(agg, axis=0)
        var = jnp.var(agg, axis=0)
        y = (agg - mean) / jnp.sqrt(var + EPS) * gamma + beta
        return jax.nn.relu(y)

    h = layer(x, W0, b0, g0, be0)
    h = layer(h, W1, b1, g1, be1)
    h = layer(h, W2, b2, g2, be2)
    return h

if __name__ == "__main__":
    import jax
    _d = setup_inputs()
    print(jax.jit(kernel)(*tuple(_d.values())))

</pallas_src>

<mosaic_0001>
#map = affine_map<(d0, d1) -> (0, 0)>
#map1 = affine_map<(d0, d1) -> (0, 0, 0)>
module attributes {stable_mosaic.version = 14 : i64} {
  func.func @sc_count(%arg0: i32, %arg1: i32, %arg2: memref<10000x128xf32, #tpu.memory_space<hbm>>, %arg3: memref<2560x128xi32, #tpu.memory_space<hbm>>, %arg4: memref<640x128xf32, #tpu.memory_space<hbm>>, %arg5: memref<2x10240x128xf32, #tpu.memory_space<hbm>>, %arg6: memref<40x128xi32, #tpu.memory_space<vmem>>, %arg7: memref<128x128xf32, #tpu.memory_space<vmem>>, %arg8: memref<10240x128xf32, #tpu.memory_space<vmem_shared>>, %arg9: memref<!tpu.dma_semaphore, #tpu.memory_space<semaphore_mem>>) attributes {dimension_semantics = [#tpu.dimension_semantics<core_parallel>, #tpu.dimension_semantics<subcore_parallel>], iteration_bounds = array<i64: 2, 16>, scalar_prefetch = 0 : i64, scratch_operands = 4 : i64, tpu.core_type = #tpu.core_type<sc_vector_subcore>, window_params = [{transform_indices = #map}, {transform_indices = #map}, {transform_indices = #map}, {transform_indices = #map1}]} {
    %mul3A = arith.constant 16 : i32
    %mul3A_0 = arith.muli %arg0, %mul3A : i32
    %add3A = arith.addi %mul3A_0, %arg1 : i32
    %mul3A_1 = arith.constant 640 : i32
    %mul3A_2 = arith.muli %arg1, %mul3A_1 : i32
    "tpu.region"() ({
      %run_scoped3A = tpu.sem_alloc : memref<!tpu.dma_semaphore, #tpu.memory_space<semaphore_mem>>
      %dma_start3A = arith.constant 0 : i32
      %dma_start3A_35 = arith.constant 0 : i32
      %dma_start3A_36 = tpu.memref_slice %arg2[%dma_start3A, %dma_start3A_35] : memref<10000x128xf32, #tpu.memory_space<hbm>> -> memref<128x128xf32, #tpu.memory_space<hbm>>
      %dma_start3A_37 = arith.constant 0 : i32
      %dma_start3A_38 = arith.constant 0 : i32
      %dma_start3A_39 = tpu.memref_slice %arg2[%dma_start3A_37, %dma_start3A_38] : memref<10000x128xf32, #tpu.memory_space<hbm>> -> memref<128x128xf32, #tpu.memory_space<hbm>>
      tpu.enqueue_dma source(%dma_start3A_39 : memref<128x128xf32, #tpu.memory_space<hbm>>) target(%arg7 : memref<128x128xf32, #tpu.memory_space<vmem>>) target_semaphore(%run_scoped3A : memref<!tpu.dma_semaphore, #tpu.memory_space<semaphore_mem>>)
      %dma_wait3A = arith.constant 0 : i32
      %dma_wait3A_40 = arith.constant 0 : i32
      %dma_wait3A_41 = tpu.memref_slice %arg2[%dma_wait3A, %dma_wait3A_40] : memref<10000x128xf32, #tpu.memory_space<hbm>> -> memref<128x128xf32, #tpu.memory_space<hbm>>
      %dma_wait3A_42 = arith.constant 0 : i32
      %dma_wait3A_43 = arith.constant 0 : i32
      %dma_wait3A_44 = tpu.memref_slice %arg2[%dma_wait3A_42, %dma_wait3A_43] : memref<10000x128xf32, #tpu.memory_space<hbm>> -> memref<128x128xf32, #tpu.memory_space<hbm>>
      tpu.wait_dma2 semaphore(%run_scoped3A : memref<!tpu.dma_semaphore, #tpu.memory_space<semaphore_mem>>) src(%dma_wait3A_44 : memref<128x128xf32, #tpu.memory_space<hbm>>) dst(%arg7 : memref<128x128xf32, #tpu.memory_space<vmem>>)
      tpu.yield
    }) : () -> ()
    "tpu.region"() ({
      %run_scoped3A = tpu.sem_alloc : memref<!tpu.dma_semaphore, #tpu.memory_space<semaphore_mem>>
      %dma_start3A = arith.constant 0 : i32
      %dma_start3A_35 = tpu.memref_slice %arg8[%mul3A_2, %dma_start3A] : memref<10240x128xf32, #tpu.memory_space<vmem_shared>> -> memref<640x128xf32, #tpu.memory_space<vmem_shared>>
      tpu.enqueue_dma source(%arg4 : memref<640x128xf32, #tpu.memory_space<hbm>>) target(%dma_start3A_35 : memref<640x128xf32, #tpu.memory_space<vmem_shared>>) target_semaphore(%run_scoped3A : memref<!tpu.dma_semaphore, #tpu.memory_space<semaphore_mem>>)
      %dma_wait3A = arith.constant 0 : i32
      %dma_wait3A_36 = tpu.memref_slice %arg8[%mul3A_2, %dma_wait3A] : memref<10240x128xf32, #tpu.memory_space<vmem_shared>> -> memref<640x128xf32, #tpu.memory_space<vmem_shared>>
      tpu.wait_dma2 semaphore(%run_scoped3A : memref<!tpu.dma_semaphore, #tpu.memory_space<semaphore_mem>>) src(%arg4 : memref<640x128xf32, #tpu.memory_space<hbm>>) dst(%dma_wait3A_36 : memref<640x128xf32, #tpu.memory_space<vmem_shared>>)
      tpu.yield
    }) : () -> ()
    %barrier3A = arith.constant 0 : index
    tpu.barrier barrier_id(%barrier3A)
    %mul3A_3 = arith.constant 80 : i32
    %mul3A_4 = arith.muli %add3A, %mul3A_3 : i32
    %add3A_5 = arith.constant 0 : i32
    %add3A_6 = arith.addi %mul3A_4, %add3A_5 : i32
    "tpu.region"() ({
      %run_scoped3A = tpu.sem_alloc : memref<!tpu.dma_semaphore, #tpu.memory_space<semaphore_mem>>
      %dma_start3A = arith.constant 0 : i32
      %dma_start3A_35 = tpu.memref_slice %arg3[%add3A_6, %dma_start3A] : memref<2560x128xi32, #tpu.memory_space<hbm>> -> memref<40x128xi32, #tpu.memory_space<hbm>>
      %dma_start3A_36 = arith.constant 0 : i32
      %dma_start3A_37 = tpu.memref_slice %arg3[%add3A_6, %dma_start3A_36] : memref<2560x128xi32, #tpu.memory_space<hbm>> -> memref<40x128xi32, #tpu.memory_space<hbm>>
      tpu.enqueue_dma source(%dma_start3A_37 : memref<40x128xi32, #tpu.memory_space<hbm>>) target(%arg6 : memref<40x128xi32, #tpu.memory_space<vmem>>) target_semaphore(%run_scoped3A : memref<!tpu.dma_semaphore, #tpu.memory_space<semaphore_mem>>)
      %dma_wait3A = arith.constant 0 : i32
      %dma_wait3A_38 = tpu.memref_slice %arg3[%add3A_6, %dma_wait3A] : memref<2560x128xi32, #tpu.memory_space<hbm>> -> memref<40x128xi32, #tpu.memory_space<hbm>>
      %dma_wait3A_39 = arith.constant 0 : i32
      %dma_wait3A_40 = tpu.memref_slice %arg3[%add3A_6, %dma_wait3A_39] : memref<2560x128xi32, #tpu.memory_space<hbm>> -> memref<40x128xi32, #tpu.memory_space<hbm>>
      tpu.wait_dma2 semaphore(%run_scoped3A : memref<!tpu.dma_semaphore, #tpu.memory_space<semaphore_mem>>) src(%dma_wait3A_40 : memref<40x128xi32, #tpu.memory_space<hbm>>) dst(%arg6 : memref<40x128xi32, #tpu.memory_space<vmem>>)
      tpu.yield
    }) : () -> ()
    %scan3A = arith.constant 0 : i32
    %scan3A_7 = arith.constant 0 : i32
    %scan3A_8 = arith.constant 40 : i32
    %scan3A_9 = arith.addi %scan3A_7, %scan3A_8 : i32
    %scan3A_10 = arith.constant 1 : i32
    scf.for %scan3A_35 = %scan3A_7 to %scan3A_9 step %scan3A_10  : i32 {
      %dma_start3A = arith.constant 0 : i32
      %dma_start3A_36 = tpu.memref_slice %arg6[%scan3A_35, %dma_start3A] : memref<40x128xi32, #tpu.memory_space<vmem>> -> memref<1x128xi32, #tpu.memory_space<vmem>>
      %dma_start3A_37 = tpu.memref_squeeze %dma_start3A_36 : memref<1x128xi32, #tpu.memory_space<vmem>> -> memref<128xi32, #tpu.memory_space<vmem>>
      %dma_start3A_38 = arith.constant 0 : i32
      %dma_start3A_39 = arith.constant 0 : i32
      %dma_start3A_40 = tpu.memref_slice %arg8[%dma_start3A_38, %dma_start3A_39] : memref<10240x128xf32, #tpu.memory_space<vmem_shared>> -> memref<10240x128xf32, #tpu.memory_space<vmem_shared>>
      tpu.enqueue_indirect_dma source(%arg7 : memref<128x128xf32, #tpu.memory_space<vmem>>) target(%dma_start3A_40 : memref<10240x128xf32, #tpu.memory_space<vmem_shared>>) offsets(%dma_start3A_37 : memref<128xi32, #tpu.memory_space<vmem>>) semaphore(%arg9 : memref<!tpu.dma_semaphore, #tpu.memory_space<semaphore_mem>>) {add = true}
    }
    %scan3A_11 = arith.constant 40 : i32
    %scan3A_12 = arith.constant 0 : i32
    %scan3A_13 = arith.constant 0 : i32
    %scan3A_14 = arith.constant 40 : i32
    %scan3A_15 = arith.addi %scan3A_13, %scan3A_14 : i32
    %scan3A_16 = arith.constant 1 : i32
    scf.for %scan3A_35 = %scan3A_13 to %scan3A_15 step %scan3A_16  : i32 {
      %dma_wait3A = arith.constant 0 : i32
      %dma_wait3A_36 = arith.constant 0 : i32
      %dma_wait3A_37 = tpu.memref_slice %arg6[%dma_wait3A, %dma_wait3A_36] : memref<40x128xi32, #tpu.memory_space<vmem>> -> memref<1x128xi32, #tpu.memory_space<vmem>>
      %dma_wait3A_38 = tpu.memref_squeeze %dma_wait3A_37 : memref<1x128xi32, #tpu.memory_space<vmem>> -> memref<128xi32, #tpu.memory_space<vmem>>
      %dma_wait3A_39 = arith.constant 0 : i32
      %dma_wait3A_40 = arith.constant 0 : i32
      %dma_wait3A_41 = tpu.memref_slice %arg8[%dma_wait3A_39, %dma_wait3A_40] : memref<10240x128xf32, #tpu.memory_space<vmem_shared>> -> memref<10240x128xf32, #tpu.memory_space<vmem_shared>>
      tpu.wait_indirect_dma semaphore(%arg9 : memref<!tpu.dma_semaphore, #tpu.memory_space<semaphore_mem>>) src(%arg7 : memref<128x128xf32, #tpu.memory_space<vmem>>) dst(%dma_wait3A_41 : memref<10240x128xf32, #tpu.memory_space<vmem_shared>>)
    }
    %scan3A_17 = arith.constant 40 : i32
    %mul3A_18 = arith.constant 80 : i32
    %mul3A_19 = arith.muli %add3A, %mul3A_18 : i32
    %add3A_20 = arith.constant 40 : i32
    %add3A_21 = arith.addi %mul3A_19, %add3A_20 : i32
    "tpu.region"() ({
      %run_scoped3A = tpu.sem_alloc : memref<!tpu.dma_semaphore, #tpu.memory_space<semaphore_mem>>
      %dma_start3A = arith.constant 0 : i32
      %dma_start3A_35 = tpu.memref_slice %arg3[%add3A_21, %dma_start3A] : memref<2560x128xi32, #tpu.memory_space<hbm>> -> memref<40x128xi32, #tpu.memory_space<hbm>>
      %dma_start3A_36 = arith.constant 0 : i32
      %dma_start3A_37 = tpu.memref_slice %arg3[%add3A_21, %dma_start3A_36] : memref<2560x128xi32, #tpu.memory_space<hbm>> -> memref<40x128xi32, #tpu.memory_space<hbm>>
      tpu.enqueue_dma source(%dma_start3A_37 : memref<40x128xi32, #tpu.memory_space<hbm>>) target(%arg6 : memref<40x128xi32, #tpu.memory_space<vmem>>) target_semaphore(%run_scoped3A : memref<!tpu.dma_semaphore, #tpu.memory_space<semaphore_mem>>)
      %dma_wait3A = arith.constant 0 : i32
      %dma_wait3A_38 = tpu.memref_slice %arg3[%add3A_21, %dma_wait3A] : memref<2560x128xi32, #tpu.memory_space<hbm>> -> memref<40x128xi32, #tpu.memory_space<hbm>>
      %dma_wait3A_39 = arith.constant 0 : i32
      %dma_wait3A_40 = tpu.memref_slice %arg3[%add3A_21, %dma_wait3A_39] : memref<2560x128xi32, #tpu.memory_space<hbm>> -> memref<40x128xi32, #tpu.memory_space<hbm>>
      tpu.wait_dma2 semaphore(%run_scoped3A : memref<!tpu.dma_semaphore, #tpu.memory_space<semaphore_mem>>) src(%dma_wait3A_40 : memref<40x128xi32, #tpu.memory_space<hbm>>) dst(%arg6 : memref<40x128xi32, #tpu.memory_space<vmem>>)
      tpu.yield
    }) : () -> ()
    %scan3A_22 = arith.constant 0 : i32
    %scan3A_23 = arith.constant 0 : i32
    %scan3A_24 = arith.constant 40 : i32
    %scan3A_25 = arith.addi %scan3A_23, %scan3A_24 : i32
    %scan3A_26 = arith.constant 1 : i32
    scf.for %scan3A_35 = %scan3A_23 to %scan3A_25 step %scan3A_26  : i32 {
      %dma_start3A = arith.constant 0 : i32
      %dma_start3A_36 = tpu.memref_slice %arg6[%scan3A_35, %dma_start3A] : memref<40x128xi32, #tpu.memory_space<vmem>> -> memref<1x128xi32, #tpu.memory_space<vmem>>
      %dma_start3A_37 = tpu.memref_squeeze %dma_start3A_36 : memref<1x128xi32, #tpu.memory_space<vmem>> -> memref<128xi32, #tpu.memory_space<vmem>>
      %dma_start3A_38 = arith.constant 0 : i32
      %dma_start3A_39 = arith.constant 0 : i32
      %dma_start3A_40 = tpu.memref_slice %arg8[%dma_start3A_38, %dma_start3A_39] : memref<10240x128xf32, #tpu.memory_space<vmem_shared>> -> memref<10240x128xf32, #tpu.memory_space<vmem_shared>>
      tpu.enqueue_indirect_dma source(%arg7 : memref<128x128xf32, #tpu.memory_space<vmem>>) target(%dma_start3A_40 : memref<10240x128xf32, #tpu.memory_space<vmem_shared>>) offsets(%dma_start3A_37 : memref<128xi32, #tpu.memory_space<vmem>>) semaphore(%arg9 : memref<!tpu.dma_semaphore, #tpu.memory_space<semaphore_mem>>) {add = true}
    }
    %scan3A_27 = arith.constant 40 : i32
    %scan3A_28 = arith.constant 0 : i32
    %scan3A_29 = arith.constant 0 : i32
    %scan3A_30 = arith.constant 40 : i32
    %scan3A_31 = arith.addi %scan3A_29, %scan3A_30 : i32
    %scan3A_32 = arith.constant 1 : i32
    scf.for %scan3A_35 = %scan3A_29 to %scan3A_31 step %scan3A_32  : i32 {
      %dma_wait3A = arith.constant 0 : i32
      %dma_wait3A_36 = arith.constant 0 : i32
      %dma_wait3A_37 = tpu.memref_slice %arg6[%dma_wait3A, %dma_wait3A_36] : memref<40x128xi32, #tpu.memory_space<vmem>> -> memref<1x128xi32, #tpu.memory_space<vmem>>
      %dma_wait3A_38 = tpu.memref_squeeze %dma_wait3A_37 : memref<1x128xi32, #tpu.memory_space<vmem>> -> memref<128xi32, #tpu.memory_space<vmem>>
      %dma_wait3A_39 = arith.constant 0 : i32
      %dma_wait3A_40 = arith.constant 0 : i32
      %dma_wait3A_41 = tpu.memref_slice %arg8[%dma_wait3A_39, %dma_wait3A_40] : memref<10240x128xf32, #tpu.memory_space<vmem_shared>> -> memref<10240x128xf32, #tpu.memory_space<vmem_shared>>
      tpu.wait_indirect_dma semaphore(%arg9 : memref<!tpu.dma_semaphore, #tpu.memory_space<semaphore_mem>>) src(%arg7 : memref<128x128xf32, #tpu.memory_space<vmem>>) dst(%dma_wait3A_41 : memref<10240x128xf32, #tpu.memory_space<vmem_shared>>)
    }
    %scan3A_33 = arith.constant 40 : i32
    %barrier3A_34 = arith.constant 0 : index
    tpu.barrier barrier_id(%barrier3A_34)
    "tpu.region"() ({
      %run_scoped3A = tpu.sem_alloc : memref<!tpu.dma_semaphore, #tpu.memory_space<semaphore_mem>>
      %dma_start3A = arith.constant 0 : i32
      %dma_start3A_35 = tpu.memref_slice %arg5[%arg0, %mul3A_2, %dma_start3A] : memref<2x10240x128xf32, #tpu.memory_space<hbm>> -> memref<1x640x128xf32, #tpu.memory_space<hbm>>
      %dma_start3A_36 = tpu.memref_squeeze %dma_start3A_35 : memref<1x640x128xf32, #tpu.memory_space<hbm>> -> memref<640x128xf32, #tpu.memory_space<hbm>>
      %dma_start3A_37 = arith.constant 0 : i32
      %dma_start3A_38 = tpu.memref_slice %arg8[%mul3A_2, %dma_start3A_37] : memref<10240x128xf32, #tpu.memory_space<vmem_shared>> -> memref<640x128xf32, #tpu.memory_space<vmem_shared>>
      tpu.enqueue_dma source(%dma_start3A_38 : memref<640x128xf32, #tpu.memory_space<vmem_shared>>) target(%dma_start3A_36 : memref<640x128xf32, #tpu.memory_space<hbm>>) target_semaphore(%run_scoped3A : memref<!tpu.dma_semaphore, #tpu.memory_space<semaphore_mem>>)
      %dma_wait3A = arith.constant 0 : i32
      %dma_wait3A_39 = tpu.memref_slice %arg5[%arg0, %mul3A_2, %dma_wait3A] : memref<2x10240x128xf32, #tpu.memory_space<hbm>> -> memref<1x640x128xf32, #tpu.memory_space<hbm>>
      %dma_wait3A_40 = tpu.memref_squeeze %dma_wait3A_39 : memref<1x640x128xf32, #tpu.memory_space<hbm>> -> memref<640x128xf32, #tpu.memory_space<hbm>>
      %dma_wait3A_41 = arith.constant 0 : i32
      %dma_wait3A_42 = tpu.memref_slice %arg8[%mul3A_2, %dma_wait3A_41] : memref<10240x128xf32, #tpu.memory_space<vmem_shared>> -> memref<640x128xf32, #tpu.memory_space<vmem_shared>>
      tpu.wait_dma2 semaphore(%run_scoped3A : memref<!tpu.dma_semaphore, #tpu.memory_space<semaphore_mem>>) src(%dma_wait3A_42 : memref<640x128xf32, #tpu.memory_space<vmem_shared>>) dst(%dma_wait3A_40 : memref<640x128xf32, #tpu.memory_space<hbm>>)
      tpu.yield
    }) : () -> ()
    return
  }
}

#map = affine_map<(d0, d1) -> (0, 0)>
#map1 = affine_map<(d0, d1) -> (0, 0, 0)>
module attributes {stable_mosaic.version = 14 : i64} {
  func.func @sc_scatter(%arg0: i32, %arg1: i32, %arg2: memref<10000x128xf32, #tpu.memory_space<hbm>>, %arg3: memref<2560x128xi32, #tpu.memory_space<hbm>>, %arg4: memref<2560x128xi32, #tpu.memory_space<hbm>>, %arg5: memref<640x128xf32, #tpu.memory_space<hbm>>, %arg6: memref<2x10240x128xf32, #tpu.memory_space<hbm>>, %arg7: memref<40x128xi32, #tpu.memory_space<vmem>>, %arg8: memref<40x128xi32, #tpu.memory_space<vmem>>, %arg9: memref<2x128x128xf32, #tpu.memory_space<vmem>>, %arg10: memref<10240x128xf32, #tpu.memory_space<vmem_shared>>, %arg11: memref<!tpu.dma_semaphore, #tpu.memory_space<semaphore_mem>>, %arg12: memref<!tpu.dma_semaphore, #tpu.memory_space<semaphore_mem>>) attributes {dimension_semantics = [#tpu.dimension_semantics<core_parallel>, #tpu.dimension_semantics<subcore_parallel>], iteration_bounds = array<i64: 2, 16>, scalar_prefetch = 0 : i64, scratch_operands = 6 : i64, tpu.core_type = #tpu.core_type<sc_vector_subcore>, window_params = [{transform_indices = #map}, {transform_indices = #map}, {transform_indices = #map}, {transform_indices = #map}, {transform_indices = #map1}]} {
    %mul3A = arith.constant 16 : i32
    %mul3A_0 = arith.muli %arg0, %mul3A : i32
    %add3A = arith.addi %mul3A_0, %arg1 : i32
    %mul3A_1 = arith.constant 640 : i32
    %mul3A_2 = arith.muli %arg1, %mul3A_1 : i32
    "tpu.region"() ({
      %run_scoped3A_124 = tpu.sem_alloc : memref<!tpu.dma_semaphore, #tpu.memory_space<semaphore_mem>>
      %dma_start3A_125 = arith.constant 0 : i32
      %dma_start3A_126 = tpu.memref_slice %arg10[%mul3A_2, %dma_start3A_125] : memref<10240x128xf32, #tpu.memory_space<vmem_shared>> -> memref<640x128xf32, #tpu.memory_space<vmem_shared>>
      tpu.enqueue_dma source(%arg5 : memref<640x128xf32, #tpu.memory_space<hbm>>) target(%dma_start3A_126 : memref<640x128xf32, #tpu.memory_space<vmem_shared>>) target_semaphore(%run_scoped3A_124 : memref<!tpu.dma_semaphore, #tpu.memory_space<semaphore_mem>>)
      %dma_wait3A_127 = arith.constant 0 : i32
      %dma_wait3A_128 = tpu.memref_slice %arg10[%mul3A_2, %dma_wait3A_127] : memref<10240x128xf32, #tpu.memory_space<vmem_shared>> -> memref<640x128xf32, #tpu.memory_space<vmem_shared>>
      tpu.wait_dma2 semaphore(%run_scoped3A_124 : memref<!tpu.dma_semaphore, #tpu.memory_space<semaphore_mem>>) src(%arg5 : memref<640x128xf32, #tpu.memory_space<hbm>>) dst(%dma_wait3A_128 : memref<640x128xf32, #tpu.memory_space<vmem_shared>>)
      tpu.yield
    }) : () -> ()
    %barrier3A = arith.constant 0 : index
    tpu.barrier barrier_id(%barrier3A)
    %mul3A_3 = arith.constant 80 : i32
    %mul3A_4 = arith.muli %add3A, %mul3A_3 : i32
    %add3A_5 = arith.constant 0 : i32
    %add3A_6 = arith.addi %mul3A_4, %add3A_5 : i32
    "tpu.region"() ({
      %run_scoped3A_124 = tpu.sem_alloc : memref<!tpu.dma_semaphore, #tpu.memory_space<semaphore_mem>>
      %dma_start3A_125 = arith.constant 0 : i32
      %dma_start3A_126 = tpu.memref_slice %arg3[%add3A_6, %dma_start3A_125] : memref<2560x128xi32, #tpu.memory_space<hbm>> -> memref<40x128xi32, #tpu.memory_space<hbm>>
      %dma_start3A_127 = arith.constant 0 : i32
      %dma_start3A_128 = tpu.memref_slice %arg3[%add3A_6, %dma_start3A_127] : memref<2560x128xi32, #tpu.memory_space<hbm>> -> memref<40x128xi32, #tpu.memory_space<hbm>>
      tpu.enqueue_dma source(%dma_start3A_128 : memref<40x128xi32, #tpu.memory_space<hbm>>) target(%arg7 : memref<40x128xi32, #tpu.memory_space<vmem>>) target_semaphore(%run_scoped3A_124 : memref<!tpu.dma_semaphore, #tpu.memory_space<semaphore_mem>>)
      %dma_wait3A_129 = arith.constant 0 : i32
      %dma_wait3A_130 = tpu.memref_slice %arg3[%add3A_6, %dma_wait3A_129] : memref<2560x128xi32, #tpu.memory_space<hbm>> -> memref<40x128xi32, #tpu.memory_space<hbm>>
      %dma_wait3A_131 = arith.constant 0 : i32
      %dma_wait3A_132 = tpu.memref_slice %arg3[%add3A_6, %dma_wait3A_131] : memref<2560x128xi32, #tpu.memory_space<hbm>> -> memref<40x128xi32, #tpu.memory_space<hbm>>
      tpu.wait_dma2 semaphore(%run_scoped3A_124 : memref<!tpu.dma_semaphore, #tpu.memory_space<semaphore_mem>>) src(%dma_wait3A_132 : memref<40x128xi32, #tpu.memory_space<hbm>>) dst(%arg7 : memref<40x128xi32, #tpu.memory_space<vmem>>)
      tpu.yield
    }) : () -> ()
    "tpu.region"() ({
      %run_scoped3A_124 = tpu.sem_alloc : memref<!tpu.dma_semaphore, #tpu.memory_space<semaphore_mem>>
      %dma_start3A_125 = arith.constant 0 : i32
      %dma_start3A_126 = tpu.memref_slice %arg4[%add3A_6, %dma_start3A_125] : memref<2560x128xi32, #tpu.memory_space<hbm>> -> memref<40x128xi32, #tpu.memory_space<hbm>>
      %dma_start3A_127 = arith.constant 0 : i32
      %dma_start3A_128 = tpu.memref_slice %arg4[%add3A_6, %dma_start3A_127] : memref<2560x128xi32, #tpu.memory_space<hbm>> -> memref<40x128xi32, #tpu.memory_space<hbm>>
      tpu.enqueue_dma source(%dma_start3A_128 : memref<40x128xi32, #tpu.memory_space<hbm>>) target(%arg8 : memref<40x128xi32, #tpu.memory_space<vmem>>) target_semaphore(%run_scoped3A_124 : memref<!tpu.dma_semaphore, #tpu.memory_space<semaphore_mem>>)
      %dma_wait3A_129 = arith.constant 0 : i32
      %dma_wait3A_130 = tpu.memref_slice %arg4[%add3A_6, %dma_wait3A_129] : memref<2560x128xi32, #tpu.memory_space<hbm>> -> memref<40x128xi32, #tpu.memory_space<hbm>>
      %dma_wait3A_131 = arith.constant 0 : i32
      %dma_wait3A_132 = tpu.memref_slice %arg4[%add3A_6, %dma_wait3A_131] : memref<2560x128xi32, #tpu.memory_space<hbm>> -> memref<40x128xi32, #tpu.memory_space<hbm>>
      tpu.wait_dma2 semaphore(%run_scoped3A_124 : memref<!tpu.dma_semaphore, #tpu.memory_space<semaphore_mem>>) src(%dma_wait3A_132 : memref<40x128xi32, #tpu.memory_space<hbm>>) dst(%arg8 : memref<40x128xi32, #tpu.memory_space<vmem>>)
      tpu.yield
    }) : () -> ()
    %dma_start3A = arith.constant 0 : i32
    %dma_start3A_7 = arith.constant 0 : i32
    %dma_start3A_8 = arith.constant 0 : i32
    %dma_start3A_9 = arith.constant 0 : i32
    %dma_start3A_10 = tpu.memref_slice %arg9[%dma_start3A_7, %dma_start3A_8, %dma_start3A_9] : memref<2x128x128xf32, #tpu.memory_space<vmem>> -> memref<1x128x128xf32, #tpu.memory_space<vmem>>
    %dma_start3A_11 = tpu.memref_squeeze %dma_start3A_10 : memref<1x128x128xf32, #tpu.memory_space<vmem>> -> memref<128x128xf32, #tpu.memory_space<vmem>>
    %dma_start3A_12 = arith.constant 0 : i32
    %dma_start3A_13 = tpu.memref_slice %arg7[%dma_start3A, %dma_start3A_12] : memref<40x128xi32, #tpu.memory_space<vmem>> -> memref<1x128xi32, #tpu.memory_space<vmem>>
    %dma_start3A_14 = tpu.memref_squeeze %dma_start3A_13 : memref<1x128xi32, #tpu.memory_space<vmem>> -> memref<128xi32, #tpu.memory_space<vmem>>
    %dma_start3A_15 = arith.constant 0 : i32
    %dma_start3A_16 = arith.constant 0 : i32
    %dma_start3A_17 = tpu.memref_slice %arg2[%dma_start3A_15, %dma_start3A_16] : memref<10000x128xf32, #tpu.memory_space<hbm>> -> memref<10000x128xf32, #tpu.memory_space<hbm>>
    tpu.enqueue_indirect_dma source(%dma_start3A_17 : memref<10000x128xf32, #tpu.memory_space<hbm>>) target(%dma_start3A_11 : memref<128x128xf32, #tpu.memory_space<vmem>>) offsets(%dma_start3A_14 : memref<128xi32, #tpu.memory_space<vmem>>) semaphore(%arg11 : memref<!tpu.dma_semaphore, #tpu.memory_space<semaphore_mem>>)
    %scan3A = arith.constant 0 : i32
    %scan3A_18 = arith.constant 0 : i32
    %scan3A_19 = arith.constant 19 : i32
    %scan3A_20 = arith.addi %scan3A_18, %scan3A_19 : i32
    %scan3A_21 = arith.constant 1 : i32
    scf.for %scan3A_124 = %scan3A_18 to %scan3A_20 step %scan3A_21  : i32 {
      %mul3A_125 = arith.constant 2 : i32
      %mul3A_126 = arith.muli %mul3A_125, %scan3A_124 : i32
      %add3A_127 = arith.constant 1 : i32
      %add3A_128 = arith.addi %mul3A_126, %add3A_127 : i32
      %dma_start3A_129 = arith.constant 1 : i32
      %dma_start3A_130 = arith.constant 0 : i32
      %dma_start3A_131 = arith.constant 0 : i32
      %dma_start3A_132 = tpu.memref_slice %arg9[%dma_start3A_129, %dma_start3A_130, %dma_start3A_131] : memref<2x128x128xf32, #tpu.memory_space<vmem>> -> memref<1x128x128xf32, #tpu.memory_space<vmem>>
      %dma_start3A_133 = tpu.memref_squeeze %dma_start3A_132 : memref<1x128x128xf32, #tpu.memory_space<vmem>> -> memref<128x128xf32, #tpu.memory_space<vmem>>
      %dma_start3A_134 = arith.constant 0 : i32
      %dma_start3A_135 = tpu.memref_slice %arg7[%add3A_128, %dma_start3A_134] : memref<40x128xi32, #tpu.memory_space<vmem>> -> memref<1x128xi32, #tpu.memory_space<vmem>>
      %dma_start3A_136 = tpu.memref_squeeze %dma_start3A_135 : memref<1x128xi32, #tpu.memory_space<vmem>> -> memref<128xi32, #tpu.memory_space<vmem>>
      %dma_start3A_137 = arith.constant 0 : i32
      %dma_start3A_138 = arith.constant 0 : i32
      %dma_start3A_139 = tpu.memref_slice %arg2[%dma_start3A_137, %dma_start3A_138] : memref<10000x128xf32, #tpu.memory_space<hbm>> -> memref<10000x128xf32, #tpu.memory_space<hbm>>
      tpu.enqueue_indirect_dma source(%dma_start3A_139 : memref<10000x128xf32, #tpu.memory_space<hbm>>) target(%dma_start3A_133 : memref<128x128xf32, #tpu.memory_space<vmem>>) offsets(%dma_start3A_136 : memref<128xi32, #tpu.memory_space<vmem>>) semaphore(%arg12 : memref<!tpu.dma_semaphore, #tpu.memory_space<semaphore_mem>>)
      %dma_wait3A_140 = arith.constant 0 : i32
      %dma_wait3A_141 = arith.constant 0 : i32
      %dma_wait3A_142 = arith.constant 0 : i32
      %dma_wait3A_143 = arith.constant 0 : i32
      %dma_wait3A_144 = tpu.memref_slice %arg9[%dma_wait3A_141, %dma_wait3A_142, %dma_wait3A_143] : memref<2x128x128xf32, #tpu.memory_space<vmem>> -> memref<1x128x128xf32, #tpu.memory_space<vmem>>
      %dma_wait3A_145 = tpu.memref_squeeze %dma_wait3A_144 : memref<1x128x128xf32, #tpu.memory_space<vmem>> -> memref<128x128xf32, #tpu.memory_space<vmem>>
      %dma_wait3A_146 = arith.constant 0 : i32
      %dma_wait3A_147 = tpu.memref_slice %arg7[%dma_wait3A_140, %dma_wait3A_146] : memref<40x128xi32, #tpu.memory_space<vmem>> -> memref<1x128xi32, #tpu.memory_space<vmem>>
      %dma_wait3A_148 = tpu.memref_squeeze %dma_wait3A_147 : memref<1x128xi32, #tpu.memory_space<vmem>> -> memref<128xi32, #tpu.memory_space<vmem>>
      %dma_wait3A_149 = arith.constant 0 : i32
      %dma_wait3A_150 = arith.constant 0 : i32
      %dma_wait3A_151 = tpu.memref_slice %arg2[%dma_wait3A_149, %dma_wait3A_150] : memref<10000x128xf32, #tpu.memory_space<hbm>> -> memref<10000x128xf32, #tpu.memory_space<hbm>>
      tpu.wait_indirect_dma semaphore(%arg11 : memref<!tpu.dma_semaphore, #tpu.memory_space<semaphore_mem>>) src(%dma_wait3A_151 : memref<10000x128xf32, #tpu.memory_space<hbm>>) dst(%dma_wait3A_145 : memref<128x128xf32, #tpu.memory_space<vmem>>)
      %run_scoped3A_152 = arith.constant 0 : i32
      "tpu.region"() ({
        %run_scoped3A_181 = tpu.sem_alloc : memref<!tpu.dma_semaphore, #tpu.memory_space<semaphore_mem>>
        %dma_start3A_182 = arith.constant 0 : i32
        %dma_start3A_183 = arith.constant 0 : i32
        %dma_start3A_184 = tpu.memref_slice %arg9[%run_scoped3A_152, %dma_start3A_182, %dma_start3A_183] : memref<2x128x128xf32, #tpu.memory_space<vmem>> -> memref<1x128x128xf32, #tpu.memory_space<vmem>>
        %dma_start3A_185 = tpu.memref_squeeze %dma_start3A_184 : memref<1x128x128xf32, #tpu.memory_space<vmem>> -> memref<128x128xf32, #tpu.memory_space<vmem>>
        %dma_start3A_186 = arith.constant 0 : i32
        %dma_start3A_187 = tpu.memref_slice %arg8[%mul3A_126, %dma_start3A_186] : memref<40x128xi32, #tpu.memory_space<vmem>> -> memref<1x128xi32, #tpu.memory_space<vmem>>
        %dma_start3A_188 = tpu.memref_squeeze %dma_start3A_187 : memref<1x128xi32, #tpu.memory_space<vmem>> -> memref<128xi32, #tpu.memory_space<vmem>>
        %dma_start3A_189 = arith.constant 0 : i32
        %dma_start3A_190 = arith.constant 0 : i32
        %dma_start3A_191 = tpu.memref_slice %arg10[%dma_start3A_189, %dma_start3A_190] : memref<10240x128xf32, #tpu.memory_space<vmem_shared>> -> memref<10240x128xf32, #tpu.memory_space<vmem_shared>>
        tpu.enqueue_indirect_dma source(%dma_start3A_185 : memref<128x128xf32, #tpu.memory_space<vmem>>) target(%dma_start3A_191 : memref<10240x128xf32, #tpu.memory_space<vmem_shared>>) offsets(%dma_start3A_188 : memref<128xi32, #tpu.memory_space<vmem>>) semaphore(%run_scoped3A_181 : memref<!tpu.dma_semaphore, #tpu.memory_space<semaphore_mem>>) {add = true}
        %dma_wait3A_192 = arith.constant 0 : i32
        %dma_wait3A_193 = arith.constant 0 : i32
        %dma_wait3A_194 = tpu.memref_slice %arg9[%run_scoped3A_152, %dma_wait3A_192, %dma_wait3A_193] : memref<2x128x128xf32, #tpu.memory_space<vmem>> -> memref<1x128x128xf32, #tpu.memory_space<vmem>>
        %dma_wait3A_195 = tpu.memref_squeeze %dma_wait3A_194 : memref<1x128x128xf32, #tpu.memory_space<vmem>> -> memref<128x128xf32, #tpu.memory_space<vmem>>
        %dma_wait3A_196 = arith.constant 0 : i32
        %dma_wait3A_197 = tpu.memref_slice %arg8[%mul3A_126, %dma_wait3A_196] : memref<40x128xi32, #tpu.memory_space<vmem>> -> memref<1x128xi32, #tpu.memory_space<vmem>>
        %dma_wait3A_198 = tpu.memref_squeeze %dma_wait3A_197 : memref<1x128xi32, #tpu.memory_space<vmem>> -> memref<128xi32, #tpu.memory_space<vmem>>
        %dma_wait3A_199 = arith.constant 0 : i32
        %dma_wait3A_200 = arith.constant 0 : i32
        %dma_wait3A_201 = tpu.memref_slice %arg10[%dma_wait3A_199, %dma_wait3A_200] : memref<10240x128xf32, #tpu.memory_space<vmem_shared>> -> memref<10240x128xf32, #tpu.memory_space<vmem_shared>>
        tpu.wait_indirect_dma semaphore(%run_scoped3A_181 : memref<!tpu.dma_semaphore, #tpu.memory_space<semaphore_mem>>) src(%dma_wait3A_195 : memref<128x128xf32, #tpu.memory_space<vmem>>) dst(%dma_wait3A_201 : memref<10240x128xf32, #tpu.memory_space<vmem_shared>>)
        tpu.yield
      }) : () -> ()
      %add3A_153 = arith.constant 2 : i32
      %add3A_154 = arith.addi %mul3A_126, %add3A_153 : i32
      %dma_start3A_155 = arith.constant 0 : i32
      %dma_start3A_156 = arith.constant 0 : i32
      %dma_start3A_157 = arith.constant 0 : i32
      %dma_start3A_158 = tpu.memref_slice %arg9[%dma_start3A_155, %dma_start3A_156, %dma_start3A_157] : memref<2x128x128xf32, #tpu.memory_space<vmem>> -> memref<1x128x128xf32, #tpu.memory_space<vmem>>
      %dma_start3A_159 = tpu.memref_squeeze %dma_start3A_158 : memref<1x128x128xf32, #tpu.memory_space<vmem>> -> memref<128x128xf32, #tpu.memory_space<vmem>>
      %dma_start3A_160 = arith.constant 0 : i32
      %dma_start3A_161 = tpu.memref_slice %arg7[%add3A_154, %dma_start3A_160] : memref<40x128xi32, #tpu.memory_space<vmem>> -> memref<1x128xi32, #tpu.memory_space<vmem>>
      %dma_start3A_162 = tpu.memref_squeeze %dma_start3A_161 : memref<1x128xi32, #tpu.memory_space<vmem>> -> memref<128xi32, #tpu.memory_space<vmem>>
      %dma_start3A_163 = arith.constant 0 : i32
      %dma_start3A_164 = arith.constant 0 : i32
      %dma_start3A_165 = tpu.memref_slice %arg2[%dma_start3A_163, %dma_start3A_164] : memref<10000x128xf32, #tpu.memory_space<hbm>> -> memref<10000x128xf32, #tpu.memory_space<hbm>>
      tpu.enqueue_indirect_dma source(%dma_start3A_165 : memref<10000x128xf32, #tpu.memory_space<hbm>>) target(%dma_start3A_159 : memref<128x128xf32, #tpu.memory_space<vmem>>) offsets(%dma_start3A_162 : memref<128xi32, #tpu.memory_space<vmem>>) semaphore(%arg11 : memref<!tpu.dma_semaphore, #tpu.memory_space<semaphore_mem>>)
      %dma_wait3A_166 = arith.constant 0 : i32
      %dma_wait3A_167 = arith.constant 1 : i32
      %dma_wait3A_168 = arith.constant 0 : i32
      %dma_wait3A_169 = arith.constant 0 : i32
      %dma_wait3A_170 = tpu.memref_slice %arg9[%dma_wait3A_167, %dma_wait3A_168, %dma_wait3A_169] : memref<2x128x128xf32, #tpu.memory_space<vmem>> -> memref<1x128x128xf32, #tpu.memory_space<vmem>>
      %dma_wait3A_171 = tpu.memref_squeeze %dma_wait3A_170 : memref<1x128x128xf32, #tpu.memory_space<vmem>> -> memref<128x128xf32, #tpu.memory_space<vmem>>
      %dma_wait3A_172 = arith.constant 0 : i32
      %dma_wait3A_173 = tpu.memref_slice %arg7[%dma_wait3A_166, %dma_wait3A_172] : memref<40x128xi32, #tpu.memory_space<vmem>> -> memref<1x128xi32, #tpu.memory_space<vmem>>
      %dma_wait3A_174 = tpu.memref_squeeze %dma_wait3A_173 : memref<1x128xi32, #tpu.memory_space<vmem>> -> memref<128xi32, #tpu.memory_space<vmem>>
      %dma_wait3A_175 = arith.constant 0 : i32
      %dma_wait3A_176 = arith.constant 0 : i32
      %dma_wait3A_177 = tpu.memref_slice %arg2[%dma_wait3A_175, %dma_wait3A_176] : memref<10000x128xf32, #tpu.memory_space<hbm>> -> memref<10000x128xf32, #tpu.memory_space<hbm>>
      tpu.wait_indirect_dma semaphore(%arg12 : memref<!tpu.dma_semaphore, #tpu.memory_space<semaphore_mem>>) src(%dma_wait3A_177 : memref<10000x128xf32, #tpu.memory_space<hbm>>) dst(%dma_wait3A_171 : memref<128x128xf32, #tpu.memory_space<vmem>>)
      %add3A_178 = arith.constant 1 : i32
      %add3A_179 = arith.addi %mul3A_126, %add3A_178 : i32
      %run_scoped3A_180 = arith.constant 1 : i32
      "tpu.region"() ({
        %run_scoped3A_181 = tpu.sem_alloc : memref<!tpu.dma_semaphore, #tpu.memory_space<semaphore_mem>>
        %dma_start3A_182 = arith.constant 0 : i32
        %dma_start3A_183 = arith.constant 0 : i32
        %dma_start3A_184 = tpu.memref_slice %arg9[%run_scoped3A_180, %dma_start3A_182, %dma_start3A_183] : memref<2x128x128xf32, #tpu.memory_space<vmem>> -> memref<1x128x128xf32, #tpu.memory_space<vmem>>
        %dma_start3A_185 = tpu.memref_squeeze %dma_start3A_184 : memref<1x128x128xf32, #tpu.memory_space<vmem>> -> memref<128x128xf32, #tpu.memory_space<vmem>>
        %dma_start3A_186 = arith.constant 0 : i32
        %dma_start3A_187 = tpu.memref_slice %arg8[%add3A_179, %dma_start3A_186] : memref<40x128xi32, #tpu.memory_space<vmem>> -> memref<1x128xi32, #tpu.memory_space<vmem>>
        %dma_start3A_188 = tpu.memref_squeeze %dma_start3A_187 : memref<1x128xi32, #tpu.memory_space<vmem>> -> memref<128xi32, #tpu.memory_space<vmem>>
        %dma_start3A_189 = arith.constant 0 : i32
        %dma_start3A_190 = arith.constant 0 : i32
        %dma_start3A_191 = tpu.memref_slice %arg10[%dma_start3A_189, %dma_start3A_190] : memref<10240x128xf32, #tpu.memory_space<vmem_shared>> -> memref<10240x128xf32, #tpu.memory_space<vmem_shared>>
        tpu.enqueue_indirect_dma source(%dma_start3A_185 : memref<128x128xf32, #tpu.memory_space<vmem>>) target(%dma_start3A_191 : memref<10240x128xf32, #tpu.memory_space<vmem_shared>>) offsets(%dma_start3A_188 : memref<128xi32, #tpu.memory_space<vmem>>) semaphore(%run_scoped3A_181 : memref<!tpu.dma_semaphore, #tpu.memory_space<semaphore_mem>>) {add = true}
        %dma_wait3A_192 = arith.constant 0 : i32
        %dma_wait3A_193 = arith.constant 0 : i32
        %dma_wait3A_194 = tpu.memref_slice %arg9[%run_scoped3A_180, %dma_wait3A_192, %dma_wait3A_193] : memref<2x128x128xf32, #tpu.memory_space<vmem>> -> memref<1x128x128xf32, #tpu.memory_space<vmem>>
        %dma_wait3A_195 = tpu.memref_squeeze %dma_wait3A_194 : memref<1x128x128xf32, #tpu.memory_space<vmem>> -> memref<128x128xf32, #tpu.memory_space<vmem>>
        %dma_wait3A_196 = arith.constant 0 : i32
        %dma_wait3A_197 = tpu.memref_slice %arg8[%add3A_179, %dma_wait3A_196] : memref<40x128xi32, #tpu.memory_space<vmem>> -> memref<1x128xi32, #tpu.memory_space<vmem>>
        %dma_wait3A_198 = tpu.memref_squeeze %dma_wait3A_197 : memref<1x128xi32, #tpu.memory_space<vmem>> -> memref<128xi32, #tpu.memory_space<vmem>>
        %dma_wait3A_199 = arith.constant 0 : i32
        %dma_wait3A_200 = arith.constant 0 : i32
        %dma_wait3A_201 = tpu.memref_slice %arg10[%dma_wait3A_199, %dma_wait3A_200] : memref<10240x128xf32, #tpu.memory_space<vmem_shared>> -> memref<10240x128xf32, #tpu.memory_space<vmem_shared>>
        tpu.wait_indirect_dma semaphore(%run_scoped3A_181 : memref<!tpu.dma_semaphore, #tpu.memory_space<semaphore_mem>>) src(%dma_wait3A_195 : memref<128x128xf32, #tpu.memory_space<vmem>>) dst(%dma_wait3A_201 : memref<10240x128xf32, #tpu.memory_space<vmem_shared>>)
        tpu.yield
      }) : () -> ()
    }
    %scan3A_22 = arith.constant 19 : i32
    %dma_start3A_23 = arith.constant 39 : i32
    %dma_start3A_24 = arith.constant 1 : i32
    %dma_start3A_25 = arith.constant 0 : i32
    %dma_start3A_26 = arith.constant 0 : i32
    %dma_start3A_27 = tpu.memref_slice %arg9[%dma_start3A_24, %dma_start3A_25, %dma_start3A_26] : memref<2x128x128xf32, #tpu.memory_space<vmem>> -> memref<1x128x128xf32, #tpu.memory_space<vmem>>
    %dma_start3A_28 = tpu.memref_squeeze %dma_start3A_27 : memref<1x128x128xf32, #tpu.memory_space<vmem>> -> memref<128x128xf32, #tpu.memory_space<vmem>>
    %dma_start3A_29 = arith.constant 0 : i32
    %dma_start3A_30 = tpu.memref_slice %arg7[%dma_start3A_23, %dma_start3A_29] : memref<40x128xi32, #tpu.memory_space<vmem>> -> memref<1x128xi32, #tpu.memory_space<vmem>>
    %dma_start3A_31 = tpu.memref_squeeze %dma_start3A_30 : memref<1x128xi32, #tpu.memory_space<vmem>> -> memref<128xi32, #tpu.memory_space<vmem>>
    %dma_start3A_32 = arith.constant 0 : i32
    %dma_start3A_33 = arith.constant 0 : i32
    %dma_start3A_34 = tpu.memref_slice %arg2[%dma_start3A_32, %dma_start3A_33] : memref<10000x128xf32, #tpu.memory_space<hbm>> -> memref<10000x128xf32, #tpu.memory_space<hbm>>
    tpu.enqueue_indirect_dma source(%dma_start3A_34 : memref<10000x128xf32, #tpu.memory_space<hbm>>) target(%dma_start3A_28 : memref<128x128xf32, #tpu.memory_space<vmem>>) offsets(%dma_start3A_31 : memref<128xi32, #tpu.memory_space<vmem>>) semaphore(%arg12 : memref<!tpu.dma_semaphore, #tpu.memory_space<semaphore_mem>>)
    %dma_wait3A = arith.constant 0 : i32
    %dma_wait3A_35 = arith.constant 0 : i32
    %dma_wait3A_36 = arith.constant 0 : i32
    %dma_wait3A_37 = arith.constant 0 : i32
    %dma_wait3A_38 = tpu.memref_slice %arg9[%dma_wait3A_35, %dma_wait3A_36, %dma_wait3A_37] : memref<2x128x128xf32, #tpu.memory_space<vmem>> -> memref<1x128x128xf32, #tpu.memory_space<vmem>>
    %dma_wait3A_39 = tpu.memref_squeeze %dma_wait3A_38 : memref<1x128x128xf32, #tpu.memory_space<vmem>> -> memref<128x128xf32, #tpu.memory_space<vmem>>
    %dma_wait3A_40 = arith.constant 0 : i32
    %dma_wait3A_41 = tpu.memref_slice %arg7[%dma_wait3A, %dma_wait3A_40] : memref<40x128xi32, #tpu.memory_space<vmem>> -> memref<1x128xi32, #tpu.memory_space<vmem>>
    %dma_wait3A_42 = tpu.memref_squeeze %dma_wait3A_41 : memref<1x128xi32, #tpu.memory_space<vmem>> -> memref<128xi32, #tpu.memory_space<vmem>>
    %dma_wait3A_43 = arith.constant 0 : i32
    %dma_wait3A_44 = arith.constant 0 : i32
    %dma_wait3A_45 = tpu.memref_slice %arg2[%dma_wait3A_43, %dma_wait3A_44] : memref<10000x128xf32, #tpu.memory_space<hbm>> -> memref<10000x128xf32, #tpu.memory_space<hbm>>
    tpu.wait_indirect_dma semaphore(%arg11 : memref<!tpu.dma_semaphore, #tpu.memory_space<semaphore_mem>>) src(%dma_wait3A_45 : memref<10000x128xf32, #tpu.memory_space<hbm>>) dst(%dma_wait3A_39 : memref<128x128xf32, #tpu.memory_space<vmem>>)
    %run_scoped3A = arith.constant 0 : i32
    %run_scoped3A_46 = arith.constant 38 : i32
    "tpu.region"() ({
      %run_scoped3A_124 = tpu.sem_alloc : memref<!tpu.dma_semaphore, #tpu.memory_space<semaphore_mem>>
      %dma_start3A_125 = arith.constant 0 : i32
      %dma_start3A_126 = arith.constant 0 : i32
      %dma_start3A_127 = tpu.memref_slice %arg9[%run_scoped3A, %dma_start3A_125, %dma_start3A_126] : memref<2x128x128xf32, #tpu.memory_space<vmem>> -> memref<1x128x128xf32, #tpu.memory_space<vmem>>
      %dma_start3A_128 = tpu.memref_squeeze %dma_start3A_127 : memref<1x128x128xf32, #tpu.memory_space<vmem>> -> memref<128x128xf32, #tpu.memory_space<vmem>>
      %dma_start3A_129 = arith.constant 0 : i32
      %dma_start3A_130 = tpu.memref_slice %arg8[%run_scoped3A_46, %dma_start3A_129] : memref<40x128xi32, #tpu.memory_space<vmem>> -> memref<1x128xi32, #tpu.memory_space<vmem>>
      %dma_start3A_131 = tpu.memref_squeeze %dma_start3A_130 : memref<1x128xi32, #tpu.memory_space<vmem>> -> memref<128xi32, #tpu.memory_space<vmem>>
      %dma_start3A_132 = arith.constant 0 : i32
      %dma_start3A_133 = arith.constant 0 : i32
      %dma_start3A_134 = tpu.memref_slice %arg10[%dma_start3A_132, %dma_start3A_133] : memref<10240x128xf32, #tpu.memory_space<vmem_shared>> -> memref<10240x128xf32, #tpu.memory_space<vmem_shared>>
      tpu.enqueue_indirect_dma source(%dma_start3A_128 : memref<128x128xf32, #tpu.memory_space<vmem>>) target(%dma_start3A_134 : memref<10240x128xf32, #tpu.memory_space<vmem_shared>>) offsets(%dma_start3A_131 : memref<128xi32, #tpu.memory_space<vmem>>) semaphore(%run_scoped3A_124 : memref<!tpu.dma_semaphore, #tpu.memory_space<semaphore_mem>>) {add = true}
      %dma_wait3A_135 = arith.constant 0 : i32
      %dma_wait3A_136 = arith.constant 0 : i32
      %dma_wait3A_137 = tpu.memref_slice %arg9[%run_scoped3A, %dma_wait3A_135, %dma_wait3A_136] : memref<2x128x128xf32, #tpu.memory_space<vmem>> -> memref<1x128x128xf32, #tpu.memory_space<vmem>>
      %dma_wait3A_138 = tpu.memref_squeeze %dma_wait3A_137 : memref<1x128x128xf32, #tpu.memory_space<vmem>> -> memref<128x128xf32, #tpu.memory_space<vmem>>
      %dma_wait3A_139 = arith.constant 0 : i32
      %dma_wait3A_140 = tpu.memref_slice %arg8[%run_scoped3A_46, %dma_wait3A_139] : memref<40x128xi32, #tpu.memory_space<vmem>> -> memref<1x128xi32, #tpu.memory_space<vmem>>
      %dma_wait3A_141 = tpu.memref_squeeze %dma_wait3A_140 : memref<1x128xi32, #tpu.memory_space<vmem>> -> memref<128xi32, #tpu.memory_space<vmem>>
      %dma_wait3A_142 = arith.constant 0 : i32
      %dma_wait3A_143 = arith.constant 0 : i32
      %dma_wait3A_144 = tpu.memref_slice %arg10[%dma_wait3A_142, %dma_wait3A_143] : memref<10240x128xf32, #tpu.memory_space<vmem_shared>> -> memref<10240x128xf32, #tpu.memory_space<vmem_shared>>
      tpu.wait_indirect_dma semaphore(%run_scoped3A_124 : memref<!tpu.dma_semaphore, #tpu.memory_space<semaphore_mem>>) src(%dma_wait3A_138 : memref<128x128xf32, #tpu.memory_space<vmem>>) dst(%dma_wait3A_144 : memref<10240x128xf32, #tpu.memory_space<vmem_shared>>)
      tpu.yield
    }) : () -> ()
    %dma_wait3A_47 = arith.constant 0 : i32
    %dma_wait3A_48 = arith.constant 1 : i32
    %dma_wait3A_49 = arith.constant 0 : i32
    %dma_wait3A_50 = arith.constant 0 : i32
    %dma_wait3A_51 = tpu.memref_slice %arg9[%dma_wait3A_48, %dma_wait3A_49, %dma_wait3A_50] : memref<2x128x128xf32, #tpu.memory_space<vmem>> -> memref<1x128x128xf32, #tpu.memory_space<vmem>>
    %dma_wait3A_52 = tpu.memref_squeeze %dma_wait3A_51 : memref<1x128x128xf32, #tpu.memory_space<vmem>> -> memref<128x128xf32, #tpu.memory_space<vmem>>
    %dma_wait3A_53 = arith.constant 0 : i32
    %dma_wait3A_54 = tpu.memref_slice %arg7[%dma_wait3A_47, %dma_wait3A_53] : memref<40x128xi32, #tpu.memory_space<vmem>> -> memref<1x128xi32, #tpu.memory_space<vmem>>
    %dma_wait3A_55 = tpu.memref_squeeze %dma_wait3A_54 : memref<1x128xi32, #tpu.memory_space<vmem>> -> memref<128xi32, #tpu.memory_space<vmem>>
    %dma_wait3A_56 = arith.constant 0 : i32
    %dma_wait3A_57 = arith.constant 0 : i32
    %dma_wait3A_58 = tpu.memref_slice %arg2[%dma_wait3A_56, %dma_wait3A_57] : memref<10000x128xf32, #tpu.memory_space<hbm>> -> memref<10000x128xf32, #tpu.memory_space<hbm>>
    tpu.wait_indirect_dma semaphore(%arg12 : memref<!tpu.dma_semaphore, #tpu.memory_space<semaphore_mem>>) src(%dma_wait3A_58 : memref<10000x128xf32, #tpu.memory_space<hbm>>) dst(%dma_wait3A_52 : memref<128x128xf32, #tpu.memory_space<vmem>>)
    %run_scoped3A_59 = arith.constant 1 : i32
    %run_scoped3A_60 = arith.constant 39 : i32
    "tpu.region"() ({
      %run_scoped3A_124 = tpu.sem_alloc : memref<!tpu.dma_semaphore, #tpu.memory_space<semaphore_mem>>
      %dma_start3A_125 = arith.constant 0 : i32
      %dma_start3A_126 = arith.constant 0 : i32
      %dma_start3A_127 = tpu.memref_slice %arg9[%run_scoped3A_59, %dma_start3A_125, %dma_start3A_126] : memref<2x128x128xf32, #tpu.memory_space<vmem>> -> memref<1x128x128xf32, #tpu.memory_space<vmem>>
      %dma_start3A_128 = tpu.memref_squeeze %dma_start3A_127 : memref<1x128x128xf32, #tpu.memory_space<vmem>> -> memref<128x128xf32, #tpu.memory_space<vmem>>
      %dma_start3A_129 = arith.constant 0 : i32
      %dma_start3A_130 = tpu.memref_slice %arg8[%run_scoped3A_60, %dma_start3A_129] : memref<40x128xi32, #tpu.memory_space<vmem>> -> memref<1x128xi32, #tpu.memory_space<vmem>>
      %dma_start3A_131 = tpu.memref_squeeze %dma_start3A_130 : memref<1x128xi32, #tpu.memory_space<vmem>> -> memref<128xi32, #tpu.memory_space<vmem>>
      %dma_start3A_132 = arith.constant 0 : i32
      %dma_start3A_133 = arith.constant 0 : i32
      %dma_start3A_134 = tpu.memref_slice %arg10[%dma_start3A_132, %dma_start3A_133] : memref<10240x128xf32, #tpu.memory_space<vmem_shared>> -> memref<10240x128xf32, #tpu.memory_space<vmem_shared>>
      tpu.enqueue_indirect_dma source(%dma_start3A_128 : memref<128x128xf32, #tpu.memory_space<vmem>>) target(%dma_start3A_134 : memref<10240x128xf32, #tpu.memory_space<vmem_shared>>) offsets(%dma_start3A_131 : memref<128xi32, #tpu.memory_space<vmem>>) semaphore(%run_scoped3A_124 : memref<!tpu.dma_semaphore, #tpu.memory_space<semaphore_mem>>) {add = true}
      %dma_wait3A_135 = arith.constant 0 : i32
      %dma_wait3A_136 = arith.constant 0 : i32
      %dma_wait3A_137 = tpu.memref_slice %arg9[%run_scoped3A_59, %dma_wait3A_135, %dma_wait3A_136] : memref<2x128x128xf32, #tpu.memory_space<vmem>> -> memref<1x128x128xf32, #tpu.memory_space<vmem>>
      %dma_wait3A_138 = tpu.memref_squeeze %dma_wait3A_137 : memref<1x128x128xf32, #tpu.memory_space<vmem>> -> memref<128x128xf32, #tpu.memory_space<vmem>>
      %dma_wait3A_139 = arith.constant 0 : i32
      %dma_wait3A_140 = tpu.memref_slice %arg8[%run_scoped3A_60, %dma_wait3A_139] : memref<40x128xi32, #tpu.memory_space<vmem>> -> memref<1x128xi32, #tpu.memory_space<vmem>>
      %dma_wait3A_141 = tpu.memref_squeeze %dma_wait3A_140 : memref<1x128xi32, #tpu.memory_space<vmem>> -> memref<128xi32, #tpu.memory_space<vmem>>
      %dma_wait3A_142 = arith.constant 0 : i32
      %dma_wait3A_143 = arith.constant 0 : i32
      %dma_wait3A_144 = tpu.memref_slice %arg10[%dma_wait3A_142, %dma_wait3A_143] : memref<10240x128xf32, #tpu.memory_space<vmem_shared>> -> memref<10240x128xf32, #tpu.memory_space<vmem_shared>>
      tpu.wait_indirect_dma semaphore(%run_scoped3A_124 : memref<!tpu.dma_semaphore, #tpu.memory_space<semaphore_mem>>) src(%dma_wait3A_138 : memref<128x128xf32, #tpu.memory_space<vmem>>) dst(%dma_wait3A_144 : memref<10240x128xf32, #tpu.memory_space<vmem_shared>>)
      tpu.yield
    }) : () -> ()
    %mul3A_61 = arith.constant 80 : i32
    %mul3A_62 = arith.muli %add3A, %mul3A_61 : i32
    %add3A_63 = arith.constant 40 : i32
    %add3A_64 = arith.addi %mul3A_62, %add3A_63 : i32
    "tpu.region"() ({
      %run_scoped3A_124 = tpu.sem_alloc : memref<!tpu.dma_semaphore, #tpu.memory_space<semaphore_mem>>
      %dma_start3A_125 = arith.constant 0 : i32
      %dma_start3A_126 = tpu.memref_slice %arg3[%add3A_64, %dma_start3A_125] : memref<2560x128xi32, #tpu.memory_space<hbm>> -> memref<40x128xi32, #tpu.memory_space<hbm>>
      %dma_start3A_127 = arith.constant 0 : i32
      %dma_start3A_128 = tpu.memref_slice %arg3[%add3A_64, %dma_start3A_127] : memref<2560x128xi32, #tpu.memory_space<hbm>> -> memref<40x128xi32, #tpu.memory_space<hbm>>
      tpu.enqueue_dma source(%dma_start3A_128 : memref<40x128xi32, #tpu.memory_space<hbm>>) target(%arg7 : memref<40x128xi32, #tpu.memory_space<vmem>>) target_semaphore(%run_scoped3A_124 : memref<!tpu.dma_semaphore, #tpu.memory_space<semaphore_mem>>)
      %dma_wait3A_129 = arith.constant 0 : i32
      %dma_wait3A_130 = tpu.memref_slice %arg3[%add3A_64, %dma_wait3A_129] : memref<2560x128xi32, #tpu.memory_space<hbm>> -> memref<40x128xi32, #tpu.memory_space<hbm>>
      %dma_wait3A_131 = arith.constant 0 : i32
      %dma_wait3A_132 = tpu.memref_slice %arg3[%add3A_64, %dma_wait3A_131] : memref<2560x128xi32, #tpu.memory_space<hbm>> -> memref<40x128xi32, #tpu.memory_space<hbm>>
      tpu.wait_dma2 semaphore(%run_scoped3A_124 : memref<!tpu.dma_semaphore, #tpu.memory_space<semaphore_mem>>) src(%dma_wait3A_132 : memref<40x128xi32, #tpu.memory_space<hbm>>) dst(%arg7 : memref<40x128xi32, #tpu.memory_space<vmem>>)
      tpu.yield
    }) : () -> ()
    "tpu.region"() ({
      %run_scoped3A_124 = tpu.sem_alloc : memref<!tpu.dma_semaphore, #tpu.memory_space<semaphore_mem>>
      %dma_start3A_125 = arith.constant 0 : i32
      %dma_start3A_126 = tpu.memref_slice %arg4[%add3A_64, %dma_start3A_125] : memref<2560x128xi32, #tpu.memory_space<hbm>> -> memref<40x128xi32, #tpu.memory_space<hbm>>
      %dma_start3A_127 = arith.constant 0 : i32
      %dma_start3A_128 = tpu.memref_slice %arg4[%add3A_64, %dma_start3A_127] : memref<2560x128xi32, #tpu.memory_space<hbm>> -> memref<40x128xi32, #tpu.memory_space<hbm>>
      tpu.enqueue_dma source(%dma_start3A_128 : memref<40x128xi32, #tpu.memory_space<hbm>>) target(%arg8 : memref<40x128xi32, #tpu.memory_space<vmem>>) target_semaphore(%run_scoped3A_124 : memref<!tpu.dma_semaphore, #tpu.memory_space<semaphore_mem>>)
      %dma_wait3A_129 = arith.constant 0 : i32
      %dma_wait3A_130 = tpu.memref_slice %arg4[%add3A_64, %dma_wait3A_129] : memref<2560x128xi32, #tpu.memory_space<hbm>> -> memref<40x128xi32, #tpu.memory_space<hbm>>
      %dma_wait3A_131 = arith.constant 0 : i32
      %dma_wait3A_132 = tpu.memref_slice %arg4[%add3A_64, %dma_wait3A_131] : memref<2560x128xi32, #tpu.memory_space<hbm>> -> memref<40x128xi32, #tpu.memory_space<hbm>>
      tpu.wait_dma2 semaphore(%run_scoped3A_124 : memref<!tpu.dma_semaphore, #tpu.memory_space<semaphore_mem>>) src(%dma_wait3A_132 : memref<40x128xi32, #tpu.memory_space<hbm>>) dst(%arg8 : memref<40x128xi32, #tpu.memory_space<vmem>>)
      tpu.yield
    }) : () -> ()
    %dma_start3A_65 = arith.constant 0 : i32
    %dma_start3A_66 = arith.constant 0 : i32
    %dma_start3A_67 = arith.constant 0 : i32
    %dma_start3A_68 = arith.constant 0 : i32
    %dma_start3A_69 = tpu.memref_slice %arg9[%dma_start3A_66, %dma_start3A_67, %dma_start3A_68] : memref<2x128x128xf32, #tpu.memory_space<vmem>> -> memref<1x128x128xf32, #tpu.memory_space<vmem>>
    %dma_start3A_70 = tpu.memref_squeeze %dma_start3A_69 : memref<1x128x128xf32, #tpu.memory_space<vmem>> -> memref<128x128xf32, #tpu.memory_space<vmem>>
    %dma_start3A_71 = arith.constant 0 : i32
    %dma_start3A_72 = tpu.memref_slice %arg7[%dma_start3A_65, %dma_start3A_71] : memref<40x128xi32, #tpu.memory_space<vmem>> -> memref<1x128xi32, #tpu.memory_space<vmem>>
    %dma_start3A_73 = tpu.memref_squeeze %dma_start3A_72 : memref<1x128xi32, #tpu.memory_space<vmem>> -> memref<128xi32, #tpu.memory_space<vmem>>
    %dma_start3A_74 = arith.constant 0 : i32
    %dma_start3A_75 = arith.constant 0 : i32
    %dma_start3A_76 = tpu.memref_slice %arg2[%dma_start3A_74, %dma_start3A_75] : memref<10000x128xf32, #tpu.memory_space<hbm>> -> memref<10000x128xf32, #tpu.memory_space<hbm>>
    tpu.enqueue_indirect_dma source(%dma_start3A_76 : memref<10000x128xf32, #tpu.memory_space<hbm>>) target(%dma_start3A_70 : memref<128x128xf32, #tpu.memory_space<vmem>>) offsets(%dma_start3A_73 : memref<128xi32, #tpu.memory_space<vmem>>) semaphore(%arg11 : memref<!tpu.dma_semaphore, #tpu.memory_space<semaphore_mem>>)
    %scan3A_77 = arith.constant 0 : i32
    %scan3A_78 = arith.constant 0 : i32
    %scan3A_79 = arith.constant 19 : i32
    %scan3A_80 = arith.addi %scan3A_78, %scan3A_79 : i32
    %scan3A_81 = arith.constant 1 : i32
    scf.for %scan3A_124 = %scan3A_78 to %scan3A_80 step %scan3A_81  : i32 {
      %mul3A_125 = arith.constant 2 : i32
      %mul3A_126 = arith.muli %mul3A_125, %scan3A_124 : i32
      %add3A_127 = arith.constant 1 : i32
      %add3A_128 = arith.addi %mul3A_126, %add3A_127 : i32
      %dma_start3A_129 = arith.constant 1 : i32
      %dma_start3A_130 = arith.constant 0 : i32
      %dma_start3A_131 = arith.constant 0 : i32
      %dma_start3A_132 = tpu.memref_slice %arg9[%dma_start3A_129, %dma_start3A_130, %dma_start3A_131] : memref<2x128x128xf32, #tpu.memory_space<vmem>> -> memref<1x128x128xf32, #tpu.memory_space<vmem>>
      %dma_start3A_133 = tpu.memref_squeeze %dma_start3A_132 : memref<1x128x128xf32, #tpu.memory_space<vmem>> -> memref<128x128xf32, #tpu.memory_space<vmem>>
      %dma_start3A_134 = arith.constant 0 : i32
      %dma_start3A_135 = tpu.memref_slice %arg7[%add3A_128, %dma_start3A_134] : memref<40x128xi32, #tpu.memory_space<vmem>> -> memref<1x128xi32, #tpu.memory_space<vmem>>
      %dma_start3A_136 = tpu.memref_squeeze %dma_start3A_135 : memref<1x128xi32, #tpu.memory_space<vmem>> -> memref<128xi32, #tpu.memory_space<vmem>>
      %dma_start3A_137 = arith.constant 0 : i32
      %dma_start3A_138 = arith.constant 0 : i32
      %dma_start3A_139 = tpu.memref_slice %arg2[%dma_start3A_137, %dma_start3A_138] : memref<10000x128xf32, #tpu.memory_space<hbm>> -> memref<10000x128xf32, #tpu.memory_space<hbm>>
      tpu.enqueue_indirect_dma source(%dma_start3A_139 : memref<10000x128xf32, #tpu.memory_space<hbm>>) target(%dma_start3A_133 : memref<128x128xf32, #tpu.memory_space<vmem>>) offsets(%dma_start3A_136 : memref<128xi32, #tpu.memory_space<vmem>>) semaphore(%arg12 : memref<!tpu.dma_semaphore, #tpu.memory_space<semaphore_mem>>)
      %dma_wait3A_140 = arith.constant 0 : i32
      %dma_wait3A_141 = arith.constant 0 : i32
      %dma_wait3A_142 = arith.constant 0 : i32
      %dma_wait3A_143 = arith.constant 0 : i32
      %dma_wait3A_144 = tpu.memref_slice %arg9[%dma_wait3A_141, %dma_wait3A_142, %dma_wait3A_143] : memref<2x128x128xf32, #tpu.memory_space<vmem>> -> memref<1x128x128xf32, #tpu.memory_space<vmem>>
      %dma_wait3A_145 = tpu.memref_squeeze %dma_wait3A_144 : memref<1x128x128xf32, #tpu.memory_space<vmem>> -> memref<128x128xf32, #tpu.memory_space<vmem>>
      %dma_wait3A_146 = arith.constant 0 : i32
      %dma_wait3A_147 = tpu.memref_slice %arg7[%dma_wait3A_140, %dma_wait3A_146] : memref<40x128xi32, #tpu.memory_space<vmem>> -> memref<1x128xi32, #tpu.memory_space<vmem>>
      %dma_wait3A_148 = tpu.memref_squeeze %dma_wait3A_147 : memref<1x128xi32, #tpu.memory_space<vmem>> -> memref<128xi32, #tpu.memory_space<vmem>>
      %dma_wait3A_149 = arith.constant 0 : i32
      %dma_wait3A_150 = arith.constant 0 : i32
      %dma_wait3A_151 = tpu.memref_slice %arg2[%dma_wait3A_149, %dma_wait3A_150] : memref<10000x128xf32, #tpu.memory_space<hbm>> -> memref<10000x128xf32, #tpu.memory_space<hbm>>
      tpu.wait_indirect_dma semaphore(%arg11 : memref<!tpu.dma_semaphore, #tpu.memory_space<semaphore_mem>>) src(%dma_wait3A_151 : memref<10000x128xf32, #tpu.memory_space<hbm>>) dst(%dma_wait3A_145 : memref<128x128xf32, #tpu.memory_space<vmem>>)
      %run_scoped3A_152 = arith.constant 0 : i32
      "tpu.region"() ({
        %run_scoped3A_181 = tpu.sem_alloc : memref<!tpu.dma_semaphore, #tpu.memory_space<semaphore_mem>>
        %dma_start3A_182 = arith.constant 0 : i32
        %dma_start3A_183 = arith.constant 0 : i32
        %dma_start3A_184 = tpu.memref_slice %arg9[%run_scoped3A_152, %dma_start3A_182, %dma_start3A_183] : memref<2x128x128xf32, #tpu.memory_space<vmem>> -> memref<1x128x128xf32, #tpu.memory_space<vmem>>
        %dma_start3A_185 = tpu.memref_squeeze %dma_start3A_184 : memref<1x128x128xf32, #tpu.memory_space<vmem>> -> memref<128x128xf32, #tpu.memory_space<vmem>>
        %dma_start3A_186 = arith.constant 0 : i32
        %dma_start3A_187 = tpu.memref_slice %arg8[%mul3A_126, %dma_start3A_186] : memref<40x128xi32, #tpu.memory_space<vmem>> -> memref<1x128xi32, #tpu.memory_space<vmem>>
        %dma_start3A_188 = tpu.memref_squeeze %dma_start3A_187 : memref<1x128xi32, #tpu.memory_space<vmem>> -> memref<128xi32, #tpu.memory_space<vmem>>
        %dma_start3A_189 = arith.constant 0 : i32
        %dma_start3A_190 = arith.constant 0 : i32
        %dma_start3A_191 = tpu.memref_slice %arg10[%dma_start3A_189, %dma_start3A_190] : memref<10240x128xf32, #tpu.memory_space<vmem_shared>> -> memref<10240x128xf32, #tpu.memory_space<vmem_shared>>
        tpu.enqueue_indirect_dma source(%dma_start3A_185 : memref<128x128xf32, #tpu.memory_space<vmem>>) target(%dma_start3A_191 : memref<10240x128xf32, #tpu.memory_space<vmem_shared>>) offsets(%dma_start3A_188 : memref<128xi32, #tpu.memory_space<vmem>>) semaphore(%run_scoped3A_181 : memref<!tpu.dma_semaphore, #tpu.memory_space<semaphore_mem>>) {add = true}
        %dma_wait3A_192 = arith.constant 0 : i32
        %dma_wait3A_193 = arith.constant 0 : i32
        %dma_wait3A_194 = tpu.memref_slice %arg9[%run_scoped3A_152, %dma_wait3A_192, %dma_wait3A_193] : memref<2x128x128xf32, #tpu.memory_space<vmem>> -> memref<1x128x128xf32, #tpu.memory_space<vmem>>
        %dma_wait3A_195 = tpu.memref_squeeze %dma_wait3A_194 : memref<1x128x128xf32, #tpu.memory_space<vmem>> -> memref<128x128xf32, #tpu.memory_space<vmem>>
        %dma_wait3A_196 = arith.constant 0 : i32
        %dma_wait3A_197 = tpu.memref_slice %arg8[%mul3A_126, %dma_wait3A_196] : memref<40x128xi32, #tpu.memory_space<vmem>> -> memref<1x128xi32, #tpu.memory_space<vmem>>
        %dma_wait3A_198 = tpu.memref_squeeze %dma_wait3A_197 : memref<1x128xi32, #tpu.memory_space<vmem>> -> memref<128xi32, #tpu.memory_space<vmem>>
        %dma_wait3A_199 = arith.constant 0 : i32
        %dma_wait3A_200 = arith.constant 0 : i32
        %dma_wait3A_201 = tpu.memref_slice %arg10[%dma_wait3A_199, %dma_wait3A_200] : memref<10240x128xf32, #tpu.memory_space<vmem_shared>> -> memref<10240x128xf32, #tpu.memory_space<vmem_shared>>
        tpu.wait_indirect_dma semaphore(%run_scoped3A_181 : memref<!tpu.dma_semaphore, #tpu.memory_space<semaphore_mem>>) src(%dma_wait3A_195 : memref<128x128xf32, #tpu.memory_space<vmem>>) dst(%dma_wait3A_201 : memref<10240x128xf32, #tpu.memory_space<vmem_shared>>)
        tpu.yield
      }) : () -> ()
      %add3A_153 = arith.constant 2 : i32
      %add3A_154 = arith.addi %mul3A_126, %add3A_153 : i32
      %dma_start3A_155 = arith.constant 0 : i32
      %dma_start3A_156 = arith.constant 0 : i32
      %dma_start3A_157 = arith.constant 0 : i32
      %dma_start3A_158 = tpu.memref_slice %arg9[%dma_start3A_155, %dma_start3A_156, %dma_start3A_157] : memref<2x128x128xf32, #tpu.memory_space<vmem>> -> memref<1x128x128xf32, #tpu.memory_space<vmem>>
      %dma_start3A_159 = tpu.memref_squeeze %dma_start3A_158 : memref<1x128x128xf32, #tpu.memory_space<vmem>> -> memref<128x128xf32, #tpu.memory_space<vmem>>
      %dma_start3A_160 = arith.constant 0 : i32
      %dma_start3A_161 = tpu.memref_slice %arg7[%add3A_154, %dma_start3A_160] : memref<40x128xi32, #tpu.memory_space<vmem>> -> memref<1x128xi32, #tpu.memory_space<vmem>>
      %dma_start3A_162 = tpu.memref_squeeze %dma_start3A_161 : memref<1x128xi32, #tpu.memory_space<vmem>> -> memref<128xi32, #tpu.memory_space<vmem>>
      %dma_start3A_163 = arith.constant 0 : i32
      %dma_start3A_164 = arith.constant 0 : i32
      %dma_start3A_165 = tpu.memref_slice %arg2[%dma_start3A_163, %dma_start3A_164] : memref<10000x128xf32, #tpu.memory_space<hbm>> -> memref<10000x128xf32, #tpu.memory_space<hbm>>
      tpu.enqueue_indirect_dma source(%dma_start3A_165 : memref<10000x128xf32, #tpu.memory_space<hbm>>) target(%dma_start3A_159 : memref<128x128xf32, #tpu.memory_space<vmem>>) offsets(%dma_start3A_162 : memref<128xi32, #tpu.memory_space<vmem>>) semaphore(%arg11 : memref<!tpu.dma_semaphore, #tpu.memory_space<semaphore_mem>>)
      %dma_wait3A_166 = arith.constant 0 : i32
      %dma_wait3A_167 = arith.constant 1 : i32
      %dma_wait3A_168 = arith.constant 0 : i32
      %dma_wait3A_169 = arith.constant 0 : i32
      %dma_wait3A_170 = tpu.memref_slice %arg9[%dma_wait3A_167, %dma_wait3A_168, %dma_wait3A_169] : memref<2x128x128xf32, #tpu.memory_space<vmem>> -> memref<1x128x128xf32, #tpu.memory_space<vmem>>
      %dma_wait3A_171 = tpu.memref_squeeze %dma_wait3A_170 : memref<1x128x128xf32, #tpu.memory_space<vmem>> -> memref<128x128xf32, #tpu.memory_space<vmem>>
      %dma_wait3A_172 = arith.constant 0 : i32
      %dma_wait3A_173 = tpu.memref_slice %arg7[%dma_wait3A_166, %dma_wait3A_172] : memref<40x128xi32, #tpu.memory_space<vmem>> -> memref<1x128xi32, #tpu.memory_space<vmem>>
      %dma_wait3A_174 = tpu.memref_squeeze %dma_wait3A_173 : memref<1x128xi32, #tpu.memory_space<vmem>> -> memref<128xi32, #tpu.memory_space<vmem>>
      %dma_wait3A_175 = arith.constant 0 : i32
      %dma_wait3A_176 = arith.constant 0 : i32
      %dma_wait3A_177 = tpu.memref_slice %arg2[%dma_wait3A_175, %dma_wait3A_176] : memref<10000x128xf32, #tpu.memory_space<hbm>> -> memref<10000x128xf32, #tpu.memory_space<hbm>>
      tpu.wait_indirect_dma semaphore(%arg12 : memref<!tpu.dma_semaphore, #tpu.memory_space<semaphore_mem>>) src(%dma_wait3A_177 : memref<10000x128xf32, #tpu.memory_space<hbm>>) dst(%dma_wait3A_171 : memref<128x128xf32, #tpu.memory_space<vmem>>)
      %add3A_178 = arith.constant 1 : i32
      %add3A_179 = arith.addi %mul3A_126, %add3A_178 : i32
      %run_scoped3A_180 = arith.constant 1 : i32
      "tpu.region"() ({
        %run_scoped3A_181 = tpu.sem_alloc : memref<!tpu.dma_semaphore, #tpu.memory_space<semaphore_mem>>
        %dma_start3A_182 = arith.constant 0 : i32
        %dma_start3A_183 = arith.constant 0 : i32
        %dma_start3A_184 = tpu.memref_slice %arg9[%run_scoped3A_180, %dma_start3A_182, %dma_start3A_183] : memref<2x128x128xf32, #tpu.memory_space<vmem>> -> memref<1x128x128xf32, #tpu.memory_space<vmem>>
        %dma_start3A_185 = tpu.memref_squeeze %dma_start3A_184 : memref<1x128x128xf32, #tpu.memory_space<vmem>> -> memref<128x128xf32, #tpu.memory_space<vmem>>
        %dma_start3A_186 = arith.constant 0 : i32
        %dma_start3A_187 = tpu.memref_slice %arg8[%add3A_179, %dma_start3A_186] : memref<40x128xi32, #tpu.memory_space<vmem>> -> memref<1x128xi32, #tpu.memory_space<vmem>>
        %dma_start3A_188 = tpu.memref_squeeze %dma_start3A_187 : memref<1x128xi32, #tpu.memory_space<vmem>> -> memref<128xi32, #tpu.memory_space<vmem>>
        %dma_start3A_189 = arith.constant 0 : i32
        %dma_start3A_190 = arith.constant 0 : i32
        %dma_start3A_191 = tpu.memref_slice %arg10[%dma_start3A_189, %dma_start3A_190] : memref<10240x128xf32, #tpu.memory_space<vmem_shared>> -> memref<10240x128xf32, #tpu.memory_space<vmem_shared>>
        tpu.enqueue_indirect_dma source(%dma_start3A_185 : memref<128x128xf32, #tpu.memory_space<vmem>>) target(%dma_start3A_191 : memref<10240x128xf32, #tpu.memory_space<vmem_shared>>) offsets(%dma_start3A_188 : memref<128xi32, #tpu.memory_space<vmem>>) semaphore(%run_scoped3A_181 : memref<!tpu.dma_semaphore, #tpu.memory_space<semaphore_mem>>) {add = true}
        %dma_wait3A_192 = arith.constant 0 : i32
        %dma_wait3A_193 = arith.constant 0 : i32
        %dma_wait3A_194 = tpu.memref_slice %arg9[%run_scoped3A_180, %dma_wait3A_192, %dma_wait3A_193] : memref<2x128x128xf32, #tpu.memory_space<vmem>> -> memref<1x128x128xf32, #tpu.memory_space<vmem>>
        %dma_wait3A_195 = tpu.memref_squeeze %dma_wait3A_194 : memref<1x128x128xf32, #tpu.memory_space<vmem>> -> memref<128x128xf32, #tpu.memory_space<vmem>>
        %dma_wait3A_196 = arith.constant 0 : i32
        %dma_wait3A_197 = tpu.memref_slice %arg8[%add3A_179, %dma_wait3A_196] : memref<40x128xi32, #tpu.memory_space<vmem>> -> memref<1x128xi32, #tpu.memory_space<vmem>>
        %dma_wait3A_198 = tpu.memref_squeeze %dma_wait3A_197 : memref<1x128xi32, #tpu.memory_space<vmem>> -> memref<128xi32, #tpu.memory_space<vmem>>
        %dma_wait3A_199 = arith.constant 0 : i32
        %dma_wait3A_200 = arith.constant 0 : i32
        %dma_wait3A_201 = tpu.memref_slice %arg10[%dma_wait3A_199, %dma_wait3A_200] : memref<10240x128xf32, #tpu.memory_space<vmem_shared>> -> memref<10240x128xf32, #tpu.memory_space<vmem_shared>>
        tpu.wait_indirect_dma semaphore(%run_scoped3A_181 : memref<!tpu.dma_semaphore, #tpu.memory_space<semaphore_mem>>) src(%dma_wait3A_195 : memref<128x128xf32, #tpu.memory_space<vmem>>) dst(%dma_wait3A_201 : memref<10240x128xf32, #tpu.memory_space<vmem_shared>>)
        tpu.yield
      }) : () -> ()
    }
    %scan3A_82 = arith.constant 19 : i32
    %dma_start3A_83 = arith.constant 39 : i32
    %dma_start3A_84 = arith.constant 1 : i32
    %dma_start3A_85 = arith.constant 0 : i32
    %dma_start3A_86 = arith.constant 0 : i32
    %dma_start3A_87 = tpu.memref_slice %arg9[%dma_start3A_84, %dma_start3A_85, %dma_start3A_86] : memref<2x128x128xf32, #tpu.memory_space<vmem>> -> memref<1x128x128xf32, #tpu.memory_space<vmem>>
    %dma_start3A_88 = tpu.memref_squeeze %dma_start3A_87 : memref<1x128x128xf32, #tpu.memory_space<vmem>> -> memref<128x128xf32, #tpu.memory_space<vmem>>
    %dma_start3A_89 = arith.constant 0 : i32
    %dma_start3A_90 = tpu.memref_slice %arg7[%dma_start3A_83, %dma_start3A_89] : memref<40x128xi32, #tpu.memory_space<vmem>> -> memref<1x128xi32, #tpu.memory_space<vmem>>
    %dma_start3A_91 = tpu.memref_squeeze %dma_start3A_90 : memref<1x128xi32, #tpu.memory_space<vmem>> -> memref<128xi32, #tpu.memory_space<vmem>>
    %dma_start3A_92 = arith.constant 0 : i32
    %dma_start3A_93 = arith.constant 0 : i32
    %dma_start3A_94 = tpu.memref_slice %arg2[%dma_start3A_92, %dma_start3A_93] : memref<10000x128xf32, #tpu.memory_space<hbm>> -> memref<10000x128xf32, #tpu.memory_space<hbm>>
    tpu.enqueue_indirect_dma source(%dma_start3A_94 : memref<10000x128xf32, #tpu.memory_space<hbm>>) target(%dma_start3A_88 : memref<128x128xf32, #tpu.memory_space<vmem>>) offsets(%dma_start3A_91 : memref<128xi32, #tpu.memory_space<vmem>>) semaphore(%arg12 : memref<!tpu.dma_semaphore, #tpu.memory_space<semaphore_mem>>)
    %dma_wait3A_95 = arith.constant 0 : i32
    %dma_wait3A_96 = arith.constant 0 : i32
    %dma_wait3A_97 = arith.constant 0 : i32
    %dma_wait3A_98 = arith.constant 0 : i32
    %dma_wait3A_99 = tpu.memref_slice %arg9[%dma_wait3A_96, %dma_wait3A_97, %dma_wait3A_98] : memref<2x128x128xf32, #tpu.memory_space<vmem>> -> memref<1x128x128xf32, #tpu.memory_space<vmem>>
    %dma_wait3A_100 = tpu.memref_squeeze %dma_wait3A_99 : memref<1x128x128xf32, #tpu.memory_space<vmem>> -> memref<128x128xf32, #tpu.memory_space<vmem>>
    %dma_wait3A_101 = arith.constant 0 : i32
    %dma_wait3A_102 = tpu.memref_slice %arg7[%dma_wait3A_95, %dma_wait3A_101] : memref<40x128xi32, #tpu.memory_space<vmem>> -> memref<1x128xi32, #tpu.memory_space<vmem>>
    %dma_wait3A_103 = tpu.memref_squeeze %dma_wait3A_102 : memref<1x128xi32, #tpu.memory_space<vmem>> -> memref<128xi32, #tpu.memory_space<vmem>>
    %dma_wait3A_104 = arith.constant 0 : i32
    %dma_wait3A_105 = arith.constant 0 : i32
    %dma_wait3A_106 = tpu.memref_slice %arg2[%dma_wait3A_104, %dma_wait3A_105] : memref<10000x128xf32, #tpu.memory_space<hbm>> -> memref<10000x128xf32, #tpu.memory_space<hbm>>
    tpu.wait_indirect_dma semaphore(%arg11 : memref<!tpu.dma_semaphore, #tpu.memory_space<semaphore_mem>>) src(%dma_wait3A_106 : memref<10000x128xf32, #tpu.memory_space<hbm>>) dst(%dma_wait3A_100 : memref<128x128xf32, #tpu.memory_space<vmem>>)
    %run_scoped3A_107 = arith.constant 0 : i32
    %run_scoped3A_108 = arith.constant 38 : i32
    "tpu.region"() ({
      %run_scoped3A_124 = tpu.sem_alloc : memref<!tpu.dma_semaphore, #tpu.memory_space<semaphore_mem>>
      %dma_start3A_125 = arith.constant 0 : i32
      %dma_start3A_126 = arith.constant 0 : i32
      %dma_start3A_127 = tpu.memref_slice %arg9[%run_scoped3A_107, %dma_start3A_125, %dma_start3A_126] : memref<2x128x128xf32, #tpu.memory_space<vmem>> -> memref<1x128x128xf32, #tpu.memory_space<vmem>>
      %dma_start3A_128 = tpu.memref_squeeze %dma_start3A_127 : memref<1x128x128xf32, #tpu.memory_space<vmem>> -> memref<128x128xf32, #tpu.memory_space<vmem>>
      %dma_start3A_129 = arith.constant 0 : i32
      %dma_start3A_130 = tpu.memref_slice %arg8[%run_scoped3A_108, %dma_start3A_129] : memref<40x128xi32, #tpu.memory_space<vmem>> -> memref<1x128xi32, #tpu.memory_space<vmem>>
      %dma_start3A_131 = tpu.memref_squeeze %dma_start3A_130 : memref<1x128xi32, #tpu.memory_space<vmem>> -> memref<128xi32, #tpu.memory_space<vmem>>
      %dma_start3A_132 = arith.constant 0 : i32
      %dma_start3A_133 = arith.constant 0 : i32
      %dma_start3A_134 = tpu.memref_slice %arg10[%dma_start3A_132, %dma_start3A_133] : memref<10240x128xf32, #tpu.memory_space<vmem_shared>> -> memref<10240x128xf32, #tpu.memory_space<vmem_shared>>
      tpu.enqueue_indirect_dma source(%dma_start3A_128 : memref<128x128xf32, #tpu.memory_space<vmem>>) target(%dma_start3A_134 : memref<10240x128xf32, #tpu.memory_space<vmem_shared>>) offsets(%dma_start3A_131 : memref<128xi32, #tpu.memory_space<vmem>>) semaphore(%run_scoped3A_124 : memref<!tpu.dma_semaphore, #tpu.memory_space<semaphore_mem>>) {add = true}
      %dma_wait3A_135 = arith.constant 0 : i32
      %dma_wait3A_136 = arith.constant 0 : i32
      %dma_wait3A_137 = tpu.memref_slice %arg9[%run_scoped3A_107, %dma_wait3A_135, %dma_wait3A_136] : memref<2x128x128xf32, #tpu.memory_space<vmem>> -> memref<1x128x128xf32, #tpu.memory_space<vmem>>
      %dma_wait3A_138 = tpu.memref_squeeze %dma_wait3A_137 : memref<1x128x128xf32, #tpu.memory_space<vmem>> -> memref<128x128xf32, #tpu.memory_space<vmem>>
      %dma_wait3A_139 = arith.constant 0 : i32
      %dma_wait3A_140 = tpu.memref_slice %arg8[%run_scoped3A_108, %dma_wait3A_139] : memref<40x128xi32, #tpu.memory_space<vmem>> -> memref<1x128xi32, #tpu.memory_space<vmem>>
      %dma_wait3A_141 = tpu.memref_squeeze %dma_wait3A_140 : memref<1x128xi32, #tpu.memory_space<vmem>> -> memref<128xi32, #tpu.memory_space<vmem>>
      %dma_wait3A_142 = arith.constant 0 : i32
      %dma_wait3A_143 = arith.constant 0 : i32
      %dma_wait3A_144 = tpu.memref_slice %arg10[%dma_wait3A_142, %dma_wait3A_143] : memref<10240x128xf32, #tpu.memory_space<vmem_shared>> -> memref<10240x128xf32, #tpu.memory_space<vmem_shared>>
      tpu.wait_indirect_dma semaphore(%run_scoped3A_124 : memref<!tpu.dma_semaphore, #tpu.memory_space<semaphore_mem>>) src(%dma_wait3A_138 : memref<128x128xf32, #tpu.memory_space<vmem>>) dst(%dma_wait3A_144 : memref<10240x128xf32, #tpu.memory_space<vmem_shared>>)
      tpu.yield
    }) : () -> ()
    %dma_wait3A_109 = arith.constant 0 : i32
    %dma_wait3A_110 = arith.constant 1 : i32
    %dma_wait3A_111 = arith.constant 0 : i32
    %dma_wait3A_112 = arith.constant 0 : i32
    %dma_wait3A_113 = tpu.memref_slice %arg9[%dma_wait3A_110, %dma_wait3A_111, %dma_wait3A_112] : memref<2x128x128xf32, #tpu.memory_space<vmem>> -> memref<1x128x128xf32, #tpu.memory_space<vmem>>
    %dma_wait3A_114 = tpu.memref_squeeze %dma_wait3A_113 : memref<1x128x128xf32, #tpu.memory_space<vmem>> -> memref<128x128xf32, #tpu.memory_space<vmem>>
    %dma_wait3A_115 = arith.constant 0 : i32
    %dma_wait3A_116 = tpu.memref_slice %arg7[%dma_wait3A_109, %dma_wait3A_115] : memref<40x128xi32, #tpu.memory_space<vmem>> -> memref<1x128xi32, #tpu.memory_space<vmem>>
    %dma_wait3A_117 = tpu.memref_squeeze %dma_wait3A_116 : memref<1x128xi32, #tpu.memory_space<vmem>> -> memref<128xi32, #tpu.memory_space<vmem>>
    %dma_wait3A_118 = arith.constant 0 : i32
    %dma_wait3A_119 = arith.constant 0 : i32
    %dma_wait3A_120 = tpu.memref_slice %arg2[%dma_wait3A_118, %dma_wait3A_119] : memref<10000x128xf32, #tpu.memory_space<hbm>> -> memref<10000x128xf32, #tpu.memory_space<hbm>>
    tpu.wait_indirect_dma semaphore(%arg12 : memref<!tpu.dma_semaphore, #tpu.memory_space<semaphore_mem>>) src(%dma_wait3A_120 : memref<10000x128xf32, #tpu.memory_space<hbm>>) dst(%dma_wait3A_114 : memref<128x128xf32, #tpu.memory_space<vmem>>)
    %run_scoped3A_121 = arith.constant 1 : i32
    %run_scoped3A_122 = arith.constant 39 : i32
    "tpu.region"() ({
      %run_scoped3A_124 = tpu.sem_alloc : memref<!tpu.dma_semaphore, #tpu.memory_space<semaphore_mem>>
      %dma_start3A_125 = arith.constant 0 : i32
      %dma_start3A_126 = arith.constant 0 : i32
      %dma_start3A_127 = tpu.memref_slice %arg9[%run_scoped3A_121, %dma_start3A_125, %dma_start3A_126] : memref<2x128x128xf32, #tpu.memory_space<vmem>> -> memref<1x128x128xf32, #tpu.memory_space<vmem>>
      %dma_start3A_128 = tpu.memref_squeeze %dma_start3A_127 : memref<1x128x128xf32, #tpu.memory_space<vmem>> -> memref<128x128xf32, #tpu.memory_space<vmem>>
      %dma_start3A_129 = arith.constant 0 : i32
      %dma_start3A_130 = tpu.memref_slice %arg8[%run_scoped3A_122, %dma_start3A_129] : memref<40x128xi32, #tpu.memory_space<vmem>> -> memref<1x128xi32, #tpu.memory_space<vmem>>
      %dma_start3A_131 = tpu.memref_squeeze %dma_start3A_130 : memref<1x128xi32, #tpu.memory_space<vmem>> -> memref<128xi32, #tpu.memory_space<vmem>>
      %dma_start3A_132 = arith.constant 0 : i32
      %dma_start3A_133 = arith.constant 0 : i32
      %dma_start3A_134 = tpu.memref_slice %arg10[%dma_start3A_132, %dma_start3A_133] : memref<10240x128xf32, #tpu.memory_space<vmem_shared>> -> memref<10240x128xf32, #tpu.memory_space<vmem_shared>>
      tpu.enqueue_indirect_dma source(%dma_start3A_128 : memref<128x128xf32, #tpu.memory_space<vmem>>) target(%dma_start3A_134 : memref<10240x128xf32, #tpu.memory_space<vmem_shared>>) offsets(%dma_start3A_131 : memref<128xi32, #tpu.memory_space<vmem>>) semaphore(%run_scoped3A_124 : memref<!tpu.dma_semaphore, #tpu.memory_space<semaphore_mem>>) {add = true}
      %dma_wait3A_135 = arith.constant 0 : i32
      %dma_wait3A_136 = arith.constant 0 : i32
      %dma_wait3A_137 = tpu.memref_slice %arg9[%run_scoped3A_121, %dma_wait3A_135, %dma_wait3A_136] : memref<2x128x128xf32, #tpu.memory_space<vmem>> -> memref<1x128x128xf32, #tpu.memory_space<vmem>>
      %dma_wait3A_138 = tpu.memref_squeeze %dma_wait3A_137 : memref<1x128x128xf32, #tpu.memory_space<vmem>> -> memref<128x128xf32, #tpu.memory_space<vmem>>
      %dma_wait3A_139 = arith.constant 0 : i32
      %dma_wait3A_140 = tpu.memref_slice %arg8[%run_scoped3A_122, %dma_wait3A_139] : memref<40x128xi32, #tpu.memory_space<vmem>> -> memref<1x128xi32, #tpu.memory_space<vmem>>
      %dma_wait3A_141 = tpu.memref_squeeze %dma_wait3A_140 : memref<1x128xi32, #tpu.memory_space<vmem>> -> memref<128xi32, #tpu.memory_space<vmem>>
      %dma_wait3A_142 = arith.constant 0 : i32
      %dma_wait3A_143 = arith.constant 0 : i32
      %dma_wait3A_144 = tpu.memref_slice %arg10[%dma_wait3A_142, %dma_wait3A_143] : memref<10240x128xf32, #tpu.memory_space<vmem_shared>> -> memref<10240x128xf32, #tpu.memory_space<vmem_shared>>
      tpu.wait_indirect_dma semaphore(%run_scoped3A_124 : memref<!tpu.dma_semaphore, #tpu.memory_space<semaphore_mem>>) src(%dma_wait3A_138 : memref<128x128xf32, #tpu.memory_space<vmem>>) dst(%dma_wait3A_144 : memref<10240x128xf32, #tpu.memory_space<vmem_shared>>)
      tpu.yield
    }) : () -> ()
    %barrier3A_123 = arith.constant 0 : index
    tpu.barrier barrier_id(%barrier3A_123)
    "tpu.region"() ({
      %run_scoped3A_124 = tpu.sem_alloc : memref<!tpu.dma_semaphore, #tpu.memory_space<semaphore_mem>>
      %dma_start3A_125 = arith.constant 0 : i32
      %dma_start3A_126 = tpu.memref_slice %arg6[%arg0, %mul3A_2, %dma_start3A_125] : memref<2x10240x128xf32, #tpu.memory_space<hbm>> -> memref<1x640x128xf32, #tpu.memory_space<hbm>>
      %dma_start3A_127 = tpu.memref_squeeze %dma_start3A_126 : memref<1x640x128xf32, #tpu.memory_space<hbm>> -> memref<640x128xf32, #tpu.memory_space<hbm>>
      %dma_start3A_128 = arith.constant 0 : i32
      %dma_start3A_129 = tpu.memref_slice %arg10[%mul3A_2, %dma_start3A_128] : memref<10240x128xf32, #tpu.memory_space<vmem_shared>> -> memref<640x128xf32, #tpu.memory_space<vmem_shared>>
      tpu.enqueue_dma source(%dma_start3A_129 : memref<640x128xf32, #tpu.memory_space<vmem_shared>>) target(%dma_start3A_127 : memref<640x128xf32, #tpu.memory_space<hbm>>) target_semaphore(%run_scoped3A_124 : memref<!tpu.dma_semaphore, #tpu.memory_space<semaphore_mem>>)
      %dma_wait3A_130 = arith.constant 0 : i32
      %dma_wait3A_131 = tpu.memref_slice %arg6[%arg0, %mul3A_2, %dma_wait3A_130] : memref<2x10240x128xf32, #tpu.memory_space<hbm>> -> memref<1x640x128xf32, #tpu.memory_space<hbm>>
      %dma_wait3A_132 = tpu.memref_squeeze %dma_wait3A_131 : memref<1x640x128xf32, #tpu.memory_space<hbm>> -> memref<640x128xf32, #tpu.memory_space<hbm>>
      %dma_wait3A_133 = arith.constant 0 : i32
      %dma_wait3A_134 = tpu.memref_slice %arg10[%mul3A_2, %dma_wait3A_133] : memref<10240x128xf32, #tpu.memory_space<vmem_shared>> -> memref<640x128xf32, #tpu.memory_space<vmem_shared>>
      tpu.wait_dma2 semaphore(%run_scoped3A_124 : memref<!tpu.dma_semaphore, #tpu.memory_space<semaphore_mem>>) src(%dma_wait3A_134 : memref<640x128xf32, #tpu.memory_space<vmem_shared>>) dst(%dma_wait3A_132 : memref<640x128xf32, #tpu.memory_space<hbm>>)
      tpu.yield
    }) : () -> ()
    return
  }
}

#map = affine_map<(d0, d1) -> (0, 0)>
#map1 = affine_map<(d0, d1) -> (0, 0, 0)>
module attributes {stable_mosaic.version = 14 : i64} {
  func.func @sc_scatter(%arg0: i32, %arg1: i32, %arg2: memref<10000x128xf32, #tpu.memory_space<hbm>>, %arg3: memref<2560x128xi32, #tpu.memory_space<hbm>>, %arg4: memref<2560x128xi32, #tpu.memory_space<hbm>>, %arg5: memref<640x128xf32, #tpu.memory_space<hbm>>, %arg6: memref<2x10240x128xf32, #tpu.memory_space<hbm>>, %arg7: memref<40x128xi32, #tpu.memory_space<vmem>>, %arg8: memref<40x128xi32, #tpu.memory_space<vmem>>, %arg9: memref<2x128x128xf32, #tpu.memory_space<vmem>>, %arg10: memref<10240x128xf32, #tpu.memory_space<vmem_shared>>, %arg11: memref<!tpu.dma_semaphore, #tpu.memory_space<semaphore_mem>>, %arg12: memref<!tpu.dma_semaphore, #tpu.memory_space<semaphore_mem>>) attributes {dimension_semantics = [#tpu.dimension_semantics<core_parallel>, #tpu.dimension_semantics<subcore_parallel>], iteration_bounds = array<i64: 2, 16>, scalar_prefetch = 0 : i64, scratch_operands = 6 : i64, tpu.core_type = #tpu.core_type<sc_vector_subcore>, window_params = [{transform_indices = #map}, {transform_indices = #map}, {transform_indices = #map}, {transform_indices = #map}, {transform_indices = #map1}]} {
    %mul3A = arith.constant 16 : i32
    %mul3A_0 = arith.muli %arg0, %mul3A : i32
    %add3A = arith.addi %mul3A_0, %arg1 : i32
    %mul3A_1 = arith.constant 640 : i32
    %mul3A_2 = arith.muli %arg1, %mul3A_1 : i32
    "tpu.region"() ({
      %run_scoped3A_124 = tpu.sem_alloc : memref<!tpu.dma_semaphore, #tpu.memory_space<semaphore_mem>>
      %dma_start3A_125 = arith.constant 0 : i32
      %dma_start3A_126 = tpu.memref_slice %arg10[%mul3A_2, %dma_start3A_125] : memref<10240x128xf32, #tpu.memory_space<vmem_shared>> -> memref<640x128xf32, #tpu.memory_space<vmem_shared>>
      tpu.enqueue_dma source(%arg5 : memref<640x128xf32, #tpu.memory_space<hbm>>) target(%dma_start3A_126 : memref<640x128xf32, #tpu.memory_space<vmem_shared>>) target_semaphore(%run_scoped3A_124 : memref<!tpu.dma_semaphore, #tpu.memory_space<semaphore_mem>>)
      %dma_wait3A_127 = arith.constant 0 : i32
      %dma_wait3A_128 = tpu.memref_slice %arg10[%mul3A_2, %dma_wait3A_127] : memref<10240x128xf32, #tpu.memory_space<vmem_shared>> -> memref<640x128xf32, #tpu.memory_space<vmem_shared>>
      tpu.wait_dma2 semaphore(%run_scoped3A_124 : memref<!tpu.dma_semaphore, #tpu.memory_space<semaphore_mem>>) src(%arg5 : memref<640x128xf32, #tpu.memory_space<hbm>>) dst(%dma_wait3A_128 : memref<640x128xf32, #tpu.memory_space<vmem_shared>>)
      tpu.yield
    }) : () -> ()
    %barrier3A = arith.constant 0 : index
    tpu.barrier barrier_id(%barrier3A)
    %mul3A_3 = arith.constant 80 : i32
    %mul3A_4 = arith.muli %add3A, %mul3A_3 : i32
    %add3A_5 = arith.constant 0 : i32
    %add3A_6 = arith.addi %mul3A_4, %add3A_5 : i32
    "tpu.region"() ({
      %run_scoped3A_124 = tpu.sem_alloc : memref<!tpu.dma_semaphore, #tpu.memory_space<semaphore_mem>>
      %dma_start3A_125 = arith.constant 0 : i32
      %dma_start3A_126 = tpu.memref_slice %arg3[%add3A_6, %dma_start3A_125] : memref<2560x128xi32, #tpu.memory_space<hbm>> -> memref<40x128xi32, #tpu.memory_space<hbm>>
      %dma_start3A_127 = arith.constant 0 : i32
      %dma_start3A_128 = tpu.memref_slice %arg3[%add3A_6, %dma_start3A_127] : memref<2560x128xi32, #tpu.memory_space<hbm>> -> memref<40x128xi32, #tpu.memory_space<hbm>>
      tpu.enqueue_dma source(%dma_start3A_128 : memref<40x128xi32, #tpu.memory_space<hbm>>) target(%arg7 : memref<40x128xi32, #tpu.memory_space<vmem>>) target_semaphore(%run_scoped3A_124 : memref<!tpu.dma_semaphore, #tpu.memory_space<semaphore_mem>>)
      %dma_wait3A_129 = arith.constant 0 : i32
      %dma_wait3A_130 = tpu.memref_slice %arg3[%add3A_6, %dma_wait3A_129] : memref<2560x128xi32, #tpu.memory_space<hbm>> -> memref<40x128xi32, #tpu.memory_space<hbm>>
      %dma_wait3A_131 = arith.constant 0 : i32
      %dma_wait3A_132 = tpu.memref_slice %arg3[%add3A_6, %dma_wait3A_131] : memref<2560x128xi32, #tpu.memory_space<hbm>> -> memref<40x128xi32, #tpu.memory_space<hbm>>
      tpu.wait_dma2 semaphore(%run_scoped3A_124 : memref<!tpu.dma_semaphore, #tpu.memory_space<semaphore_mem>>) src(%dma_wait3A_132 : memref<40x128xi32, #tpu.memory_space<hbm>>) dst(%arg7 : memref<40x128xi32, #tpu.memory_space<vmem>>)
      tpu.yield
    }) : () -> ()
    "tpu.region"() ({
      %run_scoped3A_124 = tpu.sem_alloc : memref<!tpu.dma_semaphore, #tpu.memory_space<semaphore_mem>>
      %dma_start3A_125 = arith.constant 0 : i32
      %dma_start3A_126 = tpu.memref_slice %arg4[%add3A_6, %dma_start3A_125] : memref<2560x128xi32, #tpu.memory_space<hbm>> -> memref<40x128xi32, #tpu.memory_space<hbm>>
      %dma_start3A_127 = arith.constant 0 : i32
      %dma_start3A_128 = tpu.memref_slice %arg4[%add3A_6, %dma_start3A_127] : memref<2560x128xi32, #tpu.memory_space<hbm>> -> memref<40x128xi32, #tpu.memory_space<hbm>>
      tpu.enqueue_dma source(%dma_start3A_128 : memref<40x128xi32, #tpu.memory_space<hbm>>) target(%arg8 : memref<40x128xi32, #tpu.memory_space<vmem>>) target_semaphore(%run_scoped3A_124 : memref<!tpu.dma_semaphore, #tpu.memory_space<semaphore_mem>>)
      %dma_wait3A_129 = arith.constant 0 : i32
      %dma_wait3A_130 = tpu.memref_slice %arg4[%add3A_6, %dma_wait3A_129] : memref<2560x128xi32, #tpu.memory_space<hbm>> -> memref<40x128xi32, #tpu.memory_space<hbm>>
      %dma_wait3A_131 = arith.constant 0 : i32
      %dma_wait3A_132 = tpu.memref_slice %arg4[%add3A_6, %dma_wait3A_131] : memref<2560x128xi32, #tpu.memory_space<hbm>> -> memref<40x128xi32, #tpu.memory_space<hbm>>
      tpu.wait_dma2 semaphore(%run_scoped3A_124 : memref<!tpu.dma_semaphore, #tpu.memory_space<semaphore_mem>>) src(%dma_wait3A_132 : memref<40x128xi32, #tpu.memory_space<hbm>>) dst(%arg8 : memref<40x128xi32, #tpu.memory_space<vmem>>)
      tpu.yield
    }) : () -> ()
    %dma_start3A = arith.constant 0 : i32
    %dma_start3A_7 = arith.constant 0 : i32
    %dma_start3A_8 = arith.constant 0 : i32
    %dma_start3A_9 = arith.constant 0 : i32
    %dma_start3A_10 = tpu.memref_slice %arg9[%dma_start3A_7, %dma_start3A_8, %dma_start3A_9] : memref<2x128x128xf32, #tpu.memory_space<vmem>> -> memref<1x128x128xf32, #tpu.memory_space<vmem>>
    %dma_start3A_11 = tpu.memref_squeeze %dma_start3A_10 : memref<1x128x128xf32, #tpu.memory_space<vmem>> -> memref<128x128xf32, #tpu.memory_space<vmem>>
    %dma_start3A_12 = arith.constant 0 : i32
    %dma_start3A_13 = tpu.memref_slice %arg7[%dma_start3A, %dma_start3A_12] : memref<40x128xi32, #tpu.memory_space<vmem>> -> memref<1x128xi32, #tpu.memory_space<vmem>>
    %dma_start3A_14 = tpu.memref_squeeze %dma_start3A_13 : memref<1x128xi32, #tpu.memory_space<vmem>> -> memref<128xi32, #tpu.memory_space<vmem>>
    %dma_start3A_15 = arith.constant 0 : i32
    %dma_start3A_16 = arith.constant 0 : i32
    %dma_start3A_17 = tpu.memref_slice %arg2[%dma_start3A_15, %dma_start3A_16] : memref<10000x128xf32, #tpu.memory_space<hbm>> -> memref<10000x128xf32, #tpu.memory_space<hbm>>
    tpu.enqueue_indirect_dma source(%dma_start3A_17 : memref<10000x128xf32, #tpu.memory_space<hbm>>) target(%dma_start3A_11 : memref<128x128xf32, #tpu.memory_space<vmem>>) offsets(%dma_start3A_14 : memref<128xi32, #tpu.memory_space<vmem>>) semaphore(%arg11 : memref<!tpu.dma_semaphore, #tpu.memory_space<semaphore_mem>>)
    %scan3A = arith.constant 0 : i32
    %scan3A_18 = arith.constant 0 : i32
    %scan3A_19 = arith.constant 19 : i32
    %scan3A_20 = arith.addi %scan3A_18, %scan3A_19 : i32
    %scan3A_21 = arith.constant 1 : i32
    scf.for %scan3A_124 = %scan3A_18 to %scan3A_20 step %scan3A_21  : i32 {
      %mul3A_125 = arith.constant 2 : i32
      %mul3A_126 = arith.muli %mul3A_125, %scan3A_124 : i32
      %add3A_127 = arith.constant 1 : i32
      %add3A_128 = arith.addi %mul3A_126, %add3A_127 : i32
      %dma_start3A_129 = arith.constant 1 : i32
      %dma_start3A_130 = arith.constant 0 : i32
      %dma_start3A_131 = arith.constant 0 : i32
      %dma_start3A_132 = tpu.memref_slice %arg9[%dma_start3A_129, %dma_start3A_130, %dma_start3A_131] : memref<2x128x128xf32, #tpu.memory_space<vmem>> -> memref<1x128x128xf32, #tpu.memory_space<vmem>>
      %dma_start3A_133 = tpu.memref_squeeze %dma_start3A_132 : memref<1x128x128xf32, #tpu.memory_space<vmem>> -> memref<128x128xf32, #tpu.memory_space<vmem>>
      %dma_start3A_134 = arith.constant 0 : i32
      %dma_start3A_135 = tpu.memref_slice %arg7[%add3A_128, %dma_start3A_134] : memref<40x128xi32, #tpu.memory_space<vmem>> -> memref<1x128xi32, #tpu.memory_space<vmem>>
      %dma_start3A_136 = tpu.memref_squeeze %dma_start3A_135 : memref<1x128xi32, #tpu.memory_space<vmem>> -> memref<128xi32, #tpu.memory_space<vmem>>
      %dma_start3A_137 = arith.constant 0 : i32
      %dma_start3A_138 = arith.constant 0 : i32
      %dma_start3A_139 = tpu.memref_slice %arg2[%dma_start3A_137, %dma_start3A_138] : memref<10000x128xf32, #tpu.memory_space<hbm>> -> memref<10000x128xf32, #tpu.memory_space<hbm>>
      tpu.enqueue_indirect_dma source(%dma_start3A_139 : memref<10000x128xf32, #tpu.memory_space<hbm>>) target(%dma_start3A_133 : memref<128x128xf32, #tpu.memory_space<vmem>>) offsets(%dma_start3A_136 : memref<128xi32, #tpu.memory_space<vmem>>) semaphore(%arg12 : memref<!tpu.dma_semaphore, #tpu.memory_space<semaphore_mem>>)
      %dma_wait3A_140 = arith.constant 0 : i32
      %dma_wait3A_141 = arith.constant 0 : i32
      %dma_wait3A_142 = arith.constant 0 : i32
      %dma_wait3A_143 = arith.constant 0 : i32
      %dma_wait3A_144 = tpu.memref_slice %arg9[%dma_wait3A_141, %dma_wait3A_142, %dma_wait3A_143] : memref<2x128x128xf32, #tpu.memory_space<vmem>> -> memref<1x128x128xf32, #tpu.memory_space<vmem>>
      %dma_wait3A_145 = tpu.memref_squeeze %dma_wait3A_144 : memref<1x128x128xf32, #tpu.memory_space<vmem>> -> memref<128x128xf32, #tpu.memory_space<vmem>>
      %dma_wait3A_146 = arith.constant 0 : i32
      %dma_wait3A_147 = tpu.memref_slice %arg7[%dma_wait3A_140, %dma_wait3A_146] : memref<40x128xi32, #tpu.memory_space<vmem>> -> memref<1x128xi32, #tpu.memory_space<vmem>>
      %dma_wait3A_148 = tpu.memref_squeeze %dma_wait3A_147 : memref<1x128xi32, #tpu.memory_space<vmem>> -> memref<128xi32, #tpu.memory_space<vmem>>
      %dma_wait3A_149 = arith.constant 0 : i32
      %dma_wait3A_150 = arith.constant 0 : i32
      %dma_wait3A_151 = tpu.memref_slice %arg2[%dma_wait3A_149, %dma_wait3A_150] : memref<10000x128xf32, #tpu.memory_space<hbm>> -> memref<10000x128xf32, #tpu.memory_space<hbm>>
      tpu.wait_indirect_dma semaphore(%arg11 : memref<!tpu.dma_semaphore, #tpu.memory_space<semaphore_mem>>) src(%dma_wait3A_151 : memref<10000x128xf32, #tpu.memory_space<hbm>>) dst(%dma_wait3A_145 : memref<128x128xf32, #tpu.memory_space<vmem>>)
      %run_scoped3A_152 = arith.constant 0 : i32
      "tpu.region"() ({
        %run_scoped3A_181 = tpu.sem_alloc : memref<!tpu.dma_semaphore, #tpu.memory_space<semaphore_mem>>
        %dma_start3A_182 = arith.constant 0 : i32
        %dma_start3A_183 = arith.constant 0 : i32
        %dma_start3A_184 = tpu.memref_slice %arg9[%run_scoped3A_152, %dma_start3A_182, %dma_start3A_183] : memref<2x128x128xf32, #tpu.memory_space<vmem>> -> memref<1x128x128xf32, #tpu.memory_space<vmem>>
        %dma_start3A_185 = tpu.memref_squeeze %dma_start3A_184 : memref<1x128x128xf32, #tpu.memory_space<vmem>> -> memref<128x128xf32, #tpu.memory_space<vmem>>
        %dma_start3A_186 = arith.constant 0 : i32
        %dma_start3A_187 = tpu.memref_slice %arg8[%mul3A_126, %dma_start3A_186] : memref<40x128xi32, #tpu.memory_space<vmem>> -> memref<1x128xi32, #tpu.memory_space<vmem>>
        %dma_start3A_188 = tpu.memref_squeeze %dma_start3A_187 : memref<1x128xi32, #tpu.memory_space<vmem>> -> memref<128xi32, #tpu.memory_space<vmem>>
        %dma_start3A_189 = arith.constant 0 : i32
        %dma_start3A_190 = arith.constant 0 : i32
        %dma_start3A_191 = tpu.memref_slice %arg10[%dma_start3A_189, %dma_start3A_190] : memref<10240x128xf32, #tpu.memory_space<vmem_shared>> -> memref<10240x128xf32, #tpu.memory_space<vmem_shared>>
        tpu.enqueue_indirect_dma source(%dma_start3A_185 : memref<128x128xf32, #tpu.memory_space<vmem>>) target(%dma_start3A_191 : memref<10240x128xf32, #tpu.memory_space<vmem_shared>>) offsets(%dma_start3A_188 : memref<128xi32, #tpu.memory_space<vmem>>) semaphore(%run_scoped3A_181 : memref<!tpu.dma_semaphore, #tpu.memory_space<semaphore_mem>>) {add = true}
        %dma_wait3A_192 = arith.constant 0 : i32
        %dma_wait3A_193 = arith.constant 0 : i32
        %dma_wait3A_194 = tpu.memref_slice %arg9[%run_scoped3A_152, %dma_wait3A_192, %dma_wait3A_193] : memref<2x128x128xf32, #tpu.memory_space<vmem>> -> memref<1x128x128xf32, #tpu.memory_space<vmem>>
        %dma_wait3A_195 = tpu.memref_squeeze %dma_wait3A_194 : memref<1x128x128xf32, #tpu.memory_space<vmem>> -> memref<128x128xf32, #tpu.memory_space<vmem>>
        %dma_wait3A_196 = arith.constant 0 : i32
        %dma_wait3A_197 = tpu.memref_slice %arg8[%mul3A_126, %dma_wait3A_196] : memref<40x128xi32, #tpu.memory_space<vmem>> -> memref<1x128xi32, #tpu.memory_space<vmem>>
        %dma_wait3A_198 = tpu.memref_squeeze %dma_wait3A_197 : memref<1x128xi32, #tpu.memory_space<vmem>> -> memref<128xi32, #tpu.memory_space<vmem>>
        %dma_wait3A_199 = arith.constant 0 : i32
        %dma_wait3A_200 = arith.constant 0 : i32
        %dma_wait3A_201 = tpu.memref_slice %arg10[%dma_wait3A_199, %dma_wait3A_200] : memref<10240x128xf32, #tpu.memory_space<vmem_shared>> -> memref<10240x128xf32, #tpu.memory_space<vmem_shared>>
        tpu.wait_indirect_dma semaphore(%run_scoped3A_181 : memref<!tpu.dma_semaphore, #tpu.memory_space<semaphore_mem>>) src(%dma_wait3A_195 : memref<128x128xf32, #tpu.memory_space<vmem>>) dst(%dma_wait3A_201 : memref<10240x128xf32, #tpu.memory_space<vmem_shared>>)
        tpu.yield
      }) : () -> ()
      %add3A_153 = arith.constant 2 : i32
      %add3A_154 = arith.addi %mul3A_126, %add3A_153 : i32
      %dma_start3A_155 = arith.constant 0 : i32
      %dma_start3A_156 = arith.constant 0 : i32
      %dma_start3A_157 = arith.constant 0 : i32
      %dma_start3A_158 = tpu.memref_slice %arg9[%dma_start3A_155, %dma_start3A_156, %dma_start3A_157] : memref<2x128x128xf32, #tpu.memory_space<vmem>> -> memref<1x128x128xf32, #tpu.memory_space<vmem>>
      %dma_start3A_159 = tpu.memref_squeeze %dma_start3A_158 : memref<1x128x128xf32, #tpu.memory_space<vmem>> -> memref<128x128xf32, #tpu.memory_space<vmem>>
      %dma_start3A_160 = arith.constant 0 : i32
      %dma_start3A_161 = tpu.memref_slice %arg7[%add3A_154, %dma_start3A_160] : memref<40x128xi32, #tpu.memory_space<vmem>> -> memref<1x128xi32, #tpu.memory_space<vmem>>
      %dma_start3A_162 = tpu.memref_squeeze %dma_start3A_161 : memref<1x128xi32, #tpu.memory_space<vmem>> -> memref<128xi32, #tpu.memory_space<vmem>>
      %dma_start3A_163 = arith.constant 0 : i32
      %dma_start3A_164 = arith.constant 0 : i32
      %dma_start3A_165 = tpu.memref_slice %arg2[%dma_start3A_163, %dma_start3A_164] : memref<10000x128xf32, #tpu.memory_space<hbm>> -> memref<10000x128xf32, #tpu.memory_space<hbm>>
      tpu.enqueue_indirect_dma source(%dma_start3A_165 : memref<10000x128xf32, #tpu.memory_space<hbm>>) target(%dma_start3A_159 : memref<128x128xf32, #tpu.memory_space<vmem>>) offsets(%dma_start3A_162 : memref<128xi32, #tpu.memory_space<vmem>>) semaphore(%arg11 : memref<!tpu.dma_semaphore, #tpu.memory_space<semaphore_mem>>)
      %dma_wait3A_166 = arith.constant 0 : i32
      %dma_wait3A_167 = arith.constant 1 : i32
      %dma_wait3A_168 = arith.constant 0 : i32
      %dma_wait3A_169 = arith.constant 0 : i32
      %dma_wait3A_170 = tpu.memref_slice %arg9[%dma_wait3A_167, %dma_wait3A_168, %dma_wait3A_169] : memref<2x128x128xf32, #tpu.memory_space<vmem>> -> memref<1x128x128xf32, #tpu.memory_space<vmem>>
      %dma_wait3A_171 = tpu.memref_squeeze %dma_wait3A_170 : memref<1x128x128xf32, #tpu.memory_space<vmem>> -> memref<128x128xf32, #tpu.memory_space<vmem>>
      %dma_wait3A_172 = arith.constant 0 : i32
      %dma_wait3A_173 = tpu.memref_slice %arg7[%dma_wait3A_166, %dma_wait3A_172] : memref<40x128xi32, #tpu.memory_space<vmem>> -> memref<1x128xi32, #tpu.memory_space<vmem>>
      %dma_wait3A_174 = tpu.memref_squeeze %dma_wait3A_173 : memref<1x128xi32, #tpu.memory_space<vmem>> -> memref<128xi32, #tpu.memory_space<vmem>>
      %dma_wait3A_175 = arith.constant 0 : i32
      %dma_wait3A_176 = arith.constant 0 : i32
      %dma_wait3A_177 = tpu.memref_slice %arg2[%dma_wait3A_175, %dma_wait3A_176] : memref<10000x128xf32, #tpu.memory_space<hbm>> -> memref<10000x128xf32, #tpu.memory_space<hbm>>
      tpu.wait_indirect_dma semaphore(%arg12 : memref<!tpu.dma_semaphore, #tpu.memory_space<semaphore_mem>>) src(%dma_wait3A_177 : memref<10000x128xf32, #tpu.memory_space<hbm>>) dst(%dma_wait3A_171 : memref<128x128xf32, #tpu.memory_space<vmem>>)
      %add3A_178 = arith.constant 1 : i32
      %add3A_179 = arith.addi %mul3A_126, %add3A_178 : i32
      %run_scoped3A_180 = arith.constant 1 : i32
      "tpu.region"() ({
        %run_scoped3A_181 = tpu.sem_alloc : memref<!tpu.dma_semaphore, #tpu.memory_space<semaphore_mem>>
        %dma_start3A_182 = arith.constant 0 : i32
        %dma_start3A_183 = arith.constant 0 : i32
        %dma_start3A_184 = tpu.memref_slice %arg9[%run_scoped3A_180, %dma_start3A_182, %dma_start3A_183] : memref<2x128x128xf32, #tpu.memory_space<vmem>> -> memref<1x128x128xf32, #tpu.memory_space<vmem>>
        %dma_start3A_185 = tpu.memref_squeeze %dma_start3A_184 : memref<1x128x128xf32, #tpu.memory_space<vmem>> -> memref<128x128xf32, #tpu.memory_space<vmem>>
        %dma_start3A_186 = arith.constant 0 : i32
        %dma_start3A_187 = tpu.memref_slice %arg8[%add3A_179, %dma_start3A_186] : memref<40x128xi32, #tpu.memory_space<vmem>> -> memref<1x128xi32, #tpu.memory_space<vmem>>
        %dma_start3A_188 = tpu.memref_squeeze %dma_start3A_187 : memref<1x128xi32, #tpu.memory_space<vmem>> -> memref<128xi32, #tpu.memory_space<vmem>>
        %dma_start3A_189 = arith.constant 0 : i32
        %dma_start3A_190 = arith.constant 0 : i32
        %dma_start3A_191 = tpu.memref_slice %arg10[%dma_start3A_189, %dma_start3A_190] : memref<10240x128xf32, #tpu.memory_space<vmem_shared>> -> memref<10240x128xf32, #tpu.memory_space<vmem_shared>>
        tpu.enqueue_indirect_dma source(%dma_start3A_185 : memref<128x128xf32, #tpu.memory_space<vmem>>) target(%dma_start3A_191 : memref<10240x128xf32, #tpu.memory_space<vmem_shared>>) offsets(%dma_start3A_188 : memref<128xi32, #tpu.memory_space<vmem>>) semaphore(%run_scoped3A_181 : memref<!tpu.dma_semaphore, #tpu.memory_space<semaphore_mem>>) {add = true}
        %dma_wait3A_192 = arith.constant 0 : i32
        %dma_wait3A_193 = arith.constant 0 : i32
        %dma_wait3A_194 = tpu.memref_slice %arg9[%run_scoped3A_180, %dma_wait3A_192, %dma_wait3A_193] : memref<2x128x128xf32, #tpu.memory_space<vmem>> -> memref<1x128x128xf32, #tpu.memory_space<vmem>>
        %dma_wait3A_195 = tpu.memref_squeeze %dma_wait3A_194 : memref<1x128x128xf32, #tpu.memory_space<vmem>> -> memref<128x128xf32, #tpu.memory_space<vmem>>
        %dma_wait3A_196 = arith.constant 0 : i32
        %dma_wait3A_197 = tpu.memref_slice %arg8[%add3A_179, %dma_wait3A_196] : memref<40x128xi32, #tpu.memory_space<vmem>> -> memref<1x128xi32, #tpu.memory_space<vmem>>
        %dma_wait3A_198 = tpu.memref_squeeze %dma_wait3A_197 : memref<1x128xi32, #tpu.memory_space<vmem>> -> memref<128xi32, #tpu.memory_space<vmem>>
        %dma_wait3A_199 = arith.constant 0 : i32
        %dma_wait3A_200 = arith.constant 0 : i32
        %dma_wait3A_201 = tpu.memref_slice %arg10[%dma_wait3A_199, %dma_wait3A_200] : memref<10240x128xf32, #tpu.memory_space<vmem_shared>> -> memref<10240x128xf32, #tpu.memory_space<vmem_shared>>
        tpu.wait_indirect_dma semaphore(%run_scoped3A_181 : memref<!tpu.dma_semaphore, #tpu.memory_space<semaphore_mem>>) src(%dma_wait3A_195 : memref<128x128xf32, #tpu.memory_space<vmem>>) dst(%dma_wait3A_201 : memref<10240x128xf32, #tpu.memory_space<vmem_shared>>)
        tpu.yield
      }) : () -> ()
    }
    %scan3A_22 = arith.constant 19 : i32
    %dma_start3A_23 = arith.constant 39 : i32
    %dma_start3A_24 = arith.constant 1 : i32
    %dma_start3A_25 = arith.constant 0 : i32
    %dma_start3A_26 = arith.constant 0 : i32
    %dma_start3A_27 = tpu.memref_slice %arg9[%dma_start3A_24, %dma_start3A_25, %dma_start3A_26] : memref<2x128x128xf32, #tpu.memory_space<vmem>> -> memref<1x128x128xf32, #tpu.memory_space<vmem>>
    %dma_start3A_28 = tpu.memref_squeeze %dma_start3A_27 : memref<1x128x128xf32, #tpu.memory_space<vmem>> -> memref<128x128xf32, #tpu.memory_space<vmem>>
    %dma_start3A_29 = arith.constant 0 : i32
    %dma_start3A_30 = tpu.memref_slice %arg7[%dma_start3A_23, %dma_start3A_29] : memref<40x128xi32, #tpu.memory_space<vmem>> -> memref<1x128xi32, #tpu.memory_space<vmem>>
    %dma_start3A_31 = tpu.memref_squeeze %dma_start3A_30 : memref<1x128xi32, #tpu.memory_space<vmem>> -> memref<128xi32, #tpu.memory_space<vmem>>
    %dma_start3A_32 = arith.constant 0 : i32
    %dma_start3A_33 = arith.constant 0 : i32
    %dma_start3A_34 = tpu.memref_slice %arg2[%dma_start3A_32, %dma_start3A_33] : memref<10000x128xf32, #tpu.memory_space<hbm>> -> memref<10000x128xf32, #tpu.memory_space<hbm>>
    tpu.enqueue_indirect_dma source(%dma_start3A_34 : memref<10000x128xf32, #tpu.memory_space<hbm>>) target(%dma_start3A_28 : memref<128x128xf32, #tpu.memory_space<vmem>>) offsets(%dma_start3A_31 : memref<128xi32, #tpu.memory_space<vmem>>) semaphore(%arg12 : memref<!tpu.dma_semaphore, #tpu.memory_space<semaphore_mem>>)
    %dma_wait3A = arith.constant 0 : i32
    %dma_wait3A_35 = arith.constant 0 : i32
    %dma_wait3A_36 = arith.constant 0 : i32
    %dma_wait3A_37 = arith.constant 0 : i32
    %dma_wait3A_38 = tpu.memref_slice %arg9[%dma_wait3A_35, %dma_wait3A_36, %dma_wait3A_37] : memref<2x128x128xf32, #tpu.memory_space<vmem>> -> memref<1x128x128xf32, #tpu.memory_space<vmem>>
    %dma_wait3A_39 = tpu.memref_squeeze %dma_wait3A_38 : memref<1x128x128xf32, #tpu.memory_space<vmem>> -> memref<128x128xf32, #tpu.memory_space<vmem>>
    %dma_wait3A_40 = arith.constant 0 : i32
    %dma_wait3A_41 = tpu.memref_slice %arg7[%dma_wait3A, %dma_wait3A_40] : memref<40x128xi32, #tpu.memory_space<vmem>> -> memref<1x128xi32, #tpu.memory_space<vmem>>
    %dma_wait3A_42 = tpu.memref_squeeze %dma_wait3A_41 : memref<1x128xi32, #tpu.memory_space<vmem>> -> memref<128xi32, #tpu.memory_space<vmem>>
    %dma_wait3A_43 = arith.constant 0 : i32
    %dma_wait3A_44 = arith.constant 0 : i32
    %dma_wait3A_45 = tpu.memref_slice %arg2[%dma_wait3A_43, %dma_wait3A_44] : memref<10000x128xf32, #tpu.memory_space<hbm>> -> memref<10000x128xf32, #tpu.memory_space<hbm>>
    tpu.wait_indirect_dma semaphore(%arg11 : memref<!tpu.dma_semaphore, #tpu.memory_space<semaphore_mem>>) src(%dma_wait3A_45 : memref<10000x128xf32, #tpu.memory_space<hbm>>) dst(%dma_wait3A_39 : memref<128x128xf32, #tpu.memory_space<vmem>>)
    %run_scoped3A = arith.constant 0 : i32
    %run_scoped3A_46 = arith.constant 38 : i32
    "tpu.region"() ({
      %run_scoped3A_124 = tpu.sem_alloc : memref<!tpu.dma_semaphore, #tpu.memory_space<semaphore_mem>>
      %dma_start3A_125 = arith.constant 0 : i32
      %dma_start3A_126 = arith.constant 0 : i32
      %dma_start3A_127 = tpu.memref_slice %arg9[%run_scoped3A, %dma_start3A_125, %dma_start3A_126] : memref<2x128x128xf32, #tpu.memory_space<vmem>> -> memref<1x128x128xf32, #tpu.memory_space<vmem>>
      %dma_start3A_128 = tpu.memref_squeeze %dma_start3A_127 : memref<1x128x128xf32, #tpu.memory_space<vmem>> -> memref<128x128xf32, #tpu.memory_space<vmem>>
      %dma_start3A_129 = arith.constant 0 : i32
      %dma_start3A_130 = tpu.memref_slice %arg8[%run_scoped3A_46, %dma_start3A_129] : memref<40x128xi32, #tpu.memory_space<vmem>> -> memref<1x128xi32, #tpu.memory_space<vmem>>
      %dma_start3A_131 = tpu.memref_squeeze %dma_start3A_130 : memref<1x128xi32, #tpu.memory_space<vmem>> -> memref<128xi32, #tpu.memory_space<vmem>>
      %dma_start3A_132 = arith.constant 0 : i32
      %dma_start3A_133 = arith.constant 0 : i32
      %dma_start3A_134 = tpu.memref_slice %arg10[%dma_start3A_132, %dma_start3A_133] : memref<10240x128xf32, #tpu.memory_space<vmem_shared>> -> memref<10240x128xf32, #tpu.memory_space<vmem_shared>>
      tpu.enqueue_indirect_dma source(%dma_start3A_128 : memref<128x128xf32, #tpu.memory_space<vmem>>) target(%dma_start3A_134 : memref<10240x128xf32, #tpu.memory_space<vmem_shared>>) offsets(%dma_start3A_131 : memref<128xi32, #tpu.memory_space<vmem>>) semaphore(%run_scoped3A_124 : memref<!tpu.dma_semaphore, #tpu.memory_space<semaphore_mem>>) {add = true}
      %dma_wait3A_135 = arith.constant 0 : i32
      %dma_wait3A_136 = arith.constant 0 : i32
      %dma_wait3A_137 = tpu.memref_slice %arg9[%run_scoped3A, %dma_wait3A_135, %dma_wait3A_136] : memref<2x128x128xf32, #tpu.memory_space<vmem>> -> memref<1x128x128xf32, #tpu.memory_space<vmem>>
      %dma_wait3A_138 = tpu.memref_squeeze %dma_wait3A_137 : memref<1x128x128xf32, #tpu.memory_space<vmem>> -> memref<128x128xf32, #tpu.memory_space<vmem>>
      %dma_wait3A_139 = arith.constant 0 : i32
      %dma_wait3A_140 = tpu.memref_slice %arg8[%run_scoped3A_46, %dma_wait3A_139] : memref<40x128xi32, #tpu.memory_space<vmem>> -> memref<1x128xi32, #tpu.memory_space<vmem>>
      %dma_wait3A_141 = tpu.memref_squeeze %dma_wait3A_140 : memref<1x128xi32, #tpu.memory_space<vmem>> -> memref<128xi32, #tpu.memory_space<vmem>>
      %dma_wait3A_142 = arith.constant 0 : i32
      %dma_wait3A_143 = arith.constant 0 : i32
      %dma_wait3A_144 = tpu.memref_slice %arg10[%dma_wait3A_142, %dma_wait3A_143] : memref<10240x128xf32, #tpu.memory_space<vmem_shared>> -> memref<10240x128xf32, #tpu.memory_space<vmem_shared>>
      tpu.wait_indirect_dma semaphore(%run_scoped3A_124 : memref<!tpu.dma_semaphore, #tpu.memory_space<semaphore_mem>>) src(%dma_wait3A_138 : memref<128x128xf32, #tpu.memory_space<vmem>>) dst(%dma_wait3A_144 : memref<10240x128xf32, #tpu.memory_space<vmem_shared>>)
      tpu.yield
    }) : () -> ()
    %dma_wait3A_47 = arith.constant 0 : i32
    %dma_wait3A_48 = arith.constant 1 : i32
    %dma_wait3A_49 = arith.constant 0 : i32
    %dma_wait3A_50 = arith.constant 0 : i32
    %dma_wait3A_51 = tpu.memref_slice %arg9[%dma_wait3A_48, %dma_wait3A_49, %dma_wait3A_50] : memref<2x128x128xf32, #tpu.memory_space<vmem>> -> memref<1x128x128xf32, #tpu.memory_space<vmem>>
    %dma_wait3A_52 = tpu.memref_squeeze %dma_wait3A_51 : memref<1x128x128xf32, #tpu.memory_space<vmem>> -> memref<128x128xf32, #tpu.memory_space<vmem>>
    %dma_wait3A_53 = arith.constant 0 : i32
    %dma_wait3A_54 = tpu.memref_slice %arg7[%dma_wait3A_47, %dma_wait3A_53] : memref<40x128xi32, #tpu.memory_space<vmem>> -> memref<1x128xi32, #tpu.memory_space<vmem>>
    %dma_wait3A_55 = tpu.memref_squeeze %dma_wait3A_54 : memref<1x128xi32, #tpu.memory_space<vmem>> -> memref<128xi32, #tpu.memory_space<vmem>>
    %dma_wait3A_56 = arith.constant 0 : i32
    %dma_wait3A_57 = arith.constant 0 : i32
    %dma_wait3A_58 = tpu.memref_slice %arg2[%dma_wait3A_56, %dma_wait3A_57] : memref<10000x128xf32, #tpu.memory_space<hbm>> -> memref<10000x128xf32, #tpu.memory_space<hbm>>
    tpu.wait_indirect_dma semaphore(%arg12 : memref<!tpu.dma_semaphore, #tpu.memory_space<semaphore_mem>>) src(%dma_wait3A_58 : memref<10000x128xf32, #tpu.memory_space<hbm>>) dst(%dma_wait3A_52 : memref<128x128xf32, #tpu.memory_space<vmem>>)
    %run_scoped3A_59 = arith.constant 1 : i32
    %run_scoped3A_60 = arith.constant 39 : i32
    "tpu.region"() ({
      %run_scoped3A_124 = tpu.sem_alloc : memref<!tpu.dma_semaphore, #tpu.memory_space<semaphore_mem>>
      %dma_start3A_125 = arith.constant 0 : i32
      %dma_start3A_126 = arith.constant 0 : i32
      %dma_start3A_127 = tpu.memref_slice %arg9[%run_scoped3A_59, %dma_start3A_125, %dma_start3A_126] : memref<2x128x128xf32, #tpu.memory_space<vmem>> -> memref<1x128x128xf32, #tpu.memory_space<vmem>>
      %dma_start3A_128 = tpu.memref_squeeze %dma_start3A_127 : memref<1x128x128xf32, #tpu.memory_space<vmem>> -> memref<128x128xf32, #tpu.memory_space<vmem>>
      %dma_start3A_129 = arith.constant 0 : i32
      %dma_start3A_130 = tpu.memref_slice %arg8[%run_scoped3A_60, %dma_start3A_129] : memref<40x128xi32, #tpu.memory_space<vmem>> -> memref<1x128xi32, #tpu.memory_space<vmem>>
      %dma_start3A_131 = tpu.memref_squeeze %dma_start3A_130 : memref<1x128xi32, #tpu.memory_space<vmem>> -> memref<128xi32, #tpu.memory_space<vmem>>
      %dma_start3A_132 = arith.constant 0 : i32
      %dma_start3A_133 = arith.constant 0 : i32
      %dma_start3A_134 = tpu.memref_slice %arg10[%dma_start3A_132, %dma_start3A_133] : memref<10240x128xf32, #tpu.memory_space<vmem_shared>> -> memref<10240x128xf32, #tpu.memory_space<vmem_shared>>
      tpu.enqueue_indirect_dma source(%dma_start3A_128 : memref<128x128xf32, #tpu.memory_space<vmem>>) target(%dma_start3A_134 : memref<10240x128xf32, #tpu.memory_space<vmem_shared>>) offsets(%dma_start3A_131 : memref<128xi32, #tpu.memory_space<vmem>>) semaphore(%run_scoped3A_124 : memref<!tpu.dma_semaphore, #tpu.memory_space<semaphore_mem>>) {add = true}
      %dma_wait3A_135 = arith.constant 0 : i32
      %dma_wait3A_136 = arith.constant 0 : i32
      %dma_wait3A_137 = tpu.memref_slice %arg9[%run_scoped3A_59, %dma_wait3A_135, %dma_wait3A_136] : memref<2x128x128xf32, #tpu.memory_space<vmem>> -> memref<1x128x128xf32, #tpu.memory_space<vmem>>
      %dma_wait3A_138 = tpu.memref_squeeze %dma_wait3A_137 : memref<1x128x128xf32, #tpu.memory_space<vmem>> -> memref<128x128xf32, #tpu.memory_space<vmem>>
      %dma_wait3A_139 = arith.constant 0 : i32
      %dma_wait3A_140 = tpu.memref_slice %arg8[%run_scoped3A_60, %dma_wait3A_139] : memref<40x128xi32, #tpu.memory_space<vmem>> -> memref<1x128xi32, #tpu.memory_space<vmem>>
      %dma_wait3A_141 = tpu.memref_squeeze %dma_wait3A_140 : memref<1x128xi32, #tpu.memory_space<vmem>> -> memref<128xi32, #tpu.memory_space<vmem>>
      %dma_wait3A_142 = arith.constant 0 : i32
      %dma_wait3A_143 = arith.constant 0 : i32
      %dma_wait3A_144 = tpu.memref_slice %arg10[%dma_wait3A_142, %dma_wait3A_143] : memref<10240x128xf32, #tpu.memory_space<vmem_shared>> -> memref<10240x128xf32, #tpu.memory_space<vmem_shared>>
      tpu.wait_indirect_dma semaphore(%run_scoped3A_124 : memref<!tpu.dma_semaphore, #tpu.memory_space<semaphore_mem>>) src(%dma_wait3A_138 : memref<128x128xf32, #tpu.memory_space<vmem>>) dst(%dma_wait3A_144 : memref<10240x128xf32, #tpu.memory_space<vmem_shared>>)
      tpu.yield
    }) : () -> ()
    %mul3A_61 = arith.constant 80 : i32
    %mul3A_62 = arith.muli %add3A, %mul3A_61 : i32
    %add3A_63 = arith.constant 40 : i32
    %add3A_64 = arith.addi %mul3A_62, %add3A_63 : i32
    "tpu.region"() ({
      %run_scoped3A_124 = tpu.sem_alloc : memref<!tpu.dma_semaphore, #tpu.memory_space<semaphore_mem>>
      %dma_start3A_125 = arith.constant 0 : i32
      %dma_start3A_126 = tpu.memref_slice %arg3[%add3A_64, %dma_start3A_125] : memref<2560x128xi32, #tpu.memory_space<hbm>> -> memref<40x128xi32, #tpu.memory_space<hbm>>
      %dma_start3A_127 = arith.constant 0 : i32
      %dma_start3A_128 = tpu.memref_slice %arg3[%add3A_64, %dma_start3A_127] : memref<2560x128xi32, #tpu.memory_space<hbm>> -> memref<40x128xi32, #tpu.memory_space<hbm>>
      tpu.enqueue_dma source(%dma_start3A_128 : memref<40x128xi32, #tpu.memory_space<hbm>>) target(%arg7 : memref<40x128xi32, #tpu.memory_space<vmem>>) target_semaphore(%run_scoped3A_124 : memref<!tpu.dma_semaphore, #tpu.memory_space<semaphore_mem>>)
      %dma_wait3A_129 = arith.constant 0 : i32
      %dma_wait3A_130 = tpu.memref_slice %arg3[%add3A_64, %dma_wait3A_129] : memref<2560x128xi32, #tpu.memory_space<hbm>> -> memref<40x128xi32, #tpu.memory_space<hbm>>
      %dma_wait3A_131 = arith.constant 0 : i32
      %dma_wait3A_132 = tpu.memref_slice %arg3[%add3A_64, %dma_wait3A_131] : memref<2560x128xi32, #tpu.memory_space<hbm>> -> memref<40x128xi32, #tpu.memory_space<hbm>>
      tpu.wait_dma2 semaphore(%run_scoped3A_124 : memref<!tpu.dma_semaphore, #tpu.memory_space<semaphore_mem>>) src(%dma_wait3A_132 : memref<40x128xi32, #tpu.memory_space<hbm>>) dst(%arg7 : memref<40x128xi32, #tpu.memory_space<vmem>>)
      tpu.yield
    }) : () -> ()
    "tpu.region"() ({
      %run_scoped3A_124 = tpu.sem_alloc : memref<!tpu.dma_semaphore, #tpu.memory_space<semaphore_mem>>
      %dma_start3A_125 = arith.constant 0 : i32
      %dma_start3A_126 = tpu.memref_slice %arg4[%add3A_64, %dma_start3A_125] : memref<2560x128xi32, #tpu.memory_space<hbm>> -> memref<40x128xi32, #tpu.memory_space<hbm>>
      %dma_start3A_127 = arith.constant 0 : i32
      %dma_start3A_128 = tpu.memref_slice %arg4[%add3A_64, %dma_start3A_127] : memref<2560x128xi32, #tpu.memory_space<hbm>> -> memref<40x128xi32, #tpu.memory_space<hbm>>
      tpu.enqueue_dma source(%dma_start3A_128 : memref<40x128xi32, #tpu.memory_space<hbm>>) target(%arg8 : memref<40x128xi32, #tpu.memory_space<vmem>>) target_semaphore(%run_scoped3A_124 : memref<!tpu.dma_semaphore, #tpu.memory_space<semaphore_mem>>)
      %dma_wait3A_129 = arith.constant 0 : i32
      %dma_wait3A_130 = tpu.memref_slice %arg4[%add3A_64, %dma_wait3A_129] : memref<2560x128xi32, #tpu.memory_space<hbm>> -> memref<40x128xi32, #tpu.memory_space<hbm>>
      %dma_wait3A_131 = arith.constant 0 : i32
      %dma_wait3A_132 = tpu.memref_slice %arg4[%add3A_64, %dma_wait3A_131] : memref<2560x128xi32, #tpu.memory_space<hbm>> -> memref<40x128xi32, #tpu.memory_space<hbm>>
      tpu.wait_dma2 semaphore(%run_scoped3A_124 : memref<!tpu.dma_semaphore, #tpu.memory_space<semaphore_mem>>) src(%dma_wait3A_132 : memref<40x128xi32, #tpu.memory_space<hbm>>) dst(%arg8 : memref<40x128xi32, #tpu.memory_space<vmem>>)
      tpu.yield
    }) : () -> ()
    %dma_start3A_65 = arith.constant 0 : i32
    %dma_start3A_66 = arith.constant 0 : i32
    %dma_start3A_67 = arith.constant 0 : i32
    %dma_start3A_68 = arith.constant 0 : i32
    %dma_start3A_69 = tpu.memref_slice %arg9[%dma_start3A_66, %dma_start3A_67, %dma_start3A_68] : memref<2x128x128xf32, #tpu.memory_space<vmem>> -> memref<1x128x128xf32, #tpu.memory_space<vmem>>
    %dma_start3A_70 = tpu.memref_squeeze %dma_start3A_69 : memref<1x128x128xf32, #tpu.memory_space<vmem>> -> memref<128x128xf32, #tpu.memory_space<vmem>>
    %dma_start3A_71 = arith.constant 0 : i32
    %dma_start3A_72 = tpu.memref_slice %arg7[%dma_start3A_65, %dma_start3A_71] : memref<40x128xi32, #tpu.memory_space<vmem>> -> memref<1x128xi32, #tpu.memory_space<vmem>>
    %dma_start3A_73 = tpu.memref_squeeze %dma_start3A_72 : memref<1x128xi32, #tpu.memory_space<vmem>> -> memref<128xi32, #tpu.memory_space<vmem>>
    %dma_start3A_74 = arith.constant 0 : i32
    %dma_start3A_75 = arith.constant 0 : i32
    %dma_start3A_76 = tpu.memref_slice %arg2[%dma_start3A_74, %dma_start3A_75] : memref<10000x128xf32, #tpu.memory_space<hbm>> -> memref<10000x128xf32, #tpu.memory_space<hbm>>
    tpu.enqueue_indirect_dma source(%dma_start3A_76 : memref<10000x128xf32, #tpu.memory_space<hbm>>) target(%dma_start3A_70 : memref<128x128xf32, #tpu.memory_space<vmem>>) offsets(%dma_start3A_73 : memref<128xi32, #tpu.memory_space<vmem>>) semaphore(%arg11 : memref<!tpu.dma_semaphore, #tpu.memory_space<semaphore_mem>>)
    %scan3A_77 = arith.constant 0 : i32
    %scan3A_78 = arith.constant 0 : i32
    %scan3A_79 = arith.constant 19 : i32
    %scan3A_80 = arith.addi %scan3A_78, %scan3A_79 : i32
    %scan3A_81 = arith.constant 1 : i32
    scf.for %scan3A_124 = %scan3A_78 to %scan3A_80 step %scan3A_81  : i32 {
      %mul3A_125 = arith.constant 2 : i32
      %mul3A_126 = arith.muli %mul3A_125, %scan3A_124 : i32
      %add3A_127 = arith.constant 1 : i32
      %add3A_128 = arith.addi %mul3A_126, %add3A_127 : i32
      %dma_start3A_129 = arith.constant 1 : i32
      %dma_start3A_130 = arith.constant 0 : i32
      %dma_start3A_131 = arith.constant 0 : i32
      %dma_start3A_132 = tpu.memref_slice %arg9[%dma_start3A_129, %dma_start3A_130, %dma_start3A_131] : memref<2x128x128xf32, #tpu.memory_space<vmem>> -> memref<1x128x128xf32, #tpu.memory_space<vmem>>
      %dma_start3A_133 = tpu.memref_squeeze %dma_start3A_132 : memref<1x128x128xf32, #tpu.memory_space<vmem>> -> memref<128x128xf32, #tpu.memory_space<vmem>>
      %dma_start3A_134 = arith.constant 0 : i32
      %dma_start3A_135 = tpu.memref_slice %arg7[%add3A_128, %dma_start3A_134] : memref<40x128xi32, #tpu.memory_space<vmem>> -> memref<1x128xi32, #tpu.memory_space<vmem>>
      %dma_start3A_136 = tpu.memref_squeeze %dma_start3A_135 : memref<1x128xi32, #tpu.memory_space<vmem>> -> memref<128xi32, #tpu.memory_space<vmem>>
      %dma_start3A_137 = arith.constant 0 : i32
      %dma_start3A_138 = arith.constant 0 : i32
      %dma_start3A_139 = tpu.memref_slice %arg2[%dma_start3A_137, %dma_start3A_138] : memref<10000x128xf32, #tpu.memory_space<hbm>> -> memref<10000x128xf32, #tpu.memory_space<hbm>>
      tpu.enqueue_indirect_dma source(%dma_start3A_139 : memref<10000x128xf32, #tpu.memory_space<hbm>>) target(%dma_start3A_133 : memref<128x128xf32, #tpu.memory_space<vmem>>) offsets(%dma_start3A_136 : memref<128xi32, #tpu.memory_space<vmem>>) semaphore(%arg12 : memref<!tpu.dma_semaphore, #tpu.memory_space<semaphore_mem>>)
      %dma_wait3A_140 = arith.constant 0 : i32
      %dma_wait3A_141 = arith.constant 0 : i32
      %dma_wait3A_142 = arith.constant 0 : i32
      %dma_wait3A_143 = arith.constant 0 : i32
      %dma_wait3A_144 = tpu.memref_slice %arg9[%dma_wait3A_141, %dma_wait3A_142, %dma_wait3A_143] : memref<2x128x128xf32, #tpu.memory_space<vmem>> -> memref<1x128x128xf32, #tpu.memory_space<vmem>>
      %dma_wait3A_145 = tpu.memref_squeeze %dma_wait3A_144 : memref<1x128x128xf32, #tpu.memory_space<vmem>> -> memref<128x128xf32, #tpu.memory_space<vmem>>
      %dma_wait3A_146 = arith.constant 0 : i32
      %dma_wait3A_147 = tpu.memref_slice %arg7[%dma_wait3A_140, %dma_wait3A_146] : memref<40x128xi32, #tpu.memory_space<vmem>> -> memref<1x128xi32, #tpu.memory_space<vmem>>
      %dma_wait3A_148 = tpu.memref_squeeze %dma_wait3A_147 : memref<1x128xi32, #tpu.memory_space<vmem>> -> memref<128xi32, #tpu.memory_space<vmem>>
      %dma_wait3A_149 = arith.constant 0 : i32
      %dma_wait3A_150 = arith.constant 0 : i32
      %dma_wait3A_151 = tpu.memref_slice %arg2[%dma_wait3A_149, %dma_wait3A_150] : memref<10000x128xf32, #tpu.memory_space<hbm>> -> memref<10000x128xf32, #tpu.memory_space<hbm>>
      tpu.wait_indirect_dma semaphore(%arg11 : memref<!tpu.dma_semaphore, #tpu.memory_space<semaphore_mem>>) src(%dma_wait3A_151 : memref<10000x128xf32, #tpu.memory_space<hbm>>) dst(%dma_wait3A_145 : memref<128x128xf32, #tpu.memory_space<vmem>>)
      %run_scoped3A_152 = arith.constant 0 : i32
      "tpu.region"() ({
        %run_scoped3A_181 = tpu.sem_alloc : memref<!tpu.dma_semaphore, #tpu.memory_space<semaphore_mem>>
        %dma_start3A_182 = arith.constant 0 : i32
        %dma_start3A_183 = arith.constant 0 : i32
        %dma_start3A_184 = tpu.memref_slice %arg9[%run_scoped3A_152, %dma_start3A_182, %dma_start3A_183] : memref<2x128x128xf32, #tpu.memory_space<vmem>> -> memref<1x128x128xf32, #tpu.memory_space<vmem>>
        %dma_start3A_185 = tpu.memref_squeeze %dma_start3A_184 : memref<1x128x128xf32, #tpu.memory_space<vmem>> -> memref<128x128xf32, #tpu.memory_space<vmem>>
        %dma_start3A_186 = arith.constant 0 : i32
        %dma_start3A_187 = tpu.memref_slice %arg8[%mul3A_126, %dma_start3A_186] : memref<40x128xi32, #tpu.memory_space<vmem>> -> memref<1x128xi32, #tpu.memory_space<vmem>>
        %dma_start3A_188 = tpu.memref_squeeze %dma_start3A_187 : memref<1x128xi32, #tpu.memory_space<vmem>> -> memref<128xi32, #tpu.memory_space<vmem>>
        %dma_start3A_189 = arith.constant 0 : i32
        %dma_start3A_190 = arith.constant 0 : i32
        %dma_start3A_191 = tpu.memref_slice %arg10[%dma_start3A_189, %dma_start3A_190] : memref<10240x128xf32, #tpu.memory_space<vmem_shared>> -> memref<10240x128xf32, #tpu.memory_space<vmem_shared>>
        tpu.enqueue_indirect_dma source(%dma_start3A_185 : memref<128x128xf32, #tpu.memory_space<vmem>>) target(%dma_start3A_191 : memref<10240x128xf32, #tpu.memory_space<vmem_shared>>) offsets(%dma_start3A_188 : memref<128xi32, #tpu.memory_space<vmem>>) semaphore(%run_scoped3A_181 : memref<!tpu.dma_semaphore, #tpu.memory_space<semaphore_mem>>) {add = true}
        %dma_wait3A_192 = arith.constant 0 : i32
        %dma_wait3A_193 = arith.constant 0 : i32
        %dma_wait3A_194 = tpu.memref_slice %arg9[%run_scoped3A_152, %dma_wait3A_192, %dma_wait3A_193] : memref<2x128x128xf32, #tpu.memory_space<vmem>> -> memref<1x128x128xf32, #tpu.memory_space<vmem>>
        %dma_wait3A_195 = tpu.memref_squeeze %dma_wait3A_194 : memref<1x128x128xf32, #tpu.memory_space<vmem>> -> memref<128x128xf32, #tpu.memory_space<vmem>>
        %dma_wait3A_196 = arith.constant 0 : i32
        %dma_wait3A_197 = tpu.memref_slice %arg8[%mul3A_126, %dma_wait3A_196] : memref<40x128xi32, #tpu.memory_space<vmem>> -> memref<1x128xi32, #tpu.memory_space<vmem>>
        %dma_wait3A_198 = tpu.memref_squeeze %dma_wait3A_197 : memref<1x128xi32, #tpu.memory_space<vmem>> -> memref<128xi32, #tpu.memory_space<vmem>>
        %dma_wait3A_199 = arith.constant 0 : i32
        %dma_wait3A_200 = arith.constant 0 : i32
        %dma_wait3A_201 = tpu.memref_slice %arg10[%dma_wait3A_199, %dma_wait3A_200] : memref<10240x128xf32, #tpu.memory_space<vmem_shared>> -> memref<10240x128xf32, #tpu.memory_space<vmem_shared>>
        tpu.wait_indirect_dma semaphore(%run_scoped3A_181 : memref<!tpu.dma_semaphore, #tpu.memory_space<semaphore_mem>>) src(%dma_wait3A_195 : memref<128x128xf32, #tpu.memory_space<vmem>>) dst(%dma_wait3A_201 : memref<10240x128xf32, #tpu.memory_space<vmem_shared>>)
        tpu.yield
      }) : () -> ()
      %add3A_153 = arith.constant 2 : i32
      %add3A_154 = arith.addi %mul3A_126, %add3A_153 : i32
      %dma_start3A_155 = arith.constant 0 : i32
      %dma_start3A_156 = arith.constant 0 : i32
      %dma_start3A_157 = arith.constant 0 : i32
      %dma_start3A_158 = tpu.memref_slice %arg9[%dma_start3A_155, %dma_start3A_156, %dma_start3A_157] : memref<2x128x128xf32, #tpu.memory_space<vmem>> -> memref<1x128x128xf32, #tpu.memory_space<vmem>>
      %dma_start3A_159 = tpu.memref_squeeze %dma_start3A_158 : memref<1x128x128xf32, #tpu.memory_space<vmem>> -> memref<128x128xf32, #tpu.memory_space<vmem>>
      %dma_start3A_160 = arith.constant 0 : i32
      %dma_start3A_161 = tpu.memref_slice %arg7[%add3A_154, %dma_start3A_160] : memref<40x128xi32, #tpu.memory_space<vmem>> -> memref<1x128xi32, #tpu.memory_space<vmem>>
      %dma_start3A_162 = tpu.memref_squeeze %dma_start3A_161 : memref<1x128xi32, #tpu.memory_space<vmem>> -> memref<128xi32, #tpu.memory_space<vmem>>
      %dma_start3A_163 = arith.constant 0 : i32
      %dma_start3A_164 = arith.constant 0 : i32
      %dma_start3A_165 = tpu.memref_slice %arg2[%dma_start3A_163, %dma_start3A_164] : memref<10000x128xf32, #tpu.memory_space<hbm>> -> memref<10000x128xf32, #tpu.memory_space<hbm>>
      tpu.enqueue_indirect_dma source(%dma_start3A_165 : memref<10000x128xf32, #tpu.memory_space<hbm>>) target(%dma_start3A_159 : memref<128x128xf32, #tpu.memory_space<vmem>>) offsets(%dma_start3A_162 : memref<128xi32, #tpu.memory_space<vmem>>) semaphore(%arg11 : memref<!tpu.dma_semaphore, #tpu.memory_space<semaphore_mem>>)
      %dma_wait3A_166 = arith.constant 0 : i32
      %dma_wait3A_167 = arith.constant 1 : i32
      %dma_wait3A_168 = arith.constant 0 : i32
      %dma_wait3A_169 = arith.constant 0 : i32
      %dma_wait3A_170 = tpu.memref_slice %arg9[%dma_wait3A_167, %dma_wait3A_168, %dma_wait3A_169] : memref<2x128x128xf32, #tpu.memory_space<vmem>> -> memref<1x128x128xf32, #tpu.memory_space<vmem>>
      %dma_wait3A_171 = tpu.memref_squeeze %dma_wait3A_170 : memref<1x128x128xf32, #tpu.memory_space<vmem>> -> memref<128x128xf32, #tpu.memory_space<vmem>>
      %dma_wait3A_172 = arith.constant 0 : i32
      %dma_wait3A_173 = tpu.memref_slice %arg7[%dma_wait3A_166, %dma_wait3A_172] : memref<40x128xi32, #tpu.memory_space<vmem>> -> memref<1x128xi32, #tpu.memory_space<vmem>>
      %dma_wait3A_174 = tpu.memref_squeeze %dma_wait3A_173 : memref<1x128xi32, #tpu.memory_space<vmem>> -> memref<128xi32, #tpu.memory_space<vmem>>
      %dma_wait3A_175 = arith.constant 0 : i32
      %dma_wait3A_176 = arith.constant 0 : i32
      %dma_wait3A_177 = tpu.memref_slice %arg2[%dma_wait3A_175, %dma_wait3A_176] : memref<10000x128xf32, #tpu.memory_space<hbm>> -> memref<10000x128xf32, #tpu.memory_space<hbm>>
      tpu.wait_indirect_dma semaphore(%arg12 : memref<!tpu.dma_semaphore, #tpu.memory_space<semaphore_mem>>) src(%dma_wait3A_177 : memref<10000x128xf32, #tpu.memory_space<hbm>>) dst(%dma_wait3A_171 : memref<128x128xf32, #tpu.memory_space<vmem>>)
      %add3A_178 = arith.constant 1 : i32
      %add3A_179 = arith.addi %mul3A_126, %add3A_178 : i32
      %run_scoped3A_180 = arith.constant 1 : i32
      "tpu.region"() ({
        %run_scoped3A_181 = tpu.sem_alloc : memref<!tpu.dma_semaphore, #tpu.memory_space<semaphore_mem>>
        %dma_start3A_182 = arith.constant 0 : i32
        %dma_start3A_183 = arith.constant 0 : i32
        %dma_start3A_184 = tpu.memref_slice %arg9[%run_scoped3A_180, %dma_start3A_182, %dma_start3A_183] : memref<2x128x128xf32, #tpu.memory_space<vmem>> -> memref<1x128x128xf32, #tpu.memory_space<vmem>>
        %dma_start3A_185 = tpu.memref_squeeze %dma_start3A_184 : memref<1x128x128xf32, #tpu.memory_space<vmem>> -> memref<128x128xf32, #tpu.memory_space<vmem>>
        %dma_start3A_186 = arith.constant 0 : i32
        %dma_start3A_187 = tpu.memref_slice %arg8[%add3A_179, %dma_start3A_186] : memref<40x128xi32, #tpu.memory_space<vmem>> -> memref<1x128xi32, #tpu.memory_space<vmem>>
        %dma_start3A_188 = tpu.memref_squeeze %dma_start3A_187 : memref<1x128xi32, #tpu.memory_space<vmem>> -> memref<128xi32, #tpu.memory_space<vmem>>
        %dma_start3A_189 = arith.constant 0 : i32
        %dma_start3A_190 = arith.constant 0 : i32
        %dma_start3A_191 = tpu.memref_slice %arg10[%dma_start3A_189, %dma_start3A_190] : memref<10240x128xf32, #tpu.memory_space<vmem_shared>> -> memref<10240x128xf32, #tpu.memory_space<vmem_shared>>
        tpu.enqueue_indirect_dma source(%dma_start3A_185 : memref<128x128xf32, #tpu.memory_space<vmem>>) target(%dma_start3A_191 : memref<10240x128xf32, #tpu.memory_space<vmem_shared>>) offsets(%dma_start3A_188 : memref<128xi32, #tpu.memory_space<vmem>>) semaphore(%run_scoped3A_181 : memref<!tpu.dma_semaphore, #tpu.memory_space<semaphore_mem>>) {add = true}
        %dma_wait3A_192 = arith.constant 0 : i32
        %dma_wait3A_193 = arith.constant 0 : i32
        %dma_wait3A_194 = tpu.memref_slice %arg9[%run_scoped3A_180, %dma_wait3A_192, %dma_wait3A_193] : memref<2x128x128xf32, #tpu.memory_space<vmem>> -> memref<1x128x128xf32, #tpu.memory_space<vmem>>
        %dma_wait3A_195 = tpu.memref_squeeze %dma_wait3A_194 : memref<1x128x128xf32, #tpu.memory_space<vmem>> -> memref<128x128xf32, #tpu.memory_space<vmem>>
        %dma_wait3A_196 = arith.constant 0 : i32
        %dma_wait3A_197 = tpu.memref_slice %arg8[%add3A_179, %dma_wait3A_196] : memref<40x128xi32, #tpu.memory_space<vmem>> -> memref<1x128xi32, #tpu.memory_space<vmem>>
        %dma_wait3A_198 = tpu.memref_squeeze %dma_wait3A_197 : memref<1x128xi32, #tpu.memory_space<vmem>> -> memref<128xi32, #tpu.memory_space<vmem>>
        %dma_wait3A_199 = arith.constant 0 : i32
        %dma_wait3A_200 = arith.constant 0 : i32
        %dma_wait3A_201 = tpu.memref_slice %arg10[%dma_wait3A_199, %dma_wait3A_200] : memref<10240x128xf32, #tpu.memory_space<vmem_shared>> -> memref<10240x128xf32, #tpu.memory_space<vmem_shared>>
        tpu.wait_indirect_dma semaphore(%run_scoped3A_181 : memref<!tpu.dma_semaphore, #tpu.memory_space<semaphore_mem>>) src(%dma_wait3A_195 : memref<128x128xf32, #tpu.memory_space<vmem>>) dst(%dma_wait3A_201 : memref<10240x128xf32, #tpu.memory_space<vmem_shared>>)
        tpu.yield
      }) : () -> ()
    }
    %scan3A_82 = arith.constant 19 : i32
    %dma_start3A_83 = arith.constant 39 : i32
    %dma_start3A_84 = arith.constant 1 : i32
    %dma_start3A_85 = arith.constant 0 : i32
    %dma_start3A_86 = arith.constant 0 : i32
    %dma_start3A_87 = tpu.memref_slice %arg9[%dma_start3A_84, %dma_start3A_85, %dma_start3A_86] : memref<2x128x128xf32, #tpu.memory_space<vmem>> -> memref<1x128x128xf32, #tpu.memory_space<vmem>>
    %dma_start3A_88 = tpu.memref_squeeze %dma_start3A_87 : memref<1x128x128xf32, #tpu.memory_space<vmem>> -> memref<128x128xf32, #tpu.memory_space<vmem>>
    %dma_start3A_89 = arith.constant 0 : i32
    %dma_start3A_90 = tpu.memref_slice %arg7[%dma_start3A_83, %dma_start3A_89] : memref<40x128xi32, #tpu.memory_space<vmem>> -> memref<1x128xi32, #tpu.memory_space<vmem>>
    %dma_start3A_91 = tpu.memref_squeeze %dma_start3A_90 : memref<1x128xi32, #tpu.memory_space<vmem>> -> memref<128xi32, #tpu.memory_space<vmem>>
    %dma_start3A_92 = arith.constant 0 : i32
    %dma_start3A_93 = arith.constant 0 : i32
    %dma_start3A_94 = tpu.memref_slice %arg2[%dma_start3A_92, %dma_start3A_93] : memref<10000x128xf32, #tpu.memory_space<hbm>> -> memref<10000x128xf32, #tpu.memory_space<hbm>>
    tpu.enqueue_indirect_dma source(%dma_start3A_94 : memref<10000x128xf32, #tpu.memory_space<hbm>>) target(%dma_start3A_88 : memref<128x128xf32, #tpu.memory_space<vmem>>) offsets(%dma_start3A_91 : memref<128xi32, #tpu.memory_space<vmem>>) semaphore(%arg12 : memref<!tpu.dma_semaphore, #tpu.memory_space<semaphore_mem>>)
    %dma_wait3A_95 = arith.constant 0 : i32
    %dma_wait3A_96 = arith.constant 0 : i32
    %dma_wait3A_97 = arith.constant 0 : i32
    %dma_wait3A_98 = arith.constant 0 : i32
    %dma_wait3A_99 = tpu.memref_slice %arg9[%dma_wait3A_96, %dma_wait3A_97, %dma_wait3A_98] : memref<2x128x128xf32, #tpu.memory_space<vmem>> -> memref<1x128x128xf32, #tpu.memory_space<vmem>>
    %dma_wait3A_100 = tpu.memref_squeeze %dma_wait3A_99 : memref<1x128x128xf32, #tpu.memory_space<vmem>> -> memref<128x128xf32, #tpu.memory_space<vmem>>
    %dma_wait3A_101 = arith.constant 0 : i32
    %dma_wait3A_102 = tpu.memref_slice %arg7[%dma_wait3A_95, %dma_wait3A_101] : memref<40x128xi32, #tpu.memory_space<vmem>> -> memref<1x128xi32, #tpu.memory_space<vmem>>
    %dma_wait3A_103 = tpu.memref_squeeze %dma_wait3A_102 : memref<1x128xi32, #tpu.memory_space<vmem>> -> memref<128xi32, #tpu.memory_space<vmem>>
    %dma_wait3A_104 = arith.constant 0 : i32
    %dma_wait3A_105 = arith.constant 0 : i32
    %dma_wait3A_106 = tpu.memref_slice %arg2[%dma_wait3A_104, %dma_wait3A_105] : memref<10000x128xf32, #tpu.memory_space<hbm>> -> memref<10000x128xf32, #tpu.memory_space<hbm>>
    tpu.wait_indirect_dma semaphore(%arg11 : memref<!tpu.dma_semaphore, #tpu.memory_space<semaphore_mem>>) src(%dma_wait3A_106 : memref<10000x128xf32, #tpu.memory_space<hbm>>) dst(%dma_wait3A_100 : memref<128x128xf32, #tpu.memory_space<vmem>>)
    %run_scoped3A_107 = arith.constant 0 : i32
    %run_scoped3A_108 = arith.constant 38 : i32
    "tpu.region"() ({
      %run_scoped3A_124 = tpu.sem_alloc : memref<!tpu.dma_semaphore, #tpu.memory_space<semaphore_mem>>
      %dma_start3A_125 = arith.constant 0 : i32
      %dma_start3A_126 = arith.constant 0 : i32
      %dma_start3A_127 = tpu.memref_slice %arg9[%run_scoped3A_107, %dma_start3A_125, %dma_start3A_126] : memref<2x128x128xf32, #tpu.memory_space<vmem>> -> memref<1x128x128xf32, #tpu.memory_space<vmem>>
      %dma_start3A_128 = tpu.memref_squeeze %dma_start3A_127 : memref<1x128x128xf32, #tpu.memory_space<vmem>> -> memref<128x128xf32, #tpu.memory_space<vmem>>
      %dma_start3A_129 = arith.constant 0 : i32
      %dma_start3A_130 = tpu.memref_slice %arg8[%run_scoped3A_108, %dma_start3A_129] : memref<40x128xi32, #tpu.memory_space<vmem>> -> memref<1x128xi32, #tpu.memory_space<vmem>>
      %dma_start3A_131 = tpu.memref_squeeze %dma_start3A_130 : memref<1x128xi32, #tpu.memory_space<vmem>> -> memref<128xi32, #tpu.memory_space<vmem>>
      %dma_start3A_132 = arith.constant 0 : i32
      %dma_start3A_133 = arith.constant 0 : i32
      %dma_start3A_134 = tpu.memref_slice %arg10[%dma_start3A_132, %dma_start3A_133] : memref<10240x128xf32, #tpu.memory_space<vmem_shared>> -> memref<10240x128xf32, #tpu.memory_space<vmem_shared>>
      tpu.enqueue_indirect_dma source(%dma_start3A_128 : memref<128x128xf32, #tpu.memory_space<vmem>>) target(%dma_start3A_134 : memref<10240x128xf32, #tpu.memory_space<vmem_shared>>) offsets(%dma_start3A_131 : memref<128xi32, #tpu.memory_space<vmem>>) semaphore(%run_scoped3A_124 : memref<!tpu.dma_semaphore, #tpu.memory_space<semaphore_mem>>) {add = true}
      %dma_wait3A_135 = arith.constant 0 : i32
      %dma_wait3A_136 = arith.constant 0 : i32
      %dma_wait3A_137 = tpu.memref_slice %arg9[%run_scoped3A_107, %dma_wait3A_135, %dma_wait3A_136] : memref<2x128x128xf32, #tpu.memory_space<vmem>> -> memref<1x128x128xf32, #tpu.memory_space<vmem>>
      %dma_wait3A_138 = tpu.memref_squeeze %dma_wait3A_137 : memref<1x128x128xf32, #tpu.memory_space<vmem>> -> memref<128x128xf32, #tpu.memory_space<vmem>>
      %dma_wait3A_139 = arith.constant 0 : i32
      %dma_wait3A_140 = tpu.memref_slice %arg8[%run_scoped3A_108, %dma_wait3A_139] : memref<40x128xi32, #tpu.memory_space<vmem>> -> memref<1x128xi32, #tpu.memory_space<vmem>>
      %dma_wait3A_141 = tpu.memref_squeeze %dma_wait3A_140 : memref<1x128xi32, #tpu.memory_space<vmem>> -> memref<128xi32, #tpu.memory_space<vmem>>
      %dma_wait3A_142 = arith.constant 0 : i32
      %dma_wait3A_143 = arith.constant 0 : i32
      %dma_wait3A_144 = tpu.memref_slice %arg10[%dma_wait3A_142, %dma_wait3A_143] : memref<10240x128xf32, #tpu.memory_space<vmem_shared>> -> memref<10240x128xf32, #tpu.memory_space<vmem_shared>>
      tpu.wait_indirect_dma semaphore(%run_scoped3A_124 : memref<!tpu.dma_semaphore, #tpu.memory_space<semaphore_mem>>) src(%dma_wait3A_138 : memref<128x128xf32, #tpu.memory_space<vmem>>) dst(%dma_wait3A_144 : memref<10240x128xf32, #tpu.memory_space<vmem_shared>>)
      tpu.yield
    }) : () -> ()
    %dma_wait3A_109 = arith.constant 0 : i32
    %dma_wait3A_110 = arith.constant 1 : i32
    %dma_wait3A_111 = arith.constant 0 : i32
    %dma_wait3A_112 = arith.constant 0 : i32
    %dma_wait3A_113 = tpu.memref_slice %arg9[%dma_wait3A_110, %dma_wait3A_111, %dma_wait3A_112] : memref<2x128x128xf32, #tpu.memory_space<vmem>> -> memref<1x128x128xf32, #tpu.memory_space<vmem>>
    %dma_wait3A_114 = tpu.memref_squeeze %dma_wait3A_113 : memref<1x128x128xf32, #tpu.memory_space<vmem>> -> memref<128x128xf32, #tpu.memory_space<vmem>>
    %dma_wait3A_115 = arith.constant 0 : i32
    %dma_wait3A_116 = tpu.memref_slice %arg7[%dma_wait3A_109, %dma_wait3A_115] : memref<40x128xi32, #tpu.memory_space<vmem>> -> memref<1x128xi32, #tpu.memory_space<vmem>>
    %dma_wait3A_117 = tpu.memref_squeeze %dma_wait3A_116 : memref<1x128xi32, #tpu.memory_space<vmem>> -> memref<128xi32, #tpu.memory_space<vmem>>
    %dma_wait3A_118 = arith.constant 0 : i32
    %dma_wait3A_119 = arith.constant 0 : i32
    %dma_wait3A_120 = tpu.memref_slice %arg2[%dma_wait3A_118, %dma_wait3A_119] : memref<10000x128xf32, #tpu.memory_space<hbm>> -> memref<10000x128xf32, #tpu.memory_space<hbm>>
    tpu.wait_indirect_dma semaphore(%arg12 : memref<!tpu.dma_semaphore, #tpu.memory_space<semaphore_mem>>) src(%dma_wait3A_120 : memref<10000x128xf32, #tpu.memory_space<hbm>>) dst(%dma_wait3A_114 : memref<128x128xf32, #tpu.memory_space<vmem>>)
    %run_scoped3A_121 = arith.constant 1 : i32
    %run_scoped3A_122 = arith.constant 39 : i32
    "tpu.region"() ({
      %run_scoped3A_124 = tpu.sem_alloc : memref<!tpu.dma_semaphore, #tpu.memory_space<semaphore_mem>>
      %dma_start3A_125 = arith.constant 0 : i32
      %dma_start3A_126 = arith.constant 0 : i32
      %dma_start3A_127 = tpu.memref_slice %arg9[%run_scoped3A_121, %dma_start3A_125, %dma_start3A_126] : memref<2x128x128xf32, #tpu.memory_space<vmem>> -> memref<1x128x128xf32, #tpu.memory_space<vmem>>
      %dma_start3A_128 = tpu.memref_squeeze %dma_start3A_127 : memref<1x128x128xf32, #tpu.memory_space<vmem>> -> memref<128x128xf32, #tpu.memory_space<vmem>>
      %dma_start3A_129 = arith.constant 0 : i32
      %dma_start3A_130 = tpu.memref_slice %arg8[%run_scoped3A_122, %dma_start3A_129] : memref<40x128xi32, #tpu.memory_space<vmem>> -> memref<1x128xi32, #tpu.memory_space<vmem>>
      %dma_start3A_131 = tpu.memref_squeeze %dma_start3A_130 : memref<1x128xi32, #tpu.memory_space<vmem>> -> memref<128xi32, #tpu.memory_space<vmem>>
      %dma_start3A_132 = arith.constant 0 : i32
      %dma_start3A_133 = arith.constant 0 : i32
      %dma_start3A_134 = tpu.memref_slice %arg10[%dma_start3A_132, %dma_start3A_133] : memref<10240x128xf32, #tpu.memory_space<vmem_shared>> -> memref<10240x128xf32, #tpu.memory_space<vmem_shared>>
      tpu.enqueue_indirect_dma source(%dma_start3A_128 : memref<128x128xf32, #tpu.memory_space<vmem>>) target(%dma_start3A_134 : memref<10240x128xf32, #tpu.memory_space<vmem_shared>>) offsets(%dma_start3A_131 : memref<128xi32, #tpu.memory_space<vmem>>) semaphore(%run_scoped3A_124 : memref<!tpu.dma_semaphore, #tpu.memory_space<semaphore_mem>>) {add = true}
      %dma_wait3A_135 = arith.constant 0 : i32
      %dma_wait3A_136 = arith.constant 0 : i32
      %dma_wait3A_137 = tpu.memref_slice %arg9[%run_scoped3A_121, %dma_wait3A_135, %dma_wait3A_136] : memref<2x128x128xf32, #tpu.memory_space<vmem>> -> memref<1x128x128xf32, #tpu.memory_space<vmem>>
      %dma_wait3A_138 = tpu.memref_squeeze %dma_wait3A_137 : memref<1x128x128xf32, #tpu.memory_space<vmem>> -> memref<128x128xf32, #tpu.memory_space<vmem>>
      %dma_wait3A_139 = arith.constant 0 : i32
      %dma_wait3A_140 = tpu.memref_slice %arg8[%run_scoped3A_122, %dma_wait3A_139] : memref<40x128xi32, #tpu.memory_space<vmem>> -> memref<1x128xi32, #tpu.memory_space<vmem>>
      %dma_wait3A_141 = tpu.memref_squeeze %dma_wait3A_140 : memref<1x128xi32, #tpu.memory_space<vmem>> -> memref<128xi32, #tpu.memory_space<vmem>>
      %dma_wait3A_142 = arith.constant 0 : i32
      %dma_wait3A_143 = arith.constant 0 : i32
      %dma_wait3A_144 = tpu.memref_slice %arg10[%dma_wait3A_142, %dma_wait3A_143] : memref<10240x128xf32, #tpu.memory_space<vmem_shared>> -> memref<10240x128xf32, #tpu.memory_space<vmem_shared>>
      tpu.wait_indirect_dma semaphore(%run_scoped3A_124 : memref<!tpu.dma_semaphore, #tpu.memory_space<semaphore_mem>>) src(%dma_wait3A_138 : memref<128x128xf32, #tpu.memory_space<vmem>>) dst(%dma_wait3A_144 : memref<10240x128xf32, #tpu.memory_space<vmem_shared>>)
      tpu.yield
    }) : () -> ()
    %barrier3A_123 = arith.constant 0 : index
    tpu.barrier barrier_id(%barrier3A_123)
    "tpu.region"() ({
      %run_scoped3A_124 = tpu.sem_alloc : memref<!tpu.dma_semaphore, #tpu.memory_space<semaphore_mem>>
      %dma_start3A_125 = arith.constant 0 : i32
      %dma_start3A_126 = tpu.memref_slice %arg6[%arg0, %mul3A_2, %dma_start3A_125] : memref<2x10240x128xf32, #tpu.memory_space<hbm>> -> memref<1x640x128xf32, #tpu.memory_space<hbm>>
      %dma_start3A_127 = tpu.memref_squeeze %dma_start3A_126 : memref<1x640x128xf32, #tpu.memory_space<hbm>> -> memref<640x128xf32, #tpu.memory_space<hbm>>
      %dma_start3A_128 = arith.constant 0 : i32
      %dma_start3A_129 = tpu.memref_slice %arg10[%mul3A_2, %dma_start3A_128] : memref<10240x128xf32, #tpu.memory_space<vmem_shared>> -> memref<640x128xf32, #tpu.memory_space<vmem_shared>>
      tpu.enqueue_dma source(%dma_start3A_129 : memref<640x128xf32, #tpu.memory_space<vmem_shared>>) target(%dma_start3A_127 : memref<640x128xf32, #tpu.memory_space<hbm>>) target_semaphore(%run_scoped3A_124 : memref<!tpu.dma_semaphore, #tpu.memory_space<semaphore_mem>>)
      %dma_wait3A_130 = arith.constant 0 : i32
      %dma_wait3A_131 = tpu.memref_slice %arg6[%arg0, %mul3A_2, %dma_wait3A_130] : memref<2x10240x128xf32, #tpu.memory_space<hbm>> -> memref<1x640x128xf32, #tpu.memory_space<hbm>>
      %dma_wait3A_132 = tpu.memref_squeeze %dma_wait3A_131 : memref<1x640x128xf32, #tpu.memory_space<hbm>> -> memref<640x128xf32, #tpu.memory_space<hbm>>
      %dma_wait3A_133 = arith.constant 0 : i32
      %dma_wait3A_134 = tpu.memref_slice %arg10[%mul3A_2, %dma_wait3A_133] : memref<10240x128xf32, #tpu.memory_space<vmem_shared>> -> memref<640x128xf32, #tpu.memory_space<vmem_shared>>
      tpu.wait_dma2 semaphore(%run_scoped3A_124 : memref<!tpu.dma_semaphore, #tpu.memory_space<semaphore_mem>>) src(%dma_wait3A_134 : memref<640x128xf32, #tpu.memory_space<vmem_shared>>) dst(%dma_wait3A_132 : memref<640x128xf32, #tpu.memory_space<hbm>>)
      tpu.yield
    }) : () -> ()
    return
  }
}

#map = affine_map<(d0, d1) -> (0, 0)>
#map1 = affine_map<(d0, d1) -> (0, 0, 0)>
module attributes {stable_mosaic.version = 14 : i64} {
  func.func @sc_scatter(%arg0: i32, %arg1: i32, %arg2: memref<10000x128xf32, #tpu.memory_space<hbm>>, %arg3: memref<2560x128xi32, #tpu.memory_space<hbm>>, %arg4: memref<2560x128xi32, #tpu.memory_space<hbm>>, %arg5: memref<640x128xf32, #tpu.memory_space<hbm>>, %arg6: memref<2x10240x128xf32, #tpu.memory_space<hbm>>, %arg7: memref<40x128xi32, #tpu.memory_space<vmem>>, %arg8: memref<40x128xi32, #tpu.memory_space<vmem>>, %arg9: memref<2x128x128xf32, #tpu.memory_space<vmem>>, %arg10: memref<10240x128xf32, #tpu.memory_space<vmem_shared>>, %arg11: memref<!tpu.dma_semaphore, #tpu.memory_space<semaphore_mem>>, %arg12: memref<!tpu.dma_semaphore, #tpu.memory_space<semaphore_mem>>) attributes {dimension_semantics = [#tpu.dimension_semantics<core_parallel>, #tpu.dimension_semantics<subcore_parallel>], iteration_bounds = array<i64: 2, 16>, scalar_prefetch = 0 : i64, scratch_operands = 6 : i64, tpu.core_type = #tpu.core_type<sc_vector_subcore>, window_params = [{transform_indices = #map}, {transform_indices = #map}, {transform_indices = #map}, {transform_indices = #map}, {transform_indices = #map1}]} {
    %mul3A = arith.constant 16 : i32
    %mul3A_0 = arith.muli %arg0, %mul3A : i32
    %add3A = arith.addi %mul3A_0, %arg1 : i32
    %mul3A_1 = arith.constant 640 : i32
    %mul3A_2 = arith.muli %arg1, %mul3A_1 : i32
    "tpu.region"() ({
      %run_scoped3A_124 = tpu.sem_alloc : memref<!tpu.dma_semaphore, #tpu.memory_space<semaphore_mem>>
      %dma_start3A_125 = arith.constant 0 : i32
      %dma_start3A_126 = tpu.memref_slice %arg10[%mul3A_2, %dma_start3A_125] : memref<10240x128xf32, #tpu.memory_space<vmem_shared>> -> memref<640x128xf32, #tpu.memory_space<vmem_shared>>
      tpu.enqueue_dma source(%arg5 : memref<640x128xf32, #tpu.memory_space<hbm>>) target(%dma_start3A_126 : memref<640x128xf32, #tpu.memory_space<vmem_shared>>) target_semaphore(%run_scoped3A_124 : memref<!tpu.dma_semaphore, #tpu.memory_space<semaphore_mem>>)
      %dma_wait3A_127 = arith.constant 0 : i32
      %dma_wait3A_128 = tpu.memref_slice %arg10[%mul3A_2, %dma_wait3A_127] : memref<10240x128xf32, #tpu.memory_space<vmem_shared>> -> memref<640x128xf32, #tpu.memory_space<vmem_shared>>
      tpu.wait_dma2 semaphore(%run_scoped3A_124 : memref<!tpu.dma_semaphore, #tpu.memory_space<semaphore_mem>>) src(%arg5 : memref<640x128xf32, #tpu.memory_space<hbm>>) dst(%dma_wait3A_128 : memref<640x128xf32, #tpu.memory_space<vmem_shared>>)
      tpu.yield
    }) : () -> ()
    %barrier3A = arith.constant 0 : index
    tpu.barrier barrier_id(%barrier3A)
    %mul3A_3 = arith.constant 80 : i32
    %mul3A_4 = arith.muli %add3A, %mul3A_3 : i32
    %add3A_5 = arith.constant 0 : i32
    %add3A_6 = arith.addi %mul3A_4, %add3A_5 : i32
    "tpu.region"() ({
      %run_scoped3A_124 = tpu.sem_alloc : memref<!tpu.dma_semaphore, #tpu.memory_space<semaphore_mem>>
      %dma_start3A_125 = arith.constant 0 : i32
      %dma_start3A_126 = tpu.memref_slice %arg3[%add3A_6, %dma_start3A_125] : memref<2560x128xi32, #tpu.memory_space<hbm>> -> memref<40x128xi32, #tpu.memory_space<hbm>>
      %dma_start3A_127 = arith.constant 0 : i32
      %dma_start3A_128 = tpu.memref_slice %arg3[%add3A_6, %dma_start3A_127] : memref<2560x128xi32, #tpu.memory_space<hbm>> -> memref<40x128xi32, #tpu.memory_space<hbm>>
      tpu.enqueue_dma source(%dma_start3A_128 : memref<40x128xi32, #tpu.memory_space<hbm>>) target(%arg7 : memref<40x128xi32, #tpu.memory_space<vmem>>) target_semaphore(%run_scoped3A_124 : memref<!tpu.dma_semaphore, #tpu.memory_space<semaphore_mem>>)
      %dma_wait3A_129 = arith.constant 0 : i32
      %dma_wait3A_130 = tpu.memref_slice %arg3[%add3A_6, %dma_wait3A_129] : memref<2560x128xi32, #tpu.memory_space<hbm>> -> memref<40x128xi32, #tpu.memory_space<hbm>>
      %dma_wait3A_131 = arith.constant 0 : i32
      %dma_wait3A_132 = tpu.memref_slice %arg3[%add3A_6, %dma_wait3A_131] : memref<2560x128xi32, #tpu.memory_space<hbm>> -> memref<40x128xi32, #tpu.memory_space<hbm>>
      tpu.wait_dma2 semaphore(%run_scoped3A_124 : memref<!tpu.dma_semaphore, #tpu.memory_space<semaphore_mem>>) src(%dma_wait3A_132 : memref<40x128xi32, #tpu.memory_space<hbm>>) dst(%arg7 : memref<40x128xi32, #tpu.memory_space<vmem>>)
      tpu.yield
    }) : () -> ()
    "tpu.region"() ({
      %run_scoped3A_124 = tpu.sem_alloc : memref<!tpu.dma_semaphore, #tpu.memory_space<semaphore_mem>>
      %dma_start3A_125 = arith.constant 0 : i32
      %dma_start3A_126 = tpu.memref_slice %arg4[%add3A_6, %dma_start3A_125] : memref<2560x128xi32, #tpu.memory_space<hbm>> -> memref<40x128xi32, #tpu.memory_space<hbm>>
      %dma_start3A_127 = arith.constant 0 : i32
      %dma_start3A_128 = tpu.memref_slice %arg4[%add3A_6, %dma_start3A_127] : memref<2560x128xi32, #tpu.memory_space<hbm>> -> memref<40x128xi32, #tpu.memory_space<hbm>>
      tpu.enqueue_dma source(%dma_start3A_128 : memref<40x128xi32, #tpu.memory_space<hbm>>) target(%arg8 : memref<40x128xi32, #tpu.memory_space<vmem>>) target_semaphore(%run_scoped3A_124 : memref<!tpu.dma_semaphore, #tpu.memory_space<semaphore_mem>>)
      %dma_wait3A_129 = arith.constant 0 : i32
      %dma_wait3A_130 = tpu.memref_slice %arg4[%add3A_6, %dma_wait3A_129] : memref<2560x128xi32, #tpu.memory_space<hbm>> -> memref<40x128xi32, #tpu.memory_space<hbm>>
      %dma_wait3A_131 = arith.constant 0 : i32
      %dma_wait3A_132 = tpu.memref_slice %arg4[%add3A_6, %dma_wait3A_131] : memref<2560x128xi32, #tpu.memory_space<hbm>> -> memref<40x128xi32, #tpu.memory_space<hbm>>
      tpu.wait_dma2 semaphore(%run_scoped3A_124 : memref<!tpu.dma_semaphore, #tpu.memory_space<semaphore_mem>>) src(%dma_wait3A_132 : memref<40x128xi32, #tpu.memory_space<hbm>>) dst(%arg8 : memref<40x128xi32, #tpu.memory_space<vmem>>)
      tpu.yield
    }) : () -> ()
    %dma_start3A = arith.constant 0 : i32
    %dma_start3A_7 = arith.constant 0 : i32
    %dma_start3A_8 = arith.constant 0 : i32
    %dma_start3A_9 = arith.constant 0 : i32
    %dma_start3A_10 = tpu.memref_slice %arg9[%dma_start3A_7, %dma_start3A_8, %dma_start3A_9] : memref<2x128x128xf32, #tpu.memory_space<vmem>> -> memref<1x128x128xf32, #tpu.memory_space<vmem>>
    %dma_start3A_11 = tpu.memref_squeeze %dma_start3A_10 : memref<1x128x128xf32, #tpu.memory_space<vmem>> -> memref<128x128xf32, #tpu.memory_space<vmem>>
    %dma_start3A_12 = arith.constant 0 : i32
    %dma_start3A_13 = tpu.memref_slice %arg7[%dma_start3A, %dma_start3A_12] : memref<40x128xi32, #tpu.memory_space<vmem>> -> memref<1x128xi32, #tpu.memory_space<vmem>>
    %dma_start3A_14 = tpu.memref_squeeze %dma_start3A_13 : memref<1x128xi32, #tpu.memory_space<vmem>> -> memref<128xi32, #tpu.memory_space<vmem>>
    %dma_start3A_15 = arith.constant 0 : i32
    %dma_start3A_16 = arith.constant 0 : i32
    %dma_start3A_17 = tpu.memref_slice %arg2[%dma_start3A_15, %dma_start3A_16] : memref<10000x128xf32, #tpu.memory_space<hbm>> -> memref<10000x128xf32, #tpu.memory_space<hbm>>
    tpu.enqueue_indirect_dma source(%dma_start3A_17 : memref<10000x128xf32, #tpu.memory_space<hbm>>) target(%dma_start3A_11 : memref<128x128xf32, #tpu.memory_space<vmem>>) offsets(%dma_start3A_14 : memref<128xi32, #tpu.memory_space<vmem>>) semaphore(%arg11 : memref<!tpu.dma_semaphore, #tpu.memory_space<semaphore_mem>>)
    %scan3A = arith.constant 0 : i32
    %scan3A_18 = arith.constant 0 : i32
    %scan3A_19 = arith.constant 19 : i32
    %scan3A_20 = arith.addi %scan3A_18, %scan3A_19 : i32
    %scan3A_21 = arith.constant 1 : i32
    scf.for %scan3A_124 = %scan3A_18 to %scan3A_20 step %scan3A_21  : i32 {
      %mul3A_125 = arith.constant 2 : i32
      %mul3A_126 = arith.muli %mul3A_125, %scan3A_124 : i32
      %add3A_127 = arith.constant 1 : i32
      %add3A_128 = arith.addi %mul3A_126, %add3A_127 : i32
      %dma_start3A_129 = arith.constant 1 : i32
      %dma_start3A_130 = arith.constant 0 : i32
      %dma_start3A_131 = arith.constant 0 : i32
      %dma_start3A_132 = tpu.memref_slice %arg9[%dma_start3A_129, %dma_start3A_130, %dma_start3A_131] : memref<2x128x128xf32, #tpu.memory_space<vmem>> -> memref<1x128x128xf32, #tpu.memory_space<vmem>>
      %dma_start3A_133 = tpu.memref_squeeze %dma_start3A_132 : memref<1x128x128xf32, #tpu.memory_space<vmem>> -> memref<128x128xf32, #tpu.memory_space<vmem>>
      %dma_start3A_134 = arith.constant 0 : i32
      %dma_start3A_135 = tpu.memref_slice %arg7[%add3A_128, %dma_start3A_134] : memref<40x128xi32, #tpu.memory_space<vmem>> -> memref<1x128xi32, #tpu.memory_space<vmem>>
      %dma_start3A_136 = tpu.memref_squeeze %dma_start3A_135 : memref<1x128xi32, #tpu.memory_space<vmem>> -> memref<128xi32, #tpu.memory_space<vmem>>
      %dma_start3A_137 = arith.constant 0 : i32
      %dma_start3A_138 = arith.constant 0 : i32
      %dma_start3A_139 = tpu.memref_slice %arg2[%dma_start3A_137, %dma_start3A_138] : memref<10000x128xf32, #tpu.memory_space<hbm>> -> memref<10000x128xf32, #tpu.memory_space<hbm>>
      tpu.enqueue_indirect_dma source(%dma_start3A_139 : memref<10000x128xf32, #tpu.memory_space<hbm>>) target(%dma_start3A_133 : memref<128x128xf32, #tpu.memory_space<vmem>>) offsets(%dma_start3A_136 : memref<128xi32, #tpu.memory_space<vmem>>) semaphore(%arg12 : memref<!tpu.dma_semaphore, #tpu.memory_space<semaphore_mem>>)
      %dma_wait3A_140 = arith.constant 0 : i32
      %dma_wait3A_141 = arith.constant 0 : i32
      %dma_wait3A_142 = arith.constant 0 : i32
      %dma_wait3A_143 = arith.constant 0 : i32
      %dma_wait3A_144 = tpu.memref_slice %arg9[%dma_wait3A_141, %dma_wait3A_142, %dma_wait3A_143] : memref<2x128x128xf32, #tpu.memory_space<vmem>> -> memref<1x128x128xf32, #tpu.memory_space<vmem>>
      %dma_wait3A_145 = tpu.memref_squeeze %dma_wait3A_144 : memref<1x128x128xf32, #tpu.memory_space<vmem>> -> memref<128x128xf32, #tpu.memory_space<vmem>>
      %dma_wait3A_146 = arith.constant 0 : i32
      %dma_wait3A_147 = tpu.memref_slice %arg7[%dma_wait3A_140, %dma_wait3A_146] : memref<40x128xi32, #tpu.memory_space<vmem>> -> memref<1x128xi32, #tpu.memory_space<vmem>>
      %dma_wait3A_148 = tpu.memref_squeeze %dma_wait3A_147 : memref<1x128xi32, #tpu.memory_space<vmem>> -> memref<128xi32, #tpu.memory_space<vmem>>
      %dma_wait3A_149 = arith.constant 0 : i32
      %dma_wait3A_150 = arith.constant 0 : i32
      %dma_wait3A_151 = tpu.memref_slice %arg2[%dma_wait3A_149, %dma_wait3A_150] : memref<10000x128xf32, #tpu.memory_space<hbm>> -> memref<10000x128xf32, #tpu.memory_space<hbm>>
      tpu.wait_indirect_dma semaphore(%arg11 : memref<!tpu.dma_semaphore, #tpu.memory_space<semaphore_mem>>) src(%dma_wait3A_151 : memref<10000x128xf32, #tpu.memory_space<hbm>>) dst(%dma_wait3A_145 : memref<128x128xf32, #tpu.memory_space<vmem>>)
      %run_scoped3A_152 = arith.constant 0 : i32
      "tpu.region"() ({
        %run_scoped3A_181 = tpu.sem_alloc : memref<!tpu.dma_semaphore, #tpu.memory_space<semaphore_mem>>
        %dma_start3A_182 = arith.constant 0 : i32
        %dma_start3A_183 = arith.constant 0 : i32
        %dma_start3A_184 = tpu.memref_slice %arg9[%run_scoped3A_152, %dma_start3A_182, %dma_start3A_183] : memref<2x128x128xf32, #tpu.memory_space<vmem>> -> memref<1x128x128xf32, #tpu.memory_space<vmem>>
        %dma_start3A_185 = tpu.memref_squeeze %dma_start3A_184 : memref<1x128x128xf32, #tpu.memory_space<vmem>> -> memref<128x128xf32, #tpu.memory_space<vmem>>
        %dma_start3A_186 = arith.constant 0 : i32
        %dma_start3A_187 = tpu.memref_slice %arg8[%mul3A_126, %dma_start3A_186] : memref<40x128xi32, #tpu.memory_space<vmem>> -> memref<1x128xi32, #tpu.memory_space<vmem>>
        %dma_start3A_188 = tpu.memref_squeeze %dma_start3A_187 : memref<1x128xi32, #tpu.memory_space<vmem>> -> memref<128xi32, #tpu.memory_space<vmem>>
        %dma_start3A_189 = arith.constant 0 : i32
        %dma_start3A_190 = arith.constant 0 : i32
        %dma_start3A_191 = tpu.memref_slice %arg10[%dma_start3A_189, %dma_start3A_190] : memref<10240x128xf32, #tpu.memory_space<vmem_shared>> -> memref<10240x128xf32, #tpu.memory_space<vmem_shared>>
        tpu.enqueue_indirect_dma source(%dma_start3A_185 : memref<128x128xf32, #tpu.memory_space<vmem>>) target(%dma_start3A_191 : memref<10240x128xf32, #tpu.memory_space<vmem_shared>>) offsets(%dma_start3A_188 : memref<128xi32, #tpu.memory_space<vmem>>) semaphore(%run_scoped3A_181 : memref<!tpu.dma_semaphore, #tpu.memory_space<semaphore_mem>>) {add = true}
        %dma_wait3A_192 = arith.constant 0 : i32
        %dma_wait3A_193 = arith.constant 0 : i32
        %dma_wait3A_194 = tpu.memref_slice %arg9[%run_scoped3A_152, %dma_wait3A_192, %dma_wait3A_193] : memref<2x128x128xf32, #tpu.memory_space<vmem>> -> memref<1x128x128xf32, #tpu.memory_space<vmem>>
        %dma_wait3A_195 = tpu.memref_squeeze %dma_wait3A_194 : memref<1x128x128xf32, #tpu.memory_space<vmem>> -> memref<128x128xf32, #tpu.memory_space<vmem>>
        %dma_wait3A_196 = arith.constant 0 : i32
        %dma_wait3A_197 = tpu.memref_slice %arg8[%mul3A_126, %dma_wait3A_196] : memref<40x128xi32, #tpu.memory_space<vmem>> -> memref<1x128xi32, #tpu.memory_space<vmem>>
        %dma_wait3A_198 = tpu.memref_squeeze %dma_wait3A_197 : memref<1x128xi32, #tpu.memory_space<vmem>> -> memref<128xi32, #tpu.memory_space<vmem>>
        %dma_wait3A_199 = arith.constant 0 : i32
        %dma_wait3A_200 = arith.constant 0 : i32
        %dma_wait3A_201 = tpu.memref_slice %arg10[%dma_wait3A_199, %dma_wait3A_200] : memref<10240x128xf32, #tpu.memory_space<vmem_shared>> -> memref<10240x128xf32, #tpu.memory_space<vmem_shared>>
        tpu.wait_indirect_dma semaphore(%run_scoped3A_181 : memref<!tpu.dma_semaphore, #tpu.memory_space<semaphore_mem>>) src(%dma_wait3A_195 : memref<128x128xf32, #tpu.memory_space<vmem>>) dst(%dma_wait3A_201 : memref<10240x128xf32, #tpu.memory_space<vmem_shared>>)
        tpu.yield
      }) : () -> ()
      %add3A_153 = arith.constant 2 : i32
      %add3A_154 = arith.addi %mul3A_126, %add3A_153 : i32
      %dma_start3A_155 = arith.constant 0 : i32
      %dma_start3A_156 = arith.constant 0 : i32
      %dma_start3A_157 = arith.constant 0 : i32
      %dma_start3A_158 = tpu.memref_slice %arg9[%dma_start3A_155, %dma_start3A_156, %dma_start3A_157] : memref<2x128x128xf32, #tpu.memory_space<vmem>> -> memref<1x128x128xf32, #tpu.memory_space<vmem>>
      %dma_start3A_159 = tpu.memref_squeeze %dma_start3A_158 : memref<1x128x128xf32, #tpu.memory_space<vmem>> -> memref<128x128xf32, #tpu.memory_space<vmem>>
      %dma_start3A_160 = arith.constant 0 : i32
      %dma_start3A_161 = tpu.memref_slice %arg7[%add3A_154, %dma_start3A_160] : memref<40x128xi32, #tpu.memory_space<vmem>> -> memref<1x128xi32, #tpu.memory_space<vmem>>
      %dma_start3A_162 = tpu.memref_squeeze %dma_start3A_161 : memref<1x128xi32, #tpu.memory_space<vmem>> -> memref<128xi32, #tpu.memory_space<vmem>>
      %dma_start3A_163 = arith.constant 0 : i32
      %dma_start3A_164 = arith.constant 0 : i32
      %dma_start3A_165 = tpu.memref_slice %arg2[%dma_start3A_163, %dma_start3A_164] : memref<10000x128xf32, #tpu.memory_space<hbm>> -> memref<10000x128xf32, #tpu.memory_space<hbm>>
      tpu.enqueue_indirect_dma source(%dma_start3A_165 : memref<10000x128xf32, #tpu.memory_space<hbm>>) target(%dma_start3A_159 : memref<128x128xf32, #tpu.memory_space<vmem>>) offsets(%dma_start3A_162 : memref<128xi32, #tpu.memory_space<vmem>>) semaphore(%arg11 : memref<!tpu.dma_semaphore, #tpu.memory_space<semaphore_mem>>)
      %dma_wait3A_166 = arith.constant 0 : i32
      %dma_wait3A_167 = arith.constant 1 : i32
      %dma_wait3A_168 = arith.constant 0 : i32
      %dma_wait3A_169 = arith.constant 0 : i32
      %dma_wait3A_170 = tpu.memref_slice %arg9[%dma_wait3A_167, %dma_wait3A_168, %dma_wait3A_169] : memref<2x128x128xf32, #tpu.memory_space<vmem>> -> memref<1x128x128xf32, #tpu.memory_space<vmem>>
      %dma_wait3A_171 = tpu.memref_squeeze %dma_wait3A_170 : memref<1x128x128xf32, #tpu.memory_space<vmem>> -> memref<128x128xf32, #tpu.memory_space<vmem>>
      %dma_wait3A_172 = arith.constant 0 : i32
      %dma_wait3A_173 = tpu.memref_slice %arg7[%dma_wait3A_166, %dma_wait3A_172] : memref<40x128xi32, #tpu.memory_space<vmem>> -> memref<1x128xi32, #tpu.memory_space<vmem>>
      %dma_wait3A_174 = tpu.memref_squeeze %dma_wait3A_173 : memref<1x128xi32, #tpu.memory_space<vmem>> -> memref<128xi32, #tpu.memory_space<vmem>>
      %dma_wait3A_175 = arith.constant 0 : i32
      %dma_wait3A_176 = arith.constant 0 : i32
      %dma_wait3A_177 = tpu.memref_slice %arg2[%dma_wait3A_175, %dma_wait3A_176] : memref<10000x128xf32, #tpu.memory_space<hbm>> -> memref<10000x128xf32, #tpu.memory_space<hbm>>
      tpu.wait_indirect_dma semaphore(%arg12 : memref<!tpu.dma_semaphore, #tpu.memory_space<semaphore_mem>>) src(%dma_wait3A_177 : memref<10000x128xf32, #tpu.memory_space<hbm>>) dst(%dma_wait3A_171 : memref<128x128xf32, #tpu.memory_space<vmem>>)
      %add3A_178 = arith.constant 1 : i32
      %add3A_179 = arith.addi %mul3A_126, %add3A_178 : i32
      %run_scoped3A_180 = arith.constant 1 : i32
      "tpu.region"() ({
        %run_scoped3A_181 = tpu.sem_alloc : memref<!tpu.dma_semaphore, #tpu.memory_space<semaphore_mem>>
        %dma_start3A_182 = arith.constant 0 : i32
        %dma_start3A_183 = arith.constant 0 : i32
        %dma_start3A_184 = tpu.memref_slice %arg9[%run_scoped3A_180, %dma_start3A_182, %dma_start3A_183] : memref<2x128x128xf32, #tpu.memory_space<vmem>> -> memref<1x128x128xf32, #tpu.memory_space<vmem>>
        %dma_start3A_185 = tpu.memref_squeeze %dma_start3A_184 : memref<1x128x128xf32, #tpu.memory_space<vmem>> -> memref<128x128xf32, #tpu.memory_space<vmem>>
        %dma_start3A_186 = arith.constant 0 : i32
        %dma_start3A_187 = tpu.memref_slice %arg8[%add3A_179, %dma_start3A_186] : memref<40x128xi32, #tpu.memory_space<vmem>> -> memref<1x128xi32, #tpu.memory_space<vmem>>
        %dma_start3A_188 = tpu.memref_squeeze %dma_start3A_187 : memref<1x128xi32, #tpu.memory_space<vmem>> -> memref<128xi32, #tpu.memory_space<vmem>>
        %dma_start3A_189 = arith.constant 0 : i32
        %dma_start3A_190 = arith.constant 0 : i32
        %dma_start3A_191 = tpu.memref_slice %arg10[%dma_start3A_189, %dma_start3A_190] : memref<10240x128xf32, #tpu.memory_space<vmem_shared>> -> memref<10240x128xf32, #tpu.memory_space<vmem_shared>>
        tpu.enqueue_indirect_dma source(%dma_start3A_185 : memref<128x128xf32, #tpu.memory_space<vmem>>) target(%dma_start3A_191 : memref<10240x128xf32, #tpu.memory_space<vmem_shared>>) offsets(%dma_start3A_188 : memref<128xi32, #tpu.memory_space<vmem>>) semaphore(%run_scoped3A_181 : memref<!tpu.dma_semaphore, #tpu.memory_space<semaphore_mem>>) {add = true}
        %dma_wait3A_192 = arith.constant 0 : i32
        %dma_wait3A_193 = arith.constant 0 : i32
        %dma_wait3A_194 = tpu.memref_slice %arg9[%run_scoped3A_180, %dma_wait3A_192, %dma_wait3A_193] : memref<2x128x128xf32, #tpu.memory_space<vmem>> -> memref<1x128x128xf32, #tpu.memory_space<vmem>>
        %dma_wait3A_195 = tpu.memref_squeeze %dma_wait3A_194 : memref<1x128x128xf32, #tpu.memory_space<vmem>> -> memref<128x128xf32, #tpu.memory_space<vmem>>
        %dma_wait3A_196 = arith.constant 0 : i32
        %dma_wait3A_197 = tpu.memref_slice %arg8[%add3A_179, %dma_wait3A_196] : memref<40x128xi32, #tpu.memory_space<vmem>> -> memref<1x128xi32, #tpu.memory_space<vmem>>
        %dma_wait3A_198 = tpu.memref_squeeze %dma_wait3A_197 : memref<1x128xi32, #tpu.memory_space<vmem>> -> memref<128xi32, #tpu.memory_space<vmem>>
        %dma_wait3A_199 = arith.constant 0 : i32
        %dma_wait3A_200 = arith.constant 0 : i32
        %dma_wait3A_201 = tpu.memref_slice %arg10[%dma_wait3A_199, %dma_wait3A_200] : memref<10240x128xf32, #tpu.memory_space<vmem_shared>> -> memref<10240x128xf32, #tpu.memory_space<vmem_shared>>
        tpu.wait_indirect_dma semaphore(%run_scoped3A_181 : memref<!tpu.dma_semaphore, #tpu.memory_space<semaphore_mem>>) src(%dma_wait3A_195 : memref<128x128xf32, #tpu.memory_space<vmem>>) dst(%dma_wait3A_201 : memref<10240x128xf32, #tpu.memory_space<vmem_shared>>)
        tpu.yield
      }) : () -> ()
    }
    %scan3A_22 = arith.constant 19 : i32
    %dma_start3A_23 = arith.constant 39 : i32
    %dma_start3A_24 = arith.constant 1 : i32
    %dma_start3A_25 = arith.constant 0 : i32
    %dma_start3A_26 = arith.constant 0 : i32
    %dma_start3A_27 = tpu.memref_slice %arg9[%dma_start3A_24, %dma_start3A_25, %dma_start3A_26] : memref<2x128x128xf32, #tpu.memory_space<vmem>> -> memref<1x128x128xf32, #tpu.memory_space<vmem>>
    %dma_start3A_28 = tpu.memref_squeeze %dma_start3A_27 : memref<1x128x128xf32, #tpu.memory_space<vmem>> -> memref<128x128xf32, #tpu.memory_space<vmem>>
    %dma_start3A_29 = arith.constant 0 : i32
    %dma_start3A_30 = tpu.memref_slice %arg7[%dma_start3A_23, %dma_start3A_29] : memref<40x128xi32, #tpu.memory_space<vmem>> -> memref<1x128xi32, #tpu.memory_space<vmem>>
    %dma_start3A_31 = tpu.memref_squeeze %dma_start3A_30 : memref<1x128xi32, #tpu.memory_space<vmem>> -> memref<128xi32, #tpu.memory_space<vmem>>
    %dma_start3A_32 = arith.constant 0 : i32
    %dma_start3A_33 = arith.constant 0 : i32
    %dma_start3A_34 = tpu.memref_slice %arg2[%dma_start3A_32, %dma_start3A_33] : memref<10000x128xf32, #tpu.memory_space<hbm>> -> memref<10000x128xf32, #tpu.memory_space<hbm>>
    tpu.enqueue_indirect_dma source(%dma_start3A_34 : memref<10000x128xf32, #tpu.memory_space<hbm>>) target(%dma_start3A_28 : memref<128x128xf32, #tpu.memory_space<vmem>>) offsets(%dma_start3A_31 : memref<128xi32, #tpu.memory_space<vmem>>) semaphore(%arg12 : memref<!tpu.dma_semaphore, #tpu.memory_space<semaphore_mem>>)
    %dma_wait3A = arith.constant 0 : i32
    %dma_wait3A_35 = arith.constant 0 : i32
    %dma_wait3A_36 = arith.constant 0 : i32
    %dma_wait3A_37 = arith.constant 0 : i32
    %dma_wait3A_38 = tpu.memref_slice %arg9[%dma_wait3A_35, %dma_wait3A_36, %dma_wait3A_37] : memref<2x128x128xf32, #tpu.memory_space<vmem>> -> memref<1x128x128xf32, #tpu.memory_space<vmem>>
    %dma_wait3A_39 = tpu.memref_squeeze %dma_wait3A_38 : memref<1x128x128xf32, #tpu.memory_space<vmem>> -> memref<128x128xf32, #tpu.memory_space<vmem>>
    %dma_wait3A_40 = arith.constant 0 : i32
    %dma_wait3A_41 = tpu.memref_slice %arg7[%dma_wait3A, %dma_wait3A_40] : memref<40x128xi32, #tpu.memory_space<vmem>> -> memref<1x128xi32, #tpu.memory_space<vmem>>
    %dma_wait3A_42 = tpu.memref_squeeze %dma_wait3A_41 : memref<1x128xi32, #tpu.memory_space<vmem>> -> memref<128xi32, #tpu.memory_space<vmem>>
    %dma_wait3A_43 = arith.constant 0 : i32
    %dma_wait3A_44 = arith.constant 0 : i32
    %dma_wait3A_45 = tpu.memref_slice %arg2[%dma_wait3A_43, %dma_wait3A_44] : memref<10000x128xf32, #tpu.memory_space<hbm>> -> memref<10000x128xf32, #tpu.memory_space<hbm>>
    tpu.wait_indirect_dma semaphore(%arg11 : memref<!tpu.dma_semaphore, #tpu.memory_space<semaphore_mem>>) src(%dma_wait3A_45 : memref<10000x128xf32, #tpu.memory_space<hbm>>) dst(%dma_wait3A_39 : memref<128x128xf32, #tpu.memory_space<vmem>>)
    %run_scoped3A = arith.constant 0 : i32
    %run_scoped3A_46 = arith.constant 38 : i32
    "tpu.region"() ({
      %run_scoped3A_124 = tpu.sem_alloc : memref<!tpu.dma_semaphore, #tpu.memory_space<semaphore_mem>>
      %dma_start3A_125 = arith.constant 0 : i32
      %dma_start3A_126 = arith.constant 0 : i32
      %dma_start3A_127 = tpu.memref_slice %arg9[%run_scoped3A, %dma_start3A_125, %dma_start3A_126] : memref<2x128x128xf32, #tpu.memory_space<vmem>> -> memref<1x128x128xf32, #tpu.memory_space<vmem>>
      %dma_start3A_128 = tpu.memref_squeeze %dma_start3A_127 : memref<1x128x128xf32, #tpu.memory_space<vmem>> -> memref<128x128xf32, #tpu.memory_space<vmem>>
      %dma_start3A_129 = arith.constant 0 : i32
      %dma_start3A_130 = tpu.memref_slice %arg8[%run_scoped3A_46, %dma_start3A_129] : memref<40x128xi32, #tpu.memory_space<vmem>> -> memref<1x128xi32, #tpu.memory_space<vmem>>
      %dma_start3A_131 = tpu.memref_squeeze %dma_start3A_130 : memref<1x128xi32, #tpu.memory_space<vmem>> -> memref<128xi32, #tpu.memory_space<vmem>>
      %dma_start3A_132 = arith.constant 0 : i32
      %dma_start3A_133 = arith.constant 0 : i32
      %dma_start3A_134 = tpu.memref_slice %arg10[%dma_start3A_132, %dma_start3A_133] : memref<10240x128xf32, #tpu.memory_space<vmem_shared>> -> memref<10240x128xf32, #tpu.memory_space<vmem_shared>>
      tpu.enqueue_indirect_dma source(%dma_start3A_128 : memref<128x128xf32, #tpu.memory_space<vmem>>) target(%dma_start3A_134 : memref<10240x128xf32, #tpu.memory_space<vmem_shared>>) offsets(%dma_start3A_131 : memref<128xi32, #tpu.memory_space<vmem>>) semaphore(%run_scoped3A_124 : memref<!tpu.dma_semaphore, #tpu.memory_space<semaphore_mem>>) {add = true}
      %dma_wait3A_135 = arith.constant 0 : i32
      %dma_wait3A_136 = arith.constant 0 : i32
      %dma_wait3A_137 = tpu.memref_slice %arg9[%run_scoped3A, %dma_wait3A_135, %dma_wait3A_136] : memref<2x128x128xf32, #tpu.memory_space<vmem>> -> memref<1x128x128xf32, #tpu.memory_space<vmem>>
      %dma_wait3A_138 = tpu.memref_squeeze %dma_wait3A_137 : memref<1x128x128xf32, #tpu.memory_space<vmem>> -> memref<128x128xf32, #tpu.memory_space<vmem>>
      %dma_wait3A_139 = arith.constant 0 : i32
      %dma_wait3A_140 = tpu.memref_slice %arg8[%run_scoped3A_46, %dma_wait3A_139] : memref<40x128xi32, #tpu.memory_space<vmem>> -> memref<1x128xi32, #tpu.memory_space<vmem>>
      %dma_wait3A_141 = tpu.memref_squeeze %dma_wait3A_140 : memref<1x128xi32, #tpu.memory_space<vmem>> -> memref<128xi32, #tpu.memory_space<vmem>>
      %dma_wait3A_142 = arith.constant 0 : i32
      %dma_wait3A_143 = arith.constant 0 : i32
      %dma_wait3A_144 = tpu.memref_slice %arg10[%dma_wait3A_142, %dma_wait3A_143] : memref<10240x128xf32, #tpu.memory_space<vmem_shared>> -> memref<10240x128xf32, #tpu.memory_space<vmem_shared>>
      tpu.wait_indirect_dma semaphore(%run_scoped3A_124 : memref<!tpu.dma_semaphore, #tpu.memory_space<semaphore_mem>>) src(%dma_wait3A_138 : memref<128x128xf32, #tpu.memory_space<vmem>>) dst(%dma_wait3A_144 : memref<10240x128xf32, #tpu.memory_space<vmem_shared>>)
      tpu.yield
    }) : () -> ()
    %dma_wait3A_47 = arith.constant 0 : i32
    %dma_wait3A_48 = arith.constant 1 : i32
    %dma_wait3A_49 = arith.constant 0 : i32
    %dma_wait3A_50 = arith.constant 0 : i32
    %dma_wait3A_51 = tpu.memref_slice %arg9[%dma_wait3A_48, %dma_wait3A_49, %dma_wait3A_50] : memref<2x128x128xf32, #tpu.memory_space<vmem>> -> memref<1x128x128xf32, #tpu.memory_space<vmem>>
    %dma_wait3A_52 = tpu.memref_squeeze %dma_wait3A_51 : memref<1x128x128xf32, #tpu.memory_space<vmem>> -> memref<128x128xf32, #tpu.memory_space<vmem>>
    %dma_wait3A_53 = arith.constant 0 : i32
    %dma_wait3A_54 = tpu.memref_slice %arg7[%dma_wait3A_47, %dma_wait3A_53] : memref<40x128xi32, #tpu.memory_space<vmem>> -> memref<1x128xi32, #tpu.memory_space<vmem>>
    %dma_wait3A_55 = tpu.memref_squeeze %dma_wait3A_54 : memref<1x128xi32, #tpu.memory_space<vmem>> -> memref<128xi32, #tpu.memory_space<vmem>>
    %dma_wait3A_56 = arith.constant 0 : i32
    %dma_wait3A_57 = arith.constant 0 : i32
    %dma_wait3A_58 = tpu.memref_slice %arg2[%dma_wait3A_56, %dma_wait3A_57] : memref<10000x128xf32, #tpu.memory_space<hbm>> -> memref<10000x128xf32, #tpu.memory_space<hbm>>
    tpu.wait_indirect_dma semaphore(%arg12 : memref<!tpu.dma_semaphore, #tpu.memory_space<semaphore_mem>>) src(%dma_wait3A_58 : memref<10000x128xf32, #tpu.memory_space<hbm>>) dst(%dma_wait3A_52 : memref<128x128xf32, #tpu.memory_space<vmem>>)
    %run_scoped3A_59 = arith.constant 1 : i32
    %run_scoped3A_60 = arith.constant 39 : i32
    "tpu.region"() ({
      %run_scoped3A_124 = tpu.sem_alloc : memref<!tpu.dma_semaphore, #tpu.memory_space<semaphore_mem>>
      %dma_start3A_125 = arith.constant 0 : i32
      %dma_start3A_126 = arith.constant 0 : i32
      %dma_start3A_127 = tpu.memref_slice %arg9[%run_scoped3A_59, %dma_start3A_125, %dma_start3A_126] : memref<2x128x128xf32, #tpu.memory_space<vmem>> -> memref<1x128x128xf32, #tpu.memory_space<vmem>>
      %dma_start3A_128 = tpu.memref_squeeze %dma_start3A_127 : memref<1x128x128xf32, #tpu.memory_space<vmem>> -> memref<128x128xf32, #tpu.memory_space<vmem>>
      %dma_start3A_129 = arith.constant 0 : i32
      %dma_start3A_130 = tpu.memref_slice %arg8[%run_scoped3A_60, %dma_start3A_129] : memref<40x128xi32, #tpu.memory_space<vmem>> -> memref<1x128xi32, #tpu.memory_space<vmem>>
      %dma_start3A_131 = tpu.memref_squeeze %dma_start3A_130 : memref<1x128xi32, #tpu.memory_space<vmem>> -> memref<128xi32, #tpu.memory_space<vmem>>
      %dma_start3A_132 = arith.constant 0 : i32
      %dma_start3A_133 = arith.constant 0 : i32
      %dma_start3A_134 = tpu.memref_slice %arg10[%dma_start3A_132, %dma_start3A_133] : memref<10240x128xf32, #tpu.memory_space<vmem_shared>> -> memref<10240x128xf32, #tpu.memory_space<vmem_shared>>
      tpu.enqueue_indirect_dma source(%dma_start3A_128 : memref<128x128xf32, #tpu.memory_space<vmem>>) target(%dma_start3A_134 : memref<10240x128xf32, #tpu.memory_space<vmem_shared>>) offsets(%dma_start3A_131 : memref<128xi32, #tpu.memory_space<vmem>>) semaphore(%run_scoped3A_124 : memref<!tpu.dma_semaphore, #tpu.memory_space<semaphore_mem>>) {add = true}
      %dma_wait3A_135 = arith.constant 0 : i32
      %dma_wait3A_136 = arith.constant 0 : i32
      %dma_wait3A_137 = tpu.memref_slice %arg9[%run_scoped3A_59, %dma_wait3A_135, %dma_wait3A_136] : memref<2x128x128xf32, #tpu.memory_space<vmem>> -> memref<1x128x128xf32, #tpu.memory_space<vmem>>
      %dma_wait3A_138 = tpu.memref_squeeze %dma_wait3A_137 : memref<1x128x128xf32, #tpu.memory_space<vmem>> -> memref<128x128xf32, #tpu.memory_space<vmem>>
      %dma_wait3A_139 = arith.constant 0 : i32
      %dma_wait3A_140 = tpu.memref_slice %arg8[%run_scoped3A_60, %dma_wait3A_139] : memref<40x128xi32, #tpu.memory_space<vmem>> -> memref<1x128xi32, #tpu.memory_space<vmem>>
      %dma_wait3A_141 = tpu.memref_squeeze %dma_wait3A_140 : memref<1x128xi32, #tpu.memory_space<vmem>> -> memref<128xi32, #tpu.memory_space<vmem>>
      %dma_wait3A_142 = arith.constant 0 : i32
      %dma_wait3A_143 = arith.constant 0 : i32
      %dma_wait3A_144 = tpu.memref_slice %arg10[%dma_wait3A_142, %dma_wait3A_143] : memref<10240x128xf32, #tpu.memory_space<vmem_shared>> -> memref<10240x128xf32, #tpu.memory_space<vmem_shared>>
      tpu.wait_indirect_dma semaphore(%run_scoped3A_124 : memref<!tpu.dma_semaphore, #tpu.memory_space<semaphore_mem>>) src(%dma_wait3A_138 : memref<128x128xf32, #tpu.memory_space<vmem>>) dst(%dma_wait3A_144 : memref<10240x128xf32, #tpu.memory_space<vmem_shared>>)
      tpu.yield
    }) : () -> ()
    %mul3A_61 = arith.constant 80 : i32
    %mul3A_62 = arith.muli %add3A, %mul3A_61 : i32
    %add3A_63 = arith.constant 40 : i32
    %add3A_64 = arith.addi %mul3A_62, %add3A_63 : i32
    "tpu.region"() ({
      %run_scoped3A_124 = tpu.sem_alloc : memref<!tpu.dma_semaphore, #tpu.memory_space<semaphore_mem>>
      %dma_start3A_125 = arith.constant 0 : i32
      %dma_start3A_126 = tpu.memref_slice %arg3[%add3A_64, %dma_start3A_125] : memref<2560x128xi32, #tpu.memory_space<hbm>> -> memref<40x128xi32, #tpu.memory_space<hbm>>
      %dma_start3A_127 = arith.constant 0 : i32
      %dma_start3A_128 = tpu.memref_slice %arg3[%add3A_64, %dma_start3A_127] : memref<2560x128xi32, #tpu.memory_space<hbm>> -> memref<40x128xi32, #tpu.memory_space<hbm>>
      tpu.enqueue_dma source(%dma_start3A_128 : memref<40x128xi32, #tpu.memory_space<hbm>>) target(%arg7 : memref<40x128xi32, #tpu.memory_space<vmem>>) target_semaphore(%run_scoped3A_124 : memref<!tpu.dma_semaphore, #tpu.memory_space<semaphore_mem>>)
      %dma_wait3A_129 = arith.constant 0 : i32
      %dma_wait3A_130 = tpu.memref_slice %arg3[%add3A_64, %dma_wait3A_129] : memref<2560x128xi32, #tpu.memory_space<hbm>> -> memref<40x128xi32, #tpu.memory_space<hbm>>
      %dma_wait3A_131 = arith.constant 0 : i32
      %dma_wait3A_132 = tpu.memref_slice %arg3[%add3A_64, %dma_wait3A_131] : memref<2560x128xi32, #tpu.memory_space<hbm>> -> memref<40x128xi32, #tpu.memory_space<hbm>>
      tpu.wait_dma2 semaphore(%run_scoped3A_124 : memref<!tpu.dma_semaphore, #tpu.memory_space<semaphore_mem>>) src(%dma_wait3A_132 : memref<40x128xi32, #tpu.memory_space<hbm>>) dst(%arg7 : memref<40x128xi32, #tpu.memory_space<vmem>>)
      tpu.yield
    }) : () -> ()
    "tpu.region"() ({
      %run_scoped3A_124 = tpu.sem_alloc : memref<!tpu.dma_semaphore, #tpu.memory_space<semaphore_mem>>
      %dma_start3A_125 = arith.constant 0 : i32
      %dma_start3A_126 = tpu.memref_slice %arg4[%add3A_64, %dma_start3A_125] : memref<2560x128xi32, #tpu.memory_space<hbm>> -> memref<40x128xi32, #tpu.memory_space<hbm>>
      %dma_start3A_127 = arith.constant 0 : i32
      %dma_start3A_128 = tpu.memref_slice %arg4[%add3A_64, %dma_start3A_127] : memref<2560x128xi32, #tpu.memory_space<hbm>> -> memref<40x128xi32, #tpu.memory_space<hbm>>
      tpu.enqueue_dma source(%dma_start3A_128 : memref<40x128xi32, #tpu.memory_space<hbm>>) target(%arg8 : memref<40x128xi32, #tpu.memory_space<vmem>>) target_semaphore(%run_scoped3A_124 : memref<!tpu.dma_semaphore, #tpu.memory_space<semaphore_mem>>)
      %dma_wait3A_129 = arith.constant 0 : i32
      %dma_wait3A_130 = tpu.memref_slice %arg4[%add3A_64, %dma_wait3A_129] : memref<2560x128xi32, #tpu.memory_space<hbm>> -> memref<40x128xi32, #tpu.memory_space<hbm>>
      %dma_wait3A_131 = arith.constant 0 : i32
      %dma_wait3A_132 = tpu.memref_slice %arg4[%add3A_64, %dma_wait3A_131] : memref<2560x128xi32, #tpu.memory_space<hbm>> -> memref<40x128xi32, #tpu.memory_space<hbm>>
      tpu.wait_dma2 semaphore(%run_scoped3A_124 : memref<!tpu.dma_semaphore, #tpu.memory_space<semaphore_mem>>) src(%dma_wait3A_132 : memref<40x128xi32, #tpu.memory_space<hbm>>) dst(%arg8 : memref<40x128xi32, #tpu.memory_space<vmem>>)
      tpu.yield
    }) : () -> ()
    %dma_start3A_65 = arith.constant 0 : i32
    %dma_start3A_66 = arith.constant 0 : i32
    %dma_start3A_67 = arith.constant 0 : i32
    %dma_start3A_68 = arith.constant 0 : i32
    %dma_start3A_69 = tpu.memref_slice %arg9[%dma_start3A_66, %dma_start3A_67, %dma_start3A_68] : memref<2x128x128xf32, #tpu.memory_space<vmem>> -> memref<1x128x128xf32, #tpu.memory_space<vmem>>
    %dma_start3A_70 = tpu.memref_squeeze %dma_start3A_69 : memref<1x128x128xf32, #tpu.memory_space<vmem>> -> memref<128x128xf32, #tpu.memory_space<vmem>>
    %dma_start3A_71 = arith.constant 0 : i32
    %dma_start3A_72 = tpu.memref_slice %arg7[%dma_start3A_65, %dma_start3A_71] : memref<40x128xi32, #tpu.memory_space<vmem>> -> memref<1x128xi32, #tpu.memory_space<vmem>>
    %dma_start3A_73 = tpu.memref_squeeze %dma_start3A_72 : memref<1x128xi32, #tpu.memory_space<vmem>> -> memref<128xi32, #tpu.memory_space<vmem>>
    %dma_start3A_74 = arith.constant 0 : i32
    %dma_start3A_75 = arith.constant 0 : i32
    %dma_start3A_76 = tpu.memref_slice %arg2[%dma_start3A_74, %dma_start3A_75] : memref<10000x128xf32, #tpu.memory_space<hbm>> -> memref<10000x128xf32, #tpu.memory_space<hbm>>
    tpu.enqueue_indirect_dma source(%dma_start3A_76 : memref<10000x128xf32, #tpu.memory_space<hbm>>) target(%dma_start3A_70 : memref<128x128xf32, #tpu.memory_space<vmem>>) offsets(%dma_start3A_73 : memref<128xi32, #tpu.memory_space<vmem>>) semaphore(%arg11 : memref<!tpu.dma_semaphore, #tpu.memory_space<semaphore_mem>>)
    %scan3A_77 = arith.constant 0 : i32
    %scan3A_78 = arith.constant 0 : i32
    %scan3A_79 = arith.constant 19 : i32
    %scan3A_80 = arith.addi %scan3A_78, %scan3A_79 : i32
    %scan3A_81 = arith.constant 1 : i32
    scf.for %scan3A_124 = %scan3A_78 to %scan3A_80 step %scan3A_81  : i32 {
      %mul3A_125 = arith.constant 2 : i32
      %mul3A_126 = arith.muli %mul3A_125, %scan3A_124 : i32
      %add3A_127 = arith.constant 1 : i32
      %add3A_128 = arith.addi %mul3A_126, %add3A_127 : i32
      %dma_start3A_129 = arith.constant 1 : i32
      %dma_start3A_130 = arith.constant 0 : i32
      %dma_start3A_131 = arith.constant 0 : i32
      %dma_start3A_132 = tpu.memref_slice %arg9[%dma_start3A_129, %dma_start3A_130, %dma_start3A_131] : memref<2x128x128xf32, #tpu.memory_space<vmem>> -> memref<1x128x128xf32, #tpu.memory_space<vmem>>
      %dma_start3A_133 = tpu.memref_squeeze %dma_start3A_132 : memref<1x128x128xf32, #tpu.memory_space<vmem>> -> memref<128x128xf32, #tpu.memory_space<vmem>>
      %dma_start3A_134 = arith.constant 0 : i32
      %dma_start3A_135 = tpu.memref_slice %arg7[%add3A_128, %dma_start3A_134] : memref<40x128xi32, #tpu.memory_space<vmem>> -> memref<1x128xi32, #tpu.memory_space<vmem>>
      %dma_start3A_136 = tpu.memref_squeeze %dma_start3A_135 : memref<1x128xi32, #tpu.memory_space<vmem>> -> memref<128xi32, #tpu.memory_space<vmem>>
      %dma_start3A_137 = arith.constant 0 : i32
      %dma_start3A_138 = arith.constant 0 : i32
      %dma_start3A_139 = tpu.memref_slice %arg2[%dma_start3A_137, %dma_start3A_138] : memref<10000x128xf32, #tpu.memory_space<hbm>> -> memref<10000x128xf32, #tpu.memory_space<hbm>>
      tpu.enqueue_indirect_dma source(%dma_start3A_139 : memref<10000x128xf32, #tpu.memory_space<hbm>>) target(%dma_start3A_133 : memref<128x128xf32, #tpu.memory_space<vmem>>) offsets(%dma_start3A_136 : memref<128xi32, #tpu.memory_space<vmem>>) semaphore(%arg12 : memref<!tpu.dma_semaphore, #tpu.memory_space<semaphore_mem>>)
      %dma_wait3A_140 = arith.constant 0 : i32
      %dma_wait3A_141 = arith.constant 0 : i32
      %dma_wait3A_142 = arith.constant 0 : i32
      %dma_wait3A_143 = arith.constant 0 : i32
      %dma_wait3A_144 = tpu.memref_slice %arg9[%dma_wait3A_141, %dma_wait3A_142, %dma_wait3A_143] : memref<2x128x128xf32, #tpu.memory_space<vmem>> -> memref<1x128x128xf32, #tpu.memory_space<vmem>>
      %dma_wait3A_145 = tpu.memref_squeeze %dma_wait3A_144 : memref<1x128x128xf32, #tpu.memory_space<vmem>> -> memref<128x128xf32, #tpu.memory_space<vmem>>
      %dma_wait3A_146 = arith.constant 0 : i32
      %dma_wait3A_147 = tpu.memref_slice %arg7[%dma_wait3A_140, %dma_wait3A_146] : memref<40x128xi32, #tpu.memory_space<vmem>> -> memref<1x128xi32, #tpu.memory_space<vmem>>
      %dma_wait3A_148 = tpu.memref_squeeze %dma_wait3A_147 : memref<1x128xi32, #tpu.memory_space<vmem>> -> memref<128xi32, #tpu.memory_space<vmem>>
      %dma_wait3A_149 = arith.constant 0 : i32
      %dma_wait3A_150 = arith.constant 0 : i32
      %dma_wait3A_151 = tpu.memref_slice %arg2[%dma_wait3A_149, %dma_wait3A_150] : memref<10000x128xf32, #tpu.memory_space<hbm>> -> memref<10000x128xf32, #tpu.memory_space<hbm>>
      tpu.wait_indirect_dma semaphore(%arg11 : memref<!tpu.dma_semaphore, #tpu.memory_space<semaphore_mem>>) src(%dma_wait3A_151 : memref<10000x128xf32, #tpu.memory_space<hbm>>) dst(%dma_wait3A_145 : memref<128x128xf32, #tpu.memory_space<vmem>>)
      %run_scoped3A_152 = arith.constant 0 : i32
      "tpu.region"() ({
        %run_scoped3A_181 = tpu.sem_alloc : memref<!tpu.dma_semaphore, #tpu.memory_space<semaphore_mem>>
        %dma_start3A_182 = arith.constant 0 : i32
        %dma_start3A_183 = arith.constant 0 : i32
        %dma_start3A_184 = tpu.memref_slice %arg9[%run_scoped3A_152, %dma_start3A_182, %dma_start3A_183] : memref<2x128x128xf32, #tpu.memory_space<vmem>> -> memref<1x128x128xf32, #tpu.memory_space<vmem>>
        %dma_start3A_185 = tpu.memref_squeeze %dma_start3A_184 : memref<1x128x128xf32, #tpu.memory_space<vmem>> -> memref<128x128xf32, #tpu.memory_space<vmem>>
        %dma_start3A_186 = arith.constant 0 : i32
        %dma_start3A_187 = tpu.memref_slice %arg8[%mul3A_126, %dma_start3A_186] : memref<40x128xi32, #tpu.memory_space<vmem>> -> memref<1x128xi32, #tpu.memory_space<vmem>>
        %dma_start3A_188 = tpu.memref_squeeze %dma_start3A_187 : memref<1x128xi32, #tpu.memory_space<vmem>> -> memref<128xi32, #tpu.memory_space<vmem>>
        %dma_start3A_189 = arith.constant 0 : i32
        %dma_start3A_190 = arith.constant 0 : i32
        %dma_start3A_191 = tpu.memref_slice %arg10[%dma_start3A_189, %dma_start3A_190] : memref<10240x128xf32, #tpu.memory_space<vmem_shared>> -> memref<10240x128xf32, #tpu.memory_space<vmem_shared>>
        tpu.enqueue_indirect_dma source(%dma_start3A_185 : memref<128x128xf32, #tpu.memory_space<vmem>>) target(%dma_start3A_191 : memref<10240x128xf32, #tpu.memory_space<vmem_shared>>) offsets(%dma_start3A_188 : memref<128xi32, #tpu.memory_space<vmem>>) semaphore(%run_scoped3A_181 : memref<!tpu.dma_semaphore, #tpu.memory_space<semaphore_mem>>) {add = true}
        %dma_wait3A_192 = arith.constant 0 : i32
        %dma_wait3A_193 = arith.constant 0 : i32
        %dma_wait3A_194 = tpu.memref_slice %arg9[%run_scoped3A_152, %dma_wait3A_192, %dma_wait3A_193] : memref<2x128x128xf32, #tpu.memory_space<vmem>> -> memref<1x128x128xf32, #tpu.memory_space<vmem>>
        %dma_wait3A_195 = tpu.memref_squeeze %dma_wait3A_194 : memref<1x128x128xf32, #tpu.memory_space<vmem>> -> memref<128x128xf32, #tpu.memory_space<vmem>>
        %dma_wait3A_196 = arith.constant 0 : i32
        %dma_wait3A_197 = tpu.memref_slice %arg8[%mul3A_126, %dma_wait3A_196] : memref<40x128xi32, #tpu.memory_space<vmem>> -> memref<1x128xi32, #tpu.memory_space<vmem>>
        %dma_wait3A_198 = tpu.memref_squeeze %dma_wait3A_197 : memref<1x128xi32, #tpu.memory_space<vmem>> -> memref<128xi32, #tpu.memory_space<vmem>>
        %dma_wait3A_199 = arith.constant 0 : i32
        %dma_wait3A_200 = arith.constant 0 : i32
        %dma_wait3A_201 = tpu.memref_slice %arg10[%dma_wait3A_199, %dma_wait3A_200] : memref<10240x128xf32, #tpu.memory_space<vmem_shared>> -> memref<10240x128xf32, #tpu.memory_space<vmem_shared>>
        tpu.wait_indirect_dma semaphore(%run_scoped3A_181 : memref<!tpu.dma_semaphore, #tpu.memory_space<semaphore_mem>>) src(%dma_wait3A_195 : memref<128x128xf32, #tpu.memory_space<vmem>>) dst(%dma_wait3A_201 : memref<10240x128xf32, #tpu.memory_space<vmem_shared>>)
        tpu.yield
      }) : () -> ()
      %add3A_153 = arith.constant 2 : i32
      %add3A_154 = arith.addi %mul3A_126, %add3A_153 : i32
      %dma_start3A_155 = arith.constant 0 : i32
      %dma_start3A_156 = arith.constant 0 : i32
      %dma_start3A_157 = arith.constant 0 : i32
      %dma_start3A_158 = tpu.memref_slice %arg9[%dma_start3A_155, %dma_start3A_156, %dma_start3A_157] : memref<2x128x128xf32, #tpu.memory_space<vmem>> -> memref<1x128x128xf32, #tpu.memory_space<vmem>>
      %dma_start3A_159 = tpu.memref_squeeze %dma_start3A_158 : memref<1x128x128xf32, #tpu.memory_space<vmem>> -> memref<128x128xf32, #tpu.memory_space<vmem>>
      %dma_start3A_160 = arith.constant 0 : i32
      %dma_start3A_161 = tpu.memref_slice %arg7[%add3A_154, %dma_start3A_160] : memref<40x128xi32, #tpu.memory_space<vmem>> -> memref<1x128xi32, #tpu.memory_space<vmem>>
      %dma_start3A_162 = tpu.memref_squeeze %dma_start3A_161 : memref<1x128xi32, #tpu.memory_space<vmem>> -> memref<128xi32, #tpu.memory_space<vmem>>
      %dma_start3A_163 = arith.constant 0 : i32
      %dma_start3A_164 = arith.constant 0 : i32
      %dma_start3A_165 = tpu.memref_slice %arg2[%dma_start3A_163, %dma_start3A_164] : memref<10000x128xf32, #tpu.memory_space<hbm>> -> memref<10000x128xf32, #tpu.memory_space<hbm>>
      tpu.enqueue_indirect_dma source(%dma_start3A_165 : memref<10000x128xf32, #tpu.memory_space<hbm>>) target(%dma_start3A_159 : memref<128x128xf32, #tpu.memory_space<vmem>>) offsets(%dma_start3A_162 : memref<128xi32, #tpu.memory_space<vmem>>) semaphore(%arg11 : memref<!tpu.dma_semaphore, #tpu.memory_space<semaphore_mem>>)
      %dma_wait3A_166 = arith.constant 0 : i32
      %dma_wait3A_167 = arith.constant 1 : i32
      %dma_wait3A_168 = arith.constant 0 : i32
      %dma_wait3A_169 = arith.constant 0 : i32
      %dma_wait3A_170 = tpu.memref_slice %arg9[%dma_wait3A_167, %dma_wait3A_168, %dma_wait3A_169] : memref<2x128x128xf32, #tpu.memory_space<vmem>> -> memref<1x128x128xf32, #tpu.memory_space<vmem>>
      %dma_wait3A_171 = tpu.memref_squeeze %dma_wait3A_170 : memref<1x128x128xf32, #tpu.memory_space<vmem>> -> memref<128x128xf32, #tpu.memory_space<vmem>>
      %dma_wait3A_172 = arith.constant 0 : i32
      %dma_wait3A_173 = tpu.memref_slice %arg7[%dma_wait3A_166, %dma_wait3A_172] : memref<40x128xi32, #tpu.memory_space<vmem>> -> memref<1x128xi32, #tpu.memory_space<vmem>>
      %dma_wait3A_174 = tpu.memref_squeeze %dma_wait3A_173 : memref<1x128xi32, #tpu.memory_space<vmem>> -> memref<128xi32, #tpu.memory_space<vmem>>
      %dma_wait3A_175 = arith.constant 0 : i32
      %dma_wait3A_176 = arith.constant 0 : i32
      %dma_wait3A_177 = tpu.memref_slice %arg2[%dma_wait3A_175, %dma_wait3A_176] : memref<10000x128xf32, #tpu.memory_space<hbm>> -> memref<10000x128xf32, #tpu.memory_space<hbm>>
      tpu.wait_indirect_dma semaphore(%arg12 : memref<!tpu.dma_semaphore, #tpu.memory_space<semaphore_mem>>) src(%dma_wait3A_177 : memref<10000x128xf32, #tpu.memory_space<hbm>>) dst(%dma_wait3A_171 : memref<128x128xf32, #tpu.memory_space<vmem>>)
      %add3A_178 = arith.constant 1 : i32
      %add3A_179 = arith.addi %mul3A_126, %add3A_178 : i32
      %run_scoped3A_180 = arith.constant 1 : i32
      "tpu.region"() ({
        %run_scoped3A_181 = tpu.sem_alloc : memref<!tpu.dma_semaphore, #tpu.memory_space<semaphore_mem>>
        %dma_start3A_182 = arith.constant 0 : i32
        %dma_start3A_183 = arith.constant 0 : i32
        %dma_start3A_184 = tpu.memref_slice %arg9[%run_scoped3A_180, %dma_start3A_182, %dma_start3A_183] : memref<2x128x128xf32, #tpu.memory_space<vmem>> -> memref<1x128x128xf32, #tpu.memory_space<vmem>>
        %dma_start3A_185 = tpu.memref_squeeze %dma_start3A_184 : memref<1x128x128xf32, #tpu.memory_space<vmem>> -> memref<128x128xf32, #tpu.memory_space<vmem>>
        %dma_start3A_186 = arith.constant 0 : i32
        %dma_start3A_187 = tpu.memref_slice %arg8[%add3A_179, %dma_start3A_186] : memref<40x128xi32, #tpu.memory_space<vmem>> -> memref<1x128xi32, #tpu.memory_space<vmem>>
        %dma_start3A_188 = tpu.memref_squeeze %dma_start3A_187 : memref<1x128xi32, #tpu.memory_space<vmem>> -> memref<128xi32, #tpu.memory_space<vmem>>
        %dma_start3A_189 = arith.constant 0 : i32
        %dma_start3A_190 = arith.constant 0 : i32
        %dma_start3A_191 = tpu.memref_slice %arg10[%dma_start3A_189, %dma_start3A_190] : memref<10240x128xf32, #tpu.memory_space<vmem_shared>> -> memref<10240x128xf32, #tpu.memory_space<vmem_shared>>
        tpu.enqueue_indirect_dma source(%dma_start3A_185 : memref<128x128xf32, #tpu.memory_space<vmem>>) target(%dma_start3A_191 : memref<10240x128xf32, #tpu.memory_space<vmem_shared>>) offsets(%dma_start3A_188 : memref<128xi32, #tpu.memory_space<vmem>>) semaphore(%run_scoped3A_181 : memref<!tpu.dma_semaphore, #tpu.memory_space<semaphore_mem>>) {add = true}
        %dma_wait3A_192 = arith.constant 0 : i32
        %dma_wait3A_193 = arith.constant 0 : i32
        %dma_wait3A_194 = tpu.memref_slice %arg9[%run_scoped3A_180, %dma_wait3A_192, %dma_wait3A_193] : memref<2x128x128xf32, #tpu.memory_space<vmem>> -> memref<1x128x128xf32, #tpu.memory_space<vmem>>
        %dma_wait3A_195 = tpu.memref_squeeze %dma_wait3A_194 : memref<1x128x128xf32, #tpu.memory_space<vmem>> -> memref<128x128xf32, #tpu.memory_space<vmem>>
        %dma_wait3A_196 = arith.constant 0 : i32
        %dma_wait3A_197 = tpu.memref_slice %arg8[%add3A_179, %dma_wait3A_196] : memref<40x128xi32, #tpu.memory_space<vmem>> -> memref<1x128xi32, #tpu.memory_space<vmem>>
        %dma_wait3A_198 = tpu.memref_squeeze %dma_wait3A_197 : memref<1x128xi32, #tpu.memory_space<vmem>> -> memref<128xi32, #tpu.memory_space<vmem>>
        %dma_wait3A_199 = arith.constant 0 : i32
        %dma_wait3A_200 = arith.constant 0 : i32
        %dma_wait3A_201 = tpu.memref_slice %arg10[%dma_wait3A_199, %dma_wait3A_200] : memref<10240x128xf32, #tpu.memory_space<vmem_shared>> -> memref<10240x128xf32, #tpu.memory_space<vmem_shared>>
        tpu.wait_indirect_dma semaphore(%run_scoped3A_181 : memref<!tpu.dma_semaphore, #tpu.memory_space<semaphore_mem>>) src(%dma_wait3A_195 : memref<128x128xf32, #tpu.memory_space<vmem>>) dst(%dma_wait3A_201 : memref<10240x128xf32, #tpu.memory_space<vmem_shared>>)
        tpu.yield
      }) : () -> ()
    }
    %scan3A_82 = arith.constant 19 : i32
    %dma_start3A_83 = arith.constant 39 : i32
    %dma_start3A_84 = arith.constant 1 : i32
    %dma_start3A_85 = arith.constant 0 : i32
    %dma_start3A_86 = arith.constant 0 : i32
    %dma_start3A_87 = tpu.memref_slice %arg9[%dma_start3A_84, %dma_start3A_85, %dma_start3A_86] : memref<2x128x128xf32, #tpu.memory_space<vmem>> -> memref<1x128x128xf32, #tpu.memory_space<vmem>>
    %dma_start3A_88 = tpu.memref_squeeze %dma_start3A_87 : memref<1x128x128xf32, #tpu.memory_space<vmem>> -> memref<128x128xf32, #tpu.memory_space<vmem>>
    %dma_start3A_89 = arith.constant 0 : i32
    %dma_start3A_90 = tpu.memref_slice %arg7[%dma_start3A_83, %dma_start3A_89] : memref<40x128xi32, #tpu.memory_space<vmem>> -> memref<1x128xi32, #tpu.memory_space<vmem>>
    %dma_start3A_91 = tpu.memref_squeeze %dma_start3A_90 : memref<1x128xi32, #tpu.memory_space<vmem>> -> memref<128xi32, #tpu.memory_space<vmem>>
    %dma_start3A_92 = arith.constant 0 : i32
    %dma_start3A_93 = arith.constant 0 : i32
    %dma_start3A_94 = tpu.memref_slice %arg2[%dma_start3A_92, %dma_start3A_93] : memref<10000x128xf32, #tpu.memory_space<hbm>> -> memref<10000x128xf32, #tpu.memory_space<hbm>>
    tpu.enqueue_indirect_dma source(%dma_start3A_94 : memref<10000x128xf32, #tpu.memory_space<hbm>>) target(%dma_start3A_88 : memref<128x128xf32, #tpu.memory_space<vmem>>) offsets(%dma_start3A_91 : memref<128xi32, #tpu.memory_space<vmem>>) semaphore(%arg12 : memref<!tpu.dma_semaphore, #tpu.memory_space<semaphore_mem>>)
    %dma_wait3A_95 = arith.constant 0 : i32
    %dma_wait3A_96 = arith.constant 0 : i32
    %dma_wait3A_97 = arith.constant 0 : i32
    %dma_wait3A_98 = arith.constant 0 : i32
    %dma_wait3A_99 = tpu.memref_slice %arg9[%dma_wait3A_96, %dma_wait3A_97, %dma_wait3A_98] : memref<2x128x128xf32, #tpu.memory_space<vmem>> -> memref<1x128x128xf32, #tpu.memory_space<vmem>>
    %dma_wait3A_100 = tpu.memref_squeeze %dma_wait3A_99 : memref<1x128x128xf32, #tpu.memory_space<vmem>> -> memref<128x128xf32, #tpu.memory_space<vmem>>
    %dma_wait3A_101 = arith.constant 0 : i32
    %dma_wait3A_102 = tpu.memref_slice %arg7[%dma_wait3A_95, %dma_wait3A_101] : memref<40x128xi32, #tpu.memory_space<vmem>> -> memref<1x128xi32, #tpu.memory_space<vmem>>
    %dma_wait3A_103 = tpu.memref_squeeze %dma_wait3A_102 : memref<1x128xi32, #tpu.memory_space<vmem>> -> memref<128xi32, #tpu.memory_space<vmem>>
    %dma_wait3A_104 = arith.constant 0 : i32
    %dma_wait3A_105 = arith.constant 0 : i32
    %dma_wait3A_106 = tpu.memref_slice %arg2[%dma_wait3A_104, %dma_wait3A_105] : memref<10000x128xf32, #tpu.memory_space<hbm>> -> memref<10000x128xf32, #tpu.memory_space<hbm>>
    tpu.wait_indirect_dma semaphore(%arg11 : memref<!tpu.dma_semaphore, #tpu.memory_space<semaphore_mem>>) src(%dma_wait3A_106 : memref<10000x128xf32, #tpu.memory_space<hbm>>) dst(%dma_wait3A_100 : memref<128x128xf32, #tpu.memory_space<vmem>>)
    %run_scoped3A_107 = arith.constant 0 : i32
    %run_scoped3A_108 = arith.constant 38 : i32
    "tpu.region"() ({
      %run_scoped3A_124 = tpu.sem_alloc : memref<!tpu.dma_semaphore, #tpu.memory_space<semaphore_mem>>
      %dma_start3A_125 = arith.constant 0 : i32
      %dma_start3A_126 = arith.constant 0 : i32
      %dma_start3A_127 = tpu.memref_slice %arg9[%run_scoped3A_107, %dma_start3A_125, %dma_start3A_126] : memref<2x128x128xf32, #tpu.memory_space<vmem>> -> memref<1x128x128xf32, #tpu.memory_space<vmem>>
      %dma_start3A_128 = tpu.memref_squeeze %dma_start3A_127 : memref<1x128x128xf32, #tpu.memory_space<vmem>> -> memref<128x128xf32, #tpu.memory_space<vmem>>
      %dma_start3A_129 = arith.constant 0 : i32
      %dma_start3A_130 = tpu.memref_slice %arg8[%run_scoped3A_108, %dma_start3A_129] : memref<40x128xi32, #tpu.memory_space<vmem>> -> memref<1x128xi32, #tpu.memory_space<vmem>>
      %dma_start3A_131 = tpu.memref_squeeze %dma_start3A_130 : memref<1x128xi32, #tpu.memory_space<vmem>> -> memref<128xi32, #tpu.memory_space<vmem>>
      %dma_start3A_132 = arith.constant 0 : i32
      %dma_start3A_133 = arith.constant 0 : i32
      %dma_start3A_134 = tpu.memref_slice %arg10[%dma_start3A_132, %dma_start3A_133] : memref<10240x128xf32, #tpu.memory_space<vmem_shared>> -> memref<10240x128xf32, #tpu.memory_space<vmem_shared>>
      tpu.enqueue_indirect_dma source(%dma_start3A_128 : memref<128x128xf32, #tpu.memory_space<vmem>>) target(%dma_start3A_134 : memref<10240x128xf32, #tpu.memory_space<vmem_shared>>) offsets(%dma_start3A_131 : memref<128xi32, #tpu.memory_space<vmem>>) semaphore(%run_scoped3A_124 : memref<!tpu.dma_semaphore, #tpu.memory_space<semaphore_mem>>) {add = true}
      %dma_wait3A_135 = arith.constant 0 : i32
      %dma_wait3A_136 = arith.constant 0 : i32
      %dma_wait3A_137 = tpu.memref_slice %arg9[%run_scoped3A_107, %dma_wait3A_135, %dma_wait3A_136] : memref<2x128x128xf32, #tpu.memory_space<vmem>> -> memref<1x128x128xf32, #tpu.memory_space<vmem>>
      %dma_wait3A_138 = tpu.memref_squeeze %dma_wait3A_137 : memref<1x128x128xf32, #tpu.memory_space<vmem>> -> memref<128x128xf32, #tpu.memory_space<vmem>>
      %dma_wait3A_139 = arith.constant 0 : i32
      %dma_wait3A_140 = tpu.memref_slice %arg8[%run_scoped3A_108, %dma_wait3A_139] : memref<40x128xi32, #tpu.memory_space<vmem>> -> memref<1x128xi32, #tpu.memory_space<vmem>>
      %dma_wait3A_141 = tpu.memref_squeeze %dma_wait3A_140 : memref<1x128xi32, #tpu.memory_space<vmem>> -> memref<128xi32, #tpu.memory_space<vmem>>
      %dma_wait3A_142 = arith.constant 0 : i32
      %dma_wait3A_143 = arith.constant 0 : i32
      %dma_wait3A_144 = tpu.memref_slice %arg10[%dma_wait3A_142, %dma_wait3A_143] : memref<10240x128xf32, #tpu.memory_space<vmem_shared>> -> memref<10240x128xf32, #tpu.memory_space<vmem_shared>>
      tpu.wait_indirect_dma semaphore(%run_scoped3A_124 : memref<!tpu.dma_semaphore, #tpu.memory_space<semaphore_mem>>) src(%dma_wait3A_138 : memref<128x128xf32, #tpu.memory_space<vmem>>) dst(%dma_wait3A_144 : memref<10240x128xf32, #tpu.memory_space<vmem_shared>>)
      tpu.yield
    }) : () -> ()
    %dma_wait3A_109 = arith.constant 0 : i32
    %dma_wait3A_110 = arith.constant 1 : i32
    %dma_wait3A_111 = arith.constant 0 : i32
    %dma_wait3A_112 = arith.constant 0 : i32
    %dma_wait3A_113 = tpu.memref_slice %arg9[%dma_wait3A_110, %dma_wait3A_111, %dma_wait3A_112] : memref<2x128x128xf32, #tpu.memory_space<vmem>> -> memref<1x128x128xf32, #tpu.memory_space<vmem>>
    %dma_wait3A_114 = tpu.memref_squeeze %dma_wait3A_113 : memref<1x128x128xf32, #tpu.memory_space<vmem>> -> memref<128x128xf32, #tpu.memory_space<vmem>>
    %dma_wait3A_115 = arith.constant 0 : i32
    %dma_wait3A_116 = tpu.memref_slice %arg7[%dma_wait3A_109, %dma_wait3A_115] : memref<40x128xi32, #tpu.memory_space<vmem>> -> memref<1x128xi32, #tpu.memory_space<vmem>>
    %dma_wait3A_117 = tpu.memref_squeeze %dma_wait3A_116 : memref<1x128xi32, #tpu.memory_space<vmem>> -> memref<128xi32, #tpu.memory_space<vmem>>
    %dma_wait3A_118 = arith.constant 0 : i32
    %dma_wait3A_119 = arith.constant 0 : i32
    %dma_wait3A_120 = tpu.memref_slice %arg2[%dma_wait3A_118, %dma_wait3A_119] : memref<10000x128xf32, #tpu.memory_space<hbm>> -> memref<10000x128xf32, #tpu.memory_space<hbm>>
    tpu.wait_indirect_dma semaphore(%arg12 : memref<!tpu.dma_semaphore, #tpu.memory_space<semaphore_mem>>) src(%dma_wait3A_120 : memref<10000x128xf32, #tpu.memory_space<hbm>>) dst(%dma_wait3A_114 : memref<128x128xf32, #tpu.memory_space<vmem>>)
    %run_scoped3A_121 = arith.constant 1 : i32
    %run_scoped3A_122 = arith.constant 39 : i32
    "tpu.region"() ({
      %run_scoped3A_124 = tpu.sem_alloc : memref<!tpu.dma_semaphore, #tpu.memory_space<semaphore_mem>>
      %dma_start3A_125 = arith.constant 0 : i32
      %dma_start3A_126 = arith.constant 0 : i32
      %dma_start3A_127 = tpu.memref_slice %arg9[%run_scoped3A_121, %dma_start3A_125, %dma_start3A_126] : memref<2x128x128xf32, #tpu.memory_space<vmem>> -> memref<1x128x128xf32, #tpu.memory_space<vmem>>
      %dma_start3A_128 = tpu.memref_squeeze %dma_start3A_127 : memref<1x128x128xf32, #tpu.memory_space<vmem>> -> memref<128x128xf32, #tpu.memory_space<vmem>>
      %dma_start3A_129 = arith.constant 0 : i32
      %dma_start3A_130 = tpu.memref_slice %arg8[%run_scoped3A_122, %dma_start3A_129] : memref<40x128xi32, #tpu.memory_space<vmem>> -> memref<1x128xi32, #tpu.memory_space<vmem>>
      %dma_start3A_131 = tpu.memref_squeeze %dma_start3A_130 : memref<1x128xi32, #tpu.memory_space<vmem>> -> memref<128xi32, #tpu.memory_space<vmem>>
      %dma_start3A_132 = arith.constant 0 : i32
      %dma_start3A_133 = arith.constant 0 : i32
      %dma_start3A_134 = tpu.memref_slice %arg10[%dma_start3A_132, %dma_start3A_133] : memref<10240x128xf32, #tpu.memory_space<vmem_shared>> -> memref<10240x128xf32, #tpu.memory_space<vmem_shared>>
      tpu.enqueue_indirect_dma source(%dma_start3A_128 : memref<128x128xf32, #tpu.memory_space<vmem>>) target(%dma_start3A_134 : memref<10240x128xf32, #tpu.memory_space<vmem_shared>>) offsets(%dma_start3A_131 : memref<128xi32, #tpu.memory_space<vmem>>) semaphore(%run_scoped3A_124 : memref<!tpu.dma_semaphore, #tpu.memory_space<semaphore_mem>>) {add = true}
      %dma_wait3A_135 = arith.constant 0 : i32
      %dma_wait3A_136 = arith.constant 0 : i32
      %dma_wait3A_137 = tpu.memref_slice %arg9[%run_scoped3A_121, %dma_wait3A_135, %dma_wait3A_136] : memref<2x128x128xf32, #tpu.memory_space<vmem>> -> memref<1x128x128xf32, #tpu.memory_space<vmem>>
      %dma_wait3A_138 = tpu.memref_squeeze %dma_wait3A_137 : memref<1x128x128xf32, #tpu.memory_space<vmem>> -> memref<128x128xf32, #tpu.memory_space<vmem>>
      %dma_wait3A_139 = arith.constant 0 : i32
      %dma_wait3A_140 = tpu.memref_slice %arg8[%run_scoped3A_122, %dma_wait3A_139] : memref<40x128xi32, #tpu.memory_space<vmem>> -> memref<1x128xi32, #tpu.memory_space<vmem>>
      %dma_wait3A_141 = tpu.memref_squeeze %dma_wait3A_140 : memref<1x128xi32, #tpu.memory_space<vmem>> -> memref<128xi32, #tpu.memory_space<vmem>>
      %dma_wait3A_142 = arith.constant 0 : i32
      %dma_wait3A_143 = arith.constant 0 : i32
      %dma_wait3A_144 = tpu.memref_slice %arg10[%dma_wait3A_142, %dma_wait3A_143] : memref<10240x128xf32, #tpu.memory_space<vmem_shared>> -> memref<10240x128xf32, #tpu.memory_space<vmem_shared>>
      tpu.wait_indirect_dma semaphore(%run_scoped3A_124 : memref<!tpu.dma_semaphore, #tpu.memory_space<semaphore_mem>>) src(%dma_wait3A_138 : memref<128x128xf32, #tpu.memory_space<vmem>>) dst(%dma_wait3A_144 : memref<10240x128xf32, #tpu.memory_space<vmem_shared>>)
      tpu.yield
    }) : () -> ()
    %barrier3A_123 = arith.constant 0 : index
    tpu.barrier barrier_id(%barrier3A_123)
    "tpu.region"() ({
      %run_scoped3A_124 = tpu.sem_alloc : memref<!tpu.dma_semaphore, #tpu.memory_space<semaphore_mem>>
      %dma_start3A_125 = arith.constant 0 : i32
      %dma_start3A_126 = tpu.memref_slice %arg6[%arg0, %mul3A_2, %dma_start3A_125] : memref<2x10240x128xf32, #tpu.memory_space<hbm>> -> memref<1x640x128xf32, #tpu.memory_space<hbm>>
      %dma_start3A_127 = tpu.memref_squeeze %dma_start3A_126 : memref<1x640x128xf32, #tpu.memory_space<hbm>> -> memref<640x128xf32, #tpu.memory_space<hbm>>
      %dma_start3A_128 = arith.constant 0 : i32
      %dma_start3A_129 = tpu.memref_slice %arg10[%mul3A_2, %dma_start3A_128] : memref<10240x128xf32, #tpu.memory_space<vmem_shared>> -> memref<640x128xf32, #tpu.memory_space<vmem_shared>>
      tpu.enqueue_dma source(%dma_start3A_129 : memref<640x128xf32, #tpu.memory_space<vmem_shared>>) target(%dma_start3A_127 : memref<640x128xf32, #tpu.memory_space<hbm>>) target_semaphore(%run_scoped3A_124 : memref<!tpu.dma_semaphore, #tpu.memory_space<semaphore_mem>>)
      %dma_wait3A_130 = arith.constant 0 : i32
      %dma_wait3A_131 = tpu.memref_slice %arg6[%arg0, %mul3A_2, %dma_wait3A_130] : memref<2x10240x128xf32, #tpu.memory_space<hbm>> -> memref<1x640x128xf32, #tpu.memory_space<hbm>>
      %dma_wait3A_132 = tpu.memref_squeeze %dma_wait3A_131 : memref<1x640x128xf32, #tpu.memory_space<hbm>> -> memref<640x128xf32, #tpu.memory_space<hbm>>
      %dma_wait3A_133 = arith.constant 0 : i32
      %dma_wait3A_134 = tpu.memref_slice %arg10[%mul3A_2, %dma_wait3A_133] : memref<10240x128xf32, #tpu.memory_space<vmem_shared>> -> memref<640x128xf32, #tpu.memory_space<vmem_shared>>
      tpu.wait_dma2 semaphore(%run_scoped3A_124 : memref<!tpu.dma_semaphore, #tpu.memory_space<semaphore_mem>>) src(%dma_wait3A_134 : memref<640x128xf32, #tpu.memory_space<vmem_shared>>) dst(%dma_wait3A_132 : memref<640x128xf32, #tpu.memory_space<hbm>>)
      tpu.yield
    }) : () -> ()
    return
  }
}

module attributes {stable_mosaic.version = 14 : i64} {
  func.func @_tc_prep_body(%arg0: i32, %arg1: memref<1000x128xf32, #tpu.memory_space<vmem>>, %arg2: memref<1000x128xf32, #tpu.memory_space<vmem>>, %arg3: memref<1000x128xf32, #tpu.memory_space<vmem>>, %arg4: memref<128x128xf32, #tpu.memory_space<vmem>>, %arg5: memref<1000x128xf32, #tpu.memory_space<vmem>>, %arg6: memref<1000x128xf32, #tpu.memory_space<vmem>>) attributes {dimension_semantics = [#tpu.dimension_semantics<arbitrary>], iteration_bounds = array<i64: 10>, scalar_prefetch = 0 : i64, scratch_operands = 0 : i64, tpu.core_type = #tpu.core_type<tc>, window_params = [{transform_indices = @transform_0, window_bounds = array<i64: 1000, 128>}, {transform_indices = @transform_1, window_bounds = array<i64: 1000, 128>}, {transform_indices = @transform_2, window_bounds = array<i64: 1000, 128>}, {pipeline_mode = #tpu.pipeline_mode<synchronous>, transform_indices = @transform_3, window_bounds = array<i64: 128, 128>}, {transform_indices = @transform_4, window_bounds = array<i64: 1000, 128>}, {transform_indices = @transform_5, window_bounds = array<i64: 1000, 128>}]} {
    %get3A = arith.constant 0 : index
    %get3A_0 = arith.constant 0 : index
    %get3A_1 = vector.load %arg1[%get3A, %get3A_0] : memref<1000x128xf32, #tpu.memory_space<vmem>>, vector<1000x128xf32>
    %get3A_2 = arith.constant 0 : index
    %get3A_3 = arith.constant 0 : index
    %get3A_4 = vector.load %arg2[%get3A_2, %get3A_3] : memref<1000x128xf32, #tpu.memory_space<vmem>>, vector<1000x128xf32>
    %add3A = arith.addf %get3A_1, %get3A_4 : vector<1000x128xf32>
    %add3A_5 = arith.constant 1.000000e+00 : f32
    %add3A_6 = vector.broadcast %add3A_5 : f32 to vector<1000x128xf32>
    %add3A_7 = arith.addf %add3A, %add3A_6 : vector<1000x128xf32>
    %rsqrt3A = math.rsqrt %add3A_7 : vector<1000x128xf32>
    %swap3A = arith.constant 0 : index
    %swap3A_8 = arith.constant 0 : index
    %swap3A_9 = vector.load %arg6[%swap3A, %swap3A_8] : memref<1000x128xf32, #tpu.memory_space<vmem>>, vector<1000x128xf32>
    tpu.vector_store %arg6[%swap3A, %swap3A_8], %rsqrt3A {strides = array<i32>} : memref<1000x128xf32, #tpu.memory_space<vmem>>, vector<1000x128xf32>,
    %get3A_10 = arith.constant 0 : index
    %get3A_11 = arith.constant 0 : index
    %get3A_12 = vector.load %arg3[%get3A_10, %get3A_11] : memref<1000x128xf32, #tpu.memory_space<vmem>>, vector<1000x128xf32>
    %get3A_13 = arith.constant 0 : index
    %get3A_14 = arith.constant 0 : index
    %get3A_15 = vector.load %arg4[%get3A_13, %get3A_14] : memref<128x128xf32, #tpu.memory_space<vmem>>, vector<128x128xf32>
    %dot_general3A = arith.constant dense<0.000000e+00> : vector<1000x128xf32>
    %dot_general3A_16 = tpu.matmul %get3A_12, %get3A_15, %dot_general3A {dimension_numbers = #tpu.dot_dimension_numbers<[1], [0], [0], [1], [0, 0, 1, 1], [], []>, precision = #tpu.contract_precision<fp32>, transpose_lhs_hint = false} : vector<1000x128xf32>, vector<128x128xf32>, vector<1000x128xf32> -> vector<1000x128xf32>
    %mul3A = arith.mulf %dot_general3A_16, %rsqrt3A : vector<1000x128xf32>
    %swap3A_17 = arith.constant 0 : index
    %swap3A_18 = arith.constant 0 : index
    %swap3A_19 = vector.load %arg5[%swap3A_17, %swap3A_18] : memref<1000x128xf32, #tpu.memory_space<vmem>>, vector<1000x128xf32>
    tpu.vector_store %arg5[%swap3A_17, %swap3A_18], %mul3A {strides = array<i32>} : memref<1000x128xf32, #tpu.memory_space<vmem>>, vector<1000x128xf32>,
    return
  }
  func.func @transform_0(%arg0: i32) -> (i32, i32) {
    %c0_i32 = arith.constant 0 : i32
    %c0_i32_0 = arith.constant 0 : i32
    return %arg0, %c0_i32 : i32, i32
  }
  func.func @transform_1(%arg0: i32) -> (i32, i32) {
    %c0_i32 = arith.constant 0 : i32
    %c0_i32_0 = arith.constant 0 : i32
    return %arg0, %c0_i32 : i32, i32
  }
  func.func @transform_2(%arg0: i32) -> (i32, i32) {
    %c0_i32 = arith.constant 0 : i32
    %c0_i32_0 = arith.constant 0 : i32
    return %arg0, %c0_i32 : i32, i32
  }
  func.func @transform_3(%arg0: i32) -> (i32, i32) {
    %c0_i32 = arith.constant 0 : i32
    %c0_i32_0 = arith.constant 0 : i32
    %c0_i32_1 = arith.constant 0 : i32
    return %c0_i32, %c0_i32_0 : i32, i32
  }
  func.func @transform_4(%arg0: i32) -> (i32, i32) {
    %c0_i32 = arith.constant 0 : i32
    %c0_i32_0 = arith.constant 0 : i32
    return %arg0, %c0_i32 : i32, i32
  }
  func.func @transform_5(%arg0: i32) -> (i32, i32) {
    %c0_i32 = arith.constant 0 : i32
    %c0_i32_0 = arith.constant 0 : i32
    return %arg0, %c0_i32 : i32, i32
  }
}

module attributes {stable_mosaic.version = 14 : i64} {
  func.func @_tc_layer_body(%arg0: i32, %arg1: i32, %arg2: memref<1000x128xf32, #tpu.memory_space<vmem>>, %arg3: memref<1000x128xf32, #tpu.memory_space<vmem>>, %arg4: memref<1000x128xf32, #tpu.memory_space<vmem>>, %arg5: memref<1000x128xf32, #tpu.memory_space<vmem>>, %arg6: memref<1x128xf32, #tpu.memory_space<vmem>>, %arg7: memref<1x128xf32, #tpu.memory_space<vmem>>, %arg8: memref<1x128xf32, #tpu.memory_space<vmem>>, %arg9: memref<128x128xf32, #tpu.memory_space<vmem>>, %arg10: memref<1000x128xf32, #tpu.memory_space<vmem>>, %arg11: memref<10000x128xf32, #tpu.memory_space<vmem>>, %arg12: memref<10000x128xf32, #tpu.memory_space<vmem>>, %arg13: memref<8x128xf32, #tpu.memory_space<vmem>>) attributes {dimension_semantics = [#tpu.dimension_semantics<arbitrary>, #tpu.dimension_semantics<arbitrary>], iteration_bounds = array<i64: 2, 10>, scalar_prefetch = 0 : i64, scratch_operands = 3 : i64, tpu.core_type = #tpu.core_type<tc>, window_params = [{transform_indices = @transform_0, window_bounds = array<i64: 1000, 128>}, {transform_indices = @transform_1, window_bounds = array<i64: 1000, 128>}, {transform_indices = @transform_2, window_bounds = array<i64: 1000, 128>}, {transform_indices = @transform_3, window_bounds = array<i64: 1000, 128>}, {pipeline_mode = #tpu.pipeline_mode<synchronous>, transform_indices = @transform_4, window_bounds = array<i64: 1, 128>}, {pipeline_mode = #tpu.pipeline_mode<synchronous>, transform_indices = @transform_5, window_bounds = array<i64: 1, 128>}, {pipeline_mode = #tpu.pipeline_mode<synchronous>, transform_indices = @transform_6, window_bounds = array<i64: 1, 128>}, {pipeline_mode = #tpu.pipeline_mode<synchronous>, transform_indices = @transform_7, window_bounds = array<i64: 128, 128>}, {transform_indices = @transform_8, window_bounds = array<i64: 1000, 128>}]} {
    %eq3A = arith.constant 0 : i32
    %eq3A_0 = arith.cmpi eq, %arg0, %eq3A : i32
    %convert_element_type3A = arith.extui %eq3A_0 : i1 to i32
    %cond3A = arith.constant 0 : i32
    %cond3A_1 = arith.cmpi ne, %convert_element_type3A, %cond3A : i32
    scf.if %cond3A_1 {
      %get3A = arith.constant 0 : index
      %get3A_7 = arith.constant 0 : index
      %get3A_8 = vector.load %arg2[%get3A, %get3A_7] : memref<1000x128xf32, #tpu.memory_space<vmem>>, vector<1000x128xf32>
      %get3A_9 = arith.constant 0 : index
      %get3A_10 = arith.constant 0 : index
      %get3A_11 = vector.load %arg3[%get3A_9, %get3A_10] : memref<1000x128xf32, #tpu.memory_space<vmem>>, vector<1000x128xf32>
      %add3A = arith.addf %get3A_8, %get3A_11 : vector<1000x128xf32>
      %get3A_12 = arith.constant 0 : index
      %get3A_13 = arith.constant 0 : index
      %get3A_14 = vector.load %arg4[%get3A_12, %get3A_13] : memref<1000x128xf32, #tpu.memory_space<vmem>>, vector<1000x128xf32>
      %add3A_15 = arith.addf %add3A, %get3A_14 : vector<1000x128xf32>
      %get3A_16 = arith.constant 0 : index
      %get3A_17 = arith.constant 0 : index
      %get3A_18 = vector.load %arg5[%get3A_16, %get3A_17] : memref<1000x128xf32, #tpu.memory_space<vmem>>, vector<1000x128xf32>
      %mul3A = arith.mulf %add3A_15, %get3A_18 : vector<1000x128xf32>
      %get3A_19 = arith.constant 0 : index
      %get3A_20 = arith.constant 0 : index
      %get3A_21 = vector.load %arg6[%get3A_19, %get3A_20] : memref<1x128xf32, #tpu.memory_space<vmem>>, vector<1x128xf32>
      %add3A_22 = vector.broadcast %get3A_21 : vector<1x128xf32> to vector<1000x128xf32>
      %add3A_23 = arith.addf %mul3A, %add3A_22 : vector<1000x128xf32>
      %mul3A_24 = arith.constant 1000 : i32
      %mul3A_25 = arith.muli %arg1, %mul3A_24 : i32
      %swap3A = arith.index_cast %mul3A_25 : i32 to index
      %swap3A_26 = arith.constant 0 : index
      %swap3A_27 = vector.load %arg11[%swap3A, %swap3A_26] : memref<10000x128xf32, #tpu.memory_space<vmem>>, vector<1000x128xf32>
      tpu.vector_store %arg11[%swap3A, %swap3A_26], %add3A_23 {strides = array<i32>} : memref<10000x128xf32, #tpu.memory_space<vmem>>, vector<1000x128xf32>,
      %get3A_28 = arith.constant 0 : index
      %get3A_29 = arith.constant 0 : index
      %get3A_30 = vector.load %arg5[%get3A_28, %get3A_29] : memref<1000x128xf32, #tpu.memory_space<vmem>>, vector<1000x128xf32>
      %mul3A_31 = arith.constant 1000 : i32
      %mul3A_32 = arith.muli %arg1, %mul3A_31 : i32
      %swap3A_33 = arith.index_cast %mul3A_32 : i32 to index
      %swap3A_34 = arith.constant 0 : index
      %swap3A_35 = vector.load %arg12[%swap3A_33, %swap3A_34] : memref<10000x128xf32, #tpu.memory_space<vmem>>, vector<1000x128xf32>
      tpu.vector_store %arg12[%swap3A_33, %swap3A_34], %get3A_30 {strides = array<i32>} : memref<10000x128xf32, #tpu.memory_space<vmem>>, vector<1000x128xf32>,
      %eq3A_36 = arith.constant 0 : i32
      %eq3A_37 = arith.cmpi eq, %arg1, %eq3A_36 : i32
      %convert_element_type3A_38 = arith.extui %eq3A_37 : i1 to i32
      %cond3A_39 = arith.constant 0 : i32
      %cond3A_40 = arith.cmpi ne, %convert_element_type3A_38, %cond3A_39 : i32
      scf.if %cond3A_40 {
        %broadcast_in_dim3A_60 = arith.constant 0.000000e+00 : f32
        %broadcast_in_dim3A_61 = vector.broadcast %broadcast_in_dim3A_60 : f32 to vector<8x128xf32>
        %swap3A_62 = arith.constant 0 : index
        %swap3A_63 = arith.constant 0 : index
        %swap3A_64 = vector.load %arg13[%swap3A_62, %swap3A_63] : memref<8x128xf32, #tpu.memory_space<vmem>>, vector<8x128xf32>
        tpu.vector_store %arg13[%swap3A_62, %swap3A_63], %broadcast_in_dim3A_61 {strides = array<i32>} : memref<8x128xf32, #tpu.memory_space<vmem>>, vector<8x128xf32>,
      } else {
      }
      %get3A_41 = arith.constant 0 : index
      %get3A_42 = arith.constant 0 : index
      %get3A_43 = vector.load %arg13[%get3A_41, %get3A_42] : memref<8x128xf32, #tpu.memory_space<vmem>>, vector<1x128xf32>
      %reduce_sum3A = arith.constant dense<0.000000e+00> : vector<128xf32>
      %reduce_sum3A_44 = vector.multi_reduction <add>, %add3A_23, %reduce_sum3A [0] : vector<1000x128xf32> to vector<128xf32>
      %broadcast_in_dim3A = vector.shape_cast %reduce_sum3A_44 : vector<128xf32> to vector<1x128xf32>
      %add3A_45 = arith.addf %get3A_43, %broadcast_in_dim3A : vector<1x128xf32>
      %swap3A_46 = arith.constant 0 : index
      %swap3A_47 = arith.constant 0 : index
      %swap3A_48 = vector.load %arg13[%swap3A_46, %swap3A_47] : memref<8x128xf32, #tpu.memory_space<vmem>>, vector<1x128xf32>
      tpu.vector_store %arg13[%swap3A_46, %swap3A_47], %add3A_45 {strides = array<i32>} : memref<8x128xf32, #tpu.memory_space<vmem>>, vector<1x128xf32>,
      %get3A_49 = arith.constant 1 : index
      %get3A_50 = arith.constant 0 : index
      %get3A_51 = vector.load %arg13[%get3A_49, %get3A_50] : memref<8x128xf32, #tpu.memory_space<vmem>>, vector<1x128xf32>
      %mul3A_52 = arith.mulf %add3A_23, %add3A_23 : vector<1000x128xf32>
      %reduce_sum3A_53 = arith.constant dense<0.000000e+00> : vector<128xf32>
      %reduce_sum3A_54 = vector.multi_reduction <add>, %mul3A_52, %reduce_sum3A_53 [0] : vector<1000x128xf32> to vector<128xf32>
      %broadcast_in_dim3A_55 = vector.shape_cast %reduce_sum3A_54 : vector<128xf32> to vector<1x128xf32>
      %add3A_56 = arith.addf %get3A_51, %broadcast_in_dim3A_55 : vector<1x128xf32>
      %swap3A_57 = arith.constant 1 : index
      %swap3A_58 = arith.constant 0 : index
      %swap3A_59 = vector.load %arg13[%swap3A_57, %swap3A_58] : memref<8x128xf32, #tpu.memory_space<vmem>>, vector<1x128xf32>
      tpu.vector_store %arg13[%swap3A_57, %swap3A_58], %add3A_56 {strides = array<i32>} : memref<8x128xf32, #tpu.memory_space<vmem>>, vector<1x128xf32>,
    } else {
    }
    %eq3A_2 = arith.constant 1 : i32
    %eq3A_3 = arith.cmpi eq, %arg0, %eq3A_2 : i32
    %convert_element_type3A_4 = arith.extui %eq3A_3 : i1 to i32
    %cond3A_5 = arith.constant 0 : i32
    %cond3A_6 = arith.cmpi ne, %convert_element_type3A_4, %cond3A_5 : i32
    scf.if %cond3A_6 {
      %get3A = arith.constant 0 : index
      %get3A_7 = arith.constant 0 : index
      %get3A_8 = vector.load %arg13[%get3A, %get3A_7] : memref<8x128xf32, #tpu.memory_space<vmem>>, vector<1x128xf32>
      %mul3A = arith.constant 9.99999974E-5 : f32
      %mul3A_9 = vector.broadcast %mul3A : f32 to vector<1x128xf32>
      %mul3A_10 = arith.mulf %get3A_8, %mul3A_9 : vector<1x128xf32>
      %get3A_11 = arith.constant 1 : index
      %get3A_12 = arith.constant 0 : index
      %get3A_13 = vector.load %arg13[%get3A_11, %get3A_12] : memref<8x128xf32, #tpu.memory_space<vmem>>, vector<1x128xf32>
      %mul3A_14 = arith.constant 9.99999974E-5 : f32
      %mul3A_15 = vector.broadcast %mul3A_14 : f32 to vector<1x128xf32>
      %mul3A_16 = arith.mulf %get3A_13, %mul3A_15 : vector<1x128xf32>
      %mul3A_17 = arith.mulf %mul3A_10, %mul3A_10 : vector<1x128xf32>
      %sub3A = arith.subf %mul3A_16, %mul3A_17 : vector<1x128xf32>
      %add3A = arith.constant 9.99999974E-6 : f32
      %add3A_18 = vector.broadcast %add3A : f32 to vector<1x128xf32>
      %add3A_19 = arith.addf %sub3A, %add3A_18 : vector<1x128xf32>
      %rsqrt3A = math.rsqrt %add3A_19 : vector<1x128xf32>
      %mul3A_20 = arith.constant 1000 : i32
      %mul3A_21 = arith.muli %arg1, %mul3A_20 : i32
      %get3A_22 = arith.index_cast %mul3A_21 : i32 to index
      %get3A_23 = arith.constant 0 : index
      %get3A_24 = vector.load %arg11[%get3A_22, %get3A_23] : memref<10000x128xf32, #tpu.memory_space<vmem>>, vector<1000x128xf32>
      %sub3A_25 = vector.broadcast %mul3A_10 : vector<1x128xf32> to vector<1000x128xf32>
      %sub3A_26 = arith.subf %get3A_24, %sub3A_25 : vector<1000x128xf32>
      %mul3A_27 = vector.broadcast %rsqrt3A : vector<1x128xf32> to vector<1000x128xf32>
      %mul3A_28 = arith.mulf %sub3A_26, %mul3A_27 : vector<1000x128xf32>
      %get3A_29 = arith.constant 0 : index
      %get3A_30 = arith.constant 0 : index
      %get3A_31 = vector.load %arg7[%get3A_29, %get3A_30] : memref<1x128xf32, #tpu.memory_space<vmem>>, vector<1x128xf32>
      %mul3A_32 = vector.broadcast %get3A_31 : vector<1x128xf32> to vector<1000x128xf32>
      %mul3A_33 = arith.mulf %mul3A_28, %mul3A_32 : vector<1000x128xf32>
      %get3A_34 = arith.constant 0 : index
      %get3A_35 = arith.constant 0 : index
      %get3A_36 = vector.load %arg8[%get3A_34, %get3A_35] : memref<1x128xf32, #tpu.memory_space<vmem>>, vector<1x128xf32>
      %add3A_37 = vector.broadcast %get3A_36 : vector<1x128xf32> to vector<1000x128xf32>
      %add3A_38 = arith.addf %mul3A_33, %add3A_37 : vector<1000x128xf32>
      %max3A = arith.constant 0.000000e+00 : f32
      %max3A_39 = vector.broadcast %max3A : f32 to vector<1000x128xf32>
      %max3A_40 = arith.maximumf %add3A_38, %max3A_39 : vector<1000x128xf32>
      %get3A_41 = arith.constant 0 : index
      %get3A_42 = arith.constant 0 : index
      %get3A_43 = vector.load %arg9[%get3A_41, %get3A_42] : memref<128x128xf32, #tpu.memory_space<vmem>>, vector<128x128xf32>
      %dot_general3A = arith.constant dense<0.000000e+00> : vector<1000x128xf32>
      %dot_general3A_44 = tpu.matmul %max3A_40, %get3A_43, %dot_general3A {dimension_numbers = #tpu.dot_dimension_numbers<[1], [0], [0], [1], [0, 0, 1, 1], [], []>, precision = #tpu.contract_precision<fp32>, transpose_lhs_hint = false} : vector<1000x128xf32>, vector<128x128xf32>, vector<1000x128xf32> -> vector<1000x128xf32>
      %mul3A_45 = arith.constant 1000 : i32
      %mul3A_46 = arith.muli %arg1, %mul3A_45 : i32
      %get3A_47 = arith.index_cast %mul3A_46 : i32 to index
      %get3A_48 = arith.constant 0 : index
      %get3A_49 = vector.load %arg12[%get3A_47, %get3A_48] : memref<10000x128xf32, #tpu.memory_space<vmem>>, vector<1000x128xf32>
      %mul3A_50 = arith.mulf %dot_general3A_44, %get3A_49 : vector<1000x128xf32>
      %swap3A = arith.constant 0 : index
      %swap3A_51 = arith.constant 0 : index
      %swap3A_52 = vector.load %arg10[%swap3A, %swap3A_51] : memref<1000x128xf32, #tpu.memory_space<vmem>>, vector<1000x128xf32>
      tpu.vector_store %arg10[%swap3A, %swap3A_51], %mul3A_50 {strides = array<i32>} : memref<1000x128xf32, #tpu.memory_space<vmem>>, vector<1000x128xf32>,
    } else {
    }
    return
  }
  func.func @transform_0(%arg0: i32, %arg1: i32) -> (i32, i32) {
    %sub3A = arith.constant 1 : i32
    %sub3A_0 = arith.subi %sub3A, %arg0 : i32
    %mul3A = arith.muli %arg1, %sub3A_0 : i32
    %c0_i32 = arith.constant 0 : i32
    %c0_i32_1 = arith.constant 0 : i32
    return %mul3A, %c0_i32 : i32, i32
  }
  func.func @transform_1(%arg0: i32, %arg1: i32) -> (i32, i32) {
    %sub3A = arith.constant 1 : i32
    %sub3A_0 = arith.subi %sub3A, %arg0 : i32
    %mul3A = arith.muli %arg1, %sub3A_0 : i32
    %c0_i32 = arith.constant 0 : i32
    %c0_i32_1 = arith.constant 0 : i32
    return %mul3A, %c0_i32 : i32, i32
  }
  func.func @transform_2(%arg0: i32, %arg1: i32) -> (i32, i32) {
    %sub3A = arith.constant 1 : i32
    %sub3A_0 = arith.subi %sub3A, %arg0 : i32
    %mul3A = arith.muli %arg1, %sub3A_0 : i32
    %c0_i32 = arith.constant 0 : i32
    %c0_i32_1 = arith.constant 0 : i32
    return %mul3A, %c0_i32 : i32, i32
  }
  func.func @transform_3(%arg0: i32, %arg1: i32) -> (i32, i32) {
    %sub3A = arith.constant 1 : i32
    %sub3A_0 = arith.subi %sub3A, %arg0 : i32
    %mul3A = arith.muli %arg1, %sub3A_0 : i32
    %c0_i32 = arith.constant 0 : i32
    %c0_i32_1 = arith.constant 0 : i32
    return %mul3A, %c0_i32 : i32, i32
  }
  func.func @transform_4(%arg0: i32, %arg1: i32) -> (i32, i32) {
    %c0_i32 = arith.constant 0 : i32
    %c0_i32_0 = arith.constant 0 : i32
    %c0_i32_1 = arith.constant 0 : i32
    return %c0_i32, %c0_i32_0 : i32, i32
  }
  func.func @transform_5(%arg0: i32, %arg1: i32) -> (i32, i32) {
    %c0_i32 = arith.constant 0 : i32
    %c0_i32_0 = arith.constant 0 : i32
    %c0_i32_1 = arith.constant 0 : i32
    return %c0_i32, %c0_i32_0 : i32, i32
  }
  func.func @transform_6(%arg0: i32, %arg1: i32) -> (i32, i32) {
    %c0_i32 = arith.constant 0 : i32
    %c0_i32_0 = arith.constant 0 : i32
    %c0_i32_1 = arith.constant 0 : i32
    return %c0_i32, %c0_i32_0 : i32, i32
  }
  func.func @transform_7(%arg0: i32, %arg1: i32) -> (i32, i32) {
    %c0_i32 = arith.constant 0 : i32
    %c0_i32_0 = arith.constant 0 : i32
    %c0_i32_1 = arith.constant 0 : i32
    return %c0_i32, %c0_i32_0 : i32, i32
  }
  func.func @transform_8(%arg0: i32, %arg1: i32) -> (i32, i32) {
    %mul3A = arith.muli %arg1, %arg0 : i32
    %c0_i32 = arith.constant 0 : i32
    %c0_i32_0 = arith.constant 0 : i32
    return %mul3A, %c0_i32 : i32, i32
  }
}

module attributes {stable_mosaic.version = 14 : i64} {
  func.func @_tc_layer_body(%arg0: i32, %arg1: i32, %arg2: memref<1000x128xf32, #tpu.memory_space<vmem>>, %arg3: memref<1000x128xf32, #tpu.memory_space<vmem>>, %arg4: memref<1000x128xf32, #tpu.memory_space<vmem>>, %arg5: memref<1000x128xf32, #tpu.memory_space<vmem>>, %arg6: memref<1x128xf32, #tpu.memory_space<vmem>>, %arg7: memref<1x128xf32, #tpu.memory_space<vmem>>, %arg8: memref<1x128xf32, #tpu.memory_space<vmem>>, %arg9: memref<128x128xf32, #tpu.memory_space<vmem>>, %arg10: memref<1000x128xf32, #tpu.memory_space<vmem>>, %arg11: memref<10000x128xf32, #tpu.memory_space<vmem>>, %arg12: memref<10000x128xf32, #tpu.memory_space<vmem>>, %arg13: memref<8x128xf32, #tpu.memory_space<vmem>>) attributes {dimension_semantics = [#tpu.dimension_semantics<arbitrary>, #tpu.dimension_semantics<arbitrary>], iteration_bounds = array<i64: 2, 10>, scalar_prefetch = 0 : i64, scratch_operands = 3 : i64, tpu.core_type = #tpu.core_type<tc>, window_params = [{transform_indices = @transform_0, window_bounds = array<i64: 1000, 128>}, {transform_indices = @transform_1, window_bounds = array<i64: 1000, 128>}, {transform_indices = @transform_2, window_bounds = array<i64: 1000, 128>}, {transform_indices = @transform_3, window_bounds = array<i64: 1000, 128>}, {pipeline_mode = #tpu.pipeline_mode<synchronous>, transform_indices = @transform_4, window_bounds = array<i64: 1, 128>}, {pipeline_mode = #tpu.pipeline_mode<synchronous>, transform_indices = @transform_5, window_bounds = array<i64: 1, 128>}, {pipeline_mode = #tpu.pipeline_mode<synchronous>, transform_indices = @transform_6, window_bounds = array<i64: 1, 128>}, {pipeline_mode = #tpu.pipeline_mode<synchronous>, transform_indices = @transform_7, window_bounds = array<i64: 128, 128>}, {transform_indices = @transform_8, window_bounds = array<i64: 1000, 128>}]} {
    %eq3A = arith.constant 0 : i32
    %eq3A_0 = arith.cmpi eq, %arg0, %eq3A : i32
    %convert_element_type3A = arith.extui %eq3A_0 : i1 to i32
    %cond3A = arith.constant 0 : i32
    %cond3A_1 = arith.cmpi ne, %convert_element_type3A, %cond3A : i32
    scf.if %cond3A_1 {
      %get3A = arith.constant 0 : index
      %get3A_7 = arith.constant 0 : index
      %get3A_8 = vector.load %arg2[%get3A, %get3A_7] : memref<1000x128xf32, #tpu.memory_space<vmem>>, vector<1000x128xf32>
      %get3A_9 = arith.constant 0 : index
      %get3A_10 = arith.constant 0 : index
      %get3A_11 = vector.load %arg3[%get3A_9, %get3A_10] : memref<1000x128xf32, #tpu.memory_space<vmem>>, vector<1000x128xf32>
      %add3A = arith.addf %get3A_8, %get3A_11 : vector<1000x128xf32>
      %get3A_12 = arith.constant 0 : index
      %get3A_13 = arith.constant 0 : index
      %get3A_14 = vector.load %arg4[%get3A_12, %get3A_13] : memref<1000x128xf32, #tpu.memory_space<vmem>>, vector<1000x128xf32>
      %add3A_15 = arith.addf %add3A, %get3A_14 : vector<1000x128xf32>
      %get3A_16 = arith.constant 0 : index
      %get3A_17 = arith.constant 0 : index
      %get3A_18 = vector.load %arg5[%get3A_16, %get3A_17] : memref<1000x128xf32, #tpu.memory_space<vmem>>, vector<1000x128xf32>
      %mul3A = arith.mulf %add3A_15, %get3A_18 : vector<1000x128xf32>
      %get3A_19 = arith.constant 0 : index
      %get3A_20 = arith.constant 0 : index
      %get3A_21 = vector.load %arg6[%get3A_19, %get3A_20] : memref<1x128xf32, #tpu.memory_space<vmem>>, vector<1x128xf32>
      %add3A_22 = vector.broadcast %get3A_21 : vector<1x128xf32> to vector<1000x128xf32>
      %add3A_23 = arith.addf %mul3A, %add3A_22 : vector<1000x128xf32>
      %mul3A_24 = arith.constant 1000 : i32
      %mul3A_25 = arith.muli %arg1, %mul3A_24 : i32
      %swap3A = arith.index_cast %mul3A_25 : i32 to index
      %swap3A_26 = arith.constant 0 : index
      %swap3A_27 = vector.load %arg11[%swap3A, %swap3A_26] : memref<10000x128xf32, #tpu.memory_space<vmem>>, vector<1000x128xf32>
      tpu.vector_store %arg11[%swap3A, %swap3A_26], %add3A_23 {strides = array<i32>} : memref<10000x128xf32, #tpu.memory_space<vmem>>, vector<1000x128xf32>,
      %get3A_28 = arith.constant 0 : index
      %get3A_29 = arith.constant 0 : index
      %get3A_30 = vector.load %arg5[%get3A_28, %get3A_29] : memref<1000x128xf32, #tpu.memory_space<vmem>>, vector<1000x128xf32>
      %mul3A_31 = arith.constant 1000 : i32
      %mul3A_32 = arith.muli %arg1, %mul3A_31 : i32
      %swap3A_33 = arith.index_cast %mul3A_32 : i32 to index
      %swap3A_34 = arith.constant 0 : index
      %swap3A_35 = vector.load %arg12[%swap3A_33, %swap3A_34] : memref<10000x128xf32, #tpu.memory_space<vmem>>, vector<1000x128xf32>
      tpu.vector_store %arg12[%swap3A_33, %swap3A_34], %get3A_30 {strides = array<i32>} : memref<10000x128xf32, #tpu.memory_space<vmem>>, vector<1000x128xf32>,
      %eq3A_36 = arith.constant 0 : i32
      %eq3A_37 = arith.cmpi eq, %arg1, %eq3A_36 : i32
      %convert_element_type3A_38 = arith.extui %eq3A_37 : i1 to i32
      %cond3A_39 = arith.constant 0 : i32
      %cond3A_40 = arith.cmpi ne, %convert_element_type3A_38, %cond3A_39 : i32
      scf.if %cond3A_40 {
        %broadcast_in_dim3A_60 = arith.constant 0.000000e+00 : f32
        %broadcast_in_dim3A_61 = vector.broadcast %broadcast_in_dim3A_60 : f32 to vector<8x128xf32>
        %swap3A_62 = arith.constant 0 : index
        %swap3A_63 = arith.constant 0 : index
        %swap3A_64 = vector.load %arg13[%swap3A_62, %swap3A_63] : memref<8x128xf32, #tpu.memory_space<vmem>>, vector<8x128xf32>
        tpu.vector_store %arg13[%swap3A_62, %swap3A_63], %broadcast_in_dim3A_61 {strides = array<i32>} : memref<8x128xf32, #tpu.memory_space<vmem>>, vector<8x128xf32>,
      } else {
      }
      %get3A_41 = arith.constant 0 : index
      %get3A_42 = arith.constant 0 : index
      %get3A_43 = vector.load %arg13[%get3A_41, %get3A_42] : memref<8x128xf32, #tpu.memory_space<vmem>>, vector<1x128xf32>
      %reduce_sum3A = arith.constant dense<0.000000e+00> : vector<128xf32>
      %reduce_sum3A_44 = vector.multi_reduction <add>, %add3A_23, %reduce_sum3A [0] : vector<1000x128xf32> to vector<128xf32>
      %broadcast_in_dim3A = vector.shape_cast %reduce_sum3A_44 : vector<128xf32> to vector<1x128xf32>
      %add3A_45 = arith.addf %get3A_43, %broadcast_in_dim3A : vector<1x128xf32>
      %swap3A_46 = arith.constant 0 : index
      %swap3A_47 = arith.constant 0 : index
      %swap3A_48 = vector.load %arg13[%swap3A_46, %swap3A_47] : memref<8x128xf32, #tpu.memory_space<vmem>>, vector<1x128xf32>
      tpu.vector_store %arg13[%swap3A_46, %swap3A_47], %add3A_45 {strides = array<i32>} : memref<8x128xf32, #tpu.memory_space<vmem>>, vector<1x128xf32>,
      %get3A_49 = arith.constant 1 : index
      %get3A_50 = arith.constant 0 : index
      %get3A_51 = vector.load %arg13[%get3A_49, %get3A_50] : memref<8x128xf32, #tpu.memory_space<vmem>>, vector<1x128xf32>
      %mul3A_52 = arith.mulf %add3A_23, %add3A_23 : vector<1000x128xf32>
      %reduce_sum3A_53 = arith.constant dense<0.000000e+00> : vector<128xf32>
      %reduce_sum3A_54 = vector.multi_reduction <add>, %mul3A_52, %reduce_sum3A_53 [0] : vector<1000x128xf32> to vector<128xf32>
      %broadcast_in_dim3A_55 = vector.shape_cast %reduce_sum3A_54 : vector<128xf32> to vector<1x128xf32>
      %add3A_56 = arith.addf %get3A_51, %broadcast_in_dim3A_55 : vector<1x128xf32>
      %swap3A_57 = arith.constant 1 : index
      %swap3A_58 = arith.constant 0 : index
      %swap3A_59 = vector.load %arg13[%swap3A_57, %swap3A_58] : memref<8x128xf32, #tpu.memory_space<vmem>>, vector<1x128xf32>
      tpu.vector_store %arg13[%swap3A_57, %swap3A_58], %add3A_56 {strides = array<i32>} : memref<8x128xf32, #tpu.memory_space<vmem>>, vector<1x128xf32>,
    } else {
    }
    %eq3A_2 = arith.constant 1 : i32
    %eq3A_3 = arith.cmpi eq, %arg0, %eq3A_2 : i32
    %convert_element_type3A_4 = arith.extui %eq3A_3 : i1 to i32
    %cond3A_5 = arith.constant 0 : i32
    %cond3A_6 = arith.cmpi ne, %convert_element_type3A_4, %cond3A_5 : i32
    scf.if %cond3A_6 {
      %get3A = arith.constant 0 : index
      %get3A_7 = arith.constant 0 : index
      %get3A_8 = vector.load %arg13[%get3A, %get3A_7] : memref<8x128xf32, #tpu.memory_space<vmem>>, vector<1x128xf32>
      %mul3A = arith.constant 9.99999974E-5 : f32
      %mul3A_9 = vector.broadcast %mul3A : f32 to vector<1x128xf32>
      %mul3A_10 = arith.mulf %get3A_8, %mul3A_9 : vector<1x128xf32>
      %get3A_11 = arith.constant 1 : index
      %get3A_12 = arith.constant 0 : index
      %get3A_13 = vector.load %arg13[%get3A_11, %get3A_12] : memref<8x128xf32, #tpu.memory_space<vmem>>, vector<1x128xf32>
      %mul3A_14 = arith.constant 9.99999974E-5 : f32
      %mul3A_15 = vector.broadcast %mul3A_14 : f32 to vector<1x128xf32>
      %mul3A_16 = arith.mulf %get3A_13, %mul3A_15 : vector<1x128xf32>
      %mul3A_17 = arith.mulf %mul3A_10, %mul3A_10 : vector<1x128xf32>
      %sub3A = arith.subf %mul3A_16, %mul3A_17 : vector<1x128xf32>
      %add3A = arith.constant 9.99999974E-6 : f32
      %add3A_18 = vector.broadcast %add3A : f32 to vector<1x128xf32>
      %add3A_19 = arith.addf %sub3A, %add3A_18 : vector<1x128xf32>
      %rsqrt3A = math.rsqrt %add3A_19 : vector<1x128xf32>
      %mul3A_20 = arith.constant 1000 : i32
      %mul3A_21 = arith.muli %arg1, %mul3A_20 : i32
      %get3A_22 = arith.index_cast %mul3A_21 : i32 to index
      %get3A_23 = arith.constant 0 : index
      %get3A_24 = vector.load %arg11[%get3A_22, %get3A_23] : memref<10000x128xf32, #tpu.memory_space<vmem>>, vector<1000x128xf32>
      %sub3A_25 = vector.broadcast %mul3A_10 : vector<1x128xf32> to vector<1000x128xf32>
      %sub3A_26 = arith.subf %get3A_24, %sub3A_25 : vector<1000x128xf32>
      %mul3A_27 = vector.broadcast %rsqrt3A : vector<1x128xf32> to vector<1000x128xf32>
      %mul3A_28 = arith.mulf %sub3A_26, %mul3A_27 : vector<1000x128xf32>
      %get3A_29 = arith.constant 0 : index
      %get3A_30 = arith.constant 0 : index
      %get3A_31 = vector.load %arg7[%get3A_29, %get3A_30] : memref<1x128xf32, #tpu.memory_space<vmem>>, vector<1x128xf32>
      %mul3A_32 = vector.broadcast %get3A_31 : vector<1x128xf32> to vector<1000x128xf32>
      %mul3A_33 = arith.mulf %mul3A_28, %mul3A_32 : vector<1000x128xf32>
      %get3A_34 = arith.constant 0 : index
      %get3A_35 = arith.constant 0 : index
      %get3A_36 = vector.load %arg8[%get3A_34, %get3A_35] : memref<1x128xf32, #tpu.memory_space<vmem>>, vector<1x128xf32>
      %add3A_37 = vector.broadcast %get3A_36 : vector<1x128xf32> to vector<1000x128xf32>
      %add3A_38 = arith.addf %mul3A_33, %add3A_37 : vector<1000x128xf32>
      %max3A = arith.constant 0.000000e+00 : f32
      %max3A_39 = vector.broadcast %max3A : f32 to vector<1000x128xf32>
      %max3A_40 = arith.maximumf %add3A_38, %max3A_39 : vector<1000x128xf32>
      %swap3A = arith.constant 0 : index
      %swap3A_41 = arith.constant 0 : index
      %swap3A_42 = vector.load %arg10[%swap3A, %swap3A_41] : memref<1000x128xf32, #tpu.memory_space<vmem>>, vector<1000x128xf32>
      tpu.vector_store %arg10[%swap3A, %swap3A_41], %max3A_40 {strides = array<i32>} : memref<1000x128xf32, #tpu.memory_space<vmem>>, vector<1000x128xf32>,
    } else {
    }
    return
  }
  func.func @transform_0(%arg0: i32, %arg1: i32) -> (i32, i32) {
    %sub3A = arith.constant 1 : i32
    %sub3A_0 = arith.subi %sub3A, %arg0 : i32
    %mul3A = arith.muli %arg1, %sub3A_0 : i32
    %c0_i32 = arith.constant 0 : i32
    %c0_i32_1 = arith.constant 0 : i32
    return %mul3A, %c0_i32 : i32, i32
  }
  func.func @transform_1(%arg0: i32, %arg1: i32) -> (i32, i32) {
    %sub3A = arith.constant 1 : i32
    %sub3A_0 = arith.subi %sub3A, %arg0 : i32
    %mul3A = arith.muli %arg1, %sub3A_0 : i32
    %c0_i32 = arith.constant 0 : i32
    %c0_i32_1 = arith.constant 0 : i32
    return %mul3A, %c0_i32 : i32, i32
  }
  func.func @transform_2(%arg0: i32, %arg1: i32) -> (i32, i32) {
    %sub3A = arith.constant 1 : i32
    %sub3A_0 = arith.subi %sub3A, %arg0 : i32
    %mul3A = arith.muli %arg1, %sub3A_0 : i32
    %c0_i32 = arith.constant 0 : i32
    %c0_i32_1 = arith.constant 0 : i32
    return %mul3A, %c0_i32 : i32, i32
  }
  func.func @transform_3(%arg0: i32, %arg1: i32) -> (i32, i32) {
    %sub3A = arith.constant 1 : i32
    %sub3A_0 = arith.subi %sub3A, %arg0 : i32
    %mul3A = arith.muli %arg1, %sub3A_0 : i32
    %c0_i32 = arith.constant 0 : i32
    %c0_i32_1 = arith.constant 0 : i32
    return %mul3A, %c0_i32 : i32, i32
  }
  func.func @transform_4(%arg0: i32, %arg1: i32) -> (i32, i32) {
    %c0_i32 = arith.constant 0 : i32
    %c0_i32_0 = arith.constant 0 : i32
    %c0_i32_1 = arith.constant 0 : i32
    return %c0_i32, %c0_i32_0 : i32, i32
  }
  func.func @transform_5(%arg0: i32, %arg1: i32) -> (i32, i32) {
    %c0_i32 = arith.constant 0 : i32
    %c0_i32_0 = arith.constant 0 : i32
    %c0_i32_1 = arith.constant 0 : i32
    return %c0_i32, %c0_i32_0 : i32, i32
  }
  func.func @transform_6(%arg0: i32, %arg1: i32) -> (i32, i32) {
    %c0_i32 = arith.constant 0 : i32
    %c0_i32_0 = arith.constant 0 : i32
    %c0_i32_1 = arith.constant 0 : i32
    return %c0_i32, %c0_i32_0 : i32, i32
  }
  func.func @transform_7(%arg0: i32, %arg1: i32) -> (i32, i32) {
    %c0_i32 = arith.constant 0 : i32
    %c0_i32_0 = arith.constant 0 : i32
    %c0_i32_1 = arith.constant 0 : i32
    return %c0_i32, %c0_i32_0 : i32, i32
  }
  func.func @transform_8(%arg0: i32, %arg1: i32) -> (i32, i32) {
    %mul3A = arith.muli %arg1, %arg0 : i32
    %c0_i32 = arith.constant 0 : i32
    %c0_i32_0 = arith.constant 0 : i32
    return %mul3A, %c0_i32 : i32, i32
  }
}

</mosaic_0001>

<sc_bundles>
// kernel: kernel.10.cloned.1.call-start
scs
__scs_entry_jumppad:
0x0: {  	(pc) =	sbr.rel $0x88, $3  }
0x1: {  	(tag) =	ssettag $0x0;
	lr =	simm.s32 $0x1  }
0x2: {  	[smem:$0x3F93] =	sst lr;
	_ =	strace $0xD0000000  }
0x3: {  	_ = 	snop  }
0x4: {  	_ = 	snop  }
0x5: {  	_ = 	snop  }
0x6: {  	_ = 	snop  }
0x7: {  	_ = 	snop  }
__scs_overlays_trampoline_lowered:
0x8: {  	[smem:$0x3FA2] =	sst s0  }
0x9: {  	[smem:$0x3FA3] =	sst s1  }
0xa: {  	[smem:$0x3FA4] =	sst s2  }
0xb: {  	[smem:$0x3FA5] =	sst s3  }
0xc: {  	[smem:$0x3FA6] =	sst s4  }
0xd: {  	[smem:$0x3FA7] =	sst s5  }
0xe: {  	[smem:$0x3FA8] =	sst s6  }
0xf: {  	[smem:$0x3FA9] =	sst s7  }
0x10: {  	[smem:$0x3FAA] =	sst s8  }
0x11: {  	[smem:$0x3FAB] =	sst s9;
	s0 =	simm.s32 @!p0 $0x0  }
0x12: {  	s1 =	sld [smem:$0x3F91];
	s0 =	simm.s32 @p0 $0x1  }
0x13: {  	[smem:$0x3FAC] =	sst s0;
	s0 =	simm.s32 @!p1 $0x0  }
0x14: {  	s2 =	sld [smem:$0x3F90];
	s0 =	simm.s32 @p1 $0x1  }
0x15: {  	[smem:$0x3FAD] =	sst s0;
	s0 =	simm.s32 @!p2 $0x0  }
0x16: {  	s3 =	sld [smem:$0x3FDB];
	s0 =	simm.s32 @p2 $0x1  }
0x17: {  	s4 =	simm.s32 $0x1BF5;
	[smem:$0x3FAF] =	sst s0  }
0x18: {  	s0 =	sld [smem:$0x3F92];
	_ =	swait.ge [sflag:s4], $0x0  }
0x19: {  	s7 =	sld [smem:$0x3F93]  }
0x1a: {  	s8 =	sadd.s32 $0xFFFFE003, lr  }
0x1b: {  	s9 =	sadd.s32 $0xFFFFFEF7, lr;
	s5 =	simm.s32 $0xFFFFFFFF;
	p2 =	slt.u32 s8, $0xFFFFF086  }
0x1c: {  	p1 =	slt.u32 s9, $0xF7A;
	s5 =	simm.s32 @!p2 $0x0  }
0x1d: {  	s5 =	simm.s32 @p1 $0x1;
	p0 =	seq.s32 s7, s2  }
0x1e: {  	s7 =	smul.u32 @!p0 $0xF7A, s2;
	p2 =	seq.s32 @!p0 s5, $0x0  }
0x1f: {  	s9 =	smul.u32 $0xF7A, s1;
	s8 =	simm.s32 @!p0 $0x1BF5;
	p2 =	por !p2, p0  }
0x20: {  	[sflag:s8] =	ssyncset.s32 @!p0 $0xFFFFF086;
	s6 =	sadd.s32 @!p0 s3, s7;
	s7 =	simm.s32 @!p0 $0x108  }
0x21: {  	s3 =	sadd.s32 s3, s9;
	s6 =	sadd.s32 @!p0 $0x88, s6;
	s7 =	simm.s32 @p2 $0x1082  }
0x22: {  	[simem:s7], [sflag:s8] =	dma.local @!p0 [hbm:s6], $0xF7A  }
0x23: {  	s9 =	sor.u32 $0xD0000000, s2;
	s6 =	simm.s32 $0x108;
	_ =	swait.ge @!p0 [sflag:s8], $0x0  }
0x24: {  	s3 =	sadd.s32 $0x88, s3;
	s6 =	simm.s32 @!p1 $0x1082;
	[sflag:s4] =	ssyncset.s32 $0xFFFFF086  }
0x25: {  	[simem:s6], [sflag:s4] =	dma.local [hbm:s3], $0xF7A  }
0x26: {  	[smem:$0x3F93] =	sst s1;
	(tag) =	ssettag s2;
	_ =	strace s9  }
0x27: {  	s1 =	sld [smem:$0x3FA3]  }
0x28: {  	s2 =	sld [smem:$0x3FA4]  }
0x29: {  	s4 =	sld [smem:$0x3FA6]  }
0x2a: {  	p0 =	seq.s32 s5, $0x0;
	s5 =	sld [smem:$0x3FA7]  }
0x2b: {  	s6 =	sld [smem:$0x3FA8]  }
0x2c: {  	s7 =	sld [smem:$0x3FA9]  }
0x2d: {  	s3 =	simm.s32 $0x108;
	s8 =	sld [smem:$0x3FAA]  }
0x2e: {  	s3 =	simm.s32 @!p0 $0x1082;
	s9 =	sld [smem:$0x3FAB]  }
0x2f: {  	lr =	sadd.s32 s0, s3;
	s0 =	sld [smem:$0x3FA2]  }
0x30: {  	s3 =	sld [smem:$0x3FA5]  }
0x31: {  	[smem:$0x3FAE] =	sst s10  }
0x32: {  	s10 =	sld [smem:$0x3FAC];
	_ =	sdelay $0x3  }
0x33: {  	p0 =	seq.s32 s10, $0x1;
	s10 =	sld [smem:$0x3FAE];
	_ =	sdelay $0x3  }
0x34: {  	[smem:$0x3FAE] =	sst s10  }
0x35: {  	s10 =	sld [smem:$0x3FAD];
	_ =	sdelay $0x3  }
0x36: {  	p1 =	seq.s32 s10, $0x1;
	s10 =	sld [smem:$0x3FAE];
	_ =	sdelay $0x3  }
0x37: {  	[smem:$0x3FAE] =	sst s10  }
0x38: {  	s10 =	sld [smem:$0x3FAF]  }
0x39: {  	_ = 	snop;
	(pc) =	sbr.ind lr, $3  }
0x3a: {  	_ = 	snop  }
0x3b: {  	_ = 	snop  }
0x3c: {  	p2 =	seq.s32 s10, $0x1;
	s10 =	sld [smem:$0x3FAE]  }
0x3d: {  	_ =	shalt  }
0x3e: {  	_ =	shalt  }
0x3f: {  	_ =	shalt  }
0x40: {  	_ =	shalt  }
0x41: {  	_ =	shalt  }
0x42: {  	_ =	shalt  }
0x43: {  	_ =	shalt  }
0x44: {  	_ =	shalt  }
0x45: {  	_ =	shalt  }
0x46: {  	_ =	shalt  }
0x47: {  	_ =	shalt  }
0x48: {  	_ =	shalt  }
0x49: {  	_ =	shalt  }
0x4a: {  	_ =	shalt  }
0x4b: {  	_ =	shalt  }
0x4c: {  	_ =	shalt  }
0x4d: {  	_ =	shalt  }
0x4e: {  	_ =	shalt  }
0x4f: {  	_ =	shalt  }
0x50: {  	_ =	shalt  }
0x51: {  	_ =	shalt  }
0x52: {  	_ =	shalt  }
0x53: {  	_ =	shalt  }
0x54: {  	_ =	shalt  }
0x55: {  	_ =	shalt  }
0x56: {  	_ =	shalt  }
0x57: {  	_ =	shalt  }
0x58: {  	_ =	shalt  }
0x59: {  	_ =	shalt  }
0x5a: {  	_ =	shalt  }
0x5b: {  	_ =	shalt  }
0x5c: {  	_ =	shalt  }
0x5d: {  	_ =	shalt  }
0x5e: {  	_ =	shalt  }
0x5f: {  	_ =	shalt  }
0x60: {  	_ =	shalt  }
0x61: {  	_ =	shalt  }
0x62: {  	_ =	shalt  }
0x63: {  	_ =	shalt  }
0x64: {  	_ =	shalt  }
0x65: {  	_ =	shalt  }
0x66: {  	_ =	shalt  }
0x67: {  	_ =	shalt  }
0x68: {  	_ =	shalt  }
0x69: {  	_ =	shalt  }
0x6a: {  	_ =	shalt  }
0x6b: {  	_ =	shalt  }
0x6c: {  	_ =	shalt  }
0x6d: {  	_ =	shalt  }
0x6e: {  	_ =	shalt  }
0x6f: {  	_ =	shalt  }
0x70: {  	_ =	shalt  }
0x71: {  	_ =	shalt  }
0x72: {  	_ =	shalt  }
0x73: {  	_ =	shalt  }
0x74: {  	_ =	shalt  }
0x75: {  	_ =	shalt  }
0x76: {  	_ =	shalt  }
0x77: {  	_ =	shalt  }
0x78: {  	_ =	shalt  }
0x79: {  	_ =	shalt  }
0x7a: {  	_ =	shalt  }
0x7b: {  	_ =	shalt  }
0x7c: {  	_ =	shalt  }
0x7d: {  	_ =	shalt  }
0x7e: {  	_ =	shalt  }
0x7f: {  	_ =	shalt  }
0x80: {  	_ =	shalt  }
0x81: {  	_ =	shalt  }
0x82: {  	_ =	shalt  }
0x83: {  	_ =	shalt  }
0x84: {  	_ =	shalt  }
0x85: {  	_ =	shalt  }
0x86: {  	_ =	shalt  }
0x87: {  	_ =	shalt  }
.Lfunc_end0:
.L_simem_size_0:
called_computation_lowered:
.L_overlay_start_0:
0x88: {  	s2 =	sld [smem:$0x3FD9]  }
0x89: {  	s3 =	sld [smem:$0x3FFE];
	_ =	sdelay $0x1  }
0x8a: {  	s1 =	srdreg.scid  }
0x8b: {  	s0 =	sand.u32 $0x1, s1  }
0x8c: {  	s17 =	sshll.u32 s0, $0xA;
	s2 =	sadd.s32 s3, s2  }
0x8d: {  	s2 =	sadd.s32 s2, s17  }
0x8e: {  	[smem:$0x3FBA] =	sst s2  }
0x8f: {  	_ = 	snop  }
0x90: {  	s2 =	sld [smem:$0x3FD0];
	(tm) =	ssettm $0x1  }
0x91: {  	s18 =	sld [smem:$0x3FFB];
	_ =	sdelay $0x3  }
0x92: {  	_ =	strace s18  }
0x93: {  	s3 =	sld [smem:$0x3FFC];
	_ =	sdelay $0x3  }
0x94: {  	_ =	strace s3  }
0x95: {  	s3 =	sld [smem:$0x3FFD];
	_ =	sdelay $0x3  }
0x96: {  	_ =	strace s3  }
0x97: {  	_ =	strace $0x8FFFFFFF  }
0x98: {  	s19 =	sld [smem:$0x3FDB];
	_ =	sdelay $0x1  }
0x99: {  	s4 =	simm.s32 $_scs_section_size  }
0x9a: {  	s5 =	simm.s32 $_size__tile_overlayer_lowered;
	s6 =	simm.s32 $_tile_overlayer_lowered  }
0x9b: {  	s22 =	simm.s32 $0x1BFF;
	s21 =	sshll.u32 s6, $0x1;
	s3 =	sadd.s32 s4, s19  }
0x9c: {  	s7 =	simm.s32 $0x0;
	s20 =	sshll.u32 s5, $0x1;
	s5 =	sadd.s32 s21, s3  }
0x9d: {  	[timem:s7], [sflag:s22] =	dma.local [hbm:s5], s20  }
0x9e: {  	_ =	swait.ge [sflag:s22], s20  }
0x9f: {  	s4 =	ssub.s32 $0x0, s20;
	[sflag:s22] =	ssyncset.done $0x0  }
0xa0: {  	[sflag:s22] =	ssyncadd.s32 s4;
	_ =	sdelay $0x1  }
0xa1: {  	s23 =	simm.s32 $0x1B8B  }
0xa2: {  	_ =	swait.ge [sflag:s23], $0x1  }
0xa3: {  	[sflag:s23] =	ssyncset.done $0x0  }
0xa4: {  	s25 =	simm.s32 $0x1B8E;
	s24 =	sld [smem:$0x3FFE];
	[sflag:s23] =	ssyncadd.s32 $0xFFFFFFFF  }
0xa5: {  	s26 =	simm.s32 $execute0_lowered;
	[smem:$0x3FD2] =	sst s25  }
0xa6: {  	s5 =	sshll.u32 s26, $0x1;
	_ =	strace $0x80000046;
	[dreg:$0x1] =	wrdreg $0xFFFFFFFF  }
0xa7: {  	s28 =	simm.s32 $_size_execute0_lowered;
	s3 =	sadd.s32 s3, s5;
	[dreg:$0x0] =	wrdreg $0x0  }
0xa8: {  	s5 =	sshll.u32 s28, $0x1;
	[dreg:$0x2] =	wrdreg s3  }
0xa9: {  	[dreg:$0x3] =	wrdreg s5  }
0xaa: {  	[dreg:$0x4] =	wrdreg $0xC0  }
0xab: {  	_ =	task [dreg:s7], $0x5FFFF  }
0xac: {  	[dreg:$0x1] =	wrdreg $0xFFFFFFFF  }
0xad: {  	[dreg:$0x0] =	wrdreg $0x60  }
0xae: {  	[dreg:$0x2] =	wrdreg s2  }
0xaf: {  	[dreg:$0x3] =	wrdreg s24  }
0xb0: {  	[dreg:$0x4] =	wrdreg $0x54000  }
0xb1: {  	[dreg:$0x5] =	wrdreg $0x9  }
0xb2: {  	_ =	task.clear_ibuf [dreg:s7], $0x6FFFF;
	_ =	strace $0x90000046  }
0xb3: {  	s29 =	simm.s32 $0x9;
	_ =	strace $0x80000048  }
0xb4: {  	_ =	swait.ge [sflag:s29], $0x1  }
0xb5: {  	[sflag:s29] =	ssyncadd.s32 $0xFFFFFFFF  }
0xb6: {  	_ =	strace $0x90000048  }
0xb7: {  	_ =	sfence  }
0xb8: {  	s30 =	sld [smem:$0x0];
	_ =	sdelay $0x2  }
0xb9: {  	s31 =	sshll.u32 s1, $0xD;
	s1 =	sshrl.u32 s1, $0x2  }
0xba: {  	s3 =	sand.u32 $0x4000, s31;
	s1 =	sadd.s32 s1, s30  }
0xbb: {  	s0 =	sor.u32 s3, s0;
	s1 =	sshll.u32 s1, $0x11  }
0xbc: {  	s0 =	sor.u32 s1, s0  }
0xbd: {  	s0 =	sadd.s32 $0x8F2B, s0  }
0xbe: {  	[sflag:s0] =	ssyncadd.remote.s32 $0x1  }
0xbf: {  	_ =	sfence.sel $0xFFFF  }
0xc0: {  	[dreg:$0x0] =	wrdreg $0xFFFFFFFF;
	(pc) =	sbr.abs _section_cstart, $3  }
0xc1: {  	[dreg:$0x1] =	wrdreg $0xFFFFFFFF  }
0xc2: {  	_ =	task.clear_ibuf [dreg:s7], $0x2FFFF;
	_ =	strace $0x9FFFFFFF  }
0xc3: {  	(tm) =	ssettm $0x7FFFFFFF  }
tec
execute0_lowered:
.L_overlay_start_1:
0x0: {  	(tag) =	ssettag $0x1  }
0x1: {  	s0 =	rddreg [dreg:$0x1]  }
0x2: {  	s2 =	rddreg [dreg:$0x2]  }
0x3: {  	s1 =	srdreg.scid;
	s4 =	simm.s32 $0x0;
	s9 =	stileid.u32  }
0x4: {  	s10 =	simm.s32 $0x1400;
	s11 =	simm.s32 $0x2;
	s14 =	simm.s32 $0x80  }
0x5: {  	s15 =	simm.s32 $0xD00;
	s16 =	simm.s32 $0xD80;
	s17 =	simm.s32 $0xE00  }
0x6: {  	s18 =	simm.s32 $0xE80;
	s19 =	simm.s32 $0xF00;
	s28 =	simm.s32 $0x1300  }
0x7: {  	s29 =	simm.s32 $0x1380;
	s30 =	simm.s32 $0x1;
	s31 =	simm.s32 $0x0  }
0x8: {  	s1 =	sand.u32 $0x1, s1;
	[smem:$0x7FF] =	sst s4;
	s5 =	smul.u32 $0x14000, s9  }
0x9: {  	s7 =	sadd.s32 $0x4C00, s0;
	s21 =	sadd.s32 $0x18C00, s0;
	s23 =	smul.u32 $0x50000, s9  }
0xa: {  	s26 =	sshll.u32 s9, $0x6;
	s3 =	smul.u32 $0x140000, s1;
	_ =	strace $0x80000047  }
0xb: {  	s6 =	sshll.u32 s1, $0x4;
	[dreg:$0x4] =	wrdreg s21;
	s1 =	ssub.s32 $0x2, s1  }
0xc: {  	s12 =	sor.u32 $0x1C02, s26;
	s21 =	simm.s32 $0x1000;
	s20 =	sor.u32 s9, s6  }
0xd: {  	s26 =	simm.s32 $0x1280;
	s8 =	sshrl.u32 s1, $0x1;
	s22 =	smul.u32 $0x2800, s20  }
0xe: {  	s9 =	simm.s32 $0xC80;
	s3 =	sadd.s32 s5, s3;
	s5 =	smul.u32 $0x500, s20  }
0xf: {  	s1 =	ssub.s32 s1, s8;
	s8 =	simm.s32 $0xC00;
	s20 =	simm.s32 $0xF80  }
0x10: {  	s3 =	sshrl.u32 s3, $0x3;
	s25 =	smax.u32 s1, $0x1;
	s1 =	simm.s32 $0xA00  }
0x11: {  	s0 =	sadd.s32 s3, s0;
	s6 =	sshrl.u32 s22, $0x3;
	s3 =	sshrl.u32 s23, $0x2  }
0x12: {  	s5 =	sadd.s32 s7, s5;
	[dreg:$0x8] =	wrdreg s25;
	s22 =	simm.s32 $0x1080  }
0x13: {  	s23 =	simm.s32 $0x1100;
	s25 =	simm.s32 $0x1200;
	s6 =	sadd.s32 s7, s6  }
0x14: {  	s3 =	sadd.s32 s3, s2;
	[dreg:$0x5] =	wrdreg s5;
	s0 =	sadd.s32 $0x1B400, s0  }
0x15: {  	s5 =	simm.s32 $0xA80;
	s7 =	simm.s32 $0xB80;
	s24 =	sadd.s32 $0x280, s6  }
0x16: {  	[dreg:$0x7] =	wrdreg s0;
	s13 =	sshrl.u32 s3, $0x3;
	s3 =	simm.s32 $0x980  }
0x17: {  	s6 =	simm.s32 $0xB00;
	[dreg:$0x6] =	wrdreg s24;
	s24 =	simm.s32 $0x1180  }
.LBB2_1:
0x18: {  	s0 =	rddreg [dreg:$0x0]  }
0x19: {  	[tilespmem:s10], [sflag:$0x2] =	stream.linear.gather [hbm4b:s0+s4], $0x4000, $0x38;
	[tilespmem:$0x19400] =	vst v63  }
0x1a: {  	_ =	swait.ge [sflag:s11], $0x4000  }
0x1b: {  	[sflag:s11] =	ssyncset.done $0x0  }
0x1c: {  	s0 =	rddreg [dreg:$0x4];
	[sflag:s11] =	ssyncadd.s32 $0xFFFFC000  }
0x1d: {  	[spmem:s13], [sflag:s12] =	dma.local [hbm:s0], $0x2800  }
0x1e: {  	_ =	swait.ge [sflag:s11], $0x2800  }
0x1f: {  	[sflag:s11] =	ssyncset.done $0x0  }
0x20: {  	[sflag:s11] =	ssyncadd.s32 $0xFFFFD800  }
0x21: {  	[bflag:$0x0] =	sbarrier.arrive $0xFFFF  }
0x22: {  	s0 =	rddreg [dreg:$0x5]  }
0x23: {  	[tilespmem:s4], [sflag:$0x2] =	stream.linear.gather [hbm4b:s0+s4], $0x1400, $0x38;
	[tilespmem:$0x19400] =	vst v63  }
0x24: {  	_ =	swait.ge [sflag:s11], $0x1400  }
0x25: {  	[sflag:s11] =	ssyncset.done $0x0  }
0x26: {  	[sflag:s11] =	ssyncadd.s32 $0xFFFFEC00  }
0x27: {  	[spmem:s2] =	stream.indirect.scatter.add.f32 [tilespmem:s10], [sflag:$0x1], $0x80, s4, s14, $0xb8;
	[tilespmem:$0x19400] =	vst v63  }
0x28: {  	_ = 	snop  }
0x29: {  	[spmem:s2] =	stream.indirect.scatter.add.f32 [tilespmem:s10], [sflag:$0x1], $0x80, s14, s14, $0xb8;
	[tilespmem:$0x19400] =	vst v63  }
0x2a: {  	s0 =	simm.s32 $0x100  }
0x2b: {  	[spmem:s2] =	stream.indirect.scatter.add.f32 [tilespmem:s10], [sflag:$0x1], $0x80, s0, s14, $0xb8;
	[tilespmem:$0x19400] =	vst v63  }
0x2c: {  	s0 =	simm.s32 $0x180  }
0x2d: {  	[spmem:s2] =	stream.indirect.scatter.add.f32 [tilespmem:s10], [sflag:$0x1], $0x80, s0, s14, $0xb8;
	[tilespmem:$0x19400] =	vst v63  }
0x2e: {  	s0 =	simm.s32 $0x200  }
0x2f: {  	[spmem:s2] =	stream.indirect.scatter.add.f32 [tilespmem:s10], [sflag:$0x1], $0x80, s0, s14, $0xb8;
	[tilespmem:$0x19400] =	vst v63  }
0x30: {  	s0 =	simm.s32 $0x280  }
0x31: {  	[spmem:s2] =	stream.indirect.scatter.add.f32 [tilespmem:s10], [sflag:$0x1], $0x80, s0, s14, $0xb8;
	[tilespmem:$0x19400] =	vst v63  }
0x32: {  	s0 =	simm.s32 $0x300  }
0x33: {  	[spmem:s2] =	stream.indirect.scatter.add.f32 [tilespmem:s10], [sflag:$0x1], $0x80, s0, s14, $0xb8;
	[tilespmem:$0x19400] =	vst v63  }
0x34: {  	s0 =	simm.s32 $0x380  }
0x35: {  	[spmem:s2] =	stream.indirect.scatter.add.f32 [tilespmem:s10], [sflag:$0x1], $0x80, s0, s14, $0xb8;
	[tilespmem:$0x19400] =	vst v63  }
0x36: {  	s0 =	simm.s32 $0x400  }
0x37: {  	[spmem:s2] =	stream.indirect.scatter.add.f32 [tilespmem:s10], [sflag:$0x1], $0x80, s0, s14, $0xb8;
	[tilespmem:$0x19400] =	vst v63  }
0x38: {  	s0 =	simm.s32 $0x480  }
0x39: {  	[spmem:s2] =	stream.indirect.scatter.add.f32 [tilespmem:s10], [sflag:$0x1], $0x80, s0, s14, $0xb8;
	[tilespmem:$0x19400] =	vst v63  }
0x3a: {  	s0 =	simm.s32 $0x500  }
0x3b: {  	[spmem:s2] =	stream.indirect.scatter.add.f32 [tilespmem:s10], [sflag:$0x1], $0x80, s0, s14, $0xb8;
	[tilespmem:$0x19400] =	vst v63  }
0x3c: {  	s0 =	simm.s32 $0x580  }
0x3d: {  	[spmem:s2] =	stream.indirect.scatter.add.f32 [tilespmem:s10], [sflag:$0x1], $0x80, s0, s14, $0xb8;
	[tilespmem:$0x19400] =	vst v63  }
0x3e: {  	s0 =	simm.s32 $0x600  }
0x3f: {  	[spmem:s2] =	stream.indirect.scatter.add.f32 [tilespmem:s10], [sflag:$0x1], $0x80, s0, s14, $0xb8;
	[tilespmem:$0x19400] =	vst v63  }
0x40: {  	s0 =	simm.s32 $0x680  }
0x41: {  	[spmem:s2] =	stream.indirect.scatter.add.f32 [tilespmem:s10], [sflag:$0x1], $0x80, s0, s14, $0xb8;
	[tilespmem:$0x19400] =	vst v63  }
0x42: {  	s0 =	simm.s32 $0x700  }
0x43: {  	[spmem:s2] =	stream.indirect.scatter.add.f32 [tilespmem:s10], [sflag:$0x1], $0x80, s0, s14, $0xb8;
	[tilespmem:$0x19400] =	vst v63  }
0x44: {  	s0 =	simm.s32 $0x780  }
0x45: {  	[spmem:s2] =	stream.indirect.scatter.add.f32 [tilespmem:s10], [sflag:$0x1], $0x80, s0, s14, $0xb8;
	[tilespmem:$0x19400] =	vst v63  }
0x46: {  	s0 =	simm.s32 $0x800  }
0x47: {  	[spmem:s2] =	stream.indirect.scatter.add.f32 [tilespmem:s10], [sflag:$0x1], $0x80, s0, s14, $0xb8;
	[tilespmem:$0x19400] =	vst v63  }
0x48: {  	s0 =	simm.s32 $0x880  }
0x49: {  	[spmem:s2] =	stream.indirect.scatter.add.f32 [tilespmem:s10], [sflag:$0x1], $0x80, s0, s14, $0xb8;
	[tilespmem:$0x19400] =	vst v63  }
0x4a: {  	s0 =	simm.s32 $0x900  }
0x4b: {  	[spmem:s2] =	stream.indirect.scatter.add.f32 [tilespmem:s10], [sflag:$0x1], $0x80, s0, s14, $0xb8;
	[tilespmem:$0x19400] =	vst v63  }
0x4c: {  	_ = 	snop  }
0x4d: {  	[spmem:s2] =	stream.indirect.scatter.add.f32 [tilespmem:s10], [sflag:$0x1], $0x80, s3, s14, $0xb8;
	[tilespmem:$0x19400] =	vst v63  }
0x4e: {  	_ = 	snop  }
0x4f: {  	[spmem:s2] =	stream.indirect.scatter.add.f32 [tilespmem:s10], [sflag:$0x1], $0x80, s1, s14, $0xb8;
	[tilespmem:$0x19400] =	vst v63  }
0x50: {  	_ = 	snop  }
0x51: {  	[spmem:s2] =	stream.indirect.scatter.add.f32 [tilespmem:s10], [sflag:$0x1], $0x80, s5, s14, $0xb8;
	[tilespmem:$0x19400] =	vst v63  }
0x52: {  	_ = 	snop  }
0x53: {  	[spmem:s2] =	stream.indirect.scatter.add.f32 [tilespmem:s10], [sflag:$0x1], $0x80, s6, s14, $0xb8;
	[tilespmem:$0x19400] =	vst v63  }
0x54: {  	_ = 	snop  }
0x55: {  	[spmem:s2] =	stream.indirect.scatter.add.f32 [tilespmem:s10], [sflag:$0x1], $0x80, s7, s14, $0xb8;
	[tilespmem:$0x19400] =	vst v63  }
0x56: {  	_ = 	snop  }
0x57: {  	[spmem:s2] =	stream.indirect.scatter.add.f32 [tilespmem:s10], [sflag:$0x1], $0x80, s8, s14, $0xb8;
	[tilespmem:$0x19400] =	vst v63  }
0x58: {  	_ = 	snop  }
0x59: {  	[spmem:s2] =	stream.indirect.scatter.add.f32 [tilespmem:s10], [sflag:$0x1], $0x80, s9, s14, $0xb8;
	[tilespmem:$0x19400] =	vst v63  }
0x5a: {  	_ = 	snop  }
0x5b: {  	[spmem:s2] =	stream.indirect.scatter.add.f32 [tilespmem:s10], [sflag:$0x1], $0x80, s15, s14, $0xb8;
	[tilespmem:$0x19400] =	vst v63  }
0x5c: {  	_ = 	snop  }
0x5d: {  	[spmem:s2] =	stream.indirect.scatter.add.f32 [tilespmem:s10], [sflag:$0x1], $0x80, s16, s14, $0xb8;
	[tilespmem:$0x19400] =	vst v63  }
0x5e: {  	_ = 	snop  }
0x5f: {  	[spmem:s2] =	stream.indirect.scatter.add.f32 [tilespmem:s10], [sflag:$0x1], $0x80, s17, s14, $0xb8;
	[tilespmem:$0x19400] =	vst v63  }
0x60: {  	_ = 	snop  }
0x61: {  	[spmem:s2] =	stream.indirect.scatter.add.f32 [tilespmem:s10], [sflag:$0x1], $0x80, s18, s14, $0xb8;
	[tilespmem:$0x19400] =	vst v63  }
0x62: {  	_ = 	snop  }
0x63: {  	[spmem:s2] =	stream.indirect.scatter.add.f32 [tilespmem:s10], [sflag:$0x1], $0x80, s19, s14, $0xb8;
	[tilespmem:$0x19400] =	vst v63  }
0x64: {  	_ = 	snop  }
0x65: {  	[spmem:s2] =	stream.indirect.scatter.add.f32 [tilespmem:s10], [sflag:$0x1], $0x80, s20, s14, $0xb8;
	[tilespmem:$0x19400] =	vst v63  }
0x66: {  	_ = 	snop  }
0x67: {  	[spmem:s2] =	stream.indirect.scatter.add.f32 [tilespmem:s10], [sflag:$0x1], $0x80, s21, s14, $0xb8;
	[tilespmem:$0x19400] =	vst v63  }
0x68: {  	_ = 	snop  }
0x69: {  	[spmem:s2] =	stream.indirect.scatter.add.f32 [tilespmem:s10], [sflag:$0x1], $0x80, s22, s14, $0xb8;
	[tilespmem:$0x19400] =	vst v63  }
0x6a: {  	_ = 	snop  }
0x6b: {  	[spmem:s2] =	stream.indirect.scatter.add.f32 [tilespmem:s10], [sflag:$0x1], $0x80, s23, s14, $0xb8;
	[tilespmem:$0x19400] =	vst v63  }
0x6c: {  	_ = 	snop  }
0x6d: {  	[spmem:s2] =	stream.indirect.scatter.add.f32 [tilespmem:s10], [sflag:$0x1], $0x80, s24, s14, $0xb8;
	[tilespmem:$0x19400] =	vst v63  }
0x6e: {  	_ = 	snop  }
0x6f: {  	[spmem:s2] =	stream.indirect.scatter.add.f32 [tilespmem:s10], [sflag:$0x1], $0x80, s25, s14, $0xb8;
	[tilespmem:$0x19400] =	vst v63  }
0x70: {  	_ = 	snop  }
0x71: {  	[spmem:s2] =	stream.indirect.scatter.add.f32 [tilespmem:s10], [sflag:$0x1], $0x80, s26, s14, $0xb8;
	[tilespmem:$0x19400] =	vst v63  }
0x72: {  	_ = 	snop  }
0x73: {  	[spmem:s2] =	stream.indirect.scatter.add.f32 [tilespmem:s10], [sflag:$0x1], $0x80, s28, s14, $0xb8;
	[tilespmem:$0x19400] =	vst v63  }
0x74: {  	_ = 	snop  }
0x75: {  	[spmem:s2] =	stream.indirect.scatter.add.f32 [tilespmem:s10], [sflag:$0x1], $0x80, s29, s14, $0xb8;
	[tilespmem:$0x19400] =	vst v63  }
0x76: {  	_ =	swait.ge [sflag:s30], $0x4000  }
0x77: {  	s0 =	simm.s32 $0x27;
	[sflag:s30] =	ssyncset.done $0x0  }
.LBB2_2:
0x78: {  	p0 =	sne.s32 s0, $0x1;
	s0 =	sadd.s32 $0xFFFFFFFF, s0;
	[sflag:s30] =	ssyncadd.s32 $0xFFFFC000  }
.Ltmp0:
0x79: {  	(pc) =	sbr.rel @p0 .LBB2_2-.Ltmp0, $3  }
0x7a: {  	_ =	sdelay $0x1  }
0x7b: {  	_ =	swait.ge [sflag:s30], $0x4000  }
0x7c: {  	[sflag:s30] =	ssyncset.done $0x0  }
0x7d: {  	[sflag:s30] =	ssyncadd.s32 $0xFFFFC000;
	s0 =	rddreg [dreg:$0x6]  }
0x7e: {  	[tilespmem:s4], [sflag:$0x2] =	stream.linear.gather [hbm4b:s0+s4], $0x1400, $0x38;
	[tilespmem:$0x19400] =	vst v63  }
0x7f: {  	_ =	swait.ge [sflag:s11], $0x1400  }
0x80: {  	[sflag:s11] =	ssyncset.done $0x0  }
0x81: {  	[sflag:s11] =	ssyncadd.s32 $0xFFFFEC00  }
0x82: {  	[spmem:s2] =	stream.indirect.scatter.add.f32 [tilespmem:s10], [sflag:$0x1], $0x80, s4, s14, $0xb8;
	[tilespmem:$0x19400] =	vst v63  }
0x83: {  	_ = 	snop  }
0x84: {  	[spmem:s2] =	stream.indirect.scatter.add.f32 [tilespmem:s10], [sflag:$0x1], $0x80, s14, s14, $0xb8;
	[tilespmem:$0x19400] =	vst v63  }
0x85: {  	s0 =	simm.s32 $0x100  }
0x86: {  	[spmem:s2] =	stream.indirect.scatter.add.f32 [tilespmem:s10], [sflag:$0x1], $0x80, s0, s14, $0xb8;
	[tilespmem:$0x19400] =	vst v63  }
0x87: {  	s0 =	simm.s32 $0x180  }
0x88: {  	[spmem:s2] =	stream.indirect.scatter.add.f32 [tilespmem:s10], [sflag:$0x1], $0x80, s0, s14, $0xb8;
	[tilespmem:$0x19400] =	vst v63  }
0x89: {  	s0 =	simm.s32 $0x200  }
0x8a: {  	[spmem:s2] =	stream.indirect.scatter.add.f32 [tilespmem:s10], [sflag:$0x1], $0x80, s0, s14, $0xb8;
	[tilespmem:$0x19400] =	vst v63  }
0x8b: {  	s0 =	simm.s32 $0x280  }
0x8c: {  	[spmem:s2] =	stream.indirect.scatter.add.f32 [tilespmem:s10], [sflag:$0x1], $0x80, s0, s14, $0xb8;
	[tilespmem:$0x19400] =	vst v63  }
0x8d: {  	s0 =	simm.s32 $0x300  }
0x8e: {  	[spmem:s2] =	stream.indirect.scatter.add.f32 [tilespmem:s10], [sflag:$0x1], $0x80, s0, s14, $0xb8;
	[tilespmem:$0x19400] =	vst v63  }
0x8f: {  	s0 =	simm.s32 $0x380  }
0x90: {  	[spmem:s2] =	stream.indirect.scatter.add.f32 [tilespmem:s10], [sflag:$0x1], $0x80, s0, s14, $0xb8;
	[tilespmem:$0x19400] =	vst v63  }
0x91: {  	s0 =	simm.s32 $0x400  }
0x92: {  	[spmem:s2] =	stream.indirect.scatter.add.f32 [tilespmem:s10], [sflag:$0x1], $0x80, s0, s14, $0xb8;
	[tilespmem:$0x19400] =	vst v63  }
0x93: {  	s0 =	simm.s32 $0x480  }
0x94: {  	[spmem:s2] =	stream.indirect.scatter.add.f32 [tilespmem:s10], [sflag:$0x1], $0x80, s0, s14, $0xb8;
	[tilespmem:$0x19400] =	vst v63  }
0x95: {  	s0 =	simm.s32 $0x500  }
0x96: {  	[spmem:s2] =	stream.indirect.scatter.add.f32 [tilespmem:s10], [sflag:$0x1], $0x80, s0, s14, $0xb8;
	[tilespmem:$0x19400] =	vst v63  }
0x97: {  	s0 =	simm.s32 $0x580  }
0x98: {  	[spmem:s2] =	stream.indirect.scatter.add.f32 [tilespmem:s10], [sflag:$0x1], $0x80, s0, s14, $0xb8;
	[tilespmem:$0x19400] =	vst v63  }
0x99: {  	s0 =	simm.s32 $0x600  }
0x9a: {  	[spmem:s2] =	stream.indirect.scatter.add.f32 [tilespmem:s10], [sflag:$0x1], $0x80, s0, s14, $0xb8;
	[tilespmem:$0x19400] =	vst v63  }
0x9b: {  	s0 =	simm.s32 $0x680  }
0x9c: {  	[spmem:s2] =	stream.indirect.scatter.add.f32 [tilespmem:s10], [sflag:$0x1], $0x80, s0, s14, $0xb8;
	[tilespmem:$0x19400] =	vst v63  }
0x9d: {  	s0 =	simm.s32 $0x700  }
0x9e: {  	[spmem:s2] =	stream.indirect.scatter.add.f32 [tilespmem:s10], [sflag:$0x1], $0x80, s0, s14, $0xb8;
	[tilespmem:$0x19400] =	vst v63  }
0x9f: {  	s0 =	simm.s32 $0x780  }
0xa0: {  	[spmem:s2] =	stream.indirect.scatter.add.f32 [tilespmem:s10], [sflag:$0x1], $0x80, s0, s14, $0xb8;
	[tilespmem:$0x19400] =	vst v63  }
0xa1: {  	s0 =	simm.s32 $0x800  }
0xa2: {  	[spmem:s2] =	stream.indirect.scatter.add.f32 [tilespmem:s10], [sflag:$0x1], $0x80, s0, s14, $0xb8;
	[tilespmem:$0x19400] =	vst v63  }
0xa3: {  	s0 =	simm.s32 $0x880  }
0xa4: {  	[spmem:s2] =	stream.indirect.scatter.add.f32 [tilespmem:s10], [sflag:$0x1], $0x80, s0, s14, $0xb8;
	[tilespmem:$0x19400] =	vst v63  }
0xa5: {  	s0 =	simm.s32 $0x900  }
0xa6: {  	[spmem:s2] =	stream.indirect.scatter.add.f32 [tilespmem:s10], [sflag:$0x1], $0x80, s0, s14, $0xb8;
	[tilespmem:$0x19400] =	vst v63  }
0xa7: {  	_ = 	snop  }
0xa8: {  	[spmem:s2] =	stream.indirect.scatter.add.f32 [tilespmem:s10], [sflag:$0x1], $0x80, s3, s14, $0xb8;
	[tilespmem:$0x19400] =	vst v63  }
0xa9: {  	_ = 	snop  }
0xaa: {  	[spmem:s2] =	stream.indirect.scatter.add.f32 [tilespmem:s10], [sflag:$0x1], $0x80, s1, s14, $0xb8;
	[tilespmem:$0x19400] =	vst v63  }
0xab: {  	_ = 	snop  }
0xac: {  	[spmem:s2] =	stream.indirect.scatter.add.f32 [tilespmem:s10], [sflag:$0x1], $0x80, s5, s14, $0xb8;
	[tilespmem:$0x19400] =	vst v63  }
0xad: {  	_ = 	snop  }
0xae: {  	[spmem:s2] =	stream.indirect.scatter.add.f32 [tilespmem:s10], [sflag:$0x1], $0x80, s6, s14, $0xb8;
	[tilespmem:$0x19400] =	vst v63  }
0xaf: {  	_ = 	snop  }
0xb0: {  	[spmem:s2] =	stream.indirect.scatter.add.f32 [tilespmem:s10], [sflag:$0x1], $0x80, s7, s14, $0xb8;
	[tilespmem:$0x19400] =	vst v63  }
0xb1: {  	_ = 	snop  }
0xb2: {  	[spmem:s2] =	stream.indirect.scatter.add.f32 [tilespmem:s10], [sflag:$0x1], $0x80, s8, s14, $0xb8;
	[tilespmem:$0x19400] =	vst v63  }
0xb3: {  	_ = 	snop  }
0xb4: {  	[spmem:s2] =	stream.indirect.scatter.add.f32 [tilespmem:s10], [sflag:$0x1], $0x80, s9, s14, $0xb8;
	[tilespmem:$0x19400] =	vst v63  }
0xb5: {  	_ = 	snop  }
0xb6: {  	[spmem:s2] =	stream.indirect.scatter.add.f32 [tilespmem:s10], [sflag:$0x1], $0x80, s15, s14, $0xb8;
	[tilespmem:$0x19400] =	vst v63  }
0xb7: {  	_ = 	snop  }
0xb8: {  	[spmem:s2] =	stream.indirect.scatter.add.f32 [tilespmem:s10], [sflag:$0x1], $0x80, s16, s14, $0xb8;
	[tilespmem:$0x19400] =	vst v63  }
0xb9: {  	_ = 	snop  }
0xba: {  	[spmem:s2] =	stream.indirect.scatter.add.f32 [tilespmem:s10], [sflag:$0x1], $0x80, s17, s14, $0xb8;
	[tilespmem:$0x19400] =	vst v63  }
0xbb: {  	_ = 	snop  }
0xbc: {  	[spmem:s2] =	stream.indirect.scatter.add.f32 [tilespmem:s10], [sflag:$0x1], $0x80, s18, s14, $0xb8;
	[tilespmem:$0x19400] =	vst v63  }
0xbd: {  	_ = 	snop  }
0xbe: {  	[spmem:s2] =	stream.indirect.scatter.add.f32 [tilespmem:s10], [sflag:$0x1], $0x80, s19, s14, $0xb8;
	[tilespmem:$0x19400] =	vst v63  }
0xbf: {  	_ = 	snop  }
0xc0: {  	[spmem:s2] =	stream.indirect.scatter.add.f32 [tilespmem:s10], [sflag:$0x1], $0x80, s20, s14, $0xb8;
	[tilespmem:$0x19400] =	vst v63  }
0xc1: {  	_ = 	snop  }
0xc2: {  	[spmem:s2] =	stream.indirect.scatter.add.f32 [tilespmem:s10], [sflag:$0x1], $0x80, s21, s14, $0xb8;
	[tilespmem:$0x19400] =	vst v63  }
0xc3: {  	_ = 	snop  }
0xc4: {  	[spmem:s2] =	stream.indirect.scatter.add.f32 [tilespmem:s10], [sflag:$0x1], $0x80, s22, s14, $0xb8;
	[tilespmem:$0x19400] =	vst v63  }
0xc5: {  	_ = 	snop  }
0xc6: {  	[spmem:s2] =	stream.indirect.scatter.add.f32 [tilespmem:s10], [sflag:$0x1], $0x80, s23, s14, $0xb8;
	[tilespmem:$0x19400] =	vst v63  }
0xc7: {  	_ = 	snop  }
0xc8: {  	[spmem:s2] =	stream.indirect.scatter.add.f32 [tilespmem:s10], [sflag:$0x1], $0x80, s24, s14, $0xb8;
	[tilespmem:$0x19400] =	vst v63  }
0xc9: {  	_ = 	snop  }
0xca: {  	[spmem:s2] =	stream.indirect.scatter.add.f32 [tilespmem:s10], [sflag:$0x1], $0x80, s25, s14, $0xb8;
	[tilespmem:$0x19400] =	vst v63  }
0xcb: {  	_ = 	snop  }
0xcc: {  	[spmem:s2] =	stream.indirect.scatter.add.f32 [tilespmem:s10], [sflag:$0x1], $0x80, s26, s14, $0xb8;
	[tilespmem:$0x19400] =	vst v63  }
0xcd: {  	_ = 	snop  }
0xce: {  	[spmem:s2] =	stream.indirect.scatter.add.f32 [tilespmem:s10], [sflag:$0x1], $0x80, s28, s14, $0xb8;
	[tilespmem:$0x19400] =	vst v63  }
0xcf: {  	_ = 	snop  }
0xd0: {  	[spmem:s2] =	stream.indirect.scatter.add.f32 [tilespmem:s10], [sflag:$0x1], $0x80, s29, s14, $0xb8;
	[tilespmem:$0x19400] =	vst v63  }
0xd1: {  	_ =	swait.ge [sflag:s30], $0x4000  }
0xd2: {  	s0 =	simm.s32 $0x27;
	[sflag:s30] =	ssyncset.done $0x0  }
.LBB2_4:
0xd3: {  	p0 =	sne.s32 s0, $0x1;
	s0 =	sadd.s32 $0xFFFFFFFF, s0;
	[sflag:s30] =	ssyncadd.s32 $0xFFFFC000  }
.Ltmp1:
0xd4: {  	(pc) =	sbr.rel @p0 .LBB2_4-.Ltmp1, $3  }
0xd5: {  	_ =	sdelay $0x1  }
0xd6: {  	_ =	swait.ge [sflag:s30], $0x4000  }
0xd7: {  	[sflag:s30] =	ssyncset.done $0x0  }
0xd8: {  	[sflag:s30] =	ssyncadd.s32 $0xFFFFC000  }
0xd9: {  	[bflag:$0x0] =	sbarrier.arrive $0xFFFF  }
0xda: {  	s0 =	rddreg [dreg:$0x7]  }
0xdb: {  	[hbm:s0], [sflag:s12] =	dma.local [spmem:s13], $0x2800  }
0xdc: {  	_ =	swait.ge [sflag:s11], $0x2800  }
0xdd: {  	s31 =	sadd.s32 $0x1, s31;
	s0 =	rddreg [dreg:$0x8]  }
0xde: {  	p0 =	sne.s32 s31, s0  }
.Ltmp2:
0xdf: {  	_ = 	snop;
	(pc) =	sbr.rel @p0 .LBB2_1-.Ltmp2, $3  }
0xe0: {  	_ =	sdelay $0x1  }
0xe1: {  	[sflag:s11] =	ssyncset.done $0x0  }
0xe2: {  	[sflag:s11] =	ssyncadd.s32 $0xFFFFD800  }
0xe3: {  	_ =	sfence.sel $0x180000  }
0xe4: {  	[bflag:$0x0] =	sbarrier.arrive $0xFFFF  }
0xe5: {  	_ =	strace $0x90000047  }
0xe6: {  	s0 =	stileid.u32;
	[bflag:$0x2] =	sbarrier.arrive $0xFFFF  }
0xe7: {  	p0 =	sne.s32 s0, $0x0;
	s0 =	rddreg [dreg:$0x3]  }
0xe8: {  	s0 =	sadd.s32 @!p0 $0x100000, s0  }
0xe9: {  	[sflag:s0] =	ssyncadd.tile.s32 @!p0 $0x1;
	_ =	shalt  }
.Lfunc_end2:
_tile_overlayer_lowered:
.L_overlay_start_2:
0xea: {  	(tag) =	ssettag $0x2  }
0xeb: {  	s0 =	rddreg [dreg:$0x0];
	s2 =	stileid.u32  }
0xec: {  	s1 =	rddreg [dreg:$0x1];
	p0 =	sne.s32 s2, $0x0  }
0xed: {  	s3 =	rddreg [dreg:$0x2];
	[bflag:$0x3] =	sbarrier.arrive $0xFFFF;
	s2 =	simm.s32 @!p0 $0x1C02  }
0xee: {  	[timem:s3], [sflag:s2] =	dma.local @!p0 [hbm:s0], s1  }
0xef: {  	s0 =	simm.s32 @!p0 $0x2  }
0xf0: {  	_ =	swait.ge @!p0 [sflag:s0], s1  }
0xf1: {  	s1 =	ssub.s32 @!p0 $0x0, s1;
	[sflag:s0] =	ssyncset.done @!p0 $0x0  }
0xf2: {  	[sflag:s0] =	ssyncadd.s32 @!p0 s1  }
0xf3: {  	[bflag:$0x3] =	sbarrier.arrive $0xFFFF  }
0xf4: {  	_ =	shalt  }

// kernel: kernel.13.cloned.1.call-start
scs
__scs_entry_jumppad:
0x0: {  	(pc) =	sbr.rel $0x88, $3  }
0x1: {  	(tag) =	ssettag $0x0;
	lr =	simm.s32 $0x1  }
0x2: {  	[smem:$0x3F93] =	sst lr;
	_ =	strace $0xD0000000  }
0x3: {  	_ = 	snop  }
0x4: {  	_ = 	snop  }
0x5: {  	_ = 	snop  }
0x6: {  	_ = 	snop  }
0x7: {  	_ = 	snop  }
__scs_overlays_trampoline_lowered:
0x8: {  	[smem:$0x3FA2] =	sst s0  }
0x9: {  	[smem:$0x3FA3] =	sst s1  }
0xa: {  	[smem:$0x3FA4] =	sst s2  }
0xb: {  	[smem:$0x3FA5] =	sst s3  }
0xc: {  	[smem:$0x3FA6] =	sst s4  }
0xd: {  	[smem:$0x3FA7] =	sst s5  }
0xe: {  	[smem:$0x3FA8] =	sst s6  }
0xf: {  	[smem:$0x3FA9] =	sst s7  }
0x10: {  	[smem:$0x3FAA] =	sst s8  }
0x11: {  	[smem:$0x3FAB] =	sst s9;
	s0 =	simm.s32 @!p0 $0x0  }
0x12: {  	s1 =	sld [smem:$0x3F91];
	s0 =	simm.s32 @p0 $0x1  }
0x13: {  	[smem:$0x3FAC] =	sst s0;
	s0 =	simm.s32 @!p1 $0x0  }
0x14: {  	s2 =	sld [smem:$0x3F90];
	s0 =	simm.s32 @p1 $0x1  }
0x15: {  	[smem:$0x3FAD] =	sst s0;
	s0 =	simm.s32 @!p2 $0x0  }
0x16: {  	s3 =	sld [smem:$0x3FDB];
	s0 =	simm.s32 @p2 $0x1  }
0x17: {  	s4 =	simm.s32 $0x1BF5;
	[smem:$0x3FAF] =	sst s0  }
0x18: {  	s0 =	sld [smem:$0x3F92];
	_ =	swait.ge [sflag:s4], $0x0  }
0x19: {  	s7 =	sld [smem:$0x3F93]  }
0x1a: {  	s8 =	sadd.s32 $0xFFFFE003, lr  }
0x1b: {  	s9 =	sadd.s32 $0xFFFFFEF7, lr;
	s5 =	simm.s32 $0xFFFFFFFF;
	p2 =	slt.u32 s8, $0xFFFFF086  }
0x1c: {  	p1 =	slt.u32 s9, $0xF7A;
	s5 =	simm.s32 @!p2 $0x0  }
0x1d: {  	s5 =	simm.s32 @p1 $0x1;
	p0 =	seq.s32 s7, s2  }
0x1e: {  	s7 =	smul.u32 @!p0 $0xF7A, s2;
	p2 =	seq.s32 @!p0 s5, $0x0  }
0x1f: {  	s9 =	smul.u32 $0xF7A, s1;
	s8 =	simm.s32 @!p0 $0x1BF5;
	p2 =	por !p2, p0  }
0x20: {  	[sflag:s8] =	ssyncset.s32 @!p0 $0xFFFFF086;
	s6 =	sadd.s32 @!p0 s3, s7;
	s7 =	simm.s32 @!p0 $0x108  }
0x21: {  	s3 =	sadd.s32 s3, s9;
	s6 =	sadd.s32 @!p0 $0x88, s6;
	s7 =	simm.s32 @p2 $0x1082  }
0x22: {  	[simem:s7], [sflag:s8] =	dma.local @!p0 [hbm:s6], $0xF7A  }
0x23: {  	s9 =	sor.u32 $0xD0000000, s2;
	s6 =	simm.s32 $0x108;
	_ =	swait.ge @!p0 [sflag:s8], $0x0  }
0x24: {  	s3 =	sadd.s32 $0x88, s3;
	s6 =	simm.s32 @!p1 $0x1082;
	[sflag:s4] =	ssyncset.s32 $0xFFFFF086  }
0x25: {  	[simem:s6], [sflag:s4] =	dma.local [hbm:s3], $0xF7A  }
0x26: {  	[smem:$0x3F93] =	sst s1;
	(tag) =	ssettag s2;
	_ =	strace s9  }
0x27: {  	s1 =	sld [smem:$0x3FA3]  }
0x28: {  	s2 =	sld [smem:$0x3FA4]  }
0x29: {  	s4 =	sld [smem:$0x3FA6]  }
0x2a: {  	p0 =	seq.s32 s5, $0x0;
	s5 =	sld [smem:$0x3FA7]  }
0x2b: {  	s6 =	sld [smem:$0x3FA8]  }
0x2c: {  	s7 =	sld [smem:$0x3FA9]  }
0x2d: {  	s3 =	simm.s32 $0x108;
	s8 =	sld [smem:$0x3FAA]  }
0x2e: {  	s3 =	simm.s32 @!p0 $0x1082;
	s9 =	sld [smem:$0x3FAB]  }
0x2f: {  	lr =	sadd.s32 s0, s3;
	s0 =	sld [smem:$0x3FA2]  }
0x30: {  	s3 =	sld [smem:$0x3FA5]  }
0x31: {  	[smem:$0x3FAE] =	sst s10  }
0x32: {  	s10 =	sld [smem:$0x3FAC];
	_ =	sdelay $0x3  }
0x33: {  	p0 =	seq.s32 s10, $0x1;
	s10 =	sld [smem:$0x3FAE];
	_ =	sdelay $0x3  }
0x34: {  	[smem:$0x3FAE] =	sst s10  }
0x35: {  	s10 =	sld [smem:$0x3FAD];
	_ =	sdelay $0x3  }
0x36: {  	p1 =	seq.s32 s10, $0x1;
	s10 =	sld [smem:$0x3FAE];
	_ =	sdelay $0x3  }
0x37: {  	[smem:$0x3FAE] =	sst s10  }
0x38: {  	s10 =	sld [smem:$0x3FAF]  }
0x39: {  	_ = 	snop;
	(pc) =	sbr.ind lr, $3  }
0x3a: {  	_ = 	snop  }
0x3b: {  	_ = 	snop  }
0x3c: {  	p2 =	seq.s32 s10, $0x1;
	s10 =	sld [smem:$0x3FAE]  }
0x3d: {  	_ =	shalt  }
0x3e: {  	_ =	shalt  }
0x3f: {  	_ =	shalt  }
0x40: {  	_ =	shalt  }
0x41: {  	_ =	shalt  }
0x42: {  	_ =	shalt  }
0x43: {  	_ =	shalt  }
0x44: {  	_ =	shalt  }
0x45: {  	_ =	shalt  }
0x46: {  	_ =	shalt  }
0x47: {  	_ =	shalt  }
0x48: {  	_ =	shalt  }
0x49: {  	_ =	shalt  }
0x4a: {  	_ =	shalt  }
0x4b: {  	_ =	shalt  }
0x4c: {  	_ =	shalt  }
0x4d: {  	_ =	shalt  }
0x4e: {  	_ =	shalt  }
0x4f: {  	_ =	shalt  }
0x50: {  	_ =	shalt  }
0x51: {  	_ =	shalt  }
0x52: {  	_ =	shalt  }
0x53: {  	_ =	shalt  }
0x54: {  	_ =	shalt  }
0x55: {  	_ =	shalt  }
0x56: {  	_ =	shalt  }
0x57: {  	_ =	shalt  }
0x58: {  	_ =	shalt  }
0x59: {  	_ =	shalt  }
0x5a: {  	_ =	shalt  }
0x5b: {  	_ =	shalt  }
0x5c: {  	_ =	shalt  }
0x5d: {  	_ =	shalt  }
0x5e: {  	_ =	shalt  }
0x5f: {  	_ =	shalt  }
0x60: {  	_ =	shalt  }
0x61: {  	_ =	shalt  }
0x62: {  	_ =	shalt  }
0x63: {  	_ =	shalt  }
0x64: {  	_ =	shalt  }
0x65: {  	_ =	shalt  }
0x66: {  	_ =	shalt  }
0x67: {  	_ =	shalt  }
0x68: {  	_ =	shalt  }
0x69: {  	_ =	shalt  }
0x6a: {  	_ =	shalt  }
0x6b: {  	_ =	shalt  }
0x6c: {  	_ =	shalt  }
0x6d: {  	_ =	shalt  }
0x6e: {  	_ =	shalt  }
0x6f: {  	_ =	shalt  }
0x70: {  	_ =	shalt  }
0x71: {  	_ =	shalt  }
0x72: {  	_ =	shalt  }
0x73: {  	_ =	shalt  }
0x74: {  	_ =	shalt  }
0x75: {  	_ =	shalt  }
0x76: {  	_ =	shalt  }
0x77: {  	_ =	shalt  }
0x78: {  	_ =	shalt  }
0x79: {  	_ =	shalt  }
0x7a: {  	_ =	shalt  }
0x7b: {  	_ =	shalt  }
0x7c: {  	_ =	shalt  }
0x7d: {  	_ =	shalt  }
0x7e: {  	_ =	shalt  }
0x7f: {  	_ =	shalt  }
0x80: {  	_ =	shalt  }
0x81: {  	_ =	shalt  }
0x82: {  	_ =	shalt  }
0x83: {  	_ =	shalt  }
0x84: {  	_ =	shalt  }
0x85: {  	_ =	shalt  }
0x86: {  	_ =	shalt  }
0x87: {  	_ =	shalt  }
.Lfunc_end0:
.L_simem_size_0:
called_computation.1_lowered:
.L_overlay_start_0:
0x88: {  	s2 =	sld [smem:$0x3FD9]  }
0x89: {  	s3 =	sld [smem:$0x3FFE];
	_ =	sdelay $0x1  }
0x8a: {  	s1 =	srdreg.scid  }
0x8b: {  	s0 =	sand.u32 $0x1, s1  }
0x8c: {  	s17 =	sshll.u32 s0, $0xA;
	s2 =	sadd.s32 s3, s2  }
0x8d: {  	s2 =	sadd.s32 s2, s17  }
0x8e: {  	[smem:$0x3FBA] =	sst s2  }
0x8f: {  	_ = 	snop  }
0x90: {  	s2 =	sld [smem:$0x3FD0];
	(tm) =	ssettm $0x1  }
0x91: {  	s18 =	sld [smem:$0x3FFB];
	_ =	sdelay $0x3  }
0x92: {  	_ =	strace s18  }
0x93: {  	s3 =	sld [smem:$0x3FFC];
	_ =	sdelay $0x3  }
0x94: {  	_ =	strace s3  }
0x95: {  	s3 =	sld [smem:$0x3FFD];
	_ =	sdelay $0x3  }
0x96: {  	_ =	strace s3  }
0x97: {  	_ =	strace $0x8FFFFFFF  }
0x98: {  	s19 =	sld [smem:$0x3FDB];
	_ =	sdelay $0x1  }
0x99: {  	s4 =	simm.s32 $_scs_section_size  }
0x9a: {  	s5 =	simm.s32 $_size__tile_overlayer_lowered;
	s6 =	simm.s32 $_tile_overlayer_lowered  }
0x9b: {  	s22 =	simm.s32 $0x1BFF;
	s21 =	sshll.u32 s6, $0x1;
	s3 =	sadd.s32 s4, s19  }
0x9c: {  	s7 =	simm.s32 $0x0;
	s20 =	sshll.u32 s5, $0x1;
	s5 =	sadd.s32 s21, s3  }
0x9d: {  	[timem:s7], [sflag:s22] =	dma.local [hbm:s5], s20  }
0x9e: {  	_ =	swait.ge [sflag:s22], s20  }
0x9f: {  	s4 =	ssub.s32 $0x0, s20;
	[sflag:s22] =	ssyncset.done $0x0  }
0xa0: {  	[sflag:s22] =	ssyncadd.s32 s4;
	_ =	sdelay $0x1  }
0xa1: {  	s23 =	simm.s32 $0x1B8B  }
0xa2: {  	_ =	swait.ge [sflag:s23], $0x1  }
0xa3: {  	[sflag:s23] =	ssyncset.done $0x0  }
0xa4: {  	s25 =	simm.s32 $0x1B8E;
	s24 =	sld [smem:$0x3FFE];
	[sflag:s23] =	ssyncadd.s32 $0xFFFFFFFF  }
0xa5: {  	s26 =	simm.s32 $execute0_lowered;
	[smem:$0x3FD2] =	sst s25  }
0xa6: {  	s5 =	sshll.u32 s26, $0x1;
	_ =	strace $0x80000049;
	[dreg:$0x1] =	wrdreg $0xFFFFFFFF  }
0xa7: {  	s28 =	simm.s32 $_size_execute0_lowered;
	s3 =	sadd.s32 s3, s5;
	[dreg:$0x0] =	wrdreg $0x0  }
0xa8: {  	s5 =	sshll.u32 s28, $0x1;
	[dreg:$0x2] =	wrdreg s3  }
0xa9: {  	[dreg:$0x3] =	wrdreg s5  }
0xaa: {  	[dreg:$0x4] =	wrdreg $0xC0  }
0xab: {  	_ =	task [dreg:s7], $0x5FFFF  }
0xac: {  	[dreg:$0x1] =	wrdreg $0xFFFFFFFF  }
0xad: {  	[dreg:$0x0] =	wrdreg $0x60  }
0xae: {  	[dreg:$0x2] =	wrdreg s2  }
0xaf: {  	[dreg:$0x3] =	wrdreg s24  }
0xb0: {  	[dreg:$0x4] =	wrdreg $0xA8000  }
0xb1: {  	[dreg:$0x5] =	wrdreg $0x9  }
0xb2: {  	_ =	task.clear_ibuf [dreg:s7], $0x6FFFF;
	_ =	strace $0x90000049  }
0xb3: {  	s29 =	simm.s32 $0x9;
	_ =	strace $0x8000004B  }
0xb4: {  	_ =	swait.ge [sflag:s29], $0x1  }
0xb5: {  	[sflag:s29] =	ssyncadd.s32 $0xFFFFFFFF  }
0xb6: {  	_ =	strace $0x9000004B  }
0xb7: {  	_ =	sfence  }
0xb8: {  	s30 =	sld [smem:$0x0];
	_ =	sdelay $0x2  }
0xb9: {  	s31 =	sshll.u32 s1, $0xD;
	s1 =	sshrl.u32 s1, $0x2  }
0xba: {  	s3 =	sand.u32 $0x4000, s31;
	s1 =	sadd.s32 s1, s30  }
0xbb: {  	s0 =	sor.u32 s3, s0;
	s1 =	sshll.u32 s1, $0x11  }
0xbc: {  	s0 =	sor.u32 s1, s0  }
0xbd: {  	s0 =	sadd.s32 $0x8F2B, s0  }
0xbe: {  	[sflag:s0] =	ssyncadd.remote.s32 $0x1  }
0xbf: {  	_ =	sfence.sel $0xFFFF  }
0xc0: {  	[dreg:$0x0] =	wrdreg $0xFFFFFFFF;
	(pc) =	sbr.abs _section_cstart, $3  }
0xc1: {  	[dreg:$0x1] =	wrdreg $0xFFFFFFFF  }
0xc2: {  	_ =	task.clear_ibuf [dreg:s7], $0x2FFFF;
	_ =	strace $0x9FFFFFFF  }
0xc3: {  	(tm) =	ssettm $0x7FFFFFFF  }
tec
execute0_lowered:
.L_overlay_start_1:
0x0: {  	(tag) =	ssettag $0x1  }
0x1: {  	s1 =	rddreg [dreg:$0x0]  }
0x2: {  	s6 =	rddreg [dreg:$0x1]  }
0x3: {  	s2 =	rddreg [dreg:$0x2]  }
0x4: {  	s3 =	srdreg.scid;
	s0 =	rddreg [dreg:$0x3]  }
0x5: {  	s4 =	simm.s32 $0x0;
	s16 =	simm.s32 $0x80;
	s17 =	simm.s32 $0x2800  }
0x6: {  	s18 =	simm.s32 $0x6800;
	s19 =	simm.s32 $0x1;
	s20 =	simm.s32 $0x2  }
0x7: {  	s21 =	simm.s32 $0x1380;
	s22 =	simm.s32 $0x2700;
	s23 =	simm.s32 $0x2780  }
0x8: {  	s7 =	sand.u32 $0x1, s3;
	s3 =	stileid.u32;
	[smem:$0x7FF] =	sst s4  }
0x9: {  	s10 =	sadd.s32 $0xEC00, s6;
	s11 =	sadd.s32 $0x4C00, s6;
	s8 =	smul.u32 $0x140000, s7  }
0xa: {  	s5 =	sadd.s32 $0x18C00, s6;
	s9 =	smul.u32 $0x14000, s3;
	_ =	strace $0x8000004A  }
0xb: {  	s24 =	sshll.u32 s7, $0x4;
	s7 =	ssub.s32 $0x2, s7;
	s12 =	smul.u32 $0x50000, s3  }
0xc: {  	s26 =	sshll.u32 s3, $0x6;
	s13 =	sshrl.u32 s7, $0x1;
	s8 =	sadd.s32 s9, s8  }
0xd: {  	s9 =	sor.u32 s3, s24;
	s13 =	ssub.s32 s7, s13;
	s25 =	sshrl.u32 s12, $0x2  }
0xe: {  	s24 =	simm.s32 $0x0;
	s8 =	sshrl.u32 s8, $0x3;
	s14 =	smul.u32 $0x2800, s9  }
0xf: {  	s28 =	smul.u32 $0x500, s9;
	s30 =	sadd.s32 s25, s2;
	s12 =	smax.u32 s13, $0x1  }
0x10: {  	s15 =	sadd.s32 s8, s6;
	s6 =	sor.u32 $0x1C03, s26;
	s29 =	sshrl.u32 s14, $0x3  }
0x11: {  	s13 =	sshrl.u32 s30, $0x3;
	s7 =	sadd.s32 s10, s28;
	s31 =	sadd.s32 $0x280, s29  }
0x12: {  	s8 =	sadd.s32 s11, s28;
	s14 =	simm.s32 $0x3;
	s9 =	sadd.s32 s10, s31  }
0x13: {  	s10 =	sadd.s32 s11, s31;
	s11 =	sadd.s32 $0x1B400, s15;
	s15 =	simm.s32 $0x1400  }
.LBB2_1:
0x14: {  	[spmem:s13], [sflag:s6] =	dma.local [hbm:s5], $0x2800  }
0x15: {  	_ =	swait.ge [sflag:s14], $0x2800  }
0x16: {  	[sflag:s14] =	ssyncset.done $0x0  }
0x17: {  	[sflag:s14] =	ssyncadd.s32 $0xFFFFD800  }
0x18: {  	[bflag:$0x0] =	sbarrier.arrive $0xFFFF  }
0x19: {  	[tilespmem:s4], [sflag:$0x3] =	stream.linear.gather [hbm4b:s7+s4], $0x1400, $0x38;
	[tilespmem:$0x1E800] =	vst v63  }
0x1a: {  	_ =	swait.ge [sflag:s14], $0x1400  }
0x1b: {  	[sflag:s14] =	ssyncset.done $0x0  }
0x1c: {  	[sflag:s14] =	ssyncadd.s32 $0xFFFFEC00  }
0x1d: {  	[tilespmem:s15], [sflag:$0x3] =	stream.linear.gather [hbm4b:s8+s4], $0x1400, $0x38;
	[tilespmem:$0x1E800] =	vst v63  }
0x1e: {  	_ =	swait.ge [sflag:s14], $0x1400  }
0x1f: {  	[sflag:s14] =	ssyncset.done $0x0  }
0x20: {  	[sflag:s14] =	ssyncadd.s32 $0xFFFFEC00  }
0x21: {  	[tilespmem:s17], [sflag:$0x1] =	stream.indirect.gather [hbm4b:s1+s16], $0x80, s4, s16, $0xb8;
	[tilespmem:$0x1E800] =	vst v63  }
0x22: {  	s25 =	simm.s32 $0x80  }
0x23: {  	[tilespmem:s18], [sflag:$0x2] =	stream.indirect.gather [hbm4b:s1+s16], $0x80, s25, s16, $0xb8;
	[tilespmem:$0x1E800] =	vst v63  }
0x24: {  	_ =	swait.ge [sflag:s19], $0x4000  }
0x25: {  	[sflag:s19] =	ssyncset.done $0x0  }
0x26: {  	s29 =	simm.s32 $0x1400;
	[sflag:s19] =	ssyncadd.s32 $0xFFFFC000  }
0x27: {  	[spmem:s2] =	stream.indirect.scatter.add.f32 [tilespmem:s17], [sflag:$0x3], $0x80, s29, s16, $0xb8;
	[tilespmem:$0x1E800] =	vst v63  }
0x28: {  	_ =	swait.ge [sflag:s14], $0x4000  }
0x29: {  	[sflag:s14] =	ssyncset.done $0x0  }
0x2a: {  	s30 =	simm.s32 $0x100;
	[sflag:s14] =	ssyncadd.s32 $0xFFFFC000  }
0x2b: {  	[tilespmem:s17], [sflag:$0x1] =	stream.indirect.gather [hbm4b:s1+s16], $0x80, s30, s16, $0xb8;
	[tilespmem:$0x1E800] =	vst v63  }
0x2c: {  	_ =	swait.ge [sflag:s20], $0x4000  }
0x2d: {  	[sflag:s20] =	ssyncset.done $0x0  }
0x2e: {  	s31 =	simm.s32 $0x1480;
	[sflag:s20] =	ssyncadd.s32 $0xFFFFC000  }
0x2f: {  	[spmem:s2] =	stream.indirect.scatter.add.f32 [tilespmem:s18], [sflag:$0x3], $0x80, s31, s16, $0xb8;
	[tilespmem:$0x1E800] =	vst v63  }
0x30: {  	_ =	swait.ge [sflag:s14], $0x4000  }
0x31: {  	s26 =	simm.s32 $0x800;
	s25 =	simm.s32 $0x100;
	[sflag:s14] =	ssyncset.done $0x0  }
.LBB2_2:
0x32: {  	s28 =	sadd.s32 $0x80, s25  }
0x33: {  	[sflag:s14] =	ssyncadd.s32 $0xFFFFC000;
	s29 =	smov.u32 s26;
	s30 =	sadd.s32 $0x400, s26  }
0x34: {  	[tilespmem:s18], [sflag:$0x2] =	stream.indirect.gather [hbm4b:s1+s16], $0x80, s28, s16, $0xb8;
	[tilespmem:$0x1E800] =	vst v63  }
0x35: {  	p0 =	sne.s32 s26, $0x4800;
	_ =	swait.ge [sflag:s19], $0x4000  }
0x36: {  	[sflag:s19] =	ssyncset.done $0x0  }
0x37: {  	s26 =	sadd.s32 $0x1400, s25;
	[sflag:s19] =	ssyncadd.s32 $0xFFFFC000  }
0x38: {  	[spmem:s2] =	stream.indirect.scatter.add.f32 [tilespmem:s17], [sflag:$0x3], $0x80, s26, s16, $0xb8;
	[tilespmem:$0x1E800] =	vst v63  }
0x39: {  	_ =	swait.ge [sflag:s14], $0x4000  }
0x3a: {  	[sflag:s14] =	ssyncset.done $0x0  }
0x3b: {  	s26 =	sadd.s32 $0x100, s25;
	[sflag:s14] =	ssyncadd.s32 $0xFFFFC000  }
0x3c: {  	[tilespmem:s17], [sflag:$0x1] =	stream.indirect.gather [hbm4b:s1+s16], $0x80, s26, s16, $0xb8;
	[tilespmem:$0x1E800] =	vst v63  }
0x3d: {  	_ =	swait.ge [sflag:s20], $0x4000  }
.Ltmp0:
0x3e: {  	[sflag:s20] =	ssyncset.done $0x0;
	(pc) =	sbr.rel @p0 .LBB2_2-.Ltmp0, $4  }
0x3f: {  	s25 =	sadd.s32 $0x1480, s25;
	[sflag:s20] =	ssyncadd.s32 $0xFFFFC000  }
0x40: {  	[spmem:s2] =	stream.indirect.scatter.add.f32 [tilespmem:s18], [sflag:$0x3], $0x80, s25, s16, $0xb8;
	[tilespmem:$0x1E800] =	vst v63  }
0x41: {  	_ =	swait.ge [sflag:s14], $0x4000  }
0x42: {  	s26 =	smov.u32 s30;
	s25 =	sshra.s32 s29, $0x2;
	[sflag:s14] =	ssyncset.done $0x0  }
0x43: {  	s26 =	sadd.s32 $0x80, s25;
	[sflag:s14] =	ssyncadd.s32 $0xFFFFC000  }
0x44: {  	[tilespmem:s18], [sflag:$0x2] =	stream.indirect.gather [hbm4b:s1+s16], $0x80, s26, s16, $0xb8;
	[tilespmem:$0x1E800] =	vst v63  }
0x45: {  	_ =	swait.ge [sflag:s19], $0x4000  }
0x46: {  	[sflag:s19] =	ssyncset.done $0x0  }
0x47: {  	s29 =	sadd.s32 $0x1400, s25;
	[sflag:s19] =	ssyncadd.s32 $0xFFFFC000  }
0x48: {  	[spmem:s2] =	stream.indirect.scatter.add.f32 [tilespmem:s17], [sflag:$0x3], $0x80, s29, s16, $0xb8;
	[tilespmem:$0x1E800] =	vst v63  }
0x49: {  	_ =	swait.ge [sflag:s14], $0x4000  }
0x4a: {  	[sflag:s14] =	ssyncset.done $0x0  }
0x4b: {  	s30 =	sadd.s32 $0x100, s25;
	[sflag:s14] =	ssyncadd.s32 $0xFFFFC000  }
0x4c: {  	[tilespmem:s17], [sflag:$0x1] =	stream.indirect.gather [hbm4b:s1+s16], $0x80, s30, s16, $0xb8;
	[tilespmem:$0x1E800] =	vst v63  }
0x4d: {  	_ =	swait.ge [sflag:s20], $0x4000  }
0x4e: {  	[sflag:s20] =	ssyncset.done $0x0  }
0x4f: {  	s31 =	sadd.s32 $0x1480, s25;
	[sflag:s20] =	ssyncadd.s32 $0xFFFFC000  }
0x50: {  	[spmem:s2] =	stream.indirect.scatter.add.f32 [tilespmem:s18], [sflag:$0x3], $0x80, s31, s16, $0xb8;
	[tilespmem:$0x1E800] =	vst v63  }
0x51: {  	_ =	swait.ge [sflag:s14], $0x4000  }
0x52: {  	[sflag:s14] =	ssyncset.done $0x0  }
0x53: {  	[sflag:s14] =	ssyncadd.s32 $0xFFFFC000  }
0x54: {  	[tilespmem:s18], [sflag:$0x2] =	stream.indirect.gather [hbm4b:s1+s16], $0x80, s21, s16, $0xb8;
	[tilespmem:$0x1E800] =	vst v63  }
0x55: {  	_ =	swait.ge [sflag:s19], $0x4000  }
0x56: {  	[sflag:s19] =	ssyncset.done $0x0  }
0x57: {  	[sflag:s19] =	ssyncadd.s32 $0xFFFFC000  }
0x58: {  	[spmem:s2] =	stream.indirect.scatter.add.f32 [tilespmem:s17], [sflag:$0x3], $0x80, s22, s16, $0xb8;
	[tilespmem:$0x1E800] =	vst v63  }
0x59: {  	_ =	swait.ge [sflag:s14], $0x4000  }
0x5a: {  	[sflag:s14] =	ssyncset.done $0x0  }
0x5b: {  	[sflag:s14] =	ssyncadd.s32 $0xFFFFC000  }
0x5c: {  	_ =	swait.ge [sflag:s20], $0x4000  }
0x5d: {  	[sflag:s20] =	ssyncset.done $0x0  }
0x5e: {  	[sflag:s20] =	ssyncadd.s32 $0xFFFFC000  }
0x5f: {  	[spmem:s2] =	stream.indirect.scatter.add.f32 [tilespmem:s18], [sflag:$0x3], $0x80, s23, s16, $0xb8;
	[tilespmem:$0x1E800] =	vst v63  }
0x60: {  	_ =	swait.ge [sflag:s14], $0x4000  }
0x61: {  	[sflag:s14] =	ssyncset.done $0x0  }
0x62: {  	s26 =	simm.s32 $0x0;
	[sflag:s14] =	ssyncadd.s32 $0xFFFFC000  }
0x63: {  	[tilespmem:s26], [sflag:$0x3] =	stream.linear.gather [hbm4b:s9+s26], $0x1400, $0x38;
	[tilespmem:$0x1E800] =	vst v63  }
0x64: {  	_ =	swait.ge [sflag:s14], $0x1400  }
0x65: {  	[sflag:s14] =	ssyncset.done $0x0  }
0x66: {  	[sflag:s14] =	ssyncadd.s32 $0xFFFFEC00  }
0x67: {  	[tilespmem:s15], [sflag:$0x3] =	stream.linear.gather [hbm4b:s10+s26], $0x1400, $0x38;
	[tilespmem:$0x1E800] =	vst v63  }
0x68: {  	_ =	swait.ge [sflag:s14], $0x1400  }
0x69: {  	[sflag:s14] =	ssyncset.done $0x0  }
0x6a: {  	[sflag:s14] =	ssyncadd.s32 $0xFFFFEC00  }
0x6b: {  	[tilespmem:s17], [sflag:$0x1] =	stream.indirect.gather [hbm4b:s1+s16], $0x80, s26, s16, $0xb8;
	[tilespmem:$0x1E800] =	vst v63  }
0x6c: {  	s28 =	simm.s32 $0x80  }
0x6d: {  	[tilespmem:s18], [sflag:$0x2] =	stream.indirect.gather [hbm4b:s1+s16], $0x80, s28, s16, $0xb8;
	[tilespmem:$0x1E800] =	vst v63  }
0x6e: {  	_ =	swait.ge [sflag:s19], $0x4000  }
0x6f: {  	[sflag:s19] =	ssyncset.done $0x0  }
0x70: {  	s29 =	simm.s32 $0x1400;
	[sflag:s19] =	ssyncadd.s32 $0xFFFFC000  }
0x71: {  	[spmem:s2] =	stream.indirect.scatter.add.f32 [tilespmem:s17], [sflag:$0x3], $0x80, s29, s16, $0xb8;
	[tilespmem:$0x1E800] =	vst v63  }
0x72: {  	_ =	swait.ge [sflag:s14], $0x4000  }
0x73: {  	[sflag:s14] =	ssyncset.done $0x0  }
0x74: {  	s30 =	simm.s32 $0x100;
	[sflag:s14] =	ssyncadd.s32 $0xFFFFC000  }
0x75: {  	[tilespmem:s17], [sflag:$0x1] =	stream.indirect.gather [hbm4b:s1+s16], $0x80, s30, s16, $0xb8;
	[tilespmem:$0x1E800] =	vst v63  }
0x76: {  	_ =	swait.ge [sflag:s20], $0x4000  }
0x77: {  	[sflag:s20] =	ssyncset.done $0x0  }
0x78: {  	s31 =	simm.s32 $0x1480;
	[sflag:s20] =	ssyncadd.s32 $0xFFFFC000  }
0x79: {  	[spmem:s2] =	stream.indirect.scatter.add.f32 [tilespmem:s18], [sflag:$0x3], $0x80, s31, s16, $0xb8;
	[tilespmem:$0x1E800] =	vst v63  }
0x7a: {  	_ =	swait.ge [sflag:s14], $0x4000  }
0x7b: {  	s25 =	simm.s32 $0x100;
	s26 =	simm.s32 $0x800;
	[sflag:s14] =	ssyncset.done $0x0  }
.LBB2_4:
0x7c: {  	s28 =	sadd.s32 $0x80, s25  }
0x7d: {  	[sflag:s14] =	ssyncadd.s32 $0xFFFFC000;
	s29 =	smov.u32 s26;
	s30 =	sadd.s32 $0x400, s26  }
0x7e: {  	[tilespmem:s18], [sflag:$0x2] =	stream.indirect.gather [hbm4b:s1+s16], $0x80, s28, s16, $0xb8;
	[tilespmem:$0x1E800] =	vst v63  }
0x7f: {  	p0 =	sne.s32 s26, $0x4800;
	_ =	swait.ge [sflag:s19], $0x4000  }
0x80: {  	[sflag:s19] =	ssyncset.done $0x0  }
0x81: {  	s26 =	sadd.s32 $0x1400, s25;
	[sflag:s19] =	ssyncadd.s32 $0xFFFFC000  }
0x82: {  	[spmem:s2] =	stream.indirect.scatter.add.f32 [tilespmem:s17], [sflag:$0x3], $0x80, s26, s16, $0xb8;
	[tilespmem:$0x1E800] =	vst v63  }
0x83: {  	_ =	swait.ge [sflag:s14], $0x4000  }
0x84: {  	[sflag:s14] =	ssyncset.done $0x0  }
0x85: {  	s26 =	sadd.s32 $0x100, s25;
	[sflag:s14] =	ssyncadd.s32 $0xFFFFC000  }
0x86: {  	[tilespmem:s17], [sflag:$0x1] =	stream.indirect.gather [hbm4b:s1+s16], $0x80, s26, s16, $0xb8;
	[tilespmem:$0x1E800] =	vst v63  }
0x87: {  	_ =	swait.ge [sflag:s20], $0x4000  }
.Ltmp1:
0x88: {  	[sflag:s20] =	ssyncset.done $0x0;
	(pc) =	sbr.rel @p0 .LBB2_4-.Ltmp1, $4  }
0x89: {  	s25 =	sadd.s32 $0x1480, s25;
	[sflag:s20] =	ssyncadd.s32 $0xFFFFC000  }
0x8a: {  	[spmem:s2] =	stream.indirect.scatter.add.f32 [tilespmem:s18], [sflag:$0x3], $0x80, s25, s16, $0xb8;
	[tilespmem:$0x1E800] =	vst v63  }
0x8b: {  	_ =	swait.ge [sflag:s14], $0x4000  }
0x8c: {  	s26 =	smov.u32 s30;
	s25 =	sshra.s32 s29, $0x2;
	[sflag:s14] =	ssyncset.done $0x0  }
0x8d: {  	s26 =	sadd.s32 $0x80, s25;
	[sflag:s14] =	ssyncadd.s32 $0xFFFFC000  }
0x8e: {  	[tilespmem:s18], [sflag:$0x2] =	stream.indirect.gather [hbm4b:s1+s16], $0x80, s26, s16, $0xb8;
	[tilespmem:$0x1E800] =	vst v63  }
0x8f: {  	_ =	swait.ge [sflag:s19], $0x4000  }
0x90: {  	[sflag:s19] =	ssyncset.done $0x0  }
0x91: {  	s29 =	sadd.s32 $0x1400, s25;
	[sflag:s19] =	ssyncadd.s32 $0xFFFFC000  }
0x92: {  	[spmem:s2] =	stream.indirect.scatter.add.f32 [tilespmem:s17], [sflag:$0x3], $0x80, s29, s16, $0xb8;
	[tilespmem:$0x1E800] =	vst v63  }
0x93: {  	_ =	swait.ge [sflag:s14], $0x4000  }
0x94: {  	[sflag:s14] =	ssyncset.done $0x0  }
0x95: {  	s30 =	sadd.s32 $0x100, s25;
	[sflag:s14] =	ssyncadd.s32 $0xFFFFC000  }
0x96: {  	[tilespmem:s17], [sflag:$0x1] =	stream.indirect.gather [hbm4b:s1+s16], $0x80, s30, s16, $0xb8;
	[tilespmem:$0x1E800] =	vst v63  }
0x97: {  	_ =	swait.ge [sflag:s20], $0x4000  }
0x98: {  	[sflag:s20] =	ssyncset.done $0x0  }
0x99: {  	s31 =	sadd.s32 $0x1480, s25;
	[sflag:s20] =	ssyncadd.s32 $0xFFFFC000  }
0x9a: {  	[spmem:s2] =	stream.indirect.scatter.add.f32 [tilespmem:s18], [sflag:$0x3], $0x80, s31, s16, $0xb8;
	[tilespmem:$0x1E800] =	vst v63  }
0x9b: {  	_ =	swait.ge [sflag:s14], $0x4000  }
0x9c: {  	[sflag:s14] =	ssyncset.done $0x0  }
0x9d: {  	[sflag:s14] =	ssyncadd.s32 $0xFFFFC000  }
0x9e: {  	[tilespmem:s18], [sflag:$0x2] =	stream.indirect.gather [hbm4b:s1+s16], $0x80, s21, s16, $0xb8;
	[tilespmem:$0x1E800] =	vst v63  }
0x9f: {  	_ =	swait.ge [sflag:s19], $0x4000  }
0xa0: {  	[sflag:s19] =	ssyncset.done $0x0  }
0xa1: {  	[sflag:s19] =	ssyncadd.s32 $0xFFFFC000  }
0xa2: {  	[spmem:s2] =	stream.indirect.scatter.add.f32 [tilespmem:s17], [sflag:$0x3], $0x80, s22, s16, $0xb8;
	[tilespmem:$0x1E800] =	vst v63  }
0xa3: {  	_ =	swait.ge [sflag:s14], $0x4000  }
0xa4: {  	[sflag:s14] =	ssyncset.done $0x0  }
0xa5: {  	[sflag:s14] =	ssyncadd.s32 $0xFFFFC000  }
0xa6: {  	_ =	swait.ge [sflag:s20], $0x4000  }
0xa7: {  	[sflag:s20] =	ssyncset.done $0x0  }
0xa8: {  	[sflag:s20] =	ssyncadd.s32 $0xFFFFC000  }
0xa9: {  	[spmem:s2] =	stream.indirect.scatter.add.f32 [tilespmem:s18], [sflag:$0x3], $0x80, s23, s16, $0xb8;
	[tilespmem:$0x1E800] =	vst v63  }
0xaa: {  	_ =	swait.ge [sflag:s14], $0x4000  }
0xab: {  	s24 =	sadd.s32 $0x1, s24;
	[sflag:s14] =	ssyncset.done $0x0  }
0xac: {  	p0 =	sne.s32 s24, s12;
	[sflag:s14] =	ssyncadd.s32 $0xFFFFC000  }
.Ltmp2:
0xad: {  	[bflag:$0x0] =	sbarrier.arrive $0xFFFF;
	(pc) =	sbr.rel @p0 .LBB2_1-.Ltmp2, $4  }
0xae: {  	[hbm:s11], [sflag:s6] =	dma.local [spmem:s13], $0x2800  }
0xaf: {  	_ =	swait.ge [sflag:s14], $0x2800  }
0xb0: {  	[sflag:s14] =	ssyncset.done $0x0  }
0xb1: {  	[sflag:s14] =	ssyncadd.s32 $0xFFFFD800  }
0xb2: {  	_ =	sfence.sel $0x180000  }
0xb3: {  	[bflag:$0x0] =	sbarrier.arrive $0xFFFF  }
0xb4: {  	p0 =	sne.s32 s3, $0x0;
	_ =	strace $0x9000004A  }
0xb5: {  	s0 =	sadd.s32 @!p0 $0x100000, s0;
	[bflag:$0x2] =	sbarrier.arrive $0xFFFF  }
0xb6: {  	[sflag:s0] =	ssyncadd.tile.s32 @!p0 $0x1;
	_ =	shalt  }
.Lfunc_end2:
_tile_overlayer_lowered:
.L_overlay_start_2:
0xb7: {  	(tag) =	ssettag $0x2  }
0xb8: {  	s0 =	rddreg [dreg:$0x0];
	s2 =	stileid.u32  }
0xb9: {  	s1 =	rddreg [dreg:$0x1];
	p0 =	sne.s32 s2, $0x0  }
0xba: {  	s3 =	rddreg [dreg:$0x2];
	[bflag:$0x3] =	sbarrier.arrive $0xFFFF;
	s2 =	simm.s32 @!p0 $0x1C03  }
0xbb: {  	[timem:s3], [sflag:s2] =	dma.local @!p0 [hbm:s0], s1  }
0xbc: {  	s0 =	simm.s32 @!p0 $0x3  }
0xbd: {  	_ =	swait.ge @!p0 [sflag:s0], s1  }
0xbe: {  	s1 =	ssub.s32 @!p0 $0x0, s1;
	[sflag:s0] =	ssyncset.done @!p0 $0x0  }
0xbf: {  	[sflag:s0] =	ssyncadd.s32 @!p0 s1  }
0xc0: {  	[bflag:$0x3] =	sbarrier.arrive $0xFFFF  }
0xc1: {  	_ =	shalt  }

// kernel: kernel.16.cloned.1.call-start
scs
__scs_entry_jumppad:
0x0: {  	(pc) =	sbr.rel $0x88, $3  }
0x1: {  	(tag) =	ssettag $0x0;
	lr =	simm.s32 $0x1  }
0x2: {  	[smem:$0x3F93] =	sst lr;
	_ =	strace $0xD0000000  }
0x3: {  	_ = 	snop  }
0x4: {  	_ = 	snop  }
0x5: {  	_ = 	snop  }
0x6: {  	_ = 	snop  }
0x7: {  	_ = 	snop  }
__scs_overlays_trampoline_lowered:
0x8: {  	[smem:$0x3FA2] =	sst s0  }
0x9: {  	[smem:$0x3FA3] =	sst s1  }
0xa: {  	[smem:$0x3FA4] =	sst s2  }
0xb: {  	[smem:$0x3FA5] =	sst s3  }
0xc: {  	[smem:$0x3FA6] =	sst s4  }
0xd: {  	[smem:$0x3FA7] =	sst s5  }
0xe: {  	[smem:$0x3FA8] =	sst s6  }
0xf: {  	[smem:$0x3FA9] =	sst s7  }
0x10: {  	[smem:$0x3FAA] =	sst s8  }
0x11: {  	[smem:$0x3FAB] =	sst s9;
	s0 =	simm.s32 @!p0 $0x0  }
0x12: {  	s1 =	sld [smem:$0x3F91];
	s0 =	simm.s32 @p0 $0x1  }
0x13: {  	[smem:$0x3FAC] =	sst s0;
	s0 =	simm.s32 @!p1 $0x0  }
0x14: {  	s2 =	sld [smem:$0x3F90];
	s0 =	simm.s32 @p1 $0x1  }
0x15: {  	[smem:$0x3FAD] =	sst s0;
	s0 =	simm.s32 @!p2 $0x0  }
0x16: {  	s3 =	sld [smem:$0x3FDB];
	s0 =	simm.s32 @p2 $0x1  }
0x17: {  	s4 =	simm.s32 $0x1BF5;
	[smem:$0x3FAF] =	sst s0  }
0x18: {  	s0 =	sld [smem:$0x3F92];
	_ =	swait.ge [sflag:s4], $0x0  }
0x19: {  	s7 =	sld [smem:$0x3F93]  }
0x1a: {  	s8 =	sadd.s32 $0xFFFFE003, lr  }
0x1b: {  	s9 =	sadd.s32 $0xFFFFFEF7, lr;
	s5 =	simm.s32 $0xFFFFFFFF;
	p2 =	slt.u32 s8, $0xFFFFF086  }
0x1c: {  	p1 =	slt.u32 s9, $0xF7A;
	s5 =	simm.s32 @!p2 $0x0  }
0x1d: {  	s5 =	simm.s32 @p1 $0x1;
	p0 =	seq.s32 s7, s2  }
0x1e: {  	s7 =	smul.u32 @!p0 $0xF7A, s2;
	p2 =	seq.s32 @!p0 s5, $0x0  }
0x1f: {  	s9 =	smul.u32 $0xF7A, s1;
	s8 =	simm.s32 @!p0 $0x1BF5;
	p2 =	por !p2, p0  }
0x20: {  	[sflag:s8] =	ssyncset.s32 @!p0 $0xFFFFF086;
	s6 =	sadd.s32 @!p0 s3, s7;
	s7 =	simm.s32 @!p0 $0x108  }
0x21: {  	s3 =	sadd.s32 s3, s9;
	s6 =	sadd.s32 @!p0 $0x88, s6;
	s7 =	simm.s32 @p2 $0x1082  }
0x22: {  	[simem:s7], [sflag:s8] =	dma.local @!p0 [hbm:s6], $0xF7A  }
0x23: {  	s9 =	sor.u32 $0xD0000000, s2;
	s6 =	simm.s32 $0x108;
	_ =	swait.ge @!p0 [sflag:s8], $0x0  }
0x24: {  	s3 =	sadd.s32 $0x88, s3;
	s6 =	simm.s32 @!p1 $0x1082;
	[sflag:s4] =	ssyncset.s32 $0xFFFFF086  }
0x25: {  	[simem:s6], [sflag:s4] =	dma.local [hbm:s3], $0xF7A  }
0x26: {  	[smem:$0x3F93] =	sst s1;
	(tag) =	ssettag s2;
	_ =	strace s9  }
0x27: {  	s1 =	sld [smem:$0x3FA3]  }
0x28: {  	s2 =	sld [smem:$0x3FA4]  }
0x29: {  	s4 =	sld [smem:$0x3FA6]  }
0x2a: {  	p0 =	seq.s32 s5, $0x0;
	s5 =	sld [smem:$0x3FA7]  }
0x2b: {  	s6 =	sld [smem:$0x3FA8]  }
0x2c: {  	s7 =	sld [smem:$0x3FA9]  }
0x2d: {  	s3 =	simm.s32 $0x108;
	s8 =	sld [smem:$0x3FAA]  }
0x2e: {  	s3 =	simm.s32 @!p0 $0x1082;
	s9 =	sld [smem:$0x3FAB]  }
0x2f: {  	lr =	sadd.s32 s0, s3;
	s0 =	sld [smem:$0x3FA2]  }
0x30: {  	s3 =	sld [smem:$0x3FA5]  }
0x31: {  	[smem:$0x3FAE] =	sst s10  }
0x32: {  	s10 =	sld [smem:$0x3FAC];
	_ =	sdelay $0x3  }
0x33: {  	p0 =	seq.s32 s10, $0x1;
	s10 =	sld [smem:$0x3FAE];
	_ =	sdelay $0x3  }
0x34: {  	[smem:$0x3FAE] =	sst s10  }
0x35: {  	s10 =	sld [smem:$0x3FAD];
	_ =	sdelay $0x3  }
0x36: {  	p1 =	seq.s32 s10, $0x1;
	s10 =	sld [smem:$0x3FAE];
	_ =	sdelay $0x3  }
0x37: {  	[smem:$0x3FAE] =	sst s10  }
0x38: {  	s10 =	sld [smem:$0x3FAF]  }
0x39: {  	_ = 	snop;
	(pc) =	sbr.ind lr, $3  }
0x3a: {  	_ = 	snop  }
0x3b: {  	_ = 	snop  }
0x3c: {  	p2 =	seq.s32 s10, $0x1;
	s10 =	sld [smem:$0x3FAE]  }
0x3d: {  	_ =	shalt  }
0x3e: {  	_ =	shalt  }
0x3f: {  	_ =	shalt  }
0x40: {  	_ =	shalt  }
0x41: {  	_ =	shalt  }
0x42: {  	_ =	shalt  }
0x43: {  	_ =	shalt  }
0x44: {  	_ =	shalt  }
0x45: {  	_ =	shalt  }
0x46: {  	_ =	shalt  }
0x47: {  	_ =	shalt  }
0x48: {  	_ =	shalt  }
0x49: {  	_ =	shalt  }
0x4a: {  	_ =	shalt  }
0x4b: {  	_ =	shalt  }
0x4c: {  	_ =	shalt  }
0x4d: {  	_ =	shalt  }
0x4e: {  	_ =	shalt  }
0x4f: {  	_ =	shalt  }
0x50: {  	_ =	shalt  }
0x51: {  	_ =	shalt  }
0x52: {  	_ =	shalt  }
0x53: {  	_ =	shalt  }
0x54: {  	_ =	shalt  }
0x55: {  	_ =	shalt  }
0x56: {  	_ =	shalt  }
0x57: {  	_ =	shalt  }
0x58: {  	_ =	shalt  }
0x59: {  	_ =	shalt  }
0x5a: {  	_ =	shalt  }
0x5b: {  	_ =	shalt  }
0x5c: {  	_ =	shalt  }
0x5d: {  	_ =	shalt  }
0x5e: {  	_ =	shalt  }
0x5f: {  	_ =	shalt  }
0x60: {  	_ =	shalt  }
0x61: {  	_ =	shalt  }
0x62: {  	_ =	shalt  }
0x63: {  	_ =	shalt  }
0x64: {  	_ =	shalt  }
0x65: {  	_ =	shalt  }
0x66: {  	_ =	shalt  }
0x67: {  	_ =	shalt  }
0x68: {  	_ =	shalt  }
0x69: {  	_ =	shalt  }
0x6a: {  	_ =	shalt  }
0x6b: {  	_ =	shalt  }
0x6c: {  	_ =	shalt  }
0x6d: {  	_ =	shalt  }
0x6e: {  	_ =	shalt  }
0x6f: {  	_ =	shalt  }
0x70: {  	_ =	shalt  }
0x71: {  	_ =	shalt  }
0x72: {  	_ =	shalt  }
0x73: {  	_ =	shalt  }
0x74: {  	_ =	shalt  }
0x75: {  	_ =	shalt  }
0x76: {  	_ =	shalt  }
0x77: {  	_ =	shalt  }
0x78: {  	_ =	shalt  }
0x79: {  	_ =	shalt  }
0x7a: {  	_ =	shalt  }
0x7b: {  	_ =	shalt  }
0x7c: {  	_ =	shalt  }
0x7d: {  	_ =	shalt  }
0x7e: {  	_ =	shalt  }
0x7f: {  	_ =	shalt  }
0x80: {  	_ =	shalt  }
0x81: {  	_ =	shalt  }
0x82: {  	_ =	shalt  }
0x83: {  	_ =	shalt  }
0x84: {  	_ =	shalt  }
0x85: {  	_ =	shalt  }
0x86: {  	_ =	shalt  }
0x87: {  	_ =	shalt  }
.Lfunc_end0:
.L_simem_size_0:
called_computation.2_lowered:
.L_overlay_start_0:
0x88: {  	s2 =	sld [smem:$0x3FD9]  }
0x89: {  	s3 =	sld [smem:$0x3FFE];
	_ =	sdelay $0x1  }
0x8a: {  	s1 =	srdreg.scid  }
0x8b: {  	s0 =	sand.u32 $0x1, s1  }
0x8c: {  	s17 =	sshll.u32 s0, $0xA;
	s2 =	sadd.s32 s3, s2  }
0x8d: {  	s2 =	sadd.s32 s2, s17  }
0x8e: {  	[smem:$0x3FBA] =	sst s2  }
0x8f: {  	_ = 	snop  }
0x90: {  	s2 =	sld [smem:$0x3FD0];
	(tm) =	ssettm $0x1  }
0x91: {  	s18 =	sld [smem:$0x3FFB];
	_ =	sdelay $0x3  }
0x92: {  	_ =	strace s18  }
0x93: {  	s3 =	sld [smem:$0x3FFC];
	_ =	sdelay $0x3  }
0x94: {  	_ =	strace s3  }
0x95: {  	s3 =	sld [smem:$0x3FFD];
	_ =	sdelay $0x3  }
0x96: {  	_ =	strace s3  }
0x97: {  	_ =	strace $0x8FFFFFFF  }
0x98: {  	s19 =	sld [smem:$0x3FDB];
	_ =	sdelay $0x1  }
0x99: {  	s4 =	simm.s32 $_scs_section_size  }
0x9a: {  	s5 =	simm.s32 $_size__tile_overlayer_lowered;
	s6 =	simm.s32 $_tile_overlayer_lowered  }
0x9b: {  	s22 =	simm.s32 $0x1BFF;
	s21 =	sshll.u32 s6, $0x1;
	s3 =	sadd.s32 s4, s19  }
0x9c: {  	s7 =	simm.s32 $0x0;
	s20 =	sshll.u32 s5, $0x1;
	s5 =	sadd.s32 s21, s3  }
0x9d: {  	[timem:s7], [sflag:s22] =	dma.local [hbm:s5], s20  }
0x9e: {  	_ =	swait.ge [sflag:s22], s20  }
0x9f: {  	s4 =	ssub.s32 $0x0, s20;
	[sflag:s22] =	ssyncset.done $0x0  }
0xa0: {  	[sflag:s22] =	ssyncadd.s32 s4;
	_ =	sdelay $0x1  }
0xa1: {  	s23 =	simm.s32 $0x1B8B  }
0xa2: {  	_ =	swait.ge [sflag:s23], $0x1  }
0xa3: {  	[sflag:s23] =	ssyncset.done $0x0  }
0xa4: {  	s25 =	simm.s32 $0x1B8E;
	s24 =	sld [smem:$0x3FFE];
	[sflag:s23] =	ssyncadd.s32 $0xFFFFFFFF  }
0xa5: {  	s26 =	simm.s32 $execute0_lowered;
	[smem:$0x3FD2] =	sst s25  }
0xa6: {  	s5 =	sshll.u32 s26, $0x1;
	_ =	strace $0x8000004C;
	[dreg:$0x1] =	wrdreg $0xFFFFFFFF  }
0xa7: {  	s28 =	simm.s32 $_size_execute0_lowered;
	s3 =	sadd.s32 s3, s5;
	[dreg:$0x0] =	wrdreg $0x0  }
0xa8: {  	s5 =	sshll.u32 s28, $0x1;
	[dreg:$0x2] =	wrdreg s3  }
0xa9: {  	[dreg:$0x3] =	wrdreg s5  }
0xaa: {  	[dreg:$0x4] =	wrdreg $0xC0  }
0xab: {  	_ =	task [dreg:s7], $0x5FFFF  }
0xac: {  	[dreg:$0x1] =	wrdreg $0xFFFFFFFF  }
0xad: {  	[dreg:$0x0] =	wrdreg $0x60  }
0xae: {  	[dreg:$0x2] =	wrdreg s2  }
0xaf: {  	[dreg:$0x3] =	wrdreg s24  }
0xb0: {  	[dreg:$0x4] =	wrdreg $0xA8000  }
0xb1: {  	[dreg:$0x5] =	wrdreg $0x9  }
0xb2: {  	_ =	task.clear_ibuf [dreg:s7], $0x6FFFF;
	_ =	strace $0x9000004C  }
0xb3: {  	s29 =	simm.s32 $0x9;
	_ =	strace $0x8000004E  }
0xb4: {  	_ =	swait.ge [sflag:s29], $0x1  }
0xb5: {  	[sflag:s29] =	ssyncadd.s32 $0xFFFFFFFF  }
0xb6: {  	_ =	strace $0x9000004E  }
0xb7: {  	_ =	sfence  }
0xb8: {  	s30 =	sld [smem:$0x0];
	_ =	sdelay $0x2  }
0xb9: {  	s31 =	sshll.u32 s1, $0xD;
	s1 =	sshrl.u32 s1, $0x2  }
0xba: {  	s3 =	sand.u32 $0x4000, s31;
	s1 =	sadd.s32 s1, s30  }
0xbb: {  	s0 =	sor.u32 s3, s0;
	s1 =	sshll.u32 s1, $0x11  }
0xbc: {  	s0 =	sor.u32 s1, s0  }
0xbd: {  	s0 =	sadd.s32 $0x8F2B, s0  }
0xbe: {  	[sflag:s0] =	ssyncadd.remote.s32 $0x1  }
0xbf: {  	_ =	sfence.sel $0xFFFF  }
0xc0: {  	[dreg:$0x0] =	wrdreg $0xFFFFFFFF;
	(pc) =	sbr.abs _section_cstart, $3  }
0xc1: {  	[dreg:$0x1] =	wrdreg $0xFFFFFFFF  }
0xc2: {  	_ =	task.clear_ibuf [dreg:s7], $0x2FFFF;
	_ =	strace $0x9FFFFFFF  }
0xc3: {  	(tm) =	ssettm $0x7FFFFFFF  }
tec
execute0_lowered:
.L_overlay_start_1:
0x0: {  	(tag) =	ssettag $0x1  }
0x1: {  	s1 =	rddreg [dreg:$0x0]  }
0x2: {  	s6 =	rddreg [dreg:$0x1]  }
0x3: {  	s2 =	rddreg [dreg:$0x2]  }
0x4: {  	s3 =	srdreg.scid;
	s0 =	rddreg [dreg:$0x3]  }
0x5: {  	s4 =	simm.s32 $0x0;
	s16 =	simm.s32 $0x80;
	s17 =	simm.s32 $0x2800  }
0x6: {  	s18 =	simm.s32 $0x6800;
	s19 =	simm.s32 $0x1;
	s20 =	simm.s32 $0x2  }
0x7: {  	s21 =	simm.s32 $0x1380;
	s22 =	simm.s32 $0x2700;
	s23 =	simm.s32 $0x2780  }
0x8: {  	s7 =	sand.u32 $0x1, s3;
	s3 =	stileid.u32;
	[smem:$0x7FF] =	sst s4  }
0x9: {  	s10 =	sadd.s32 $0xEC00, s6;
	s11 =	sadd.s32 $0x4C00, s6;
	s8 =	smul.u32 $0x140000, s7  }
0xa: {  	s5 =	sadd.s32 $0x18C00, s6;
	s9 =	smul.u32 $0x14000, s3;
	_ =	strace $0x8000004D  }
0xb: {  	s24 =	sshll.u32 s7, $0x4;
	s7 =	ssub.s32 $0x2, s7;
	s12 =	smul.u32 $0x50000, s3  }
0xc: {  	s26 =	sshll.u32 s3, $0x6;
	s13 =	sshrl.u32 s7, $0x1;
	s8 =	sadd.s32 s9, s8  }
0xd: {  	s9 =	sor.u32 s3, s24;
	s13 =	ssub.s32 s7, s13;
	s25 =	sshrl.u32 s12, $0x2  }
0xe: {  	s24 =	simm.s32 $0x0;
	s8 =	sshrl.u32 s8, $0x3;
	s14 =	smul.u32 $0x2800, s9  }
0xf: {  	s28 =	smul.u32 $0x500, s9;
	s30 =	sadd.s32 s25, s2;
	s12 =	smax.u32 s13, $0x1  }
0x10: {  	s15 =	sadd.s32 s8, s6;
	s6 =	sor.u32 $0x1C03, s26;
	s29 =	sshrl.u32 s14, $0x3  }
0x11: {  	s13 =	sshrl.u32 s30, $0x3;
	s7 =	sadd.s32 s10, s28;
	s31 =	sadd.s32 $0x280, s29  }
0x12: {  	s8 =	sadd.s32 s11, s28;
	s14 =	simm.s32 $0x3;
	s9 =	sadd.s32 s10, s31  }
0x13: {  	s10 =	sadd.s32 s11, s31;
	s11 =	sadd.s32 $0x1B400, s15;
	s15 =	simm.s32 $0x1400  }
.LBB2_1:
0x14: {  	[spmem:s13], [sflag:s6] =	dma.local [hbm:s5], $0x2800  }
0x15: {  	_ =	swait.ge [sflag:s14], $0x2800  }
0x16: {  	[sflag:s14] =	ssyncset.done $0x0  }
0x17: {  	[sflag:s14] =	ssyncadd.s32 $0xFFFFD800  }
0x18: {  	[bflag:$0x0] =	sbarrier.arrive $0xFFFF  }
0x19: {  	[tilespmem:s4], [sflag:$0x3] =	stream.linear.gather [hbm4b:s7+s4], $0x1400, $0x38;
	[tilespmem:$0x1E800] =	vst v63  }
0x1a: {  	_ =	swait.ge [sflag:s14], $0x1400  }
0x1b: {  	[sflag:s14] =	ssyncset.done $0x0  }
0x1c: {  	[sflag:s14] =	ssyncadd.s32 $0xFFFFEC00  }
0x1d: {  	[tilespmem:s15], [sflag:$0x3] =	stream.linear.gather [hbm4b:s8+s4], $0x1400, $0x38;
	[tilespmem:$0x1E800] =	vst v63  }
0x1e: {  	_ =	swait.ge [sflag:s14], $0x1400  }
0x1f: {  	[sflag:s14] =	ssyncset.done $0x0  }
0x20: {  	[sflag:s14] =	ssyncadd.s32 $0xFFFFEC00  }
0x21: {  	[tilespmem:s17], [sflag:$0x1] =	stream.indirect.gather [hbm4b:s1+s16], $0x80, s4, s16, $0xb8;
	[tilespmem:$0x1E800] =	vst v63  }
0x22: {  	s25 =	simm.s32 $0x80  }
0x23: {  	[tilespmem:s18], [sflag:$0x2] =	stream.indirect.gather [hbm4b:s1+s16], $0x80, s25, s16, $0xb8;
	[tilespmem:$0x1E800] =	vst v63  }
0x24: {  	_ =	swait.ge [sflag:s19], $0x4000  }
0x25: {  	[sflag:s19] =	ssyncset.done $0x0  }
0x26: {  	s29 =	simm.s32 $0x1400;
	[sflag:s19] =	ssyncadd.s32 $0xFFFFC000  }
0x27: {  	[spmem:s2] =	stream.indirect.scatter.add.f32 [tilespmem:s17], [sflag:$0x3], $0x80, s29, s16, $0xb8;
	[tilespmem:$0x1E800] =	vst v63  }
0x28: {  	_ =	swait.ge [sflag:s14], $0x4000  }
0x29: {  	[sflag:s14] =	ssyncset.done $0x0  }
0x2a: {  	s30 =	simm.s32 $0x100;
	[sflag:s14] =	ssyncadd.s32 $0xFFFFC000  }
0x2b: {  	[tilespmem:s17], [sflag:$0x1] =	stream.indirect.gather [hbm4b:s1+s16], $0x80, s30, s16, $0xb8;
	[tilespmem:$0x1E800] =	vst v63  }
0x2c: {  	_ =	swait.ge [sflag:s20], $0x4000  }
0x2d: {  	[sflag:s20] =	ssyncset.done $0x0  }
0x2e: {  	s31 =	simm.s32 $0x1480;
	[sflag:s20] =	ssyncadd.s32 $0xFFFFC000  }
0x2f: {  	[spmem:s2] =	stream.indirect.scatter.add.f32 [tilespmem:s18], [sflag:$0x3], $0x80, s31, s16, $0xb8;
	[tilespmem:$0x1E800] =	vst v63  }
0x30: {  	_ =	swait.ge [sflag:s14], $0x4000  }
0x31: {  	s26 =	simm.s32 $0x800;
	s25 =	simm.s32 $0x100;
	[sflag:s14] =	ssyncset.done $0x0  }
.LBB2_2:
0x32: {  	s28 =	sadd.s32 $0x80, s25  }
0x33: {  	[sflag:s14] =	ssyncadd.s32 $0xFFFFC000;
	s29 =	smov.u32 s26;
	s30 =	sadd.s32 $0x400, s26  }
0x34: {  	[tilespmem:s18], [sflag:$0x2] =	stream.indirect.gather [hbm4b:s1+s16], $0x80, s28, s16, $0xb8;
	[tilespmem:$0x1E800] =	vst v63  }
0x35: {  	p0 =	sne.s32 s26, $0x4800;
	_ =	swait.ge [sflag:s19], $0x4000  }
0x36: {  	[sflag:s19] =	ssyncset.done $0x0  }
0x37: {  	s26 =	sadd.s32 $0x1400, s25;
	[sflag:s19] =	ssyncadd.s32 $0xFFFFC000  }
0x38: {  	[spmem:s2] =	stream.indirect.scatter.add.f32 [tilespmem:s17], [sflag:$0x3], $0x80, s26, s16, $0xb8;
	[tilespmem:$0x1E800] =	vst v63  }
0x39: {  	_ =	swait.ge [sflag:s14], $0x4000  }
0x3a: {  	[sflag:s14] =	ssyncset.done $0x0  }
0x3b: {  	s26 =	sadd.s32 $0x100, s25;
	[sflag:s14] =	ssyncadd.s32 $0xFFFFC000  }
0x3c: {  	[tilespmem:s17], [sflag:$0x1] =	stream.indirect.gather [hbm4b:s1+s16], $0x80, s26, s16, $0xb8;
	[tilespmem:$0x1E800] =	vst v63  }
0x3d: {  	_ =	swait.ge [sflag:s20], $0x4000  }
.Ltmp0:
0x3e: {  	[sflag:s20] =	ssyncset.done $0x0;
	(pc) =	sbr.rel @p0 .LBB2_2-.Ltmp0, $4  }
0x3f: {  	s25 =	sadd.s32 $0x1480, s25;
	[sflag:s20] =	ssyncadd.s32 $0xFFFFC000  }
0x40: {  	[spmem:s2] =	stream.indirect.scatter.add.f32 [tilespmem:s18], [sflag:$0x3], $0x80, s25, s16, $0xb8;
	[tilespmem:$0x1E800] =	vst v63  }
0x41: {  	_ =	swait.ge [sflag:s14], $0x4000  }
0x42: {  	s26 =	smov.u32 s30;
	s25 =	sshra.s32 s29, $0x2;
	[sflag:s14] =	ssyncset.done $0x0  }
0x43: {  	s26 =	sadd.s32 $0x80, s25;
	[sflag:s14] =	ssyncadd.s32 $0xFFFFC000  }
0x44: {  	[tilespmem:s18], [sflag:$0x2] =	stream.indirect.gather [hbm4b:s1+s16], $0x80, s26, s16, $0xb8;
	[tilespmem:$0x1E800] =	vst v63  }
0x45: {  	_ =	swait.ge [sflag:s19], $0x4000  }
0x46: {  	[sflag:s19] =	ssyncset.done $0x0  }
0x47: {  	s29 =	sadd.s32 $0x1400, s25;
	[sflag:s19] =	ssyncadd.s32 $0xFFFFC000  }
0x48: {  	[spmem:s2] =	stream.indirect.scatter.add.f32 [tilespmem:s17], [sflag:$0x3], $0x80, s29, s16, $0xb8;
	[tilespmem:$0x1E800] =	vst v63  }
0x49: {  	_ =	swait.ge [sflag:s14], $0x4000  }
0x4a: {  	[sflag:s14] =	ssyncset.done $0x0  }
0x4b: {  	s30 =	sadd.s32 $0x100, s25;
	[sflag:s14] =	ssyncadd.s32 $0xFFFFC000  }
0x4c: {  	[tilespmem:s17], [sflag:$0x1] =	stream.indirect.gather [hbm4b:s1+s16], $0x80, s30, s16, $0xb8;
	[tilespmem:$0x1E800] =	vst v63  }
0x4d: {  	_ =	swait.ge [sflag:s20], $0x4000  }
0x4e: {  	[sflag:s20] =	ssyncset.done $0x0  }
0x4f: {  	s31 =	sadd.s32 $0x1480, s25;
	[sflag:s20] =	ssyncadd.s32 $0xFFFFC000  }
0x50: {  	[spmem:s2] =	stream.indirect.scatter.add.f32 [tilespmem:s18], [sflag:$0x3], $0x80, s31, s16, $0xb8;
	[tilespmem:$0x1E800] =	vst v63  }
0x51: {  	_ =	swait.ge [sflag:s14], $0x4000  }
0x52: {  	[sflag:s14] =	ssyncset.done $0x0  }
0x53: {  	[sflag:s14] =	ssyncadd.s32 $0xFFFFC000  }
0x54: {  	[tilespmem:s18], [sflag:$0x2] =	stream.indirect.gather [hbm4b:s1+s16], $0x80, s21, s16, $0xb8;
	[tilespmem:$0x1E800] =	vst v63  }
0x55: {  	_ =	swait.ge [sflag:s19], $0x4000  }
0x56: {  	[sflag:s19] =	ssyncset.done $0x0  }
0x57: {  	[sflag:s19] =	ssyncadd.s32 $0xFFFFC000  }
0x58: {  	[spmem:s2] =	stream.indirect.scatter.add.f32 [tilespmem:s17], [sflag:$0x3], $0x80, s22, s16, $0xb8;
	[tilespmem:$0x1E800] =	vst v63  }
0x59: {  	_ =	swait.ge [sflag:s14], $0x4000  }
0x5a: {  	[sflag:s14] =	ssyncset.done $0x0  }
0x5b: {  	[sflag:s14] =	ssyncadd.s32 $0xFFFFC000  }
0x5c: {  	_ =	swait.ge [sflag:s20], $0x4000  }
0x5d: {  	[sflag:s20] =	ssyncset.done $0x0  }
0x5e: {  	[sflag:s20] =	ssyncadd.s32 $0xFFFFC000  }
0x5f: {  	[spmem:s2] =	stream.indirect.scatter.add.f32 [tilespmem:s18], [sflag:$0x3], $0x80, s23, s16, $0xb8;
	[tilespmem:$0x1E800] =	vst v63  }
0x60: {  	_ =	swait.ge [sflag:s14], $0x4000  }
0x61: {  	[sflag:s14] =	ssyncset.done $0x0  }
0x62: {  	s26 =	simm.s32 $0x0;
	[sflag:s14] =	ssyncadd.s32 $0xFFFFC000  }
0x63: {  	[tilespmem:s26], [sflag:$0x3] =	stream.linear.gather [hbm4b:s9+s26], $0x1400, $0x38;
	[tilespmem:$0x1E800] =	vst v63  }
0x64: {  	_ =	swait.ge [sflag:s14], $0x1400  }
0x65: {  	[sflag:s14] =	ssyncset.done $0x0  }
0x66: {  	[sflag:s14] =	ssyncadd.s32 $0xFFFFEC00  }
0x67: {  	[tilespmem:s15], [sflag:$0x3] =	stream.linear.gather [hbm4b:s10+s26], $0x1400, $0x38;
	[tilespmem:$0x1E800] =	vst v63  }
0x68: {  	_ =	swait.ge [sflag:s14], $0x1400  }
0x69: {  	[sflag:s14] =	ssyncset.done $0x0  }
0x6a: {  	[sflag:s14] =	ssyncadd.s32 $0xFFFFEC00  }
0x6b: {  	[tilespmem:s17], [sflag:$0x1] =	stream.indirect.gather [hbm4b:s1+s16], $0x80, s26, s16, $0xb8;
	[tilespmem:$0x1E800] =	vst v63  }
0x6c: {  	s28 =	simm.s32 $0x80  }
0x6d: {  	[tilespmem:s18], [sflag:$0x2] =	stream.indirect.gather [hbm4b:s1+s16], $0x80, s28, s16, $0xb8;
	[tilespmem:$0x1E800] =	vst v63  }
0x6e: {  	_ =	swait.ge [sflag:s19], $0x4000  }
0x6f: {  	[sflag:s19] =	ssyncset.done $0x0  }
0x70: {  	s29 =	simm.s32 $0x1400;
	[sflag:s19] =	ssyncadd.s32 $0xFFFFC000  }
0x71: {  	[spmem:s2] =	stream.indirect.scatter.add.f32 [tilespmem:s17], [sflag:$0x3], $0x80, s29, s16, $0xb8;
	[tilespmem:$0x1E800] =	vst v63  }
0x72: {  	_ =	swait.ge [sflag:s14], $0x4000  }
0x73: {  	[sflag:s14] =	ssyncset.done $0x0  }
0x74: {  	s30 =	simm.s32 $0x100;
	[sflag:s14] =	ssyncadd.s32 $0xFFFFC000  }
0x75: {  	[tilespmem:s17], [sflag:$0x1] =	stream.indirect.gather [hbm4b:s1+s16], $0x80, s30, s16, $0xb8;
	[tilespmem:$0x1E800] =	vst v63  }
0x76: {  	_ =	swait.ge [sflag:s20], $0x4000  }
0x77: {  	[sflag:s20] =	ssyncset.done $0x0  }
0x78: {  	s31 =	simm.s32 $0x1480;
	[sflag:s20] =	ssyncadd.s32 $0xFFFFC000  }
0x79: {  	[spmem:s2] =	stream.indirect.scatter.add.f32 [tilespmem:s18], [sflag:$0x3], $0x80, s31, s16, $0xb8;
	[tilespmem:$0x1E800] =	vst v63  }
0x7a: {  	_ =	swait.ge [sflag:s14], $0x4000  }
0x7b: {  	s25 =	simm.s32 $0x100;
	s26 =	simm.s32 $0x800;
	[sflag:s14] =	ssyncset.done $0x0  }
.LBB2_4:
0x7c: {  	s28 =	sadd.s32 $0x80, s25  }
0x7d: {  	[sflag:s14] =	ssyncadd.s32 $0xFFFFC000;
	s29 =	smov.u32 s26;
	s30 =	sadd.s32 $0x400, s26  }
0x7e: {  	[tilespmem:s18], [sflag:$0x2] =	stream.indirect.gather [hbm4b:s1+s16], $0x80, s28, s16, $0xb8;
	[tilespmem:$0x1E800] =	vst v63  }
0x7f: {  	p0 =	sne.s32 s26, $0x4800;
	_ =	swait.ge [sflag:s19], $0x4000  }
0x80: {  	[sflag:s19] =	ssyncset.done $0x0  }
0x81: {  	s26 =	sadd.s32 $0x1400, s25;
	[sflag:s19] =	ssyncadd.s32 $0xFFFFC000  }
0x82: {  	[spmem:s2] =	stream.indirect.scatter.add.f32 [tilespmem:s17], [sflag:$0x3], $0x80, s26, s16, $0xb8;
	[tilespmem:$0x1E800] =	vst v63  }
0x83: {  	_ =	swait.ge [sflag:s14], $0x4000  }
0x84: {  	[sflag:s14] =	ssyncset.done $0x0  }
0x85: {  	s26 =	sadd.s32 $0x100, s25;
	[sflag:s14] =	ssyncadd.s32 $0xFFFFC000  }
0x86: {  	[tilespmem:s17], [sflag:$0x1] =	stream.indirect.gather [hbm4b:s1+s16], $0x80, s26, s16, $0xb8;
	[tilespmem:$0x1E800] =	vst v63  }
0x87: {  	_ =	swait.ge [sflag:s20], $0x4000  }
.Ltmp1:
0x88: {  	[sflag:s20] =	ssyncset.done $0x0;
	(pc) =	sbr.rel @p0 .LBB2_4-.Ltmp1, $4  }
0x89: {  	s25 =	sadd.s32 $0x1480, s25;
	[sflag:s20] =	ssyncadd.s32 $0xFFFFC000  }
0x8a: {  	[spmem:s2] =	stream.indirect.scatter.add.f32 [tilespmem:s18], [sflag:$0x3], $0x80, s25, s16, $0xb8;
	[tilespmem:$0x1E800] =	vst v63  }
0x8b: {  	_ =	swait.ge [sflag:s14], $0x4000  }
0x8c: {  	s26 =	smov.u32 s30;
	s25 =	sshra.s32 s29, $0x2;
	[sflag:s14] =	ssyncset.done $0x0  }
0x8d: {  	s26 =	sadd.s32 $0x80, s25;
	[sflag:s14] =	ssyncadd.s32 $0xFFFFC000  }
0x8e: {  	[tilespmem:s18], [sflag:$0x2] =	stream.indirect.gather [hbm4b:s1+s16], $0x80, s26, s16, $0xb8;
	[tilespmem:$0x1E800] =	vst v63  }
0x8f: {  	_ =	swait.ge [sflag:s19], $0x4000  }
0x90: {  	[sflag:s19] =	ssyncset.done $0x0  }
0x91: {  	s29 =	sadd.s32 $0x1400, s25;
	[sflag:s19] =	ssyncadd.s32 $0xFFFFC000  }
0x92: {  	[spmem:s2] =	stream.indirect.scatter.add.f32 [tilespmem:s17], [sflag:$0x3], $0x80, s29, s16, $0xb8;
	[tilespmem:$0x1E800] =	vst v63  }
0x93: {  	_ =	swait.ge [sflag:s14], $0x4000  }
0x94: {  	[sflag:s14] =	ssyncset.done $0x0  }
0x95: {  	s30 =	sadd.s32 $0x100, s25;
	[sflag:s14] =	ssyncadd.s32 $0xFFFFC000  }
0x96: {  	[tilespmem:s17], [sflag:$0x1] =	stream.indirect.gather [hbm4b:s1+s16], $0x80, s30, s16, $0xb8;
	[tilespmem:$0x1E800] =	vst v63  }
0x97: {  	_ =	swait.ge [sflag:s20], $0x4000  }
0x98: {  	[sflag:s20] =	ssyncset.done $0x0  }
0x99: {  	s31 =	sadd.s32 $0x1480, s25;
	[sflag:s20] =	ssyncadd.s32 $0xFFFFC000  }
0x9a: {  	[spmem:s2] =	stream.indirect.scatter.add.f32 [tilespmem:s18], [sflag:$0x3], $0x80, s31, s16, $0xb8;
	[tilespmem:$0x1E800] =	vst v63  }
0x9b: {  	_ =	swait.ge [sflag:s14], $0x4000  }
0x9c: {  	[sflag:s14] =	ssyncset.done $0x0  }
0x9d: {  	[sflag:s14] =	ssyncadd.s32 $0xFFFFC000  }
0x9e: {  	[tilespmem:s18], [sflag:$0x2] =	stream.indirect.gather [hbm4b:s1+s16], $0x80, s21, s16, $0xb8;
	[tilespmem:$0x1E800] =	vst v63  }
0x9f: {  	_ =	swait.ge [sflag:s19], $0x4000  }
0xa0: {  	[sflag:s19] =	ssyncset.done $0x0  }
0xa1: {  	[sflag:s19] =	ssyncadd.s32 $0xFFFFC000  }
0xa2: {  	[spmem:s2] =	stream.indirect.scatter.add.f32 [tilespmem:s17], [sflag:$0x3], $0x80, s22, s16, $0xb8;
	[tilespmem:$0x1E800] =	vst v63  }
0xa3: {  	_ =	swait.ge [sflag:s14], $0x4000  }
0xa4: {  	[sflag:s14] =	ssyncset.done $0x0  }
0xa5: {  	[sflag:s14] =	ssyncadd.s32 $0xFFFFC000  }
0xa6: {  	_ =	swait.ge [sflag:s20], $0x4000  }
0xa7: {  	[sflag:s20] =	ssyncset.done $0x0  }
0xa8: {  	[sflag:s20] =	ssyncadd.s32 $0xFFFFC000  }
0xa9: {  	[spmem:s2] =	stream.indirect.scatter.add.f32 [tilespmem:s18], [sflag:$0x3], $0x80, s23, s16, $0xb8;
	[tilespmem:$0x1E800] =	vst v63  }
0xaa: {  	_ =	swait.ge [sflag:s14], $0x4000  }
0xab: {  	s24 =	sadd.s32 $0x1, s24;
	[sflag:s14] =	ssyncset.done $0x0  }
0xac: {  	p0 =	sne.s32 s24, s12;
	[sflag:s14] =	ssyncadd.s32 $0xFFFFC000  }
.Ltmp2:
0xad: {  	[bflag:$0x0] =	sbarrier.arrive $0xFFFF;
	(pc) =	sbr.rel @p0 .LBB2_1-.Ltmp2, $4  }
0xae: {  	[hbm:s11], [sflag:s6] =	dma.local [spmem:s13], $0x2800  }
0xaf: {  	_ =	swait.ge [sflag:s14], $0x2800  }
0xb0: {  	[sflag:s14] =	ssyncset.done $0x0  }
0xb1: {  	[sflag:s14] =	ssyncadd.s32 $0xFFFFD800  }
0xb2: {  	_ =	sfence.sel $0x180000  }
0xb3: {  	[bflag:$0x0] =	sbarrier.arrive $0xFFFF  }
0xb4: {  	p0 =	sne.s32 s3, $0x0;
	_ =	strace $0x9000004D  }
0xb5: {  	s0 =	sadd.s32 @!p0 $0x100000, s0;
	[bflag:$0x2] =	sbarrier.arrive $0xFFFF  }
0xb6: {  	[sflag:s0] =	ssyncadd.tile.s32 @!p0 $0x1;
	_ =	shalt  }
.Lfunc_end2:
_tile_overlayer_lowered:
.L_overlay_start_2:
0xb7: {  	(tag) =	ssettag $0x2  }
0xb8: {  	s0 =	rddreg [dreg:$0x0];
	s2 =	stileid.u32  }
0xb9: {  	s1 =	rddreg [dreg:$0x1];
	p0 =	sne.s32 s2, $0x0  }
0xba: {  	s3 =	rddreg [dreg:$0x2];
	[bflag:$0x3] =	sbarrier.arrive $0xFFFF;
	s2 =	simm.s32 @!p0 $0x1C03  }
0xbb: {  	[timem:s3], [sflag:s2] =	dma.local @!p0 [hbm:s0], s1  }
0xbc: {  	s0 =	simm.s32 @!p0 $0x3  }
0xbd: {  	_ =	swait.ge @!p0 [sflag:s0], s1  }
0xbe: {  	s1 =	ssub.s32 @!p0 $0x0, s1;
	[sflag:s0] =	ssyncset.done @!p0 $0x0  }
0xbf: {  	[sflag:s0] =	ssyncadd.s32 @!p0 s1  }
0xc0: {  	[bflag:$0x3] =	sbarrier.arrive $0xFFFF  }
0xc1: {  	_ =	shalt  }

// kernel: kernel.19.cloned.1.call-start
scs
__scs_entry_jumppad:
0x0: {  	(pc) =	sbr.rel $0x88, $3  }
0x1: {  	(tag) =	ssettag $0x0;
	lr =	simm.s32 $0x1  }
0x2: {  	[smem:$0x3F93] =	sst lr;
	_ =	strace $0xD0000000  }
0x3: {  	_ = 	snop  }
0x4: {  	_ = 	snop  }
0x5: {  	_ = 	snop  }
0x6: {  	_ = 	snop  }
0x7: {  	_ = 	snop  }
__scs_overlays_trampoline_lowered:
0x8: {  	[smem:$0x3FA2] =	sst s0  }
0x9: {  	[smem:$0x3FA3] =	sst s1  }
0xa: {  	[smem:$0x3FA4] =	sst s2  }
0xb: {  	[smem:$0x3FA5] =	sst s3  }
0xc: {  	[smem:$0x3FA6] =	sst s4  }
0xd: {  	[smem:$0x3FA7] =	sst s5  }
0xe: {  	[smem:$0x3FA8] =	sst s6  }
0xf: {  	[smem:$0x3FA9] =	sst s7  }
0x10: {  	[smem:$0x3FAA] =	sst s8  }
0x11: {  	[smem:$0x3FAB] =	sst s9;
	s0 =	simm.s32 @!p0 $0x0  }
0x12: {  	s1 =	sld [smem:$0x3F91];
	s0 =	simm.s32 @p0 $0x1  }
0x13: {  	[smem:$0x3FAC] =	sst s0;
	s0 =	simm.s32 @!p1 $0x0  }
0x14: {  	s2 =	sld [smem:$0x3F90];
	s0 =	simm.s32 @p1 $0x1  }
0x15: {  	[smem:$0x3FAD] =	sst s0;
	s0 =	simm.s32 @!p2 $0x0  }
0x16: {  	s3 =	sld [smem:$0x3FDB];
	s0 =	simm.s32 @p2 $0x1  }
0x17: {  	s4 =	simm.s32 $0x1BF5;
	[smem:$0x3FAF] =	sst s0  }
0x18: {  	s0 =	sld [smem:$0x3F92];
	_ =	swait.ge [sflag:s4], $0x0  }
0x19: {  	s7 =	sld [smem:$0x3F93]  }
0x1a: {  	s8 =	sadd.s32 $0xFFFFE003, lr  }
0x1b: {  	s9 =	sadd.s32 $0xFFFFFEF7, lr;
	s5 =	simm.s32 $0xFFFFFFFF;
	p2 =	slt.u32 s8, $0xFFFFF086  }
0x1c: {  	p1 =	slt.u32 s9, $0xF7A;
	s5 =	simm.s32 @!p2 $0x0  }
0x1d: {  	s5 =	simm.s32 @p1 $0x1;
	p0 =	seq.s32 s7, s2  }
0x1e: {  	s7 =	smul.u32 @!p0 $0xF7A, s2;
	p2 =	seq.s32 @!p0 s5, $0x0  }
0x1f: {  	s9 =	smul.u32 $0xF7A, s1;
	s8 =	simm.s32 @!p0 $0x1BF5;
	p2 =	por !p2, p0  }
0x20: {  	[sflag:s8] =	ssyncset.s32 @!p0 $0xFFFFF086;
	s6 =	sadd.s32 @!p0 s3, s7;
	s7 =	simm.s32 @!p0 $0x108  }
0x21: {  	s3 =	sadd.s32 s3, s9;
	s6 =	sadd.s32 @!p0 $0x88, s6;
	s7 =	simm.s32 @p2 $0x1082  }
0x22: {  	[simem:s7], [sflag:s8] =	dma.local @!p0 [hbm:s6], $0xF7A  }
0x23: {  	s9 =	sor.u32 $0xD0000000, s2;
	s6 =	simm.s32 $0x108;
	_ =	swait.ge @!p0 [sflag:s8], $0x0  }
0x24: {  	s3 =	sadd.s32 $0x88, s3;
	s6 =	simm.s32 @!p1 $0x1082;
	[sflag:s4] =	ssyncset.s32 $0xFFFFF086  }
0x25: {  	[simem:s6], [sflag:s4] =	dma.local [hbm:s3], $0xF7A  }
0x26: {  	[smem:$0x3F93] =	sst s1;
	(tag) =	ssettag s2;
	_ =	strace s9  }
0x27: {  	s1 =	sld [smem:$0x3FA3]  }
0x28: {  	s2 =	sld [smem:$0x3FA4]  }
0x29: {  	s4 =	sld [smem:$0x3FA6]  }
0x2a: {  	p0 =	seq.s32 s5, $0x0;
	s5 =	sld [smem:$0x3FA7]  }
0x2b: {  	s6 =	sld [smem:$0x3FA8]  }
0x2c: {  	s7 =	sld [smem:$0x3FA9]  }
0x2d: {  	s3 =	simm.s32 $0x108;
	s8 =	sld [smem:$0x3FAA]  }
0x2e: {  	s3 =	simm.s32 @!p0 $0x1082;
	s9 =	sld [smem:$0x3FAB]  }
0x2f: {  	lr =	sadd.s32 s0, s3;
	s0 =	sld [smem:$0x3FA2]  }
0x30: {  	s3 =	sld [smem:$0x3FA5]  }
0x31: {  	[smem:$0x3FAE] =	sst s10  }
0x32: {  	s10 =	sld [smem:$0x3FAC];
	_ =	sdelay $0x3  }
0x33: {  	p0 =	seq.s32 s10, $0x1;
	s10 =	sld [smem:$0x3FAE];
	_ =	sdelay $0x3  }
0x34: {  	[smem:$0x3FAE] =	sst s10  }
0x35: {  	s10 =	sld [smem:$0x3FAD];
	_ =	sdelay $0x3  }
0x36: {  	p1 =	seq.s32 s10, $0x1;
	s10 =	sld [smem:$0x3FAE];
	_ =	sdelay $0x3  }
0x37: {  	[smem:$0x3FAE] =	sst s10  }
0x38: {  	s10 =	sld [smem:$0x3FAF]  }
0x39: {  	_ = 	snop;
	(pc) =	sbr.ind lr, $3  }
0x3a: {  	_ = 	snop  }
0x3b: {  	_ = 	snop  }
0x3c: {  	p2 =	seq.s32 s10, $0x1;
	s10 =	sld [smem:$0x3FAE]  }
0x3d: {  	_ =	shalt  }
0x3e: {  	_ =	shalt  }
0x3f: {  	_ =	shalt  }
0x40: {  	_ =	shalt  }
0x41: {  	_ =	shalt  }
0x42: {  	_ =	shalt  }
0x43: {  	_ =	shalt  }
0x44: {  	_ =	shalt  }
0x45: {  	_ =	shalt  }
0x46: {  	_ =	shalt  }
0x47: {  	_ =	shalt  }
0x48: {  	_ =	shalt  }
0x49: {  	_ =	shalt  }
0x4a: {  	_ =	shalt  }
0x4b: {  	_ =	shalt  }
0x4c: {  	_ =	shalt  }
0x4d: {  	_ =	shalt  }
0x4e: {  	_ =	shalt  }
0x4f: {  	_ =	shalt  }
0x50: {  	_ =	shalt  }
0x51: {  	_ =	shalt  }
0x52: {  	_ =	shalt  }
0x53: {  	_ =	shalt  }
0x54: {  	_ =	shalt  }
0x55: {  	_ =	shalt  }
0x56: {  	_ =	shalt  }
0x57: {  	_ =	shalt  }
0x58: {  	_ =	shalt  }
0x59: {  	_ =	shalt  }
0x5a: {  	_ =	shalt  }
0x5b: {  	_ =	shalt  }
0x5c: {  	_ =	shalt  }
0x5d: {  	_ =	shalt  }
0x5e: {  	_ =	shalt  }
0x5f: {  	_ =	shalt  }
0x60: {  	_ =	shalt  }
0x61: {  	_ =	shalt  }
0x62: {  	_ =	shalt  }
0x63: {  	_ =	shalt  }
0x64: {  	_ =	shalt  }
0x65: {  	_ =	shalt  }
0x66: {  	_ =	shalt  }
0x67: {  	_ =	shalt  }
0x68: {  	_ =	shalt  }
0x69: {  	_ =	shalt  }
0x6a: {  	_ =	shalt  }
0x6b: {  	_ =	shalt  }
0x6c: {  	_ =	shalt  }
0x6d: {  	_ =	shalt  }
0x6e: {  	_ =	shalt  }
0x6f: {  	_ =	shalt  }
0x70: {  	_ =	shalt  }
0x71: {  	_ =	shalt  }
0x72: {  	_ =	shalt  }
0x73: {  	_ =	shalt  }
0x74: {  	_ =	shalt  }
0x75: {  	_ =	shalt  }
0x76: {  	_ =	shalt  }
0x77: {  	_ =	shalt  }
0x78: {  	_ =	shalt  }
0x79: {  	_ =	shalt  }
0x7a: {  	_ =	shalt  }
0x7b: {  	_ =	shalt  }
0x7c: {  	_ =	shalt  }
0x7d: {  	_ =	shalt  }
0x7e: {  	_ =	shalt  }
0x7f: {  	_ =	shalt  }
0x80: {  	_ =	shalt  }
0x81: {  	_ =	shalt  }
0x82: {  	_ =	shalt  }
0x83: {  	_ =	shalt  }
0x84: {  	_ =	shalt  }
0x85: {  	_ =	shalt  }
0x86: {  	_ =	shalt  }
0x87: {  	_ =	shalt  }
.Lfunc_end0:
.L_simem_size_0:
called_computation.3_lowered:
.L_overlay_start_0:
0x88: {  	s2 =	sld [smem:$0x3FD9]  }
0x89: {  	s3 =	sld [smem:$0x3FFE];
	_ =	sdelay $0x1  }
0x8a: {  	s1 =	srdreg.scid  }
0x8b: {  	s0 =	sand.u32 $0x1, s1  }
0x8c: {  	s17 =	sshll.u32 s0, $0xA;
	s2 =	sadd.s32 s3, s2  }
0x8d: {  	s2 =	sadd.s32 s2, s17  }
0x8e: {  	[smem:$0x3FBA] =	sst s2  }
0x8f: {  	_ = 	snop  }
0x90: {  	s2 =	sld [smem:$0x3FD0];
	(tm) =	ssettm $0x1  }
0x91: {  	s18 =	sld [smem:$0x3FFB];
	_ =	sdelay $0x3  }
0x92: {  	_ =	strace s18  }
0x93: {  	s3 =	sld [smem:$0x3FFC];
	_ =	sdelay $0x3  }
0x94: {  	_ =	strace s3  }
0x95: {  	s3 =	sld [smem:$0x3FFD];
	_ =	sdelay $0x3  }
0x96: {  	_ =	strace s3  }
0x97: {  	_ =	strace $0x8FFFFFFF  }
0x98: {  	s19 =	sld [smem:$0x3FDB];
	_ =	sdelay $0x1  }
0x99: {  	s4 =	simm.s32 $_scs_section_size  }
0x9a: {  	s5 =	simm.s32 $_size__tile_overlayer_lowered;
	s6 =	simm.s32 $_tile_overlayer_lowered  }
0x9b: {  	s22 =	simm.s32 $0x1BFF;
	s21 =	sshll.u32 s6, $0x1;
	s3 =	sadd.s32 s4, s19  }
0x9c: {  	s7 =	simm.s32 $0x0;
	s20 =	sshll.u32 s5, $0x1;
	s5 =	sadd.s32 s21, s3  }
0x9d: {  	[timem:s7], [sflag:s22] =	dma.local [hbm:s5], s20  }
0x9e: {  	_ =	swait.ge [sflag:s22], s20  }
0x9f: {  	s4 =	ssub.s32 $0x0, s20;
	[sflag:s22] =	ssyncset.done $0x0  }
0xa0: {  	[sflag:s22] =	ssyncadd.s32 s4;
	_ =	sdelay $0x1  }
0xa1: {  	s23 =	simm.s32 $0x1B8B  }
0xa2: {  	_ =	swait.ge [sflag:s23], $0x1  }
0xa3: {  	[sflag:s23] =	ssyncset.done $0x0  }
0xa4: {  	s25 =	simm.s32 $0x1B8E;
	s24 =	sld [smem:$0x3FFE];
	[sflag:s23] =	ssyncadd.s32 $0xFFFFFFFF  }
0xa5: {  	s26 =	simm.s32 $execute0_lowered;
	[smem:$0x3FD2] =	sst s25  }
0xa6: {  	s5 =	sshll.u32 s26, $0x1;
	_ =	strace $0x8000004F;
	[dreg:$0x1] =	wrdreg $0xFFFFFFFF  }
0xa7: {  	s28 =	simm.s32 $_size_execute0_lowered;
	s3 =	sadd.s32 s3, s5;
	[dreg:$0x0] =	wrdreg $0x0  }
0xa8: {  	s5 =	sshll.u32 s28, $0x1;
	[dreg:$0x2] =	wrdreg s3  }
0xa9: {  	[dreg:$0x3] =	wrdreg s5  }
0xaa: {  	[dreg:$0x4] =	wrdreg $0xC0  }
0xab: {  	_ =	task [dreg:s7], $0x5FFFF  }
0xac: {  	[dreg:$0x1] =	wrdreg $0xFFFFFFFF  }
0xad: {  	[dreg:$0x0] =	wrdreg $0x60  }
0xae: {  	[dreg:$0x2] =	wrdreg s2  }
0xaf: {  	[dreg:$0x3] =	wrdreg s24  }
0xb0: {  	[dreg:$0x4] =	wrdreg $0xA8000  }
0xb1: {  	[dreg:$0x5] =	wrdreg $0x9  }
0xb2: {  	_ =	task.clear_ibuf [dreg:s7], $0x6FFFF;
	_ =	strace $0x9000004F  }
0xb3: {  	s29 =	simm.s32 $0x9;
	_ =	strace $0x80000051  }
0xb4: {  	_ =	swait.ge [sflag:s29], $0x1  }
0xb5: {  	[sflag:s29] =	ssyncadd.s32 $0xFFFFFFFF  }
0xb6: {  	_ =	strace $0x90000051  }
0xb7: {  	_ =	sfence  }
0xb8: {  	s30 =	sld [smem:$0x0];
	_ =	sdelay $0x2  }
0xb9: {  	s31 =	sshll.u32 s1, $0xD;
	s1 =	sshrl.u32 s1, $0x2  }
0xba: {  	s3 =	sand.u32 $0x4000, s31;
	s1 =	sadd.s32 s1, s30  }
0xbb: {  	s0 =	sor.u32 s3, s0;
	s1 =	sshll.u32 s1, $0x11  }
0xbc: {  	s0 =	sor.u32 s1, s0  }
0xbd: {  	s0 =	sadd.s32 $0x8F2B, s0  }
0xbe: {  	[sflag:s0] =	ssyncadd.remote.s32 $0x1  }
0xbf: {  	_ =	sfence.sel $0xFFFF  }
0xc0: {  	[dreg:$0x0] =	wrdreg $0xFFFFFFFF;
	(pc) =	sbr.abs _section_cstart, $3  }
0xc1: {  	[dreg:$0x1] =	wrdreg $0xFFFFFFFF  }
0xc2: {  	_ =	task.clear_ibuf [dreg:s7], $0x2FFFF;
	_ =	strace $0x9FFFFFFF  }
0xc3: {  	(tm) =	ssettm $0x7FFFFFFF  }
tec
execute0_lowered:
.L_overlay_start_1:
0x0: {  	(tag) =	ssettag $0x1  }
0x1: {  	s1 =	rddreg [dreg:$0x0]  }
0x2: {  	s6 =	rddreg [dreg:$0x1]  }
0x3: {  	s2 =	rddreg [dreg:$0x2]  }
0x4: {  	s3 =	srdreg.scid;
	s0 =	rddreg [dreg:$0x3]  }
0x5: {  	s4 =	simm.s32 $0x0;
	s16 =	simm.s32 $0x80;
	s17 =	simm.s32 $0x2800  }
0x6: {  	s18 =	simm.s32 $0x6800;
	s19 =	simm.s32 $0x1;
	s20 =	simm.s32 $0x2  }
0x7: {  	s21 =	simm.s32 $0x1380;
	s22 =	simm.s32 $0x2700;
	s23 =	simm.s32 $0x2780  }
0x8: {  	s7 =	sand.u32 $0x1, s3;
	s3 =	stileid.u32;
	[smem:$0x7FF] =	sst s4  }
0x9: {  	s10 =	sadd.s32 $0xEC00, s6;
	s11 =	sadd.s32 $0x4C00, s6;
	s8 =	smul.u32 $0x140000, s7  }
0xa: {  	s5 =	sadd.s32 $0x18C00, s6;
	s9 =	smul.u32 $0x14000, s3;
	_ =	strace $0x80000050  }
0xb: {  	s24 =	sshll.u32 s7, $0x4;
	s7 =	ssub.s32 $0x2, s7;
	s12 =	smul.u32 $0x50000, s3  }
0xc: {  	s26 =	sshll.u32 s3, $0x6;
	s13 =	sshrl.u32 s7, $0x1;
	s8 =	sadd.s32 s9, s8  }
0xd: {  	s9 =	sor.u32 s3, s24;
	s13 =	ssub.s32 s7, s13;
	s25 =	sshrl.u32 s12, $0x2  }
0xe: {  	s24 =	simm.s32 $0x0;
	s8 =	sshrl.u32 s8, $0x3;
	s14 =	smul.u32 $0x2800, s9  }
0xf: {  	s28 =	smul.u32 $0x500, s9;
	s30 =	sadd.s32 s25, s2;
	s12 =	smax.u32 s13, $0x1  }
0x10: {  	s15 =	sadd.s32 s8, s6;
	s6 =	sor.u32 $0x1C03, s26;
	s29 =	sshrl.u32 s14, $0x3  }
0x11: {  	s13 =	sshrl.u32 s30, $0x3;
	s7 =	sadd.s32 s10, s28;
	s31 =	sadd.s32 $0x280, s29  }
0x12: {  	s8 =	sadd.s32 s11, s28;
	s14 =	simm.s32 $0x3;
	s9 =	sadd.s32 s10, s31  }
0x13: {  	s10 =	sadd.s32 s11, s31;
	s11 =	sadd.s32 $0x1B400, s15;
	s15 =	simm.s32 $0x1400  }
.LBB2_1:
0x14: {  	[spmem:s13], [sflag:s6] =	dma.local [hbm:s5], $0x2800  }
0x15: {  	_ =	swait.ge [sflag:s14], $0x2800  }
0x16: {  	[sflag:s14] =	ssyncset.done $0x0  }
0x17: {  	[sflag:s14] =	ssyncadd.s32 $0xFFFFD800  }
0x18: {  	[bflag:$0x0] =	sbarrier.arrive $0xFFFF  }
0x19: {  	[tilespmem:s4], [sflag:$0x3] =	stream.linear.gather [hbm4b:s7+s4], $0x1400, $0x38;
	[tilespmem:$0x1E800] =	vst v63  }
0x1a: {  	_ =	swait.ge [sflag:s14], $0x1400  }
0x1b: {  	[sflag:s14] =	ssyncset.done $0x0  }
0x1c: {  	[sflag:s14] =	ssyncadd.s32 $0xFFFFEC00  }
0x1d: {  	[tilespmem:s15], [sflag:$0x3] =	stream.linear.gather [hbm4b:s8+s4], $0x1400, $0x38;
	[tilespmem:$0x1E800] =	vst v63  }
0x1e: {  	_ =	swait.ge [sflag:s14], $0x1400  }
0x1f: {  	[sflag:s14] =	ssyncset.done $0x0  }
0x20: {  	[sflag:s14] =	ssyncadd.s32 $0xFFFFEC00  }
0x21: {  	[tilespmem:s17], [sflag:$0x1] =	stream.indirect.gather [hbm4b:s1+s16], $0x80, s4, s16, $0xb8;
	[tilespmem:$0x1E800] =	vst v63  }
0x22: {  	s25 =	simm.s32 $0x80  }
0x23: {  	[tilespmem:s18], [sflag:$0x2] =	stream.indirect.gather [hbm4b:s1+s16], $0x80, s25, s16, $0xb8;
	[tilespmem:$0x1E800] =	vst v63  }
0x24: {  	_ =	swait.ge [sflag:s19], $0x4000  }
0x25: {  	[sflag:s19] =	ssyncset.done $0x0  }
0x26: {  	s29 =	simm.s32 $0x1400;
	[sflag:s19] =	ssyncadd.s32 $0xFFFFC000  }
0x27: {  	[spmem:s2] =	stream.indirect.scatter.add.f32 [tilespmem:s17], [sflag:$0x3], $0x80, s29, s16, $0xb8;
	[tilespmem:$0x1E800] =	vst v63  }
0x28: {  	_ =	swait.ge [sflag:s14], $0x4000  }
0x29: {  	[sflag:s14] =	ssyncset.done $0x0  }
0x2a: {  	s30 =	simm.s32 $0x100;
	[sflag:s14] =	ssyncadd.s32 $0xFFFFC000  }
0x2b: {  	[tilespmem:s17], [sflag:$0x1] =	stream.indirect.gather [hbm4b:s1+s16], $0x80, s30, s16, $0xb8;
	[tilespmem:$0x1E800] =	vst v63  }
0x2c: {  	_ =	swait.ge [sflag:s20], $0x4000  }
0x2d: {  	[sflag:s20] =	ssyncset.done $0x0  }
0x2e: {  	s31 =	simm.s32 $0x1480;
	[sflag:s20] =	ssyncadd.s32 $0xFFFFC000  }
0x2f: {  	[spmem:s2] =	stream.indirect.scatter.add.f32 [tilespmem:s18], [sflag:$0x3], $0x80, s31, s16, $0xb8;
	[tilespmem:$0x1E800] =	vst v63  }
0x30: {  	_ =	swait.ge [sflag:s14], $0x4000  }
0x31: {  	s26 =	simm.s32 $0x800;
	s25 =	simm.s32 $0x100;
	[sflag:s14] =	ssyncset.done $0x0  }
.LBB2_2:
0x32: {  	s28 =	sadd.s32 $0x80, s25  }
0x33: {  	[sflag:s14] =	ssyncadd.s32 $0xFFFFC000;
	s29 =	smov.u32 s26;
	s30 =	sadd.s32 $0x400, s26  }
0x34: {  	[tilespmem:s18], [sflag:$0x2] =	stream.indirect.gather [hbm4b:s1+s16], $0x80, s28, s16, $0xb8;
	[tilespmem:$0x1E800] =	vst v63  }
0x35: {  	p0 =	sne.s32 s26, $0x4800;
	_ =	swait.ge [sflag:s19], $0x4000  }
0x36: {  	[sflag:s19] =	ssyncset.done $0x0  }
0x37: {  	s26 =	sadd.s32 $0x1400, s25;
	[sflag:s19] =	ssyncadd.s32 $0xFFFFC000  }
0x38: {  	[spmem:s2] =	stream.indirect.scatter.add.f32 [tilespmem:s17], [sflag:$0x3], $0x80, s26, s16, $0xb8;
	[tilespmem:$0x1E800] =	vst v63  }
0x39: {  	_ =	swait.ge [sflag:s14], $0x4000  }
0x3a: {  	[sflag:s14] =	ssyncset.done $0x0  }
0x3b: {  	s26 =	sadd.s32 $0x100, s25;
	[sflag:s14] =	ssyncadd.s32 $0xFFFFC000  }
0x3c: {  	[tilespmem:s17], [sflag:$0x1] =	stream.indirect.gather [hbm4b:s1+s16], $0x80, s26, s16, $0xb8;
	[tilespmem:$0x1E800] =	vst v63  }
0x3d: {  	_ =	swait.ge [sflag:s20], $0x4000  }
.Ltmp0:
0x3e: {  	[sflag:s20] =	ssyncset.done $0x0;
	(pc) =	sbr.rel @p0 .LBB2_2-.Ltmp0, $4  }
0x3f: {  	s25 =	sadd.s32 $0x1480, s25;
	[sflag:s20] =	ssyncadd.s32 $0xFFFFC000  }
0x40: {  	[spmem:s2] =	stream.indirect.scatter.add.f32 [tilespmem:s18], [sflag:$0x3], $0x80, s25, s16, $0xb8;
	[tilespmem:$0x1E800] =	vst v63  }
0x41: {  	_ =	swait.ge [sflag:s14], $0x4000  }
0x42: {  	s26 =	smov.u32 s30;
	s25 =	sshra.s32 s29, $0x2;
	[sflag:s14] =	ssyncset.done $0x0  }
0x43: {  	s26 =	sadd.s32 $0x80, s25;
	[sflag:s14] =	ssyncadd.s32 $0xFFFFC000  }
0x44: {  	[tilespmem:s18], [sflag:$0x2] =	stream.indirect.gather [hbm4b:s1+s16], $0x80, s26, s16, $0xb8;
	[tilespmem:$0x1E800] =	vst v63  }
0x45: {  	_ =	swait.ge [sflag:s19], $0x4000  }
0x46: {  	[sflag:s19] =	ssyncset.done $0x0  }
0x47: {  	s29 =	sadd.s32 $0x1400, s25;
	[sflag:s19] =	ssyncadd.s32 $0xFFFFC000  }
0x48: {  	[spmem:s2] =	stream.indirect.scatter.add.f32 [tilespmem:s17], [sflag:$0x3], $0x80, s29, s16, $0xb8;
	[tilespmem:$0x1E800] =	vst v63  }
0x49: {  	_ =	swait.ge [sflag:s14], $0x4000  }
0x4a: {  	[sflag:s14] =	ssyncset.done $0x0  }
0x4b: {  	s30 =	sadd.s32 $0x100, s25;
	[sflag:s14] =	ssyncadd.s32 $0xFFFFC000  }
0x4c: {  	[tilespmem:s17], [sflag:$0x1] =	stream.indirect.gather [hbm4b:s1+s16], $0x80, s30, s16, $0xb8;
	[tilespmem:$0x1E800] =	vst v63  }
0x4d: {  	_ =	swait.ge [sflag:s20], $0x4000  }
0x4e: {  	[sflag:s20] =	ssyncset.done $0x0  }
0x4f: {  	s31 =	sadd.s32 $0x1480, s25;
	[sflag:s20] =	ssyncadd.s32 $0xFFFFC000  }
0x50: {  	[spmem:s2] =	stream.indirect.scatter.add.f32 [tilespmem:s18], [sflag:$0x3], $0x80, s31, s16, $0xb8;
	[tilespmem:$0x1E800] =	vst v63  }
0x51: {  	_ =	swait.ge [sflag:s14], $0x4000  }
0x52: {  	[sflag:s14] =	ssyncset.done $0x0  }
0x53: {  	[sflag:s14] =	ssyncadd.s32 $0xFFFFC000  }
0x54: {  	[tilespmem:s18], [sflag:$0x2] =	stream.indirect.gather [hbm4b:s1+s16], $0x80, s21, s16, $0xb8;
	[tilespmem:$0x1E800] =	vst v63  }
0x55: {  	_ =	swait.ge [sflag:s19], $0x4000  }
0x56: {  	[sflag:s19] =	ssyncset.done $0x0  }
0x57: {  	[sflag:s19] =	ssyncadd.s32 $0xFFFFC000  }
0x58: {  	[spmem:s2] =	stream.indirect.scatter.add.f32 [tilespmem:s17], [sflag:$0x3], $0x80, s22, s16, $0xb8;
	[tilespmem:$0x1E800] =	vst v63  }
0x59: {  	_ =	swait.ge [sflag:s14], $0x4000  }
0x5a: {  	[sflag:s14] =	ssyncset.done $0x0  }
0x5b: {  	[sflag:s14] =	ssyncadd.s32 $0xFFFFC000  }
0x5c: {  	_ =	swait.ge [sflag:s20], $0x4000  }
0x5d: {  	[sflag:s20] =	ssyncset.done $0x0  }
0x5e: {  	[sflag:s20] =	ssyncadd.s32 $0xFFFFC000  }
0x5f: {  	[spmem:s2] =	stream.indirect.scatter.add.f32 [tilespmem:s18], [sflag:$0x3], $0x80, s23, s16, $0xb8;
	[tilespmem:$0x1E800] =	vst v63  }
0x60: {  	_ =	swait.ge [sflag:s14], $0x4000  }
0x61: {  	[sflag:s14] =	ssyncset.done $0x0  }
0x62: {  	s26 =	simm.s32 $0x0;
	[sflag:s14] =	ssyncadd.s32 $0xFFFFC000  }
0x63: {  	[tilespmem:s26], [sflag:$0x3] =	stream.linear.gather [hbm4b:s9+s26], $0x1400, $0x38;
	[tilespmem:$0x1E800] =	vst v63  }
0x64: {  	_ =	swait.ge [sflag:s14], $0x1400  }
0x65: {  	[sflag:s14] =	ssyncset.done $0x0  }
0x66: {  	[sflag:s14] =	ssyncadd.s32 $0xFFFFEC00  }
0x67: {  	[tilespmem:s15], [sflag:$0x3] =	stream.linear.gather [hbm4b:s10+s26], $0x1400, $0x38;
	[tilespmem:$0x1E800] =	vst v63  }
0x68: {  	_ =	swait.ge [sflag:s14], $0x1400  }
0x69: {  	[sflag:s14] =	ssyncset.done $0x0  }
0x6a: {  	[sflag:s14] =	ssyncadd.s32 $0xFFFFEC00  }
0x6b: {  	[tilespmem:s17], [sflag:$0x1] =	stream.indirect.gather [hbm4b:s1+s16], $0x80, s26, s16, $0xb8;
	[tilespmem:$0x1E800] =	vst v63  }
0x6c: {  	s28 =	simm.s32 $0x80  }
0x6d: {  	[tilespmem:s18], [sflag:$0x2] =	stream.indirect.gather [hbm4b:s1+s16], $0x80, s28, s16, $0xb8;
	[tilespmem:$0x1E800] =	vst v63  }
0x6e: {  	_ =	swait.ge [sflag:s19], $0x4000  }
0x6f: {  	[sflag:s19] =	ssyncset.done $0x0  }
0x70: {  	s29 =	simm.s32 $0x1400;
	[sflag:s19] =	ssyncadd.s32 $0xFFFFC000  }
0x71: {  	[spmem:s2] =	stream.indirect.scatter.add.f32 [tilespmem:s17], [sflag:$0x3], $0x80, s29, s16, $0xb8;
	[tilespmem:$0x1E800] =	vst v63  }
0x72: {  	_ =	swait.ge [sflag:s14], $0x4000  }
0x73: {  	[sflag:s14] =	ssyncset.done $0x0  }
0x74: {  	s30 =	simm.s32 $0x100;
	[sflag:s14] =	ssyncadd.s32 $0xFFFFC000  }
0x75: {  	[tilespmem:s17], [sflag:$0x1] =	stream.indirect.gather [hbm4b:s1+s16], $0x80, s30, s16, $0xb8;
	[tilespmem:$0x1E800] =	vst v63  }
0x76: {  	_ =	swait.ge [sflag:s20], $0x4000  }
0x77: {  	[sflag:s20] =	ssyncset.done $0x0  }
0x78: {  	s31 =	simm.s32 $0x1480;
	[sflag:s20] =	ssyncadd.s32 $0xFFFFC000  }
0x79: {  	[spmem:s2] =	stream.indirect.scatter.add.f32 [tilespmem:s18], [sflag:$0x3], $0x80, s31, s16, $0xb8;
	[tilespmem:$0x1E800] =	vst v63  }
0x7a: {  	_ =	swait.ge [sflag:s14], $0x4000  }
0x7b: {  	s25 =	simm.s32 $0x100;
	s26 =	simm.s32 $0x800;
	[sflag:s14] =	ssyncset.done $0x0  }
.LBB2_4:
0x7c: {  	s28 =	sadd.s32 $0x80, s25  }
0x7d: {  	[sflag:s14] =	ssyncadd.s32 $0xFFFFC000;
	s29 =	smov.u32 s26;
	s30 =	sadd.s32 $0x400, s26  }
0x7e: {  	[tilespmem:s18], [sflag:$0x2] =	stream.indirect.gather [hbm4b:s1+s16], $0x80, s28, s16, $0xb8;
	[tilespmem:$0x1E800] =	vst v63  }
0x7f: {  	p0 =	sne.s32 s26, $0x4800;
	_ =	swait.ge [sflag:s19], $0x4000  }
0x80: {  	[sflag:s19] =	ssyncset.done $0x0  }
0x81: {  	s26 =	sadd.s32 $0x1400, s25;
	[sflag:s19] =	ssyncadd.s32 $0xFFFFC000  }
0x82: {  	[spmem:s2] =	stream.indirect.scatter.add.f32 [tilespmem:s17], [sflag:$0x3], $0x80, s26, s16, $0xb8;
	[tilespmem:$0x1E800] =	vst v63  }
0x83: {  	_ =	swait.ge [sflag:s14], $0x4000  }
0x84: {  	[sflag:s14] =	ssyncset.done $0x0  }
0x85: {  	s26 =	sadd.s32 $0x100, s25;
	[sflag:s14] =	ssyncadd.s32 $0xFFFFC000  }
0x86: {  	[tilespmem:s17], [sflag:$0x1] =	stream.indirect.gather [hbm4b:s1+s16], $0x80, s26, s16, $0xb8;
	[tilespmem:$0x1E800] =	vst v63  }
0x87: {  	_ =	swait.ge [sflag:s20], $0x4000  }
.Ltmp1:
0x88: {  	[sflag:s20] =	ssyncset.done $0x0;
	(pc) =	sbr.rel @p0 .LBB2_4-.Ltmp1, $4  }
0x89: {  	s25 =	sadd.s32 $0x1480, s25;
	[sflag:s20] =	ssyncadd.s32 $0xFFFFC000  }
0x8a: {  	[spmem:s2] =	stream.indirect.scatter.add.f32 [tilespmem:s18], [sflag:$0x3], $0x80, s25, s16, $0xb8;
	[tilespmem:$0x1E800] =	vst v63  }
0x8b: {  	_ =	swait.ge [sflag:s14], $0x4000  }
0x8c: {  	s26 =	smov.u32 s30;
	s25 =	sshra.s32 s29, $0x2;
	[sflag:s14] =	ssyncset.done $0x0  }
0x8d: {  	s26 =	sadd.s32 $0x80, s25;
	[sflag:s14] =	ssyncadd.s32 $0xFFFFC000  }
0x8e: {  	[tilespmem:s18], [sflag:$0x2] =	stream.indirect.gather [hbm4b:s1+s16], $0x80, s26, s16, $0xb8;
	[tilespmem:$0x1E800] =	vst v63  }
0x8f: {  	_ =	swait.ge [sflag:s19], $0x4000  }
0x90: {  	[sflag:s19] =	ssyncset.done $0x0  }
0x91: {  	s29 =	sadd.s32 $0x1400, s25;
	[sflag:s19] =	ssyncadd.s32 $0xFFFFC000  }
0x92: {  	[spmem:s2] =	stream.indirect.scatter.add.f32 [tilespmem:s17], [sflag:$0x3], $0x80, s29, s16, $0xb8;
	[tilespmem:$0x1E800] =	vst v63  }
0x93: {  	_ =	swait.ge [sflag:s14], $0x4000  }
0x94: {  	[sflag:s14] =	ssyncset.done $0x0  }
0x95: {  	s30 =	sadd.s32 $0x100, s25;
	[sflag:s14] =	ssyncadd.s32 $0xFFFFC000  }
0x96: {  	[tilespmem:s17], [sflag:$0x1] =	stream.indirect.gather [hbm4b:s1+s16], $0x80, s30, s16, $0xb8;
	[tilespmem:$0x1E800] =	vst v63  }
0x97: {  	_ =	swait.ge [sflag:s20], $0x4000  }
0x98: {  	[sflag:s20] =	ssyncset.done $0x0  }
0x99: {  	s31 =	sadd.s32 $0x1480, s25;
	[sflag:s20] =	ssyncadd.s32 $0xFFFFC000  }
0x9a: {  	[spmem:s2] =	stream.indirect.scatter.add.f32 [tilespmem:s18], [sflag:$0x3], $0x80, s31, s16, $0xb8;
	[tilespmem:$0x1E800] =	vst v63  }
0x9b: {  	_ =	swait.ge [sflag:s14], $0x4000  }
0x9c: {  	[sflag:s14] =	ssyncset.done $0x0  }
0x9d: {  	[sflag:s14] =	ssyncadd.s32 $0xFFFFC000  }
0x9e: {  	[tilespmem:s18], [sflag:$0x2] =	stream.indirect.gather [hbm4b:s1+s16], $0x80, s21, s16, $0xb8;
	[tilespmem:$0x1E800] =	vst v63  }
0x9f: {  	_ =	swait.ge [sflag:s19], $0x4000  }
0xa0: {  	[sflag:s19] =	ssyncset.done $0x0  }
0xa1: {  	[sflag:s19] =	ssyncadd.s32 $0xFFFFC000  }
0xa2: {  	[spmem:s2] =	stream.indirect.scatter.add.f32 [tilespmem:s17], [sflag:$0x3], $0x80, s22, s16, $0xb8;
	[tilespmem:$0x1E800] =	vst v63  }
0xa3: {  	_ =	swait.ge [sflag:s14], $0x4000  }
0xa4: {  	[sflag:s14] =	ssyncset.done $0x0  }
0xa5: {  	[sflag:s14] =	ssyncadd.s32 $0xFFFFC000  }
0xa6: {  	_ =	swait.ge [sflag:s20], $0x4000  }
0xa7: {  	[sflag:s20] =	ssyncset.done $0x0  }
0xa8: {  	[sflag:s20] =	ssyncadd.s32 $0xFFFFC000  }
0xa9: {  	[spmem:s2] =	stream.indirect.scatter.add.f32 [tilespmem:s18], [sflag:$0x3], $0x80, s23, s16, $0xb8;
	[tilespmem:$0x1E800] =	vst v63  }
0xaa: {  	_ =	swait.ge [sflag:s14], $0x4000  }
0xab: {  	s24 =	sadd.s32 $0x1, s24;
	[sflag:s14] =	ssyncset.done $0x0  }
0xac: {  	p0 =	sne.s32 s24, s12;
	[sflag:s14] =	ssyncadd.s32 $0xFFFFC000  }
.Ltmp2:
0xad: {  	[bflag:$0x0] =	sbarrier.arrive $0xFFFF;
	(pc) =	sbr.rel @p0 .LBB2_1-.Ltmp2, $4  }
0xae: {  	[hbm:s11], [sflag:s6] =	dma.local [spmem:s13], $0x2800  }
0xaf: {  	_ =	swait.ge [sflag:s14], $0x2800  }
0xb0: {  	[sflag:s14] =	ssyncset.done $0x0  }
0xb1: {  	[sflag:s14] =	ssyncadd.s32 $0xFFFFD800  }
0xb2: {  	_ =	sfence.sel $0x180000  }
0xb3: {  	[bflag:$0x0] =	sbarrier.arrive $0xFFFF  }
0xb4: {  	p0 =	sne.s32 s3, $0x0;
	_ =	strace $0x90000050  }
0xb5: {  	s0 =	sadd.s32 @!p0 $0x100000, s0;
	[bflag:$0x2] =	sbarrier.arrive $0xFFFF  }
0xb6: {  	[sflag:s0] =	ssyncadd.tile.s32 @!p0 $0x1;
	_ =	shalt  }
.Lfunc_end2:
_tile_overlayer_lowered:
.L_overlay_start_2:
0xb7: {  	(tag) =	ssettag $0x2  }
0xb8: {  	s0 =	rddreg [dreg:$0x0];
	s2 =	stileid.u32  }
0xb9: {  	s1 =	rddreg [dreg:$0x1];
	p0 =	sne.s32 s2, $0x0  }
0xba: {  	s3 =	rddreg [dreg:$0x2];
	[bflag:$0x3] =	sbarrier.arrive $0xFFFF;
	s2 =	simm.s32 @!p0 $0x1C03  }
0xbb: {  	[timem:s3], [sflag:s2] =	dma.local @!p0 [hbm:s0], s1  }
0xbc: {  	s0 =	simm.s32 @!p0 $0x3  }
0xbd: {  	_ =	swait.ge @!p0 [sflag:s0], s1  }
0xbe: {  	s1 =	ssub.s32 @!p0 $0x0, s1;
	[sflag:s0] =	ssyncset.done @!p0 $0x0  }
0xbf: {  	[sflag:s0] =	ssyncadd.s32 @!p0 s1  }
0xc0: {  	[bflag:$0x3] =	sbarrier.arrive $0xFFFF  }
0xc1: {  	_ =	shalt  }

</sc_bundles>
